<compile_context>
chip_gen: v7x
topology: tpu7x:2x2x1
jax: 0.10.2.dev20260603
libtpu: 0.0.44.dev20260713+nightly
codegen_flags: <defaults>
</compile_context>

<pallas_src>
import functools

import jax
import jax.numpy as jnp
from jax import lax
from jax.experimental import pallas as pl
from jax.experimental.pallas import tpu as pltpu
from jax.experimental.pallas import tpu_sc as plsc

N_NODES = 10000
N_EDGES = 320000
C = 128
CH = C // 2

NC = 2
NS = 16
NW = NC * NS
CHUNK = 128
CHUNKS_PER_W = 160
NBUF = 8
E_PAD = NS * CHUNKS_PER_W * CHUNK
ACC_ROWS = 10240
ROWS_PER_SUB = ACC_ROWS // NS
ZROWS = 128
ZCHUNKS = ACC_ROWS // (NS * ZROWS)

N_PAD = 10240
N_BLK = 1024
GRID_N = N_PAD // N_BLK


def _fn_rows_body(x_ref, w_ref, o_ref):
    r = lax.dot_general(
        x_ref[...], w_ref[...], (((0,), (1,)), ((), ())),
        preferred_element_type=jnp.float32)
    o_ref[0] = r[:, :CH].astype(jnp.bfloat16)
    o_ref[1] = r[:, CH:].astype(jnp.bfloat16)


def _fn_rows(x2d, W1):
    return pl.pallas_call(
        _fn_rows_body,
        grid=(GRID_N,),
        in_specs=[
            pl.BlockSpec((C, N_BLK), lambda i: (0, i)),
            pl.BlockSpec((C, C), lambda i: (0, 0)),
        ],
        out_specs=pl.BlockSpec((NC, N_BLK, CH), lambda i: (0, i, 0)),
        out_shape=jax.ShapeDtypeStruct((NC, N_PAD, CH), jnp.bfloat16),
    )(x2d, W1)


def _sc_body(fn_hbm, gi_hbm, ri_hbm, ones_hbm, zch_hbm, z16_hbm,
             sums_hbm, cnts_hbm,
             gi_v, ri_v, rows_v, ones_v, zch_v, z16_v,
             acc_sh, cnt_sh, gsem, ssem, osem):
    cid = lax.axis_index("c")
    sid = lax.axis_index("s")
    wid = cid * NS + sid

    pltpu.async_copy(zch_hbm, zch_v, gsem.at[0])
    pltpu.async_copy(z16_hbm, z16_v, gsem.at[1])
    pltpu.async_copy(gi_hbm.at[wid], gi_v, ssem.at[0])
    pltpu.async_copy(ri_hbm.at[wid], ri_v, ssem.at[1])
    pltpu.async_copy(ones_hbm, ones_v, osem.at[0])
    pltpu.make_async_copy(zch_hbm, zch_v, gsem.at[0]).wait()
    pltpu.make_async_copy(z16_hbm, z16_v, gsem.at[1]).wait()
    for j in range(ZCHUNKS):
        r0 = sid * (ZCHUNKS * ZROWS) + j * ZROWS
        pltpu.async_copy(zch_v, acc_sh.at[pl.ds(r0, ZROWS)], gsem.at[0])
        pltpu.async_copy(z16_v, cnt_sh.at[pl.ds(r0, ZROWS)], gsem.at[1])
    for j in range(ZCHUNKS):
        pltpu.make_async_copy(zch_v, acc_sh.at[pl.ds(0, ZROWS)],
                              gsem.at[0]).wait()
        pltpu.make_async_copy(z16_v, cnt_sh.at[pl.ds(0, ZROWS)],
                              gsem.at[1]).wait()
    pltpu.make_async_copy(gi_hbm.at[wid], gi_v, ssem.at[0]).wait()
    pltpu.make_async_copy(ri_hbm.at[wid], ri_v, ssem.at[1]).wait()
    pltpu.make_async_copy(ones_hbm, ones_v, osem.at[0]).wait()
    plsc.subcore_barrier()

    def _issue(b, g):
        pltpu.make_async_copy(fn_hbm.at[pl.ds(0, CHUNK)], rows_v.at[b],
                              gsem.at[b]).wait()
        pltpu.async_copy(rows_v.at[b], acc_sh.at[ri_v.at[g]], ssem.at[b],
                         add=True)

        @pl.when(g % NC == cid)
        def _():
            pltpu.async_copy(ones_v, cnt_sh.at[ri_v.at[g]], osem.at[b],
                             add=True)

    def _drain(b, g):
        pltpu.make_async_copy(rows_v.at[b], acc_sh.at[pl.ds(0, CHUNK)],
                              ssem.at[b]).wait()

        @pl.when(g % NC == cid)
        def _():
            pltpu.make_async_copy(ones_v, cnt_sh.at[pl.ds(0, CHUNK)],
                                  osem.at[b]).wait()

    for b in range(NBUF):
        pltpu.async_copy(fn_hbm.at[gi_v.at[b]], rows_v.at[b], gsem.at[b])

    @pl.loop(0, CHUNKS_PER_W - NBUF, step=NBUF)
    def _(g0):
        for b in range(NBUF):
            _issue(b, g0 + b)
        for b in range(NBUF):
            _drain(b, g0 + b)
            pltpu.async_copy(fn_hbm.at[gi_v.at[g0 + b + NBUF]], rows_v.at[b],
                             gsem.at[b])

    for b in range(NBUF):
        _issue(b, CHUNKS_PER_W - NBUF + b)
    for b in range(NBUF):
        _drain(b, CHUNKS_PER_W - NBUF + b)

    plsc.subcore_barrier()

    r0 = sid * ROWS_PER_SUB
    pltpu.sync_copy(acc_sh.at[pl.ds(r0, ROWS_PER_SUB)],
                    sums_hbm.at[cid].at[pl.ds(r0, ROWS_PER_SUB)])

    pltpu.sync_copy(cnt_sh.at[pl.ds(r0, ROWS_PER_SUB)],
                    cnts_hbm.at[cid].at[pl.ds(r0, ROWS_PER_SUB)])


def _sc_call(fn_flat, gi_p, ri_p, ones, zch, z16):
    mesh = plsc.VectorSubcoreMesh(core_axis_name="c", subcore_axis_name="s")
    k = functools.partial(
        pl.kernel,
        mesh=mesh,
        compiler_params=pltpu.CompilerParams(use_tc_tiling_on_sc=False),
        out_type=[
            jax.ShapeDtypeStruct((NC, ACC_ROWS, CH), jnp.bfloat16),
            jax.ShapeDtypeStruct((NC, ACC_ROWS, 16), jnp.bfloat16),
        ],
        scratch_types=[
            pltpu.VMEM((CHUNKS_PER_W, CHUNK), jnp.int32),
            pltpu.VMEM((CHUNKS_PER_W, CHUNK), jnp.int32),
            pltpu.VMEM((NBUF, CHUNK, CH), jnp.bfloat16),
            pltpu.VMEM((CHUNK, 16), jnp.bfloat16),
            pltpu.VMEM((ZROWS, CH), jnp.bfloat16),
            pltpu.VMEM((ZROWS, 16), jnp.bfloat16),
            pltpu.VMEM_SHARED((ACC_ROWS, CH), jnp.bfloat16),
            pltpu.VMEM_SHARED((ACC_ROWS, 16), jnp.bfloat16),
            pltpu.SemaphoreType.DMA((NBUF,)),
            pltpu.SemaphoreType.DMA((NBUF,)),
            pltpu.SemaphoreType.DMA((NBUF,)),
        ],
    )(_sc_body)
    return k(fn_flat, gi_p, ri_p, ones, zch, z16)


def _combine_body(s_ref, c_ref, x_ref, w_ref, o_ref):
    s = jnp.concatenate([s_ref[0], s_ref[1]], axis=-1).astype(jnp.float32)
    cnt = (c_ref[0][:, 0:1].astype(jnp.float32)
           + c_ref[1][:, 0:1].astype(jnp.float32))
    mean = jnp.where(cnt > 0.0, s / jnp.maximum(cnt, 1.0), 0.0)
    fv = lax.dot_general(
        w_ref[...], x_ref[...], (((1,), (0,)), ((), ())),
        preferred_element_type=jnp.float32)
    o = fv + mean.T
    o_ref[0] = jnp.where(o >= 0.0, o, 0.3 * o)


def _combine(sums, cnts, x2d, W0):
    return pl.pallas_call(
        _combine_body,
        grid=(GRID_N,),
        in_specs=[
            pl.BlockSpec((NC, N_BLK, CH), lambda i: (0, i, 0)),
            pl.BlockSpec((NC, N_BLK, 16), lambda i: (0, i, 0)),
            pl.BlockSpec((C, N_BLK), lambda i: (0, i)),
            pl.BlockSpec((C, C), lambda i: (0, 0)),
        ],
        out_specs=pl.BlockSpec((1, C, N_BLK), lambda i: (0, 0, i)),
        out_shape=jax.ShapeDtypeStruct((1, C, N_PAD), jnp.float32),
    )(sums, cnts, x2d, W0)


def kernel(in_features, W0, W1, reduce_index, gather_index):
    assert in_features.shape == (1, C, N_NODES)
    assert reduce_index.shape == (N_EDGES,)
    x2d_raw = in_features.reshape(C, N_NODES)
    x2d = jnp.pad(x2d_raw, ((0, 0), (0, N_PAD - N_NODES)))
    gi = gather_index.astype(jnp.int32)
    ri = reduce_index.astype(jnp.int32)
    pad = E_PAD - N_EDGES
    gi_base = jnp.concatenate([gi, jnp.zeros((pad,), jnp.int32)]).reshape(
        NS, CHUNKS_PER_W, CHUNK)
    gi_p = jnp.concatenate([gi_base, gi_base + N_PAD], axis=0).reshape(
        NW, CHUNKS_PER_W, CHUNK)
    ri_base = jnp.concatenate([ri, jnp.full((pad,), N_NODES, jnp.int32)]).reshape(
        NS, CHUNKS_PER_W, CHUNK)
    ri_p = jnp.concatenate([ri_base, ri_base], axis=0).reshape(
        NW, CHUNKS_PER_W, CHUNK)
    ones = jnp.ones((CHUNK, 16), jnp.bfloat16)
    zch = jnp.zeros((ZROWS, CH), jnp.bfloat16)
    z16 = jnp.zeros((ZROWS, 16), jnp.bfloat16)

    fn_halves = _fn_rows(x2d, W1)
    fn_flat = fn_halves.reshape(NC * N_PAD, CH)
    sums, cnts = _sc_call(fn_flat, gi_p, ri_p, ones, zch, z16)
    out = _combine(sums, cnts, x2d, W0)
    return out[:, :, :N_NODES]

# --- scband reference (transcript-rebuilt; emitter-appended) ---
"""Pipeline reference for scband-graph-conv-13692355739963 (READ-ONLY COPY).

The authoritative reference and input builder live on the scoring server;
editing this copy changes nothing except your own understanding.
"""

import jax, jax.numpy as jnp
import numpy as np

N_NODES = 10000
N_EDGES = 320000
C_IN = 128
C_OUT = 128


def setup_inputs(seed: int = 0) -> dict:
    key = jax.random.key(seed)
    k1, k2, k3, k4, k5 = jax.random.split(key, 5)
    in_features = jax.random.normal(k1, (1, C_IN, N_NODES), dtype=jnp.float32)
    reduce_index = jax.random.randint(k2, (N_EDGES,), 0, N_NODES, dtype=jnp.int64) if jax.config.jax_enable_x64 else jax.random.randint(k2, (N_EDGES,), 0, N_NODES).astype(jnp.int32)
    gather_index = jax.random.randint(k3, (N_EDGES,), 0, N_NODES).astype(reduce_index.dtype)
    scale = 1.0 / np.sqrt(C_IN)
    W0 = jax.random.uniform(k4, (C_OUT, C_IN), dtype=jnp.float32, minval=-scale, maxval=scale)
    W1 = jax.random.uniform(k5, (C_OUT, C_IN), dtype=jnp.float32, minval=-scale, maxval=scale)
    return {"in_features": in_features, "W0": W0, "W1": W1,
            "reduce_index": reduce_index, "gather_index": gather_index}


def reference(in_features, W0, W1, reduce_index, gather_index):
    # Conv1d(kernel=1, bias=False) == per-node channel matmul
    F_v = jnp.einsum('oi,bin->bon', W0, in_features)  # [B, C_OUT, N]
    F_n = jnp.einsum('oi,bin->bon', W1, in_features)  # [B, C_OUT, N]
    B, C, N = F_v.shape
    # gather neighbor features along node axis
    gathered = jnp.take(F_n, gather_index, axis=-1)   # [B, C, E]
    g = jnp.moveaxis(gathered, -1, 0).reshape(gathered.shape[-1], -1)  # [E, B*C]
    sums = jax.ops.segment_sum(g, reduce_index, num_segments=N)        # [N, B*C]
    counts = jax.ops.segment_sum(jnp.ones((g.shape[0],), dtype=F_v.dtype),
                                 reduce_index, num_segments=N)          # [N]
    # index_reduce_(mean, include_self=False): untouched slots keep initial zeros
    mean = jnp.where(counts[:, None] > 0,
                     sums / jnp.maximum(counts, 1.0)[:, None],
                     0.0)
    agg = jnp.moveaxis(mean.reshape(N, B, C), 0, -1)  # [B, C, N]
    out = agg + F_v
    # LeakyReLU(0.3)
    return jnp.where(out >= 0, out, 0.3 * out)

if __name__ == "__main__":
    import jax
    _d = setup_inputs()
    print(jax.jit(kernel)(*tuple(_d.values())))

</pallas_src>

<mosaic_0001>
#map = affine_map<(d0, d1) -> (0, 0)>
#map1 = affine_map<(d0, d1) -> (0, 0, 0)>
module attributes {stable_mosaic.version = 14 : i64} {
  func.func @_sc_body(%arg0: i32, %arg1: i32, %arg2: memref<20480x64xbf16, #tpu.memory_space<hbm>>, %arg3: memref<32x160x128xi32, #tpu.memory_space<hbm>>, %arg4: memref<32x160x128xi32, #tpu.memory_space<hbm>>, %arg5: memref<128x16xbf16, #tpu.memory_space<hbm>>, %arg6: memref<128x64xbf16, #tpu.memory_space<hbm>>, %arg7: memref<128x16xbf16, #tpu.memory_space<hbm>>, %arg8: memref<2x10240x64xbf16, #tpu.memory_space<hbm>>, %arg9: memref<2x10240x16xbf16, #tpu.memory_space<hbm>>, %arg10: memref<160x128xi32, #tpu.memory_space<vmem>>, %arg11: memref<160x128xi32, #tpu.memory_space<vmem>>, %arg12: memref<8x128x64xbf16, #tpu.memory_space<vmem>>, %arg13: memref<128x16xbf16, #tpu.memory_space<vmem>>, %arg14: memref<128x64xbf16, #tpu.memory_space<vmem>>, %arg15: memref<128x16xbf16, #tpu.memory_space<vmem>>, %arg16: memref<10240x64xbf16, #tpu.memory_space<vmem_shared>>, %arg17: memref<10240x16xbf16, #tpu.memory_space<vmem_shared>>, %arg18: memref<8x!tpu.dma_semaphore, #tpu.memory_space<semaphore_mem>>, %arg19: memref<8x!tpu.dma_semaphore, #tpu.memory_space<semaphore_mem>>, %arg20: memref<8x!tpu.dma_semaphore, #tpu.memory_space<semaphore_mem>>) attributes {dimension_semantics = [#tpu.dimension_semantics<core_parallel>, #tpu.dimension_semantics<subcore_parallel>], iteration_bounds = array<i64: 2, 16>, scalar_prefetch = 0 : i64, scratch_operands = 11 : i64, tpu.core_type = #tpu.core_type<sc_vector_subcore>, window_params = [{transform_indices = #map}, {transform_indices = #map1}, {transform_indices = #map1}, {transform_indices = #map}, {transform_indices = #map}, {transform_indices = #map}, {transform_indices = #map1}, {transform_indices = #map1}]} {
    %mul3A = arith.constant 16 : i32
    %mul3A_0 = arith.muli %arg0, %mul3A : i32
    %add3A = arith.addi %mul3A_0, %arg1 : i32
    %dma_start3A = arith.constant 0 : i32
    %dma_start3A_1 = tpu.memref_slice %arg18[%dma_start3A] : memref<8x!tpu.dma_semaphore, #tpu.memory_space<semaphore_mem>> -> memref<1x!tpu.dma_semaphore, #tpu.memory_space<semaphore_mem>>
    %dma_start3A_2 = tpu.memref_squeeze %dma_start3A_1 : memref<1x!tpu.dma_semaphore, #tpu.memory_space<semaphore_mem>> -> memref<!tpu.dma_semaphore, #tpu.memory_space<semaphore_mem>>
    tpu.enqueue_dma source(%arg6 : memref<128x64xbf16, #tpu.memory_space<hbm>>) target(%arg14 : memref<128x64xbf16, #tpu.memory_space<vmem>>) target_semaphore(%dma_start3A_2 : memref<!tpu.dma_semaphore, #tpu.memory_space<semaphore_mem>>)
    %dma_start3A_3 = arith.constant 1 : i32
    %dma_start3A_4 = tpu.memref_slice %arg18[%dma_start3A_3] : memref<8x!tpu.dma_semaphore, #tpu.memory_space<semaphore_mem>> -> memref<1x!tpu.dma_semaphore, #tpu.memory_space<semaphore_mem>>
    %dma_start3A_5 = tpu.memref_squeeze %dma_start3A_4 : memref<1x!tpu.dma_semaphore, #tpu.memory_space<semaphore_mem>> -> memref<!tpu.dma_semaphore, #tpu.memory_space<semaphore_mem>>
    tpu.enqueue_dma source(%arg7 : memref<128x16xbf16, #tpu.memory_space<hbm>>) target(%arg15 : memref<128x16xbf16, #tpu.memory_space<vmem>>) target_semaphore(%dma_start3A_5 : memref<!tpu.dma_semaphore, #tpu.memory_space<semaphore_mem>>)
    %dma_start3A_6 = arith.constant 0 : i32
    %dma_start3A_7 = arith.constant 0 : i32
    %dma_start3A_8 = arith.constant 0 : i32
    %dma_start3A_9 = tpu.memref_slice %arg3[%add3A, %dma_start3A_7, %dma_start3A_8] : memref<32x160x128xi32, #tpu.memory_space<hbm>> -> memref<1x160x128xi32, #tpu.memory_space<hbm>>
    %dma_start3A_10 = tpu.memref_squeeze %dma_start3A_9 : memref<1x160x128xi32, #tpu.memory_space<hbm>> -> memref<160x128xi32, #tpu.memory_space<hbm>>
    %dma_start3A_11 = tpu.memref_slice %arg19[%dma_start3A_6] : memref<8x!tpu.dma_semaphore, #tpu.memory_space<semaphore_mem>> -> memref<1x!tpu.dma_semaphore, #tpu.memory_space<semaphore_mem>>
    %dma_start3A_12 = tpu.memref_squeeze %dma_start3A_11 : memref<1x!tpu.dma_semaphore, #tpu.memory_space<semaphore_mem>> -> memref<!tpu.dma_semaphore, #tpu.memory_space<semaphore_mem>>
    %dma_start3A_13 = arith.constant 0 : i32
    %dma_start3A_14 = arith.constant 0 : i32
    %dma_start3A_15 = tpu.memref_slice %arg3[%add3A, %dma_start3A_13, %dma_start3A_14] : memref<32x160x128xi32, #tpu.memory_space<hbm>> -> memref<1x160x128xi32, #tpu.memory_space<hbm>>
    %dma_start3A_16 = tpu.memref_squeeze %dma_start3A_15 : memref<1x160x128xi32, #tpu.memory_space<hbm>> -> memref<160x128xi32, #tpu.memory_space<hbm>>
    tpu.enqueue_dma source(%dma_start3A_16 : memref<160x128xi32, #tpu.memory_space<hbm>>) target(%arg10 : memref<160x128xi32, #tpu.memory_space<vmem>>) target_semaphore(%dma_start3A_12 : memref<!tpu.dma_semaphore, #tpu.memory_space<semaphore_mem>>)
    %dma_start3A_17 = arith.constant 1 : i32
    %dma_start3A_18 = arith.constant 0 : i32
    %dma_start3A_19 = arith.constant 0 : i32
    %dma_start3A_20 = tpu.memref_slice %arg4[%add3A, %dma_start3A_18, %dma_start3A_19] : memref<32x160x128xi32, #tpu.memory_space<hbm>> -> memref<1x160x128xi32, #tpu.memory_space<hbm>>
    %dma_start3A_21 = tpu.memref_squeeze %dma_start3A_20 : memref<1x160x128xi32, #tpu.memory_space<hbm>> -> memref<160x128xi32, #tpu.memory_space<hbm>>
    %dma_start3A_22 = tpu.memref_slice %arg19[%dma_start3A_17] : memref<8x!tpu.dma_semaphore, #tpu.memory_space<semaphore_mem>> -> memref<1x!tpu.dma_semaphore, #tpu.memory_space<semaphore_mem>>
    %dma_start3A_23 = tpu.memref_squeeze %dma_start3A_22 : memref<1x!tpu.dma_semaphore, #tpu.memory_space<semaphore_mem>> -> memref<!tpu.dma_semaphore, #tpu.memory_space<semaphore_mem>>
    %dma_start3A_24 = arith.constant 0 : i32
    %dma_start3A_25 = arith.constant 0 : i32
    %dma_start3A_26 = tpu.memref_slice %arg4[%add3A, %dma_start3A_24, %dma_start3A_25] : memref<32x160x128xi32, #tpu.memory_space<hbm>> -> memref<1x160x128xi32, #tpu.memory_space<hbm>>
    %dma_start3A_27 = tpu.memref_squeeze %dma_start3A_26 : memref<1x160x128xi32, #tpu.memory_space<hbm>> -> memref<160x128xi32, #tpu.memory_space<hbm>>
    tpu.enqueue_dma source(%dma_start3A_27 : memref<160x128xi32, #tpu.memory_space<hbm>>) target(%arg11 : memref<160x128xi32, #tpu.memory_space<vmem>>) target_semaphore(%dma_start3A_23 : memref<!tpu.dma_semaphore, #tpu.memory_space<semaphore_mem>>)
    %dma_start3A_28 = arith.constant 0 : i32
    %dma_start3A_29 = tpu.memref_slice %arg20[%dma_start3A_28] : memref<8x!tpu.dma_semaphore, #tpu.memory_space<semaphore_mem>> -> memref<1x!tpu.dma_semaphore, #tpu.memory_space<semaphore_mem>>
    %dma_start3A_30 = tpu.memref_squeeze %dma_start3A_29 : memref<1x!tpu.dma_semaphore, #tpu.memory_space<semaphore_mem>> -> memref<!tpu.dma_semaphore, #tpu.memory_space<semaphore_mem>>
    tpu.enqueue_dma source(%arg5 : memref<128x16xbf16, #tpu.memory_space<hbm>>) target(%arg13 : memref<128x16xbf16, #tpu.memory_space<vmem>>) target_semaphore(%dma_start3A_30 : memref<!tpu.dma_semaphore, #tpu.memory_space<semaphore_mem>>)
    %dma_wait3A = arith.constant 0 : i32
    %dma_wait3A_31 = tpu.memref_slice %arg18[%dma_wait3A] : memref<8x!tpu.dma_semaphore, #tpu.memory_space<semaphore_mem>> -> memref<1x!tpu.dma_semaphore, #tpu.memory_space<semaphore_mem>>
    %dma_wait3A_32 = tpu.memref_squeeze %dma_wait3A_31 : memref<1x!tpu.dma_semaphore, #tpu.memory_space<semaphore_mem>> -> memref<!tpu.dma_semaphore, #tpu.memory_space<semaphore_mem>>
    tpu.wait_dma2 semaphore(%dma_wait3A_32 : memref<!tpu.dma_semaphore, #tpu.memory_space<semaphore_mem>>) src(%arg6 : memref<128x64xbf16, #tpu.memory_space<hbm>>) dst(%arg14 : memref<128x64xbf16, #tpu.memory_space<vmem>>)
    %dma_wait3A_33 = arith.constant 1 : i32
    %dma_wait3A_34 = tpu.memref_slice %arg18[%dma_wait3A_33] : memref<8x!tpu.dma_semaphore, #tpu.memory_space<semaphore_mem>> -> memref<1x!tpu.dma_semaphore, #tpu.memory_space<semaphore_mem>>
    %dma_wait3A_35 = tpu.memref_squeeze %dma_wait3A_34 : memref<1x!tpu.dma_semaphore, #tpu.memory_space<semaphore_mem>> -> memref<!tpu.dma_semaphore, #tpu.memory_space<semaphore_mem>>
    tpu.wait_dma2 semaphore(%dma_wait3A_35 : memref<!tpu.dma_semaphore, #tpu.memory_space<semaphore_mem>>) src(%arg7 : memref<128x16xbf16, #tpu.memory_space<hbm>>) dst(%arg15 : memref<128x16xbf16, #tpu.memory_space<vmem>>)
    %mul3A_36 = arith.constant 640 : i32
    %mul3A_37 = arith.muli %arg1, %mul3A_36 : i32
    %add3A_38 = arith.constant 0 : i32
    %add3A_39 = arith.addi %mul3A_37, %add3A_38 : i32
    %dma_start3A_40 = arith.constant 0 : i32
    %dma_start3A_41 = arith.constant 0 : i32
    %dma_start3A_42 = tpu.memref_slice %arg16[%add3A_39, %dma_start3A_41] : memref<10240x64xbf16, #tpu.memory_space<vmem_shared>> -> memref<128x64xbf16, #tpu.memory_space<vmem_shared>>
    %dma_start3A_43 = tpu.memref_slice %arg18[%dma_start3A_40] : memref<8x!tpu.dma_semaphore, #tpu.memory_space<semaphore_mem>> -> memref<1x!tpu.dma_semaphore, #tpu.memory_space<semaphore_mem>>
    %dma_start3A_44 = tpu.memref_squeeze %dma_start3A_43 : memref<1x!tpu.dma_semaphore, #tpu.memory_space<semaphore_mem>> -> memref<!tpu.dma_semaphore, #tpu.memory_space<semaphore_mem>>
    %dma_start3A_45 = arith.constant 0 : i32
    %dma_start3A_46 = tpu.memref_slice %arg16[%add3A_39, %dma_start3A_45] : memref<10240x64xbf16, #tpu.memory_space<vmem_shared>> -> memref<128x64xbf16, #tpu.memory_space<vmem_shared>>
    tpu.enqueue_dma source(%arg14 : memref<128x64xbf16, #tpu.memory_space<vmem>>) target(%dma_start3A_46 : memref<128x64xbf16, #tpu.memory_space<vmem_shared>>) target_semaphore(%dma_start3A_44 : memref<!tpu.dma_semaphore, #tpu.memory_space<semaphore_mem>>)
    %dma_start3A_47 = arith.constant 1 : i32
    %dma_start3A_48 = arith.constant 0 : i32
    %dma_start3A_49 = tpu.memref_slice %arg17[%add3A_39, %dma_start3A_48] : memref<10240x16xbf16, #tpu.memory_space<vmem_shared>> -> memref<128x16xbf16, #tpu.memory_space<vmem_shared>>
    %dma_start3A_50 = tpu.memref_slice %arg18[%dma_start3A_47] : memref<8x!tpu.dma_semaphore, #tpu.memory_space<semaphore_mem>> -> memref<1x!tpu.dma_semaphore, #tpu.memory_space<semaphore_mem>>
    %dma_start3A_51 = tpu.memref_squeeze %dma_start3A_50 : memref<1x!tpu.dma_semaphore, #tpu.memory_space<semaphore_mem>> -> memref<!tpu.dma_semaphore, #tpu.memory_space<semaphore_mem>>
    %dma_start3A_52 = arith.constant 0 : i32
    %dma_start3A_53 = tpu.memref_slice %arg17[%add3A_39, %dma_start3A_52] : memref<10240x16xbf16, #tpu.memory_space<vmem_shared>> -> memref<128x16xbf16, #tpu.memory_space<vmem_shared>>
    tpu.enqueue_dma source(%arg15 : memref<128x16xbf16, #tpu.memory_space<vmem>>) target(%dma_start3A_53 : memref<128x16xbf16, #tpu.memory_space<vmem_shared>>) target_semaphore(%dma_start3A_51 : memref<!tpu.dma_semaphore, #tpu.memory_space<semaphore_mem>>)
    %mul3A_54 = arith.constant 640 : i32
    %mul3A_55 = arith.muli %arg1, %mul3A_54 : i32
    %add3A_56 = arith.constant 128 : i32
    %add3A_57 = arith.addi %mul3A_55, %add3A_56 : i32
    %dma_start3A_58 = arith.constant 0 : i32
    %dma_start3A_59 = arith.constant 0 : i32
    %dma_start3A_60 = tpu.memref_slice %arg16[%add3A_57, %dma_start3A_59] : memref<10240x64xbf16, #tpu.memory_space<vmem_shared>> -> memref<128x64xbf16, #tpu.memory_space<vmem_shared>>
    %dma_start3A_61 = tpu.memref_slice %arg18[%dma_start3A_58] : memref<8x!tpu.dma_semaphore, #tpu.memory_space<semaphore_mem>> -> memref<1x!tpu.dma_semaphore, #tpu.memory_space<semaphore_mem>>
    %dma_start3A_62 = tpu.memref_squeeze %dma_start3A_61 : memref<1x!tpu.dma_semaphore, #tpu.memory_space<semaphore_mem>> -> memref<!tpu.dma_semaphore, #tpu.memory_space<semaphore_mem>>
    %dma_start3A_63 = arith.constant 0 : i32
    %dma_start3A_64 = tpu.memref_slice %arg16[%add3A_57, %dma_start3A_63] : memref<10240x64xbf16, #tpu.memory_space<vmem_shared>> -> memref<128x64xbf16, #tpu.memory_space<vmem_shared>>
    tpu.enqueue_dma source(%arg14 : memref<128x64xbf16, #tpu.memory_space<vmem>>) target(%dma_start3A_64 : memref<128x64xbf16, #tpu.memory_space<vmem_shared>>) target_semaphore(%dma_start3A_62 : memref<!tpu.dma_semaphore, #tpu.memory_space<semaphore_mem>>)
    %dma_start3A_65 = arith.constant 1 : i32
    %dma_start3A_66 = arith.constant 0 : i32
    %dma_start3A_67 = tpu.memref_slice %arg17[%add3A_57, %dma_start3A_66] : memref<10240x16xbf16, #tpu.memory_space<vmem_shared>> -> memref<128x16xbf16, #tpu.memory_space<vmem_shared>>
    %dma_start3A_68 = tpu.memref_slice %arg18[%dma_start3A_65] : memref<8x!tpu.dma_semaphore, #tpu.memory_space<semaphore_mem>> -> memref<1x!tpu.dma_semaphore, #tpu.memory_space<semaphore_mem>>
    %dma_start3A_69 = tpu.memref_squeeze %dma_start3A_68 : memref<1x!tpu.dma_semaphore, #tpu.memory_space<semaphore_mem>> -> memref<!tpu.dma_semaphore, #tpu.memory_space<semaphore_mem>>
    %dma_start3A_70 = arith.constant 0 : i32
    %dma_start3A_71 = tpu.memref_slice %arg17[%add3A_57, %dma_start3A_70] : memref<10240x16xbf16, #tpu.memory_space<vmem_shared>> -> memref<128x16xbf16, #tpu.memory_space<vmem_shared>>
    tpu.enqueue_dma source(%arg15 : memref<128x16xbf16, #tpu.memory_space<vmem>>) target(%dma_start3A_71 : memref<128x16xbf16, #tpu.memory_space<vmem_shared>>) target_semaphore(%dma_start3A_69 : memref<!tpu.dma_semaphore, #tpu.memory_space<semaphore_mem>>)
    %mul3A_72 = arith.constant 640 : i32
    %mul3A_73 = arith.muli %arg1, %mul3A_72 : i32
    %add3A_74 = arith.constant 256 : i32
    %add3A_75 = arith.addi %mul3A_73, %add3A_74 : i32
    %dma_start3A_76 = arith.constant 0 : i32
    %dma_start3A_77 = arith.constant 0 : i32
    %dma_start3A_78 = tpu.memref_slice %arg16[%add3A_75, %dma_start3A_77] : memref<10240x64xbf16, #tpu.memory_space<vmem_shared>> -> memref<128x64xbf16, #tpu.memory_space<vmem_shared>>
    %dma_start3A_79 = tpu.memref_slice %arg18[%dma_start3A_76] : memref<8x!tpu.dma_semaphore, #tpu.memory_space<semaphore_mem>> -> memref<1x!tpu.dma_semaphore, #tpu.memory_space<semaphore_mem>>
    %dma_start3A_80 = tpu.memref_squeeze %dma_start3A_79 : memref<1x!tpu.dma_semaphore, #tpu.memory_space<semaphore_mem>> -> memref<!tpu.dma_semaphore, #tpu.memory_space<semaphore_mem>>
    %dma_start3A_81 = arith.constant 0 : i32
    %dma_start3A_82 = tpu.memref_slice %arg16[%add3A_75, %dma_start3A_81] : memref<10240x64xbf16, #tpu.memory_space<vmem_shared>> -> memref<128x64xbf16, #tpu.memory_space<vmem_shared>>
    tpu.enqueue_dma source(%arg14 : memref<128x64xbf16, #tpu.memory_space<vmem>>) target(%dma_start3A_82 : memref<128x64xbf16, #tpu.memory_space<vmem_shared>>) target_semaphore(%dma_start3A_80 : memref<!tpu.dma_semaphore, #tpu.memory_space<semaphore_mem>>)
    %dma_start3A_83 = arith.constant 1 : i32
    %dma_start3A_84 = arith.constant 0 : i32
    %dma_start3A_85 = tpu.memref_slice %arg17[%add3A_75, %dma_start3A_84] : memref<10240x16xbf16, #tpu.memory_space<vmem_shared>> -> memref<128x16xbf16, #tpu.memory_space<vmem_shared>>
    %dma_start3A_86 = tpu.memref_slice %arg18[%dma_start3A_83] : memref<8x!tpu.dma_semaphore, #tpu.memory_space<semaphore_mem>> -> memref<1x!tpu.dma_semaphore, #tpu.memory_space<semaphore_mem>>
    %dma_start3A_87 = tpu.memref_squeeze %dma_start3A_86 : memref<1x!tpu.dma_semaphore, #tpu.memory_space<semaphore_mem>> -> memref<!tpu.dma_semaphore, #tpu.memory_space<semaphore_mem>>
    %dma_start3A_88 = arith.constant 0 : i32
    %dma_start3A_89 = tpu.memref_slice %arg17[%add3A_75, %dma_start3A_88] : memref<10240x16xbf16, #tpu.memory_space<vmem_shared>> -> memref<128x16xbf16, #tpu.memory_space<vmem_shared>>
    tpu.enqueue_dma source(%arg15 : memref<128x16xbf16, #tpu.memory_space<vmem>>) target(%dma_start3A_89 : memref<128x16xbf16, #tpu.memory_space<vmem_shared>>) target_semaphore(%dma_start3A_87 : memref<!tpu.dma_semaphore, #tpu.memory_space<semaphore_mem>>)
    %mul3A_90 = arith.constant 640 : i32
    %mul3A_91 = arith.muli %arg1, %mul3A_90 : i32
    %add3A_92 = arith.constant 384 : i32
    %add3A_93 = arith.addi %mul3A_91, %add3A_92 : i32
    %dma_start3A_94 = arith.constant 0 : i32
    %dma_start3A_95 = arith.constant 0 : i32
    %dma_start3A_96 = tpu.memref_slice %arg16[%add3A_93, %dma_start3A_95] : memref<10240x64xbf16, #tpu.memory_space<vmem_shared>> -> memref<128x64xbf16, #tpu.memory_space<vmem_shared>>
    %dma_start3A_97 = tpu.memref_slice %arg18[%dma_start3A_94] : memref<8x!tpu.dma_semaphore, #tpu.memory_space<semaphore_mem>> -> memref<1x!tpu.dma_semaphore, #tpu.memory_space<semaphore_mem>>
    %dma_start3A_98 = tpu.memref_squeeze %dma_start3A_97 : memref<1x!tpu.dma_semaphore, #tpu.memory_space<semaphore_mem>> -> memref<!tpu.dma_semaphore, #tpu.memory_space<semaphore_mem>>
    %dma_start3A_99 = arith.constant 0 : i32
    %dma_start3A_100 = tpu.memref_slice %arg16[%add3A_93, %dma_start3A_99] : memref<10240x64xbf16, #tpu.memory_space<vmem_shared>> -> memref<128x64xbf16, #tpu.memory_space<vmem_shared>>
    tpu.enqueue_dma source(%arg14 : memref<128x64xbf16, #tpu.memory_space<vmem>>) target(%dma_start3A_100 : memref<128x64xbf16, #tpu.memory_space<vmem_shared>>) target_semaphore(%dma_start3A_98 : memref<!tpu.dma_semaphore, #tpu.memory_space<semaphore_mem>>)
    %dma_start3A_101 = arith.constant 1 : i32
    %dma_start3A_102 = arith.constant 0 : i32
    %dma_start3A_103 = tpu.memref_slice %arg17[%add3A_93, %dma_start3A_102] : memref<10240x16xbf16, #tpu.memory_space<vmem_shared>> -> memref<128x16xbf16, #tpu.memory_space<vmem_shared>>
    %dma_start3A_104 = tpu.memref_slice %arg18[%dma_start3A_101] : memref<8x!tpu.dma_semaphore, #tpu.memory_space<semaphore_mem>> -> memref<1x!tpu.dma_semaphore, #tpu.memory_space<semaphore_mem>>
    %dma_start3A_105 = tpu.memref_squeeze %dma_start3A_104 : memref<1x!tpu.dma_semaphore, #tpu.memory_space<semaphore_mem>> -> memref<!tpu.dma_semaphore, #tpu.memory_space<semaphore_mem>>
    %dma_start3A_106 = arith.constant 0 : i32
    %dma_start3A_107 = tpu.memref_slice %arg17[%add3A_93, %dma_start3A_106] : memref<10240x16xbf16, #tpu.memory_space<vmem_shared>> -> memref<128x16xbf16, #tpu.memory_space<vmem_shared>>
    tpu.enqueue_dma source(%arg15 : memref<128x16xbf16, #tpu.memory_space<vmem>>) target(%dma_start3A_107 : memref<128x16xbf16, #tpu.memory_space<vmem_shared>>) target_semaphore(%dma_start3A_105 : memref<!tpu.dma_semaphore, #tpu.memory_space<semaphore_mem>>)
    %mul3A_108 = arith.constant 640 : i32
    %mul3A_109 = arith.muli %arg1, %mul3A_108 : i32
    %add3A_110 = arith.constant 512 : i32
    %add3A_111 = arith.addi %mul3A_109, %add3A_110 : i32
    %dma_start3A_112 = arith.constant 0 : i32
    %dma_start3A_113 = arith.constant 0 : i32
    %dma_start3A_114 = tpu.memref_slice %arg16[%add3A_111, %dma_start3A_113] : memref<10240x64xbf16, #tpu.memory_space<vmem_shared>> -> memref<128x64xbf16, #tpu.memory_space<vmem_shared>>
    %dma_start3A_115 = tpu.memref_slice %arg18[%dma_start3A_112] : memref<8x!tpu.dma_semaphore, #tpu.memory_space<semaphore_mem>> -> memref<1x!tpu.dma_semaphore, #tpu.memory_space<semaphore_mem>>
    %dma_start3A_116 = tpu.memref_squeeze %dma_start3A_115 : memref<1x!tpu.dma_semaphore, #tpu.memory_space<semaphore_mem>> -> memref<!tpu.dma_semaphore, #tpu.memory_space<semaphore_mem>>
    %dma_start3A_117 = arith.constant 0 : i32
    %dma_start3A_118 = tpu.memref_slice %arg16[%add3A_111, %dma_start3A_117] : memref<10240x64xbf16, #tpu.memory_space<vmem_shared>> -> memref<128x64xbf16, #tpu.memory_space<vmem_shared>>
    tpu.enqueue_dma source(%arg14 : memref<128x64xbf16, #tpu.memory_space<vmem>>) target(%dma_start3A_118 : memref<128x64xbf16, #tpu.memory_space<vmem_shared>>) target_semaphore(%dma_start3A_116 : memref<!tpu.dma_semaphore, #tpu.memory_space<semaphore_mem>>)
    %dma_start3A_119 = arith.constant 1 : i32
    %dma_start3A_120 = arith.constant 0 : i32
    %dma_start3A_121 = tpu.memref_slice %arg17[%add3A_111, %dma_start3A_120] : memref<10240x16xbf16, #tpu.memory_space<vmem_shared>> -> memref<128x16xbf16, #tpu.memory_space<vmem_shared>>
    %dma_start3A_122 = tpu.memref_slice %arg18[%dma_start3A_119] : memref<8x!tpu.dma_semaphore, #tpu.memory_space<semaphore_mem>> -> memref<1x!tpu.dma_semaphore, #tpu.memory_space<semaphore_mem>>
    %dma_start3A_123 = tpu.memref_squeeze %dma_start3A_122 : memref<1x!tpu.dma_semaphore, #tpu.memory_space<semaphore_mem>> -> memref<!tpu.dma_semaphore, #tpu.memory_space<semaphore_mem>>
    %dma_start3A_124 = arith.constant 0 : i32
    %dma_start3A_125 = tpu.memref_slice %arg17[%add3A_111, %dma_start3A_124] : memref<10240x16xbf16, #tpu.memory_space<vmem_shared>> -> memref<128x16xbf16, #tpu.memory_space<vmem_shared>>
    tpu.enqueue_dma source(%arg15 : memref<128x16xbf16, #tpu.memory_space<vmem>>) target(%dma_start3A_125 : memref<128x16xbf16, #tpu.memory_space<vmem_shared>>) target_semaphore(%dma_start3A_123 : memref<!tpu.dma_semaphore, #tpu.memory_space<semaphore_mem>>)
    %dma_wait3A_126 = arith.constant 0 : i32
    %dma_wait3A_127 = arith.constant 0 : i32
    %dma_wait3A_128 = arith.constant 0 : i32
    %dma_wait3A_129 = tpu.memref_slice %arg16[%dma_wait3A_127, %dma_wait3A_128] : memref<10240x64xbf16, #tpu.memory_space<vmem_shared>> -> memref<128x64xbf16, #tpu.memory_space<vmem_shared>>
    %dma_wait3A_130 = tpu.memref_slice %arg18[%dma_wait3A_126] : memref<8x!tpu.dma_semaphore, #tpu.memory_space<semaphore_mem>> -> memref<1x!tpu.dma_semaphore, #tpu.memory_space<semaphore_mem>>
    %dma_wait3A_131 = tpu.memref_squeeze %dma_wait3A_130 : memref<1x!tpu.dma_semaphore, #tpu.memory_space<semaphore_mem>> -> memref<!tpu.dma_semaphore, #tpu.memory_space<semaphore_mem>>
    %dma_wait3A_132 = arith.constant 0 : i32
    %dma_wait3A_133 = arith.constant 0 : i32
    %dma_wait3A_134 = tpu.memref_slice %arg16[%dma_wait3A_132, %dma_wait3A_133] : memref<10240x64xbf16, #tpu.memory_space<vmem_shared>> -> memref<128x64xbf16, #tpu.memory_space<vmem_shared>>
    tpu.wait_dma2 semaphore(%dma_wait3A_131 : memref<!tpu.dma_semaphore, #tpu.memory_space<semaphore_mem>>) src(%arg14 : memref<128x64xbf16, #tpu.memory_space<vmem>>) dst(%dma_wait3A_134 : memref<128x64xbf16, #tpu.memory_space<vmem_shared>>)
    %dma_wait3A_135 = arith.constant 1 : i32
    %dma_wait3A_136 = arith.constant 0 : i32
    %dma_wait3A_137 = arith.constant 0 : i32
    %dma_wait3A_138 = tpu.memref_slice %arg17[%dma_wait3A_136, %dma_wait3A_137] : memref<10240x16xbf16, #tpu.memory_space<vmem_shared>> -> memref<128x16xbf16, #tpu.memory_space<vmem_shared>>
    %dma_wait3A_139 = tpu.memref_slice %arg18[%dma_wait3A_135] : memref<8x!tpu.dma_semaphore, #tpu.memory_space<semaphore_mem>> -> memref<1x!tpu.dma_semaphore, #tpu.memory_space<semaphore_mem>>
    %dma_wait3A_140 = tpu.memref_squeeze %dma_wait3A_139 : memref<1x!tpu.dma_semaphore, #tpu.memory_space<semaphore_mem>> -> memref<!tpu.dma_semaphore, #tpu.memory_space<semaphore_mem>>
    %dma_wait3A_141 = arith.constant 0 : i32
    %dma_wait3A_142 = arith.constant 0 : i32
    %dma_wait3A_143 = tpu.memref_slice %arg17[%dma_wait3A_141, %dma_wait3A_142] : memref<10240x16xbf16, #tpu.memory_space<vmem_shared>> -> memref<128x16xbf16, #tpu.memory_space<vmem_shared>>
    tpu.wait_dma2 semaphore(%dma_wait3A_140 : memref<!tpu.dma_semaphore, #tpu.memory_space<semaphore_mem>>) src(%arg15 : memref<128x16xbf16, #tpu.memory_space<vmem>>) dst(%dma_wait3A_143 : memref<128x16xbf16, #tpu.memory_space<vmem_shared>>)
    %dma_wait3A_144 = arith.constant 0 : i32
    %dma_wait3A_145 = arith.constant 0 : i32
    %dma_wait3A_146 = arith.constant 0 : i32
    %dma_wait3A_147 = tpu.memref_slice %arg16[%dma_wait3A_145, %dma_wait3A_146] : memref<10240x64xbf16, #tpu.memory_space<vmem_shared>> -> memref<128x64xbf16, #tpu.memory_space<vmem_shared>>
    %dma_wait3A_148 = tpu.memref_slice %arg18[%dma_wait3A_144] : memref<8x!tpu.dma_semaphore, #tpu.memory_space<semaphore_mem>> -> memref<1x!tpu.dma_semaphore, #tpu.memory_space<semaphore_mem>>
    %dma_wait3A_149 = tpu.memref_squeeze %dma_wait3A_148 : memref<1x!tpu.dma_semaphore, #tpu.memory_space<semaphore_mem>> -> memref<!tpu.dma_semaphore, #tpu.memory_space<semaphore_mem>>
    %dma_wait3A_150 = arith.constant 0 : i32
    %dma_wait3A_151 = arith.constant 0 : i32
    %dma_wait3A_152 = tpu.memref_slice %arg16[%dma_wait3A_150, %dma_wait3A_151] : memref<10240x64xbf16, #tpu.memory_space<vmem_shared>> -> memref<128x64xbf16, #tpu.memory_space<vmem_shared>>
    tpu.wait_dma2 semaphore(%dma_wait3A_149 : memref<!tpu.dma_semaphore, #tpu.memory_space<semaphore_mem>>) src(%arg14 : memref<128x64xbf16, #tpu.memory_space<vmem>>) dst(%dma_wait3A_152 : memref<128x64xbf16, #tpu.memory_space<vmem_shared>>)
    %dma_wait3A_153 = arith.constant 1 : i32
    %dma_wait3A_154 = arith.constant 0 : i32
    %dma_wait3A_155 = arith.constant 0 : i32
    %dma_wait3A_156 = tpu.memref_slice %arg17[%dma_wait3A_154, %dma_wait3A_155] : memref<10240x16xbf16, #tpu.memory_space<vmem_shared>> -> memref<128x16xbf16, #tpu.memory_space<vmem_shared>>
    %dma_wait3A_157 = tpu.memref_slice %arg18[%dma_wait3A_153] : memref<8x!tpu.dma_semaphore, #tpu.memory_space<semaphore_mem>> -> memref<1x!tpu.dma_semaphore, #tpu.memory_space<semaphore_mem>>
    %dma_wait3A_158 = tpu.memref_squeeze %dma_wait3A_157 : memref<1x!tpu.dma_semaphore, #tpu.memory_space<semaphore_mem>> -> memref<!tpu.dma_semaphore, #tpu.memory_space<semaphore_mem>>
    %dma_wait3A_159 = arith.constant 0 : i32
    %dma_wait3A_160 = arith.constant 0 : i32
    %dma_wait3A_161 = tpu.memref_slice %arg17[%dma_wait3A_159, %dma_wait3A_160] : memref<10240x16xbf16, #tpu.memory_space<vmem_shared>> -> memref<128x16xbf16, #tpu.memory_space<vmem_shared>>
    tpu.wait_dma2 semaphore(%dma_wait3A_158 : memref<!tpu.dma_semaphore, #tpu.memory_space<semaphore_mem>>) src(%arg15 : memref<128x16xbf16, #tpu.memory_space<vmem>>) dst(%dma_wait3A_161 : memref<128x16xbf16, #tpu.memory_space<vmem_shared>>)
    %dma_wait3A_162 = arith.constant 0 : i32
    %dma_wait3A_163 = arith.constant 0 : i32
    %dma_wait3A_164 = arith.constant 0 : i32
    %dma_wait3A_165 = tpu.memref_slice %arg16[%dma_wait3A_163, %dma_wait3A_164] : memref<10240x64xbf16, #tpu.memory_space<vmem_shared>> -> memref<128x64xbf16, #tpu.memory_space<vmem_shared>>
    %dma_wait3A_166 = tpu.memref_slice %arg18[%dma_wait3A_162] : memref<8x!tpu.dma_semaphore, #tpu.memory_space<semaphore_mem>> -> memref<1x!tpu.dma_semaphore, #tpu.memory_space<semaphore_mem>>
    %dma_wait3A_167 = tpu.memref_squeeze %dma_wait3A_166 : memref<1x!tpu.dma_semaphore, #tpu.memory_space<semaphore_mem>> -> memref<!tpu.dma_semaphore, #tpu.memory_space<semaphore_mem>>
    %dma_wait3A_168 = arith.constant 0 : i32
    %dma_wait3A_169 = arith.constant 0 : i32
    %dma_wait3A_170 = tpu.memref_slice %arg16[%dma_wait3A_168, %dma_wait3A_169] : memref<10240x64xbf16, #tpu.memory_space<vmem_shared>> -> memref<128x64xbf16, #tpu.memory_space<vmem_shared>>
    tpu.wait_dma2 semaphore(%dma_wait3A_167 : memref<!tpu.dma_semaphore, #tpu.memory_space<semaphore_mem>>) src(%arg14 : memref<128x64xbf16, #tpu.memory_space<vmem>>) dst(%dma_wait3A_170 : memref<128x64xbf16, #tpu.memory_space<vmem_shared>>)
    %dma_wait3A_171 = arith.constant 1 : i32
    %dma_wait3A_172 = arith.constant 0 : i32
    %dma_wait3A_173 = arith.constant 0 : i32
    %dma_wait3A_174 = tpu.memref_slice %arg17[%dma_wait3A_172, %dma_wait3A_173] : memref<10240x16xbf16, #tpu.memory_space<vmem_shared>> -> memref<128x16xbf16, #tpu.memory_space<vmem_shared>>
    %dma_wait3A_175 = tpu.memref_slice %arg18[%dma_wait3A_171] : memref<8x!tpu.dma_semaphore, #tpu.memory_space<semaphore_mem>> -> memref<1x!tpu.dma_semaphore, #tpu.memory_space<semaphore_mem>>
    %dma_wait3A_176 = tpu.memref_squeeze %dma_wait3A_175 : memref<1x!tpu.dma_semaphore, #tpu.memory_space<semaphore_mem>> -> memref<!tpu.dma_semaphore, #tpu.memory_space<semaphore_mem>>
    %dma_wait3A_177 = arith.constant 0 : i32
    %dma_wait3A_178 = arith.constant 0 : i32
    %dma_wait3A_179 = tpu.memref_slice %arg17[%dma_wait3A_177, %dma_wait3A_178] : memref<10240x16xbf16, #tpu.memory_space<vmem_shared>> -> memref<128x16xbf16, #tpu.memory_space<vmem_shared>>
    tpu.wait_dma2 semaphore(%dma_wait3A_176 : memref<!tpu.dma_semaphore, #tpu.memory_space<semaphore_mem>>) src(%arg15 : memref<128x16xbf16, #tpu.memory_space<vmem>>) dst(%dma_wait3A_179 : memref<128x16xbf16, #tpu.memory_space<vmem_shared>>)
    %dma_wait3A_180 = arith.constant 0 : i32
    %dma_wait3A_181 = arith.constant 0 : i32
    %dma_wait3A_182 = arith.constant 0 : i32
    %dma_wait3A_183 = tpu.memref_slice %arg16[%dma_wait3A_181, %dma_wait3A_182] : memref<10240x64xbf16, #tpu.memory_space<vmem_shared>> -> memref<128x64xbf16, #tpu.memory_space<vmem_shared>>
    %dma_wait3A_184 = tpu.memref_slice %arg18[%dma_wait3A_180] : memref<8x!tpu.dma_semaphore, #tpu.memory_space<semaphore_mem>> -> memref<1x!tpu.dma_semaphore, #tpu.memory_space<semaphore_mem>>
    %dma_wait3A_185 = tpu.memref_squeeze %dma_wait3A_184 : memref<1x!tpu.dma_semaphore, #tpu.memory_space<semaphore_mem>> -> memref<!tpu.dma_semaphore, #tpu.memory_space<semaphore_mem>>
    %dma_wait3A_186 = arith.constant 0 : i32
    %dma_wait3A_187 = arith.constant 0 : i32
    %dma_wait3A_188 = tpu.memref_slice %arg16[%dma_wait3A_186, %dma_wait3A_187] : memref<10240x64xbf16, #tpu.memory_space<vmem_shared>> -> memref<128x64xbf16, #tpu.memory_space<vmem_shared>>
    tpu.wait_dma2 semaphore(%dma_wait3A_185 : memref<!tpu.dma_semaphore, #tpu.memory_space<semaphore_mem>>) src(%arg14 : memref<128x64xbf16, #tpu.memory_space<vmem>>) dst(%dma_wait3A_188 : memref<128x64xbf16, #tpu.memory_space<vmem_shared>>)
    %dma_wait3A_189 = arith.constant 1 : i32
    %dma_wait3A_190 = arith.constant 0 : i32
    %dma_wait3A_191 = arith.constant 0 : i32
    %dma_wait3A_192 = tpu.memref_slice %arg17[%dma_wait3A_190, %dma_wait3A_191] : memref<10240x16xbf16, #tpu.memory_space<vmem_shared>> -> memref<128x16xbf16, #tpu.memory_space<vmem_shared>>
    %dma_wait3A_193 = tpu.memref_slice %arg18[%dma_wait3A_189] : memref<8x!tpu.dma_semaphore, #tpu.memory_space<semaphore_mem>> -> memref<1x!tpu.dma_semaphore, #tpu.memory_space<semaphore_mem>>
    %dma_wait3A_194 = tpu.memref_squeeze %dma_wait3A_193 : memref<1x!tpu.dma_semaphore, #tpu.memory_space<semaphore_mem>> -> memref<!tpu.dma_semaphore, #tpu.memory_space<semaphore_mem>>
    %dma_wait3A_195 = arith.constant 0 : i32
    %dma_wait3A_196 = arith.constant 0 : i32
    %dma_wait3A_197 = tpu.memref_slice %arg17[%dma_wait3A_195, %dma_wait3A_196] : memref<10240x16xbf16, #tpu.memory_space<vmem_shared>> -> memref<128x16xbf16, #tpu.memory_space<vmem_shared>>
    tpu.wait_dma2 semaphore(%dma_wait3A_194 : memref<!tpu.dma_semaphore, #tpu.memory_space<semaphore_mem>>) src(%arg15 : memref<128x16xbf16, #tpu.memory_space<vmem>>) dst(%dma_wait3A_197 : memref<128x16xbf16, #tpu.memory_space<vmem_shared>>)
    %dma_wait3A_198 = arith.constant 0 : i32
    %dma_wait3A_199 = arith.constant 0 : i32
    %dma_wait3A_200 = arith.constant 0 : i32
    %dma_wait3A_201 = tpu.memref_slice %arg16[%dma_wait3A_199, %dma_wait3A_200] : memref<10240x64xbf16, #tpu.memory_space<vmem_shared>> -> memref<128x64xbf16, #tpu.memory_space<vmem_shared>>
    %dma_wait3A_202 = tpu.memref_slice %arg18[%dma_wait3A_198] : memref<8x!tpu.dma_semaphore, #tpu.memory_space<semaphore_mem>> -> memref<1x!tpu.dma_semaphore, #tpu.memory_space<semaphore_mem>>
    %dma_wait3A_203 = tpu.memref_squeeze %dma_wait3A_202 : memref<1x!tpu.dma_semaphore, #tpu.memory_space<semaphore_mem>> -> memref<!tpu.dma_semaphore, #tpu.memory_space<semaphore_mem>>
    %dma_wait3A_204 = arith.constant 0 : i32
    %dma_wait3A_205 = arith.constant 0 : i32
    %dma_wait3A_206 = tpu.memref_slice %arg16[%dma_wait3A_204, %dma_wait3A_205] : memref<10240x64xbf16, #tpu.memory_space<vmem_shared>> -> memref<128x64xbf16, #tpu.memory_space<vmem_shared>>
    tpu.wait_dma2 semaphore(%dma_wait3A_203 : memref<!tpu.dma_semaphore, #tpu.memory_space<semaphore_mem>>) src(%arg14 : memref<128x64xbf16, #tpu.memory_space<vmem>>) dst(%dma_wait3A_206 : memref<128x64xbf16, #tpu.memory_space<vmem_shared>>)
    %dma_wait3A_207 = arith.constant 1 : i32
    %dma_wait3A_208 = arith.constant 0 : i32
    %dma_wait3A_209 = arith.constant 0 : i32
    %dma_wait3A_210 = tpu.memref_slice %arg17[%dma_wait3A_208, %dma_wait3A_209] : memref<10240x16xbf16, #tpu.memory_space<vmem_shared>> -> memref<128x16xbf16, #tpu.memory_space<vmem_shared>>
    %dma_wait3A_211 = tpu.memref_slice %arg18[%dma_wait3A_207] : memref<8x!tpu.dma_semaphore, #tpu.memory_space<semaphore_mem>> -> memref<1x!tpu.dma_semaphore, #tpu.memory_space<semaphore_mem>>
    %dma_wait3A_212 = tpu.memref_squeeze %dma_wait3A_211 : memref<1x!tpu.dma_semaphore, #tpu.memory_space<semaphore_mem>> -> memref<!tpu.dma_semaphore, #tpu.memory_space<semaphore_mem>>
    %dma_wait3A_213 = arith.constant 0 : i32
    %dma_wait3A_214 = arith.constant 0 : i32
    %dma_wait3A_215 = tpu.memref_slice %arg17[%dma_wait3A_213, %dma_wait3A_214] : memref<10240x16xbf16, #tpu.memory_space<vmem_shared>> -> memref<128x16xbf16, #tpu.memory_space<vmem_shared>>
    tpu.wait_dma2 semaphore(%dma_wait3A_212 : memref<!tpu.dma_semaphore, #tpu.memory_space<semaphore_mem>>) src(%arg15 : memref<128x16xbf16, #tpu.memory_space<vmem>>) dst(%dma_wait3A_215 : memref<128x16xbf16, #tpu.memory_space<vmem_shared>>)
    %dma_wait3A_216 = arith.constant 0 : i32
    %dma_wait3A_217 = arith.constant 0 : i32
    %dma_wait3A_218 = arith.constant 0 : i32
    %dma_wait3A_219 = tpu.memref_slice %arg3[%add3A, %dma_wait3A_217, %dma_wait3A_218] : memref<32x160x128xi32, #tpu.memory_space<hbm>> -> memref<1x160x128xi32, #tpu.memory_space<hbm>>
    %dma_wait3A_220 = tpu.memref_squeeze %dma_wait3A_219 : memref<1x160x128xi32, #tpu.memory_space<hbm>> -> memref<160x128xi32, #tpu.memory_space<hbm>>
    %dma_wait3A_221 = tpu.memref_slice %arg19[%dma_wait3A_216] : memref<8x!tpu.dma_semaphore, #tpu.memory_space<semaphore_mem>> -> memref<1x!tpu.dma_semaphore, #tpu.memory_space<semaphore_mem>>
    %dma_wait3A_222 = tpu.memref_squeeze %dma_wait3A_221 : memref<1x!tpu.dma_semaphore, #tpu.memory_space<semaphore_mem>> -> memref<!tpu.dma_semaphore, #tpu.memory_space<semaphore_mem>>
    %dma_wait3A_223 = arith.constant 0 : i32
    %dma_wait3A_224 = arith.constant 0 : i32
    %dma_wait3A_225 = tpu.memref_slice %arg3[%add3A, %dma_wait3A_223, %dma_wait3A_224] : memref<32x160x128xi32, #tpu.memory_space<hbm>> -> memref<1x160x128xi32, #tpu.memory_space<hbm>>
    %dma_wait3A_226 = tpu.memref_squeeze %dma_wait3A_225 : memref<1x160x128xi32, #tpu.memory_space<hbm>> -> memref<160x128xi32, #tpu.memory_space<hbm>>
    tpu.wait_dma2 semaphore(%dma_wait3A_222 : memref<!tpu.dma_semaphore, #tpu.memory_space<semaphore_mem>>) src(%dma_wait3A_226 : memref<160x128xi32, #tpu.memory_space<hbm>>) dst(%arg10 : memref<160x128xi32, #tpu.memory_space<vmem>>)
    %dma_wait3A_227 = arith.constant 1 : i32
    %dma_wait3A_228 = arith.constant 0 : i32
    %dma_wait3A_229 = arith.constant 0 : i32
    %dma_wait3A_230 = tpu.memref_slice %arg4[%add3A, %dma_wait3A_228, %dma_wait3A_229] : memref<32x160x128xi32, #tpu.memory_space<hbm>> -> memref<1x160x128xi32, #tpu.memory_space<hbm>>
    %dma_wait3A_231 = tpu.memref_squeeze %dma_wait3A_230 : memref<1x160x128xi32, #tpu.memory_space<hbm>> -> memref<160x128xi32, #tpu.memory_space<hbm>>
    %dma_wait3A_232 = tpu.memref_slice %arg19[%dma_wait3A_227] : memref<8x!tpu.dma_semaphore, #tpu.memory_space<semaphore_mem>> -> memref<1x!tpu.dma_semaphore, #tpu.memory_space<semaphore_mem>>
    %dma_wait3A_233 = tpu.memref_squeeze %dma_wait3A_232 : memref<1x!tpu.dma_semaphore, #tpu.memory_space<semaphore_mem>> -> memref<!tpu.dma_semaphore, #tpu.memory_space<semaphore_mem>>
    %dma_wait3A_234 = arith.constant 0 : i32
    %dma_wait3A_235 = arith.constant 0 : i32
    %dma_wait3A_236 = tpu.memref_slice %arg4[%add3A, %dma_wait3A_234, %dma_wait3A_235] : memref<32x160x128xi32, #tpu.memory_space<hbm>> -> memref<1x160x128xi32, #tpu.memory_space<hbm>>
    %dma_wait3A_237 = tpu.memref_squeeze %dma_wait3A_236 : memref<1x160x128xi32, #tpu.memory_space<hbm>> -> memref<160x128xi32, #tpu.memory_space<hbm>>
    tpu.wait_dma2 semaphore(%dma_wait3A_233 : memref<!tpu.dma_semaphore, #tpu.memory_space<semaphore_mem>>) src(%dma_wait3A_237 : memref<160x128xi32, #tpu.memory_space<hbm>>) dst(%arg11 : memref<160x128xi32, #tpu.memory_space<vmem>>)
    %dma_wait3A_238 = arith.constant 0 : i32
    %dma_wait3A_239 = tpu.memref_slice %arg20[%dma_wait3A_238] : memref<8x!tpu.dma_semaphore, #tpu.memory_space<semaphore_mem>> -> memref<1x!tpu.dma_semaphore, #tpu.memory_space<semaphore_mem>>
    %dma_wait3A_240 = tpu.memref_squeeze %dma_wait3A_239 : memref<1x!tpu.dma_semaphore, #tpu.memory_space<semaphore_mem>> -> memref<!tpu.dma_semaphore, #tpu.memory_space<semaphore_mem>>
    tpu.wait_dma2 semaphore(%dma_wait3A_240 : memref<!tpu.dma_semaphore, #tpu.memory_space<semaphore_mem>>) src(%arg5 : memref<128x16xbf16, #tpu.memory_space<hbm>>) dst(%arg13 : memref<128x16xbf16, #tpu.memory_space<vmem>>)
    %barrier3A = arith.constant 0 : index
    tpu.barrier barrier_id(%barrier3A)
    %dma_start3A_241 = arith.constant 0 : i32
    %dma_start3A_242 = arith.constant 0 : i32
    %dma_start3A_243 = arith.constant 0 : i32
    %dma_start3A_244 = arith.constant 0 : i32
    %dma_start3A_245 = arith.constant 0 : i32
    %dma_start3A_246 = tpu.memref_slice %arg12[%dma_start3A_242, %dma_start3A_244, %dma_start3A_245] : memref<8x128x64xbf16, #tpu.memory_space<vmem>> -> memref<1x128x64xbf16, #tpu.memory_space<vmem>>
    %dma_start3A_247 = tpu.memref_squeeze %dma_start3A_246 : memref<1x128x64xbf16, #tpu.memory_space<vmem>> -> memref<128x64xbf16, #tpu.memory_space<vmem>>
    %dma_start3A_248 = arith.constant 0 : i32
    %dma_start3A_249 = tpu.memref_slice %arg10[%dma_start3A_241, %dma_start3A_248] : memref<160x128xi32, #tpu.memory_space<vmem>> -> memref<1x128xi32, #tpu.memory_space<vmem>>
    %dma_start3A_250 = tpu.memref_squeeze %dma_start3A_249 : memref<1x128xi32, #tpu.memory_space<vmem>> -> memref<128xi32, #tpu.memory_space<vmem>>
    %dma_start3A_251 = arith.constant 0 : i32
    %dma_start3A_252 = arith.constant 0 : i32
    %dma_start3A_253 = tpu.memref_slice %arg2[%dma_start3A_251, %dma_start3A_252] : memref<20480x64xbf16, #tpu.memory_space<hbm>> -> memref<20480x64xbf16, #tpu.memory_space<hbm>>
    %dma_start3A_254 = tpu.memref_slice %arg18[%dma_start3A_243] : memref<8x!tpu.dma_semaphore, #tpu.memory_space<semaphore_mem>> -> memref<1x!tpu.dma_semaphore, #tpu.memory_space<semaphore_mem>>
    %dma_start3A_255 = tpu.memref_squeeze %dma_start3A_254 : memref<1x!tpu.dma_semaphore, #tpu.memory_space<semaphore_mem>> -> memref<!tpu.dma_semaphore, #tpu.memory_space<semaphore_mem>>
    tpu.enqueue_indirect_dma source(%dma_start3A_253 : memref<20480x64xbf16, #tpu.memory_space<hbm>>) target(%dma_start3A_247 : memref<128x64xbf16, #tpu.memory_space<vmem>>) offsets(%dma_start3A_250 : memref<128xi32, #tpu.memory_space<vmem>>) semaphore(%dma_start3A_255 : memref<!tpu.dma_semaphore, #tpu.memory_space<semaphore_mem>>)
    %dma_start3A_256 = arith.constant 1 : i32
    %dma_start3A_257 = arith.constant 1 : i32
    %dma_start3A_258 = arith.constant 1 : i32
    %dma_start3A_259 = arith.constant 0 : i32
    %dma_start3A_260 = arith.constant 0 : i32
    %dma_start3A_261 = tpu.memref_slice %arg12[%dma_start3A_257, %dma_start3A_259, %dma_start3A_260] : memref<8x128x64xbf16, #tpu.memory_space<vmem>> -> memref<1x128x64xbf16, #tpu.memory_space<vmem>>
    %dma_start3A_262 = tpu.memref_squeeze %dma_start3A_261 : memref<1x128x64xbf16, #tpu.memory_space<vmem>> -> memref<128x64xbf16, #tpu.memory_space<vmem>>
    %dma_start3A_263 = arith.constant 0 : i32
    %dma_start3A_264 = tpu.memref_slice %arg10[%dma_start3A_256, %dma_start3A_263] : memref<160x128xi32, #tpu.memory_space<vmem>> -> memref<1x128xi32, #tpu.memory_space<vmem>>
    %dma_start3A_265 = tpu.memref_squeeze %dma_start3A_264 : memref<1x128xi32, #tpu.memory_space<vmem>> -> memref<128xi32, #tpu.memory_space<vmem>>
    %dma_start3A_266 = arith.constant 0 : i32
    %dma_start3A_267 = arith.constant 0 : i32
    %dma_start3A_268 = tpu.memref_slice %arg2[%dma_start3A_266, %dma_start3A_267] : memref<20480x64xbf16, #tpu.memory_space<hbm>> -> memref<20480x64xbf16, #tpu.memory_space<hbm>>
    %dma_start3A_269 = tpu.memref_slice %arg18[%dma_start3A_258] : memref<8x!tpu.dma_semaphore, #tpu.memory_space<semaphore_mem>> -> memref<1x!tpu.dma_semaphore, #tpu.memory_space<semaphore_mem>>
    %dma_start3A_270 = tpu.memref_squeeze %dma_start3A_269 : memref<1x!tpu.dma_semaphore, #tpu.memory_space<semaphore_mem>> -> memref<!tpu.dma_semaphore, #tpu.memory_space<semaphore_mem>>
    tpu.enqueue_indirect_dma source(%dma_start3A_268 : memref<20480x64xbf16, #tpu.memory_space<hbm>>) target(%dma_start3A_262 : memref<128x64xbf16, #tpu.memory_space<vmem>>) offsets(%dma_start3A_265 : memref<128xi32, #tpu.memory_space<vmem>>) semaphore(%dma_start3A_270 : memref<!tpu.dma_semaphore, #tpu.memory_space<semaphore_mem>>)
    %dma_start3A_271 = arith.constant 2 : i32
    %dma_start3A_272 = arith.constant 2 : i32
    %dma_start3A_273 = arith.constant 2 : i32
    %dma_start3A_274 = arith.constant 0 : i32
    %dma_start3A_275 = arith.constant 0 : i32
    %dma_start3A_276 = tpu.memref_slice %arg12[%dma_start3A_272, %dma_start3A_274, %dma_start3A_275] : memref<8x128x64xbf16, #tpu.memory_space<vmem>> -> memref<1x128x64xbf16, #tpu.memory_space<vmem>>
    %dma_start3A_277 = tpu.memref_squeeze %dma_start3A_276 : memref<1x128x64xbf16, #tpu.memory_space<vmem>> -> memref<128x64xbf16, #tpu.memory_space<vmem>>
    %dma_start3A_278 = arith.constant 0 : i32
    %dma_start3A_279 = tpu.memref_slice %arg10[%dma_start3A_271, %dma_start3A_278] : memref<160x128xi32, #tpu.memory_space<vmem>> -> memref<1x128xi32, #tpu.memory_space<vmem>>
    %dma_start3A_280 = tpu.memref_squeeze %dma_start3A_279 : memref<1x128xi32, #tpu.memory_space<vmem>> -> memref<128xi32, #tpu.memory_space<vmem>>
    %dma_start3A_281 = arith.constant 0 : i32
    %dma_start3A_282 = arith.constant 0 : i32
    %dma_start3A_283 = tpu.memref_slice %arg2[%dma_start3A_281, %dma_start3A_282] : memref<20480x64xbf16, #tpu.memory_space<hbm>> -> memref<20480x64xbf16, #tpu.memory_space<hbm>>
    %dma_start3A_284 = tpu.memref_slice %arg18[%dma_start3A_273] : memref<8x!tpu.dma_semaphore, #tpu.memory_space<semaphore_mem>> -> memref<1x!tpu.dma_semaphore, #tpu.memory_space<semaphore_mem>>
    %dma_start3A_285 = tpu.memref_squeeze %dma_start3A_284 : memref<1x!tpu.dma_semaphore, #tpu.memory_space<semaphore_mem>> -> memref<!tpu.dma_semaphore, #tpu.memory_space<semaphore_mem>>
    tpu.enqueue_indirect_dma source(%dma_start3A_283 : memref<20480x64xbf16, #tpu.memory_space<hbm>>) target(%dma_start3A_277 : memref<128x64xbf16, #tpu.memory_space<vmem>>) offsets(%dma_start3A_280 : memref<128xi32, #tpu.memory_space<vmem>>) semaphore(%dma_start3A_285 : memref<!tpu.dma_semaphore, #tpu.memory_space<semaphore_mem>>)
    %dma_start3A_286 = arith.constant 3 : i32
    %dma_start3A_287 = arith.constant 3 : i32
    %dma_start3A_288 = arith.constant 3 : i32
    %dma_start3A_289 = arith.constant 0 : i32
    %dma_start3A_290 = arith.constant 0 : i32
    %dma_start3A_291 = tpu.memref_slice %arg12[%dma_start3A_287, %dma_start3A_289, %dma_start3A_290] : memref<8x128x64xbf16, #tpu.memory_space<vmem>> -> memref<1x128x64xbf16, #tpu.memory_space<vmem>>
    %dma_start3A_292 = tpu.memref_squeeze %dma_start3A_291 : memref<1x128x64xbf16, #tpu.memory_space<vmem>> -> memref<128x64xbf16, #tpu.memory_space<vmem>>
    %dma_start3A_293 = arith.constant 0 : i32
    %dma_start3A_294 = tpu.memref_slice %arg10[%dma_start3A_286, %dma_start3A_293] : memref<160x128xi32, #tpu.memory_space<vmem>> -> memref<1x128xi32, #tpu.memory_space<vmem>>
    %dma_start3A_295 = tpu.memref_squeeze %dma_start3A_294 : memref<1x128xi32, #tpu.memory_space<vmem>> -> memref<128xi32, #tpu.memory_space<vmem>>
    %dma_start3A_296 = arith.constant 0 : i32
    %dma_start3A_297 = arith.constant 0 : i32
    %dma_start3A_298 = tpu.memref_slice %arg2[%dma_start3A_296, %dma_start3A_297] : memref<20480x64xbf16, #tpu.memory_space<hbm>> -> memref<20480x64xbf16, #tpu.memory_space<hbm>>
    %dma_start3A_299 = tpu.memref_slice %arg18[%dma_start3A_288] : memref<8x!tpu.dma_semaphore, #tpu.memory_space<semaphore_mem>> -> memref<1x!tpu.dma_semaphore, #tpu.memory_space<semaphore_mem>>
    %dma_start3A_300 = tpu.memref_squeeze %dma_start3A_299 : memref<1x!tpu.dma_semaphore, #tpu.memory_space<semaphore_mem>> -> memref<!tpu.dma_semaphore, #tpu.memory_space<semaphore_mem>>
    tpu.enqueue_indirect_dma source(%dma_start3A_298 : memref<20480x64xbf16, #tpu.memory_space<hbm>>) target(%dma_start3A_292 : memref<128x64xbf16, #tpu.memory_space<vmem>>) offsets(%dma_start3A_295 : memref<128xi32, #tpu.memory_space<vmem>>) semaphore(%dma_start3A_300 : memref<!tpu.dma_semaphore, #tpu.memory_space<semaphore_mem>>)
    %dma_start3A_301 = arith.constant 4 : i32
    %dma_start3A_302 = arith.constant 4 : i32
    %dma_start3A_303 = arith.constant 4 : i32
    %dma_start3A_304 = arith.constant 0 : i32
    %dma_start3A_305 = arith.constant 0 : i32
    %dma_start3A_306 = tpu.memref_slice %arg12[%dma_start3A_302, %dma_start3A_304, %dma_start3A_305] : memref<8x128x64xbf16, #tpu.memory_space<vmem>> -> memref<1x128x64xbf16, #tpu.memory_space<vmem>>
    %dma_start3A_307 = tpu.memref_squeeze %dma_start3A_306 : memref<1x128x64xbf16, #tpu.memory_space<vmem>> -> memref<128x64xbf16, #tpu.memory_space<vmem>>
    %dma_start3A_308 = arith.constant 0 : i32
    %dma_start3A_309 = tpu.memref_slice %arg10[%dma_start3A_301, %dma_start3A_308] : memref<160x128xi32, #tpu.memory_space<vmem>> -> memref<1x128xi32, #tpu.memory_space<vmem>>
    %dma_start3A_310 = tpu.memref_squeeze %dma_start3A_309 : memref<1x128xi32, #tpu.memory_space<vmem>> -> memref<128xi32, #tpu.memory_space<vmem>>
    %dma_start3A_311 = arith.constant 0 : i32
    %dma_start3A_312 = arith.constant 0 : i32
    %dma_start3A_313 = tpu.memref_slice %arg2[%dma_start3A_311, %dma_start3A_312] : memref<20480x64xbf16, #tpu.memory_space<hbm>> -> memref<20480x64xbf16, #tpu.memory_space<hbm>>
    %dma_start3A_314 = tpu.memref_slice %arg18[%dma_start3A_303] : memref<8x!tpu.dma_semaphore, #tpu.memory_space<semaphore_mem>> -> memref<1x!tpu.dma_semaphore, #tpu.memory_space<semaphore_mem>>
    %dma_start3A_315 = tpu.memref_squeeze %dma_start3A_314 : memref<1x!tpu.dma_semaphore, #tpu.memory_space<semaphore_mem>> -> memref<!tpu.dma_semaphore, #tpu.memory_space<semaphore_mem>>
    tpu.enqueue_indirect_dma source(%dma_start3A_313 : memref<20480x64xbf16, #tpu.memory_space<hbm>>) target(%dma_start3A_307 : memref<128x64xbf16, #tpu.memory_space<vmem>>) offsets(%dma_start3A_310 : memref<128xi32, #tpu.memory_space<vmem>>) semaphore(%dma_start3A_315 : memref<!tpu.dma_semaphore, #tpu.memory_space<semaphore_mem>>)
    %dma_start3A_316 = arith.constant 5 : i32
    %dma_start3A_317 = arith.constant 5 : i32
    %dma_start3A_318 = arith.constant 5 : i32
    %dma_start3A_319 = arith.constant 0 : i32
    %dma_start3A_320 = arith.constant 0 : i32
    %dma_start3A_321 = tpu.memref_slice %arg12[%dma_start3A_317, %dma_start3A_319, %dma_start3A_320] : memref<8x128x64xbf16, #tpu.memory_space<vmem>> -> memref<1x128x64xbf16, #tpu.memory_space<vmem>>
    %dma_start3A_322 = tpu.memref_squeeze %dma_start3A_321 : memref<1x128x64xbf16, #tpu.memory_space<vmem>> -> memref<128x64xbf16, #tpu.memory_space<vmem>>
    %dma_start3A_323 = arith.constant 0 : i32
    %dma_start3A_324 = tpu.memref_slice %arg10[%dma_start3A_316, %dma_start3A_323] : memref<160x128xi32, #tpu.memory_space<vmem>> -> memref<1x128xi32, #tpu.memory_space<vmem>>
    %dma_start3A_325 = tpu.memref_squeeze %dma_start3A_324 : memref<1x128xi32, #tpu.memory_space<vmem>> -> memref<128xi32, #tpu.memory_space<vmem>>
    %dma_start3A_326 = arith.constant 0 : i32
    %dma_start3A_327 = arith.constant 0 : i32
    %dma_start3A_328 = tpu.memref_slice %arg2[%dma_start3A_326, %dma_start3A_327] : memref<20480x64xbf16, #tpu.memory_space<hbm>> -> memref<20480x64xbf16, #tpu.memory_space<hbm>>
    %dma_start3A_329 = tpu.memref_slice %arg18[%dma_start3A_318] : memref<8x!tpu.dma_semaphore, #tpu.memory_space<semaphore_mem>> -> memref<1x!tpu.dma_semaphore, #tpu.memory_space<semaphore_mem>>
    %dma_start3A_330 = tpu.memref_squeeze %dma_start3A_329 : memref<1x!tpu.dma_semaphore, #tpu.memory_space<semaphore_mem>> -> memref<!tpu.dma_semaphore, #tpu.memory_space<semaphore_mem>>
    tpu.enqueue_indirect_dma source(%dma_start3A_328 : memref<20480x64xbf16, #tpu.memory_space<hbm>>) target(%dma_start3A_322 : memref<128x64xbf16, #tpu.memory_space<vmem>>) offsets(%dma_start3A_325 : memref<128xi32, #tpu.memory_space<vmem>>) semaphore(%dma_start3A_330 : memref<!tpu.dma_semaphore, #tpu.memory_space<semaphore_mem>>)
    %dma_start3A_331 = arith.constant 6 : i32
    %dma_start3A_332 = arith.constant 6 : i32
    %dma_start3A_333 = arith.constant 6 : i32
    %dma_start3A_334 = arith.constant 0 : i32
    %dma_start3A_335 = arith.constant 0 : i32
    %dma_start3A_336 = tpu.memref_slice %arg12[%dma_start3A_332, %dma_start3A_334, %dma_start3A_335] : memref<8x128x64xbf16, #tpu.memory_space<vmem>> -> memref<1x128x64xbf16, #tpu.memory_space<vmem>>
    %dma_start3A_337 = tpu.memref_squeeze %dma_start3A_336 : memref<1x128x64xbf16, #tpu.memory_space<vmem>> -> memref<128x64xbf16, #tpu.memory_space<vmem>>
    %dma_start3A_338 = arith.constant 0 : i32
    %dma_start3A_339 = tpu.memref_slice %arg10[%dma_start3A_331, %dma_start3A_338] : memref<160x128xi32, #tpu.memory_space<vmem>> -> memref<1x128xi32, #tpu.memory_space<vmem>>
    %dma_start3A_340 = tpu.memref_squeeze %dma_start3A_339 : memref<1x128xi32, #tpu.memory_space<vmem>> -> memref<128xi32, #tpu.memory_space<vmem>>
    %dma_start3A_341 = arith.constant 0 : i32
    %dma_start3A_342 = arith.constant 0 : i32
    %dma_start3A_343 = tpu.memref_slice %arg2[%dma_start3A_341, %dma_start3A_342] : memref<20480x64xbf16, #tpu.memory_space<hbm>> -> memref<20480x64xbf16, #tpu.memory_space<hbm>>
    %dma_start3A_344 = tpu.memref_slice %arg18[%dma_start3A_333] : memref<8x!tpu.dma_semaphore, #tpu.memory_space<semaphore_mem>> -> memref<1x!tpu.dma_semaphore, #tpu.memory_space<semaphore_mem>>
    %dma_start3A_345 = tpu.memref_squeeze %dma_start3A_344 : memref<1x!tpu.dma_semaphore, #tpu.memory_space<semaphore_mem>> -> memref<!tpu.dma_semaphore, #tpu.memory_space<semaphore_mem>>
    tpu.enqueue_indirect_dma source(%dma_start3A_343 : memref<20480x64xbf16, #tpu.memory_space<hbm>>) target(%dma_start3A_337 : memref<128x64xbf16, #tpu.memory_space<vmem>>) offsets(%dma_start3A_340 : memref<128xi32, #tpu.memory_space<vmem>>) semaphore(%dma_start3A_345 : memref<!tpu.dma_semaphore, #tpu.memory_space<semaphore_mem>>)
    %dma_start3A_346 = arith.constant 7 : i32
    %dma_start3A_347 = arith.constant 7 : i32
    %dma_start3A_348 = arith.constant 7 : i32
    %dma_start3A_349 = arith.constant 0 : i32
    %dma_start3A_350 = arith.constant 0 : i32
    %dma_start3A_351 = tpu.memref_slice %arg12[%dma_start3A_347, %dma_start3A_349, %dma_start3A_350] : memref<8x128x64xbf16, #tpu.memory_space<vmem>> -> memref<1x128x64xbf16, #tpu.memory_space<vmem>>
    %dma_start3A_352 = tpu.memref_squeeze %dma_start3A_351 : memref<1x128x64xbf16, #tpu.memory_space<vmem>> -> memref<128x64xbf16, #tpu.memory_space<vmem>>
    %dma_start3A_353 = arith.constant 0 : i32
    %dma_start3A_354 = tpu.memref_slice %arg10[%dma_start3A_346, %dma_start3A_353] : memref<160x128xi32, #tpu.memory_space<vmem>> -> memref<1x128xi32, #tpu.memory_space<vmem>>
    %dma_start3A_355 = tpu.memref_squeeze %dma_start3A_354 : memref<1x128xi32, #tpu.memory_space<vmem>> -> memref<128xi32, #tpu.memory_space<vmem>>
    %dma_start3A_356 = arith.constant 0 : i32
    %dma_start3A_357 = arith.constant 0 : i32
    %dma_start3A_358 = tpu.memref_slice %arg2[%dma_start3A_356, %dma_start3A_357] : memref<20480x64xbf16, #tpu.memory_space<hbm>> -> memref<20480x64xbf16, #tpu.memory_space<hbm>>
    %dma_start3A_359 = tpu.memref_slice %arg18[%dma_start3A_348] : memref<8x!tpu.dma_semaphore, #tpu.memory_space<semaphore_mem>> -> memref<1x!tpu.dma_semaphore, #tpu.memory_space<semaphore_mem>>
    %dma_start3A_360 = tpu.memref_squeeze %dma_start3A_359 : memref<1x!tpu.dma_semaphore, #tpu.memory_space<semaphore_mem>> -> memref<!tpu.dma_semaphore, #tpu.memory_space<semaphore_mem>>
    tpu.enqueue_indirect_dma source(%dma_start3A_358 : memref<20480x64xbf16, #tpu.memory_space<hbm>>) target(%dma_start3A_352 : memref<128x64xbf16, #tpu.memory_space<vmem>>) offsets(%dma_start3A_355 : memref<128xi32, #tpu.memory_space<vmem>>) semaphore(%dma_start3A_360 : memref<!tpu.dma_semaphore, #tpu.memory_space<semaphore_mem>>)
    %scan3A = arith.constant 0 : i32
    %scan3A_361 = arith.constant 19 : i32
    %scan3A_362 = arith.addi %scan3A, %scan3A_361 : i32
    %scan3A_363 = arith.constant 1 : i32
    scf.for %scan3A_853 = %scan3A to %scan3A_362 step %scan3A_363  : i32 {
      %mul3A_854 = arith.constant 8 : i32
      %mul3A_855 = arith.muli %scan3A_853, %mul3A_854 : i32
      %add3A_856 = arith.constant 0 : i32
      %add3A_857 = arith.addi %add3A_856, %mul3A_855 : i32
      %add3A_858 = arith.constant 0 : i32
      %add3A_859 = arith.addi %add3A_857, %add3A_858 : i32
      %dma_wait3A_860 = arith.constant 0 : i32
      %dma_wait3A_861 = arith.constant 0 : i32
      %dma_wait3A_862 = arith.constant 0 : i32
      %dma_wait3A_863 = arith.constant 0 : i32
      %dma_wait3A_864 = tpu.memref_slice %arg12[%dma_wait3A_860, %dma_wait3A_862, %dma_wait3A_863] : memref<8x128x64xbf16, #tpu.memory_space<vmem>> -> memref<1x128x64xbf16, #tpu.memory_space<vmem>>
      %dma_wait3A_865 = tpu.memref_squeeze %dma_wait3A_864 : memref<1x128x64xbf16, #tpu.memory_space<vmem>> -> memref<128x64xbf16, #tpu.memory_space<vmem>>
      %dma_wait3A_866 = arith.constant 0 : i32
      %dma_wait3A_867 = arith.constant 0 : i32
      %dma_wait3A_868 = tpu.memref_slice %arg2[%dma_wait3A_866, %dma_wait3A_867] : memref<20480x64xbf16, #tpu.memory_space<hbm>> -> memref<128x64xbf16, #tpu.memory_space<hbm>>
      %dma_wait3A_869 = tpu.memref_slice %arg18[%dma_wait3A_861] : memref<8x!tpu.dma_semaphore, #tpu.memory_space<semaphore_mem>> -> memref<1x!tpu.dma_semaphore, #tpu.memory_space<semaphore_mem>>
      %dma_wait3A_870 = tpu.memref_squeeze %dma_wait3A_869 : memref<1x!tpu.dma_semaphore, #tpu.memory_space<semaphore_mem>> -> memref<!tpu.dma_semaphore, #tpu.memory_space<semaphore_mem>>
      %dma_wait3A_871 = arith.constant 0 : i32
      %dma_wait3A_872 = arith.constant 0 : i32
      %dma_wait3A_873 = tpu.memref_slice %arg12[%dma_wait3A_860, %dma_wait3A_871, %dma_wait3A_872] : memref<8x128x64xbf16, #tpu.memory_space<vmem>> -> memref<1x128x64xbf16, #tpu.memory_space<vmem>>
      %dma_wait3A_874 = tpu.memref_squeeze %dma_wait3A_873 : memref<1x128x64xbf16, #tpu.memory_space<vmem>> -> memref<128x64xbf16, #tpu.memory_space<vmem>>
      %dma_wait3A_875 = arith.constant 0 : i32
      %dma_wait3A_876 = arith.constant 0 : i32
      %dma_wait3A_877 = tpu.memref_slice %arg2[%dma_wait3A_875, %dma_wait3A_876] : memref<20480x64xbf16, #tpu.memory_space<hbm>> -> memref<128x64xbf16, #tpu.memory_space<hbm>>
      tpu.wait_dma2 semaphore(%dma_wait3A_870 : memref<!tpu.dma_semaphore, #tpu.memory_space<semaphore_mem>>) src(%dma_wait3A_877 : memref<128x64xbf16, #tpu.memory_space<hbm>>) dst(%dma_wait3A_874 : memref<128x64xbf16, #tpu.memory_space<vmem>>)
      %dma_start3A_878 = arith.constant 0 : i32
      %dma_start3A_879 = arith.constant 0 : i32
      %dma_start3A_880 = arith.constant 0 : i32
      %dma_start3A_881 = arith.constant 0 : i32
      %dma_start3A_882 = tpu.memref_slice %arg12[%dma_start3A_878, %dma_start3A_880, %dma_start3A_881] : memref<8x128x64xbf16, #tpu.memory_space<vmem>> -> memref<1x128x64xbf16, #tpu.memory_space<vmem>>
      %dma_start3A_883 = tpu.memref_squeeze %dma_start3A_882 : memref<1x128x64xbf16, #tpu.memory_space<vmem>> -> memref<128x64xbf16, #tpu.memory_space<vmem>>
      %dma_start3A_884 = arith.constant 0 : i32
      %dma_start3A_885 = tpu.memref_slice %arg11[%add3A_859, %dma_start3A_884] : memref<160x128xi32, #tpu.memory_space<vmem>> -> memref<1x128xi32, #tpu.memory_space<vmem>>
      %dma_start3A_886 = tpu.memref_squeeze %dma_start3A_885 : memref<1x128xi32, #tpu.memory_space<vmem>> -> memref<128xi32, #tpu.memory_space<vmem>>
      %dma_start3A_887 = arith.constant 0 : i32
      %dma_start3A_888 = arith.constant 0 : i32
      %dma_start3A_889 = tpu.memref_slice %arg16[%dma_start3A_887, %dma_start3A_888] : memref<10240x64xbf16, #tpu.memory_space<vmem_shared>> -> memref<10240x64xbf16, #tpu.memory_space<vmem_shared>>
      %dma_start3A_890 = tpu.memref_slice %arg19[%dma_start3A_879] : memref<8x!tpu.dma_semaphore, #tpu.memory_space<semaphore_mem>> -> memref<1x!tpu.dma_semaphore, #tpu.memory_space<semaphore_mem>>
      %dma_start3A_891 = tpu.memref_squeeze %dma_start3A_890 : memref<1x!tpu.dma_semaphore, #tpu.memory_space<semaphore_mem>> -> memref<!tpu.dma_semaphore, #tpu.memory_space<semaphore_mem>>
      tpu.enqueue_indirect_dma source(%dma_start3A_883 : memref<128x64xbf16, #tpu.memory_space<vmem>>) target(%dma_start3A_889 : memref<10240x64xbf16, #tpu.memory_space<vmem_shared>>) offsets(%dma_start3A_886 : memref<128xi32, #tpu.memory_space<vmem>>) semaphore(%dma_start3A_891 : memref<!tpu.dma_semaphore, #tpu.memory_space<semaphore_mem>>) {add = true}
      %jit3A = arith.constant 2 : i32
      %eq3A_892 = arith.constant 0 : i32
      %eq3A_893 = arith.cmpi eq, %jit3A, %eq3A_892 : i32
      %jit3A_894 = arith.constant 1 : i32
      %select_n3A = arith.select %eq3A_893, %jit3A_894, %jit3A : i32
      %rem3A = arith.remsi %add3A_859, %select_n3A : i32
      %ne3A = arith.constant 0 : i32
      %ne3A_895 = arith.cmpi ne, %rem3A, %ne3A : i32
      %lt3A = arith.constant 0 : i32
      %lt3A_896 = arith.cmpi slt, %rem3A, %lt3A : i32
      %lt3A_897 = arith.constant 0 : i32
      %lt3A_898 = arith.cmpi slt, %select_n3A, %lt3A_897 : i32
      %ne3A_899 = arith.xori %lt3A_896, %lt3A_898 : i1
      %and3A = arith.andi %ne3A_899, %ne3A_895 : i1
      %add3A_900 = arith.addi %rem3A, %select_n3A : i32
      %select_n3A_901 = arith.select %and3A, %add3A_900, %rem3A : i32
      %eq3A_902 = arith.cmpi eq, %select_n3A_901, %arg0 : i32
      %convert_element_type3A_903 = arith.extui %eq3A_902 : i1 to i32
      %cond3A_904 = arith.constant 0 : i32
      %cond3A_905 = arith.cmpi ne, %convert_element_type3A_903, %cond3A_904 : i32
      scf.if %cond3A_905 {
        %dma_start3A_1748 = arith.constant 0 : i32
        %dma_start3A_1749 = arith.constant 0 : i32
        %dma_start3A_1750 = tpu.memref_slice %arg11[%add3A_859, %dma_start3A_1749] : memref<160x128xi32, #tpu.memory_space<vmem>> -> memref<1x128xi32, #tpu.memory_space<vmem>>
        %dma_start3A_1751 = tpu.memref_squeeze %dma_start3A_1750 : memref<1x128xi32, #tpu.memory_space<vmem>> -> memref<128xi32, #tpu.memory_space<vmem>>
        %dma_start3A_1752 = arith.constant 0 : i32
        %dma_start3A_1753 = arith.constant 0 : i32
        %dma_start3A_1754 = tpu.memref_slice %arg17[%dma_start3A_1752, %dma_start3A_1753] : memref<10240x16xbf16, #tpu.memory_space<vmem_shared>> -> memref<10240x16xbf16, #tpu.memory_space<vmem_shared>>
        %dma_start3A_1755 = tpu.memref_slice %arg20[%dma_start3A_1748] : memref<8x!tpu.dma_semaphore, #tpu.memory_space<semaphore_mem>> -> memref<1x!tpu.dma_semaphore, #tpu.memory_space<semaphore_mem>>
        %dma_start3A_1756 = tpu.memref_squeeze %dma_start3A_1755 : memref<1x!tpu.dma_semaphore, #tpu.memory_space<semaphore_mem>> -> memref<!tpu.dma_semaphore, #tpu.memory_space<semaphore_mem>>
        tpu.enqueue_indirect_dma source(%arg13 : memref<128x16xbf16, #tpu.memory_space<vmem>>) target(%dma_start3A_1754 : memref<10240x16xbf16, #tpu.memory_space<vmem_shared>>) offsets(%dma_start3A_1751 : memref<128xi32, #tpu.memory_space<vmem>>) semaphore(%dma_start3A_1756 : memref<!tpu.dma_semaphore, #tpu.memory_space<semaphore_mem>>) {add = true}
      } else {
      }
      %add3A_906 = arith.constant 1 : i32
      %add3A_907 = arith.addi %add3A_857, %add3A_906 : i32
      %dma_wait3A_908 = arith.constant 1 : i32
      %dma_wait3A_909 = arith.constant 1 : i32
      %dma_wait3A_910 = arith.constant 0 : i32
      %dma_wait3A_911 = arith.constant 0 : i32
      %dma_wait3A_912 = tpu.memref_slice %arg12[%dma_wait3A_908, %dma_wait3A_910, %dma_wait3A_911] : memref<8x128x64xbf16, #tpu.memory_space<vmem>> -> memref<1x128x64xbf16, #tpu.memory_space<vmem>>
      %dma_wait3A_913 = tpu.memref_squeeze %dma_wait3A_912 : memref<1x128x64xbf16, #tpu.memory_space<vmem>> -> memref<128x64xbf16, #tpu.memory_space<vmem>>
      %dma_wait3A_914 = arith.constant 0 : i32
      %dma_wait3A_915 = arith.constant 0 : i32
      %dma_wait3A_916 = tpu.memref_slice %arg2[%dma_wait3A_914, %dma_wait3A_915] : memref<20480x64xbf16, #tpu.memory_space<hbm>> -> memref<128x64xbf16, #tpu.memory_space<hbm>>
      %dma_wait3A_917 = tpu.memref_slice %arg18[%dma_wait3A_909] : memref<8x!tpu.dma_semaphore, #tpu.memory_space<semaphore_mem>> -> memref<1x!tpu.dma_semaphore, #tpu.memory_space<semaphore_mem>>
      %dma_wait3A_918 = tpu.memref_squeeze %dma_wait3A_917 : memref<1x!tpu.dma_semaphore, #tpu.memory_space<semaphore_mem>> -> memref<!tpu.dma_semaphore, #tpu.memory_space<semaphore_mem>>
      %dma_wait3A_919 = arith.constant 0 : i32
      %dma_wait3A_920 = arith.constant 0 : i32
      %dma_wait3A_921 = tpu.memref_slice %arg12[%dma_wait3A_908, %dma_wait3A_919, %dma_wait3A_920] : memref<8x128x64xbf16, #tpu.memory_space<vmem>> -> memref<1x128x64xbf16, #tpu.memory_space<vmem>>
      %dma_wait3A_922 = tpu.memref_squeeze %dma_wait3A_921 : memref<1x128x64xbf16, #tpu.memory_space<vmem>> -> memref<128x64xbf16, #tpu.memory_space<vmem>>
      %dma_wait3A_923 = arith.constant 0 : i32
      %dma_wait3A_924 = arith.constant 0 : i32
      %dma_wait3A_925 = tpu.memref_slice %arg2[%dma_wait3A_923, %dma_wait3A_924] : memref<20480x64xbf16, #tpu.memory_space<hbm>> -> memref<128x64xbf16, #tpu.memory_space<hbm>>
      tpu.wait_dma2 semaphore(%dma_wait3A_918 : memref<!tpu.dma_semaphore, #tpu.memory_space<semaphore_mem>>) src(%dma_wait3A_925 : memref<128x64xbf16, #tpu.memory_space<hbm>>) dst(%dma_wait3A_922 : memref<128x64xbf16, #tpu.memory_space<vmem>>)
      %dma_start3A_926 = arith.constant 1 : i32
      %dma_start3A_927 = arith.constant 1 : i32
      %dma_start3A_928 = arith.constant 0 : i32
      %dma_start3A_929 = arith.constant 0 : i32
      %dma_start3A_930 = tpu.memref_slice %arg12[%dma_start3A_926, %dma_start3A_928, %dma_start3A_929] : memref<8x128x64xbf16, #tpu.memory_space<vmem>> -> memref<1x128x64xbf16, #tpu.memory_space<vmem>>
      %dma_start3A_931 = tpu.memref_squeeze %dma_start3A_930 : memref<1x128x64xbf16, #tpu.memory_space<vmem>> -> memref<128x64xbf16, #tpu.memory_space<vmem>>
      %dma_start3A_932 = arith.constant 0 : i32
      %dma_start3A_933 = tpu.memref_slice %arg11[%add3A_907, %dma_start3A_932] : memref<160x128xi32, #tpu.memory_space<vmem>> -> memref<1x128xi32, #tpu.memory_space<vmem>>
      %dma_start3A_934 = tpu.memref_squeeze %dma_start3A_933 : memref<1x128xi32, #tpu.memory_space<vmem>> -> memref<128xi32, #tpu.memory_space<vmem>>
      %dma_start3A_935 = arith.constant 0 : i32
      %dma_start3A_936 = arith.constant 0 : i32
      %dma_start3A_937 = tpu.memref_slice %arg16[%dma_start3A_935, %dma_start3A_936] : memref<10240x64xbf16, #tpu.memory_space<vmem_shared>> -> memref<10240x64xbf16, #tpu.memory_space<vmem_shared>>
      %dma_start3A_938 = tpu.memref_slice %arg19[%dma_start3A_927] : memref<8x!tpu.dma_semaphore, #tpu.memory_space<semaphore_mem>> -> memref<1x!tpu.dma_semaphore, #tpu.memory_space<semaphore_mem>>
      %dma_start3A_939 = tpu.memref_squeeze %dma_start3A_938 : memref<1x!tpu.dma_semaphore, #tpu.memory_space<semaphore_mem>> -> memref<!tpu.dma_semaphore, #tpu.memory_space<semaphore_mem>>
      tpu.enqueue_indirect_dma source(%dma_start3A_931 : memref<128x64xbf16, #tpu.memory_space<vmem>>) target(%dma_start3A_937 : memref<10240x64xbf16, #tpu.memory_space<vmem_shared>>) offsets(%dma_start3A_934 : memref<128xi32, #tpu.memory_space<vmem>>) semaphore(%dma_start3A_939 : memref<!tpu.dma_semaphore, #tpu.memory_space<semaphore_mem>>) {add = true}
      %jit3A_940 = arith.constant 2 : i32
      %eq3A_941 = arith.constant 0 : i32
      %eq3A_942 = arith.cmpi eq, %jit3A_940, %eq3A_941 : i32
      %jit3A_943 = arith.constant 1 : i32
      %select_n3A_944 = arith.select %eq3A_942, %jit3A_943, %jit3A_940 : i32
      %rem3A_945 = arith.remsi %add3A_907, %select_n3A_944 : i32
      %ne3A_946 = arith.constant 0 : i32
      %ne3A_947 = arith.cmpi ne, %rem3A_945, %ne3A_946 : i32
      %lt3A_948 = arith.constant 0 : i32
      %lt3A_949 = arith.cmpi slt, %rem3A_945, %lt3A_948 : i32
      %lt3A_950 = arith.constant 0 : i32
      %lt3A_951 = arith.cmpi slt, %select_n3A_944, %lt3A_950 : i32
      %ne3A_952 = arith.xori %lt3A_949, %lt3A_951 : i1
      %and3A_953 = arith.andi %ne3A_952, %ne3A_947 : i1
      %add3A_954 = arith.addi %rem3A_945, %select_n3A_944 : i32
      %select_n3A_955 = arith.select %and3A_953, %add3A_954, %rem3A_945 : i32
      %eq3A_956 = arith.cmpi eq, %select_n3A_955, %arg0 : i32
      %convert_element_type3A_957 = arith.extui %eq3A_956 : i1 to i32
      %cond3A_958 = arith.constant 0 : i32
      %cond3A_959 = arith.cmpi ne, %convert_element_type3A_957, %cond3A_958 : i32
      scf.if %cond3A_959 {
        %dma_start3A_1748 = arith.constant 1 : i32
        %dma_start3A_1749 = arith.constant 0 : i32
        %dma_start3A_1750 = tpu.memref_slice %arg11[%add3A_907, %dma_start3A_1749] : memref<160x128xi32, #tpu.memory_space<vmem>> -> memref<1x128xi32, #tpu.memory_space<vmem>>
        %dma_start3A_1751 = tpu.memref_squeeze %dma_start3A_1750 : memref<1x128xi32, #tpu.memory_space<vmem>> -> memref<128xi32, #tpu.memory_space<vmem>>
        %dma_start3A_1752 = arith.constant 0 : i32
        %dma_start3A_1753 = arith.constant 0 : i32
        %dma_start3A_1754 = tpu.memref_slice %arg17[%dma_start3A_1752, %dma_start3A_1753] : memref<10240x16xbf16, #tpu.memory_space<vmem_shared>> -> memref<10240x16xbf16, #tpu.memory_space<vmem_shared>>
        %dma_start3A_1755 = tpu.memref_slice %arg20[%dma_start3A_1748] : memref<8x!tpu.dma_semaphore, #tpu.memory_space<semaphore_mem>> -> memref<1x!tpu.dma_semaphore, #tpu.memory_space<semaphore_mem>>
        %dma_start3A_1756 = tpu.memref_squeeze %dma_start3A_1755 : memref<1x!tpu.dma_semaphore, #tpu.memory_space<semaphore_mem>> -> memref<!tpu.dma_semaphore, #tpu.memory_space<semaphore_mem>>
        tpu.enqueue_indirect_dma source(%arg13 : memref<128x16xbf16, #tpu.memory_space<vmem>>) target(%dma_start3A_1754 : memref<10240x16xbf16, #tpu.memory_space<vmem_shared>>) offsets(%dma_start3A_1751 : memref<128xi32, #tpu.memory_space<vmem>>) semaphore(%dma_start3A_1756 : memref<!tpu.dma_semaphore, #tpu.memory_space<semaphore_mem>>) {add = true}
      } else {
      }
      %add3A_960 = arith.constant 2 : i32
      %add3A_961 = arith.addi %add3A_857, %add3A_960 : i32
      %dma_wait3A_962 = arith.constant 2 : i32
      %dma_wait3A_963 = arith.constant 2 : i32
      %dma_wait3A_964 = arith.constant 0 : i32
      %dma_wait3A_965 = arith.constant 0 : i32
      %dma_wait3A_966 = tpu.memref_slice %arg12[%dma_wait3A_962, %dma_wait3A_964, %dma_wait3A_965] : memref<8x128x64xbf16, #tpu.memory_space<vmem>> -> memref<1x128x64xbf16, #tpu.memory_space<vmem>>
      %dma_wait3A_967 = tpu.memref_squeeze %dma_wait3A_966 : memref<1x128x64xbf16, #tpu.memory_space<vmem>> -> memref<128x64xbf16, #tpu.memory_space<vmem>>
      %dma_wait3A_968 = arith.constant 0 : i32
      %dma_wait3A_969 = arith.constant 0 : i32
      %dma_wait3A_970 = tpu.memref_slice %arg2[%dma_wait3A_968, %dma_wait3A_969] : memref<20480x64xbf16, #tpu.memory_space<hbm>> -> memref<128x64xbf16, #tpu.memory_space<hbm>>
      %dma_wait3A_971 = tpu.memref_slice %arg18[%dma_wait3A_963] : memref<8x!tpu.dma_semaphore, #tpu.memory_space<semaphore_mem>> -> memref<1x!tpu.dma_semaphore, #tpu.memory_space<semaphore_mem>>
      %dma_wait3A_972 = tpu.memref_squeeze %dma_wait3A_971 : memref<1x!tpu.dma_semaphore, #tpu.memory_space<semaphore_mem>> -> memref<!tpu.dma_semaphore, #tpu.memory_space<semaphore_mem>>
      %dma_wait3A_973 = arith.constant 0 : i32
      %dma_wait3A_974 = arith.constant 0 : i32
      %dma_wait3A_975 = tpu.memref_slice %arg12[%dma_wait3A_962, %dma_wait3A_973, %dma_wait3A_974] : memref<8x128x64xbf16, #tpu.memory_space<vmem>> -> memref<1x128x64xbf16, #tpu.memory_space<vmem>>
      %dma_wait3A_976 = tpu.memref_squeeze %dma_wait3A_975 : memref<1x128x64xbf16, #tpu.memory_space<vmem>> -> memref<128x64xbf16, #tpu.memory_space<vmem>>
      %dma_wait3A_977 = arith.constant 0 : i32
      %dma_wait3A_978 = arith.constant 0 : i32
      %dma_wait3A_979 = tpu.memref_slice %arg2[%dma_wait3A_977, %dma_wait3A_978] : memref<20480x64xbf16, #tpu.memory_space<hbm>> -> memref<128x64xbf16, #tpu.memory_space<hbm>>
      tpu.wait_dma2 semaphore(%dma_wait3A_972 : memref<!tpu.dma_semaphore, #tpu.memory_space<semaphore_mem>>) src(%dma_wait3A_979 : memref<128x64xbf16, #tpu.memory_space<hbm>>) dst(%dma_wait3A_976 : memref<128x64xbf16, #tpu.memory_space<vmem>>)
      %dma_start3A_980 = arith.constant 2 : i32
      %dma_start3A_981 = arith.constant 2 : i32
      %dma_start3A_982 = arith.constant 0 : i32
      %dma_start3A_983 = arith.constant 0 : i32
      %dma_start3A_984 = tpu.memref_slice %arg12[%dma_start3A_980, %dma_start3A_982, %dma_start3A_983] : memref<8x128x64xbf16, #tpu.memory_space<vmem>> -> memref<1x128x64xbf16, #tpu.memory_space<vmem>>
      %dma_start3A_985 = tpu.memref_squeeze %dma_start3A_984 : memref<1x128x64xbf16, #tpu.memory_space<vmem>> -> memref<128x64xbf16, #tpu.memory_space<vmem>>
      %dma_start3A_986 = arith.constant 0 : i32
      %dma_start3A_987 = tpu.memref_slice %arg11[%add3A_961, %dma_start3A_986] : memref<160x128xi32, #tpu.memory_space<vmem>> -> memref<1x128xi32, #tpu.memory_space<vmem>>
      %dma_start3A_988 = tpu.memref_squeeze %dma_start3A_987 : memref<1x128xi32, #tpu.memory_space<vmem>> -> memref<128xi32, #tpu.memory_space<vmem>>
      %dma_start3A_989 = arith.constant 0 : i32
      %dma_start3A_990 = arith.constant 0 : i32
      %dma_start3A_991 = tpu.memref_slice %arg16[%dma_start3A_989, %dma_start3A_990] : memref<10240x64xbf16, #tpu.memory_space<vmem_shared>> -> memref<10240x64xbf16, #tpu.memory_space<vmem_shared>>
      %dma_start3A_992 = tpu.memref_slice %arg19[%dma_start3A_981] : memref<8x!tpu.dma_semaphore, #tpu.memory_space<semaphore_mem>> -> memref<1x!tpu.dma_semaphore, #tpu.memory_space<semaphore_mem>>
      %dma_start3A_993 = tpu.memref_squeeze %dma_start3A_992 : memref<1x!tpu.dma_semaphore, #tpu.memory_space<semaphore_mem>> -> memref<!tpu.dma_semaphore, #tpu.memory_space<semaphore_mem>>
      tpu.enqueue_indirect_dma source(%dma_start3A_985 : memref<128x64xbf16, #tpu.memory_space<vmem>>) target(%dma_start3A_991 : memref<10240x64xbf16, #tpu.memory_space<vmem_shared>>) offsets(%dma_start3A_988 : memref<128xi32, #tpu.memory_space<vmem>>) semaphore(%dma_start3A_993 : memref<!tpu.dma_semaphore, #tpu.memory_space<semaphore_mem>>) {add = true}
      %jit3A_994 = arith.constant 2 : i32
      %eq3A_995 = arith.constant 0 : i32
      %eq3A_996 = arith.cmpi eq, %jit3A_994, %eq3A_995 : i32
      %jit3A_997 = arith.constant 1 : i32
      %select_n3A_998 = arith.select %eq3A_996, %jit3A_997, %jit3A_994 : i32
      %rem3A_999 = arith.remsi %add3A_961, %select_n3A_998 : i32
      %ne3A_1000 = arith.constant 0 : i32
      %ne3A_1001 = arith.cmpi ne, %rem3A_999, %ne3A_1000 : i32
      %lt3A_1002 = arith.constant 0 : i32
      %lt3A_1003 = arith.cmpi slt, %rem3A_999, %lt3A_1002 : i32
      %lt3A_1004 = arith.constant 0 : i32
      %lt3A_1005 = arith.cmpi slt, %select_n3A_998, %lt3A_1004 : i32
      %ne3A_1006 = arith.xori %lt3A_1003, %lt3A_1005 : i1
      %and3A_1007 = arith.andi %ne3A_1006, %ne3A_1001 : i1
      %add3A_1008 = arith.addi %rem3A_999, %select_n3A_998 : i32
      %select_n3A_1009 = arith.select %and3A_1007, %add3A_1008, %rem3A_999 : i32
      %eq3A_1010 = arith.cmpi eq, %select_n3A_1009, %arg0 : i32
      %convert_element_type3A_1011 = arith.extui %eq3A_1010 : i1 to i32
      %cond3A_1012 = arith.constant 0 : i32
      %cond3A_1013 = arith.cmpi ne, %convert_element_type3A_1011, %cond3A_1012 : i32
      scf.if %cond3A_1013 {
        %dma_start3A_1748 = arith.constant 2 : i32
        %dma_start3A_1749 = arith.constant 0 : i32
        %dma_start3A_1750 = tpu.memref_slice %arg11[%add3A_961, %dma_start3A_1749] : memref<160x128xi32, #tpu.memory_space<vmem>> -> memref<1x128xi32, #tpu.memory_space<vmem>>
        %dma_start3A_1751 = tpu.memref_squeeze %dma_start3A_1750 : memref<1x128xi32, #tpu.memory_space<vmem>> -> memref<128xi32, #tpu.memory_space<vmem>>
        %dma_start3A_1752 = arith.constant 0 : i32
        %dma_start3A_1753 = arith.constant 0 : i32
        %dma_start3A_1754 = tpu.memref_slice %arg17[%dma_start3A_1752, %dma_start3A_1753] : memref<10240x16xbf16, #tpu.memory_space<vmem_shared>> -> memref<10240x16xbf16, #tpu.memory_space<vmem_shared>>
        %dma_start3A_1755 = tpu.memref_slice %arg20[%dma_start3A_1748] : memref<8x!tpu.dma_semaphore, #tpu.memory_space<semaphore_mem>> -> memref<1x!tpu.dma_semaphore, #tpu.memory_space<semaphore_mem>>
        %dma_start3A_1756 = tpu.memref_squeeze %dma_start3A_1755 : memref<1x!tpu.dma_semaphore, #tpu.memory_space<semaphore_mem>> -> memref<!tpu.dma_semaphore, #tpu.memory_space<semaphore_mem>>
        tpu.enqueue_indirect_dma source(%arg13 : memref<128x16xbf16, #tpu.memory_space<vmem>>) target(%dma_start3A_1754 : memref<10240x16xbf16, #tpu.memory_space<vmem_shared>>) offsets(%dma_start3A_1751 : memref<128xi32, #tpu.memory_space<vmem>>) semaphore(%dma_start3A_1756 : memref<!tpu.dma_semaphore, #tpu.memory_space<semaphore_mem>>) {add = true}
      } else {
      }
      %add3A_1014 = arith.constant 3 : i32
      %add3A_1015 = arith.addi %add3A_857, %add3A_1014 : i32
      %dma_wait3A_1016 = arith.constant 3 : i32
      %dma_wait3A_1017 = arith.constant 3 : i32
      %dma_wait3A_1018 = arith.constant 0 : i32
      %dma_wait3A_1019 = arith.constant 0 : i32
      %dma_wait3A_1020 = tpu.memref_slice %arg12[%dma_wait3A_1016, %dma_wait3A_1018, %dma_wait3A_1019] : memref<8x128x64xbf16, #tpu.memory_space<vmem>> -> memref<1x128x64xbf16, #tpu.memory_space<vmem>>
      %dma_wait3A_1021 = tpu.memref_squeeze %dma_wait3A_1020 : memref<1x128x64xbf16, #tpu.memory_space<vmem>> -> memref<128x64xbf16, #tpu.memory_space<vmem>>
      %dma_wait3A_1022 = arith.constant 0 : i32
      %dma_wait3A_1023 = arith.constant 0 : i32
      %dma_wait3A_1024 = tpu.memref_slice %arg2[%dma_wait3A_1022, %dma_wait3A_1023] : memref<20480x64xbf16, #tpu.memory_space<hbm>> -> memref<128x64xbf16, #tpu.memory_space<hbm>>
      %dma_wait3A_1025 = tpu.memref_slice %arg18[%dma_wait3A_1017] : memref<8x!tpu.dma_semaphore, #tpu.memory_space<semaphore_mem>> -> memref<1x!tpu.dma_semaphore, #tpu.memory_space<semaphore_mem>>
      %dma_wait3A_1026 = tpu.memref_squeeze %dma_wait3A_1025 : memref<1x!tpu.dma_semaphore, #tpu.memory_space<semaphore_mem>> -> memref<!tpu.dma_semaphore, #tpu.memory_space<semaphore_mem>>
      %dma_wait3A_1027 = arith.constant 0 : i32
      %dma_wait3A_1028 = arith.constant 0 : i32
      %dma_wait3A_1029 = tpu.memref_slice %arg12[%dma_wait3A_1016, %dma_wait3A_1027, %dma_wait3A_1028] : memref<8x128x64xbf16, #tpu.memory_space<vmem>> -> memref<1x128x64xbf16, #tpu.memory_space<vmem>>
      %dma_wait3A_1030 = tpu.memref_squeeze %dma_wait3A_1029 : memref<1x128x64xbf16, #tpu.memory_space<vmem>> -> memref<128x64xbf16, #tpu.memory_space<vmem>>
      %dma_wait3A_1031 = arith.constant 0 : i32
      %dma_wait3A_1032 = arith.constant 0 : i32
      %dma_wait3A_1033 = tpu.memref_slice %arg2[%dma_wait3A_1031, %dma_wait3A_1032] : memref<20480x64xbf16, #tpu.memory_space<hbm>> -> memref<128x64xbf16, #tpu.memory_space<hbm>>
      tpu.wait_dma2 semaphore(%dma_wait3A_1026 : memref<!tpu.dma_semaphore, #tpu.memory_space<semaphore_mem>>) src(%dma_wait3A_1033 : memref<128x64xbf16, #tpu.memory_space<hbm>>) dst(%dma_wait3A_1030 : memref<128x64xbf16, #tpu.memory_space<vmem>>)
      %dma_start3A_1034 = arith.constant 3 : i32
      %dma_start3A_1035 = arith.constant 3 : i32
      %dma_start3A_1036 = arith.constant 0 : i32
      %dma_start3A_1037 = arith.constant 0 : i32
      %dma_start3A_1038 = tpu.memref_slice %arg12[%dma_start3A_1034, %dma_start3A_1036, %dma_start3A_1037] : memref<8x128x64xbf16, #tpu.memory_space<vmem>> -> memref<1x128x64xbf16, #tpu.memory_space<vmem>>
      %dma_start3A_1039 = tpu.memref_squeeze %dma_start3A_1038 : memref<1x128x64xbf16, #tpu.memory_space<vmem>> -> memref<128x64xbf16, #tpu.memory_space<vmem>>
      %dma_start3A_1040 = arith.constant 0 : i32
      %dma_start3A_1041 = tpu.memref_slice %arg11[%add3A_1015, %dma_start3A_1040] : memref<160x128xi32, #tpu.memory_space<vmem>> -> memref<1x128xi32, #tpu.memory_space<vmem>>
      %dma_start3A_1042 = tpu.memref_squeeze %dma_start3A_1041 : memref<1x128xi32, #tpu.memory_space<vmem>> -> memref<128xi32, #tpu.memory_space<vmem>>
      %dma_start3A_1043 = arith.constant 0 : i32
      %dma_start3A_1044 = arith.constant 0 : i32
      %dma_start3A_1045 = tpu.memref_slice %arg16[%dma_start3A_1043, %dma_start3A_1044] : memref<10240x64xbf16, #tpu.memory_space<vmem_shared>> -> memref<10240x64xbf16, #tpu.memory_space<vmem_shared>>
      %dma_start3A_1046 = tpu.memref_slice %arg19[%dma_start3A_1035] : memref<8x!tpu.dma_semaphore, #tpu.memory_space<semaphore_mem>> -> memref<1x!tpu.dma_semaphore, #tpu.memory_space<semaphore_mem>>
      %dma_start3A_1047 = tpu.memref_squeeze %dma_start3A_1046 : memref<1x!tpu.dma_semaphore, #tpu.memory_space<semaphore_mem>> -> memref<!tpu.dma_semaphore, #tpu.memory_space<semaphore_mem>>
      tpu.enqueue_indirect_dma source(%dma_start3A_1039 : memref<128x64xbf16, #tpu.memory_space<vmem>>) target(%dma_start3A_1045 : memref<10240x64xbf16, #tpu.memory_space<vmem_shared>>) offsets(%dma_start3A_1042 : memref<128xi32, #tpu.memory_space<vmem>>) semaphore(%dma_start3A_1047 : memref<!tpu.dma_semaphore, #tpu.memory_space<semaphore_mem>>) {add = true}
      %jit3A_1048 = arith.constant 2 : i32
      %eq3A_1049 = arith.constant 0 : i32
      %eq3A_1050 = arith.cmpi eq, %jit3A_1048, %eq3A_1049 : i32
      %jit3A_1051 = arith.constant 1 : i32
      %select_n3A_1052 = arith.select %eq3A_1050, %jit3A_1051, %jit3A_1048 : i32
      %rem3A_1053 = arith.remsi %add3A_1015, %select_n3A_1052 : i32
      %ne3A_1054 = arith.constant 0 : i32
      %ne3A_1055 = arith.cmpi ne, %rem3A_1053, %ne3A_1054 : i32
      %lt3A_1056 = arith.constant 0 : i32
      %lt3A_1057 = arith.cmpi slt, %rem3A_1053, %lt3A_1056 : i32
      %lt3A_1058 = arith.constant 0 : i32
      %lt3A_1059 = arith.cmpi slt, %select_n3A_1052, %lt3A_1058 : i32
      %ne3A_1060 = arith.xori %lt3A_1057, %lt3A_1059 : i1
      %and3A_1061 = arith.andi %ne3A_1060, %ne3A_1055 : i1
      %add3A_1062 = arith.addi %rem3A_1053, %select_n3A_1052 : i32
      %select_n3A_1063 = arith.select %and3A_1061, %add3A_1062, %rem3A_1053 : i32
      %eq3A_1064 = arith.cmpi eq, %select_n3A_1063, %arg0 : i32
      %convert_element_type3A_1065 = arith.extui %eq3A_1064 : i1 to i32
      %cond3A_1066 = arith.constant 0 : i32
      %cond3A_1067 = arith.cmpi ne, %convert_element_type3A_1065, %cond3A_1066 : i32
      scf.if %cond3A_1067 {
        %dma_start3A_1748 = arith.constant 3 : i32
        %dma_start3A_1749 = arith.constant 0 : i32
        %dma_start3A_1750 = tpu.memref_slice %arg11[%add3A_1015, %dma_start3A_1749] : memref<160x128xi32, #tpu.memory_space<vmem>> -> memref<1x128xi32, #tpu.memory_space<vmem>>
        %dma_start3A_1751 = tpu.memref_squeeze %dma_start3A_1750 : memref<1x128xi32, #tpu.memory_space<vmem>> -> memref<128xi32, #tpu.memory_space<vmem>>
        %dma_start3A_1752 = arith.constant 0 : i32
        %dma_start3A_1753 = arith.constant 0 : i32
        %dma_start3A_1754 = tpu.memref_slice %arg17[%dma_start3A_1752, %dma_start3A_1753] : memref<10240x16xbf16, #tpu.memory_space<vmem_shared>> -> memref<10240x16xbf16, #tpu.memory_space<vmem_shared>>
        %dma_start3A_1755 = tpu.memref_slice %arg20[%dma_start3A_1748] : memref<8x!tpu.dma_semaphore, #tpu.memory_space<semaphore_mem>> -> memref<1x!tpu.dma_semaphore, #tpu.memory_space<semaphore_mem>>
        %dma_start3A_1756 = tpu.memref_squeeze %dma_start3A_1755 : memref<1x!tpu.dma_semaphore, #tpu.memory_space<semaphore_mem>> -> memref<!tpu.dma_semaphore, #tpu.memory_space<semaphore_mem>>
        tpu.enqueue_indirect_dma source(%arg13 : memref<128x16xbf16, #tpu.memory_space<vmem>>) target(%dma_start3A_1754 : memref<10240x16xbf16, #tpu.memory_space<vmem_shared>>) offsets(%dma_start3A_1751 : memref<128xi32, #tpu.memory_space<vmem>>) semaphore(%dma_start3A_1756 : memref<!tpu.dma_semaphore, #tpu.memory_space<semaphore_mem>>) {add = true}
      } else {
      }
      %add3A_1068 = arith.constant 4 : i32
      %add3A_1069 = arith.addi %add3A_857, %add3A_1068 : i32
      %dma_wait3A_1070 = arith.constant 4 : i32
      %dma_wait3A_1071 = arith.constant 4 : i32
      %dma_wait3A_1072 = arith.constant 0 : i32
      %dma_wait3A_1073 = arith.constant 0 : i32
      %dma_wait3A_1074 = tpu.memref_slice %arg12[%dma_wait3A_1070, %dma_wait3A_1072, %dma_wait3A_1073] : memref<8x128x64xbf16, #tpu.memory_space<vmem>> -> memref<1x128x64xbf16, #tpu.memory_space<vmem>>
      %dma_wait3A_1075 = tpu.memref_squeeze %dma_wait3A_1074 : memref<1x128x64xbf16, #tpu.memory_space<vmem>> -> memref<128x64xbf16, #tpu.memory_space<vmem>>
      %dma_wait3A_1076 = arith.constant 0 : i32
      %dma_wait3A_1077 = arith.constant 0 : i32
      %dma_wait3A_1078 = tpu.memref_slice %arg2[%dma_wait3A_1076, %dma_wait3A_1077] : memref<20480x64xbf16, #tpu.memory_space<hbm>> -> memref<128x64xbf16, #tpu.memory_space<hbm>>
      %dma_wait3A_1079 = tpu.memref_slice %arg18[%dma_wait3A_1071] : memref<8x!tpu.dma_semaphore, #tpu.memory_space<semaphore_mem>> -> memref<1x!tpu.dma_semaphore, #tpu.memory_space<semaphore_mem>>
      %dma_wait3A_1080 = tpu.memref_squeeze %dma_wait3A_1079 : memref<1x!tpu.dma_semaphore, #tpu.memory_space<semaphore_mem>> -> memref<!tpu.dma_semaphore, #tpu.memory_space<semaphore_mem>>
      %dma_wait3A_1081 = arith.constant 0 : i32
      %dma_wait3A_1082 = arith.constant 0 : i32
      %dma_wait3A_1083 = tpu.memref_slice %arg12[%dma_wait3A_1070, %dma_wait3A_1081, %dma_wait3A_1082] : memref<8x128x64xbf16, #tpu.memory_space<vmem>> -> memref<1x128x64xbf16, #tpu.memory_space<vmem>>
      %dma_wait3A_1084 = tpu.memref_squeeze %dma_wait3A_1083 : memref<1x128x64xbf16, #tpu.memory_space<vmem>> -> memref<128x64xbf16, #tpu.memory_space<vmem>>
      %dma_wait3A_1085 = arith.constant 0 : i32
      %dma_wait3A_1086 = arith.constant 0 : i32
      %dma_wait3A_1087 = tpu.memref_slice %arg2[%dma_wait3A_1085, %dma_wait3A_1086] : memref<20480x64xbf16, #tpu.memory_space<hbm>> -> memref<128x64xbf16, #tpu.memory_space<hbm>>
      tpu.wait_dma2 semaphore(%dma_wait3A_1080 : memref<!tpu.dma_semaphore, #tpu.memory_space<semaphore_mem>>) src(%dma_wait3A_1087 : memref<128x64xbf16, #tpu.memory_space<hbm>>) dst(%dma_wait3A_1084 : memref<128x64xbf16, #tpu.memory_space<vmem>>)
      %dma_start3A_1088 = arith.constant 4 : i32
      %dma_start3A_1089 = arith.constant 4 : i32
      %dma_start3A_1090 = arith.constant 0 : i32
      %dma_start3A_1091 = arith.constant 0 : i32
      %dma_start3A_1092 = tpu.memref_slice %arg12[%dma_start3A_1088, %dma_start3A_1090, %dma_start3A_1091] : memref<8x128x64xbf16, #tpu.memory_space<vmem>> -> memref<1x128x64xbf16, #tpu.memory_space<vmem>>
      %dma_start3A_1093 = tpu.memref_squeeze %dma_start3A_1092 : memref<1x128x64xbf16, #tpu.memory_space<vmem>> -> memref<128x64xbf16, #tpu.memory_space<vmem>>
      %dma_start3A_1094 = arith.constant 0 : i32
      %dma_start3A_1095 = tpu.memref_slice %arg11[%add3A_1069, %dma_start3A_1094] : memref<160x128xi32, #tpu.memory_space<vmem>> -> memref<1x128xi32, #tpu.memory_space<vmem>>
      %dma_start3A_1096 = tpu.memref_squeeze %dma_start3A_1095 : memref<1x128xi32, #tpu.memory_space<vmem>> -> memref<128xi32, #tpu.memory_space<vmem>>
      %dma_start3A_1097 = arith.constant 0 : i32
      %dma_start3A_1098 = arith.constant 0 : i32
      %dma_start3A_1099 = tpu.memref_slice %arg16[%dma_start3A_1097, %dma_start3A_1098] : memref<10240x64xbf16, #tpu.memory_space<vmem_shared>> -> memref<10240x64xbf16, #tpu.memory_space<vmem_shared>>
      %dma_start3A_1100 = tpu.memref_slice %arg19[%dma_start3A_1089] : memref<8x!tpu.dma_semaphore, #tpu.memory_space<semaphore_mem>> -> memref<1x!tpu.dma_semaphore, #tpu.memory_space<semaphore_mem>>
      %dma_start3A_1101 = tpu.memref_squeeze %dma_start3A_1100 : memref<1x!tpu.dma_semaphore, #tpu.memory_space<semaphore_mem>> -> memref<!tpu.dma_semaphore, #tpu.memory_space<semaphore_mem>>
      tpu.enqueue_indirect_dma source(%dma_start3A_1093 : memref<128x64xbf16, #tpu.memory_space<vmem>>) target(%dma_start3A_1099 : memref<10240x64xbf16, #tpu.memory_space<vmem_shared>>) offsets(%dma_start3A_1096 : memref<128xi32, #tpu.memory_space<vmem>>) semaphore(%dma_start3A_1101 : memref<!tpu.dma_semaphore, #tpu.memory_space<semaphore_mem>>) {add = true}
      %jit3A_1102 = arith.constant 2 : i32
      %eq3A_1103 = arith.constant 0 : i32
      %eq3A_1104 = arith.cmpi eq, %jit3A_1102, %eq3A_1103 : i32
      %jit3A_1105 = arith.constant 1 : i32
      %select_n3A_1106 = arith.select %eq3A_1104, %jit3A_1105, %jit3A_1102 : i32
      %rem3A_1107 = arith.remsi %add3A_1069, %select_n3A_1106 : i32
      %ne3A_1108 = arith.constant 0 : i32
      %ne3A_1109 = arith.cmpi ne, %rem3A_1107, %ne3A_1108 : i32
      %lt3A_1110 = arith.constant 0 : i32
      %lt3A_1111 = arith.cmpi slt, %rem3A_1107, %lt3A_1110 : i32
      %lt3A_1112 = arith.constant 0 : i32
      %lt3A_1113 = arith.cmpi slt, %select_n3A_1106, %lt3A_1112 : i32
      %ne3A_1114 = arith.xori %lt3A_1111, %lt3A_1113 : i1
      %and3A_1115 = arith.andi %ne3A_1114, %ne3A_1109 : i1
      %add3A_1116 = arith.addi %rem3A_1107, %select_n3A_1106 : i32
      %select_n3A_1117 = arith.select %and3A_1115, %add3A_1116, %rem3A_1107 : i32
      %eq3A_1118 = arith.cmpi eq, %select_n3A_1117, %arg0 : i32
      %convert_element_type3A_1119 = arith.extui %eq3A_1118 : i1 to i32
      %cond3A_1120 = arith.constant 0 : i32
      %cond3A_1121 = arith.cmpi ne, %convert_element_type3A_1119, %cond3A_1120 : i32
      scf.if %cond3A_1121 {
        %dma_start3A_1748 = arith.constant 4 : i32
        %dma_start3A_1749 = arith.constant 0 : i32
        %dma_start3A_1750 = tpu.memref_slice %arg11[%add3A_1069, %dma_start3A_1749] : memref<160x128xi32, #tpu.memory_space<vmem>> -> memref<1x128xi32, #tpu.memory_space<vmem>>
        %dma_start3A_1751 = tpu.memref_squeeze %dma_start3A_1750 : memref<1x128xi32, #tpu.memory_space<vmem>> -> memref<128xi32, #tpu.memory_space<vmem>>
        %dma_start3A_1752 = arith.constant 0 : i32
        %dma_start3A_1753 = arith.constant 0 : i32
        %dma_start3A_1754 = tpu.memref_slice %arg17[%dma_start3A_1752, %dma_start3A_1753] : memref<10240x16xbf16, #tpu.memory_space<vmem_shared>> -> memref<10240x16xbf16, #tpu.memory_space<vmem_shared>>
        %dma_start3A_1755 = tpu.memref_slice %arg20[%dma_start3A_1748] : memref<8x!tpu.dma_semaphore, #tpu.memory_space<semaphore_mem>> -> memref<1x!tpu.dma_semaphore, #tpu.memory_space<semaphore_mem>>
        %dma_start3A_1756 = tpu.memref_squeeze %dma_start3A_1755 : memref<1x!tpu.dma_semaphore, #tpu.memory_space<semaphore_mem>> -> memref<!tpu.dma_semaphore, #tpu.memory_space<semaphore_mem>>
        tpu.enqueue_indirect_dma source(%arg13 : memref<128x16xbf16, #tpu.memory_space<vmem>>) target(%dma_start3A_1754 : memref<10240x16xbf16, #tpu.memory_space<vmem_shared>>) offsets(%dma_start3A_1751 : memref<128xi32, #tpu.memory_space<vmem>>) semaphore(%dma_start3A_1756 : memref<!tpu.dma_semaphore, #tpu.memory_space<semaphore_mem>>) {add = true}
      } else {
      }
      %add3A_1122 = arith.constant 5 : i32
      %add3A_1123 = arith.addi %add3A_857, %add3A_1122 : i32
      %dma_wait3A_1124 = arith.constant 5 : i32
      %dma_wait3A_1125 = arith.constant 5 : i32
      %dma_wait3A_1126 = arith.constant 0 : i32
      %dma_wait3A_1127 = arith.constant 0 : i32
      %dma_wait3A_1128 = tpu.memref_slice %arg12[%dma_wait3A_1124, %dma_wait3A_1126, %dma_wait3A_1127] : memref<8x128x64xbf16, #tpu.memory_space<vmem>> -> memref<1x128x64xbf16, #tpu.memory_space<vmem>>
      %dma_wait3A_1129 = tpu.memref_squeeze %dma_wait3A_1128 : memref<1x128x64xbf16, #tpu.memory_space<vmem>> -> memref<128x64xbf16, #tpu.memory_space<vmem>>
      %dma_wait3A_1130 = arith.constant 0 : i32
      %dma_wait3A_1131 = arith.constant 0 : i32
      %dma_wait3A_1132 = tpu.memref_slice %arg2[%dma_wait3A_1130, %dma_wait3A_1131] : memref<20480x64xbf16, #tpu.memory_space<hbm>> -> memref<128x64xbf16, #tpu.memory_space<hbm>>
      %dma_wait3A_1133 = tpu.memref_slice %arg18[%dma_wait3A_1125] : memref<8x!tpu.dma_semaphore, #tpu.memory_space<semaphore_mem>> -> memref<1x!tpu.dma_semaphore, #tpu.memory_space<semaphore_mem>>
      %dma_wait3A_1134 = tpu.memref_squeeze %dma_wait3A_1133 : memref<1x!tpu.dma_semaphore, #tpu.memory_space<semaphore_mem>> -> memref<!tpu.dma_semaphore, #tpu.memory_space<semaphore_mem>>
      %dma_wait3A_1135 = arith.constant 0 : i32
      %dma_wait3A_1136 = arith.constant 0 : i32
      %dma_wait3A_1137 = tpu.memref_slice %arg12[%dma_wait3A_1124, %dma_wait3A_1135, %dma_wait3A_1136] : memref<8x128x64xbf16, #tpu.memory_space<vmem>> -> memref<1x128x64xbf16, #tpu.memory_space<vmem>>
      %dma_wait3A_1138 = tpu.memref_squeeze %dma_wait3A_1137 : memref<1x128x64xbf16, #tpu.memory_space<vmem>> -> memref<128x64xbf16, #tpu.memory_space<vmem>>
      %dma_wait3A_1139 = arith.constant 0 : i32
      %dma_wait3A_1140 = arith.constant 0 : i32
      %dma_wait3A_1141 = tpu.memref_slice %arg2[%dma_wait3A_1139, %dma_wait3A_1140] : memref<20480x64xbf16, #tpu.memory_space<hbm>> -> memref<128x64xbf16, #tpu.memory_space<hbm>>
      tpu.wait_dma2 semaphore(%dma_wait3A_1134 : memref<!tpu.dma_semaphore, #tpu.memory_space<semaphore_mem>>) src(%dma_wait3A_1141 : memref<128x64xbf16, #tpu.memory_space<hbm>>) dst(%dma_wait3A_1138 : memref<128x64xbf16, #tpu.memory_space<vmem>>)
      %dma_start3A_1142 = arith.constant 5 : i32
      %dma_start3A_1143 = arith.constant 5 : i32
      %dma_start3A_1144 = arith.constant 0 : i32
      %dma_start3A_1145 = arith.constant 0 : i32
      %dma_start3A_1146 = tpu.memref_slice %arg12[%dma_start3A_1142, %dma_start3A_1144, %dma_start3A_1145] : memref<8x128x64xbf16, #tpu.memory_space<vmem>> -> memref<1x128x64xbf16, #tpu.memory_space<vmem>>
      %dma_start3A_1147 = tpu.memref_squeeze %dma_start3A_1146 : memref<1x128x64xbf16, #tpu.memory_space<vmem>> -> memref<128x64xbf16, #tpu.memory_space<vmem>>
      %dma_start3A_1148 = arith.constant 0 : i32
      %dma_start3A_1149 = tpu.memref_slice %arg11[%add3A_1123, %dma_start3A_1148] : memref<160x128xi32, #tpu.memory_space<vmem>> -> memref<1x128xi32, #tpu.memory_space<vmem>>
      %dma_start3A_1150 = tpu.memref_squeeze %dma_start3A_1149 : memref<1x128xi32, #tpu.memory_space<vmem>> -> memref<128xi32, #tpu.memory_space<vmem>>
      %dma_start3A_1151 = arith.constant 0 : i32
      %dma_start3A_1152 = arith.constant 0 : i32
      %dma_start3A_1153 = tpu.memref_slice %arg16[%dma_start3A_1151, %dma_start3A_1152] : memref<10240x64xbf16, #tpu.memory_space<vmem_shared>> -> memref<10240x64xbf16, #tpu.memory_space<vmem_shared>>
      %dma_start3A_1154 = tpu.memref_slice %arg19[%dma_start3A_1143] : memref<8x!tpu.dma_semaphore, #tpu.memory_space<semaphore_mem>> -> memref<1x!tpu.dma_semaphore, #tpu.memory_space<semaphore_mem>>
      %dma_start3A_1155 = tpu.memref_squeeze %dma_start3A_1154 : memref<1x!tpu.dma_semaphore, #tpu.memory_space<semaphore_mem>> -> memref<!tpu.dma_semaphore, #tpu.memory_space<semaphore_mem>>
      tpu.enqueue_indirect_dma source(%dma_start3A_1147 : memref<128x64xbf16, #tpu.memory_space<vmem>>) target(%dma_start3A_1153 : memref<10240x64xbf16, #tpu.memory_space<vmem_shared>>) offsets(%dma_start3A_1150 : memref<128xi32, #tpu.memory_space<vmem>>) semaphore(%dma_start3A_1155 : memref<!tpu.dma_semaphore, #tpu.memory_space<semaphore_mem>>) {add = true}
      %jit3A_1156 = arith.constant 2 : i32
      %eq3A_1157 = arith.constant 0 : i32
      %eq3A_1158 = arith.cmpi eq, %jit3A_1156, %eq3A_1157 : i32
      %jit3A_1159 = arith.constant 1 : i32
      %select_n3A_1160 = arith.select %eq3A_1158, %jit3A_1159, %jit3A_1156 : i32
      %rem3A_1161 = arith.remsi %add3A_1123, %select_n3A_1160 : i32
      %ne3A_1162 = arith.constant 0 : i32
      %ne3A_1163 = arith.cmpi ne, %rem3A_1161, %ne3A_1162 : i32
      %lt3A_1164 = arith.constant 0 : i32
      %lt3A_1165 = arith.cmpi slt, %rem3A_1161, %lt3A_1164 : i32
      %lt3A_1166 = arith.constant 0 : i32
      %lt3A_1167 = arith.cmpi slt, %select_n3A_1160, %lt3A_1166 : i32
      %ne3A_1168 = arith.xori %lt3A_1165, %lt3A_1167 : i1
      %and3A_1169 = arith.andi %ne3A_1168, %ne3A_1163 : i1
      %add3A_1170 = arith.addi %rem3A_1161, %select_n3A_1160 : i32
      %select_n3A_1171 = arith.select %and3A_1169, %add3A_1170, %rem3A_1161 : i32
      %eq3A_1172 = arith.cmpi eq, %select_n3A_1171, %arg0 : i32
      %convert_element_type3A_1173 = arith.extui %eq3A_1172 : i1 to i32
      %cond3A_1174 = arith.constant 0 : i32
      %cond3A_1175 = arith.cmpi ne, %convert_element_type3A_1173, %cond3A_1174 : i32
      scf.if %cond3A_1175 {
        %dma_start3A_1748 = arith.constant 5 : i32
        %dma_start3A_1749 = arith.constant 0 : i32
        %dma_start3A_1750 = tpu.memref_slice %arg11[%add3A_1123, %dma_start3A_1749] : memref<160x128xi32, #tpu.memory_space<vmem>> -> memref<1x128xi32, #tpu.memory_space<vmem>>
        %dma_start3A_1751 = tpu.memref_squeeze %dma_start3A_1750 : memref<1x128xi32, #tpu.memory_space<vmem>> -> memref<128xi32, #tpu.memory_space<vmem>>
        %dma_start3A_1752 = arith.constant 0 : i32
        %dma_start3A_1753 = arith.constant 0 : i32
        %dma_start3A_1754 = tpu.memref_slice %arg17[%dma_start3A_1752, %dma_start3A_1753] : memref<10240x16xbf16, #tpu.memory_space<vmem_shared>> -> memref<10240x16xbf16, #tpu.memory_space<vmem_shared>>
        %dma_start3A_1755 = tpu.memref_slice %arg20[%dma_start3A_1748] : memref<8x!tpu.dma_semaphore, #tpu.memory_space<semaphore_mem>> -> memref<1x!tpu.dma_semaphore, #tpu.memory_space<semaphore_mem>>
        %dma_start3A_1756 = tpu.memref_squeeze %dma_start3A_1755 : memref<1x!tpu.dma_semaphore, #tpu.memory_space<semaphore_mem>> -> memref<!tpu.dma_semaphore, #tpu.memory_space<semaphore_mem>>
        tpu.enqueue_indirect_dma source(%arg13 : memref<128x16xbf16, #tpu.memory_space<vmem>>) target(%dma_start3A_1754 : memref<10240x16xbf16, #tpu.memory_space<vmem_shared>>) offsets(%dma_start3A_1751 : memref<128xi32, #tpu.memory_space<vmem>>) semaphore(%dma_start3A_1756 : memref<!tpu.dma_semaphore, #tpu.memory_space<semaphore_mem>>) {add = true}
      } else {
      }
      %add3A_1176 = arith.constant 6 : i32
      %add3A_1177 = arith.addi %add3A_857, %add3A_1176 : i32
      %dma_wait3A_1178 = arith.constant 6 : i32
      %dma_wait3A_1179 = arith.constant 6 : i32
      %dma_wait3A_1180 = arith.constant 0 : i32
      %dma_wait3A_1181 = arith.constant 0 : i32
      %dma_wait3A_1182 = tpu.memref_slice %arg12[%dma_wait3A_1178, %dma_wait3A_1180, %dma_wait3A_1181] : memref<8x128x64xbf16, #tpu.memory_space<vmem>> -> memref<1x128x64xbf16, #tpu.memory_space<vmem>>
      %dma_wait3A_1183 = tpu.memref_squeeze %dma_wait3A_1182 : memref<1x128x64xbf16, #tpu.memory_space<vmem>> -> memref<128x64xbf16, #tpu.memory_space<vmem>>
      %dma_wait3A_1184 = arith.constant 0 : i32
      %dma_wait3A_1185 = arith.constant 0 : i32
      %dma_wait3A_1186 = tpu.memref_slice %arg2[%dma_wait3A_1184, %dma_wait3A_1185] : memref<20480x64xbf16, #tpu.memory_space<hbm>> -> memref<128x64xbf16, #tpu.memory_space<hbm>>
      %dma_wait3A_1187 = tpu.memref_slice %arg18[%dma_wait3A_1179] : memref<8x!tpu.dma_semaphore, #tpu.memory_space<semaphore_mem>> -> memref<1x!tpu.dma_semaphore, #tpu.memory_space<semaphore_mem>>
      %dma_wait3A_1188 = tpu.memref_squeeze %dma_wait3A_1187 : memref<1x!tpu.dma_semaphore, #tpu.memory_space<semaphore_mem>> -> memref<!tpu.dma_semaphore, #tpu.memory_space<semaphore_mem>>
      %dma_wait3A_1189 = arith.constant 0 : i32
      %dma_wait3A_1190 = arith.constant 0 : i32
      %dma_wait3A_1191 = tpu.memref_slice %arg12[%dma_wait3A_1178, %dma_wait3A_1189, %dma_wait3A_1190] : memref<8x128x64xbf16, #tpu.memory_space<vmem>> -> memref<1x128x64xbf16, #tpu.memory_space<vmem>>
      %dma_wait3A_1192 = tpu.memref_squeeze %dma_wait3A_1191 : memref<1x128x64xbf16, #tpu.memory_space<vmem>> -> memref<128x64xbf16, #tpu.memory_space<vmem>>
      %dma_wait3A_1193 = arith.constant 0 : i32
      %dma_wait3A_1194 = arith.constant 0 : i32
      %dma_wait3A_1195 = tpu.memref_slice %arg2[%dma_wait3A_1193, %dma_wait3A_1194] : memref<20480x64xbf16, #tpu.memory_space<hbm>> -> memref<128x64xbf16, #tpu.memory_space<hbm>>
      tpu.wait_dma2 semaphore(%dma_wait3A_1188 : memref<!tpu.dma_semaphore, #tpu.memory_space<semaphore_mem>>) src(%dma_wait3A_1195 : memref<128x64xbf16, #tpu.memory_space<hbm>>) dst(%dma_wait3A_1192 : memref<128x64xbf16, #tpu.memory_space<vmem>>)
      %dma_start3A_1196 = arith.constant 6 : i32
      %dma_start3A_1197 = arith.constant 6 : i32
      %dma_start3A_1198 = arith.constant 0 : i32
      %dma_start3A_1199 = arith.constant 0 : i32
      %dma_start3A_1200 = tpu.memref_slice %arg12[%dma_start3A_1196, %dma_start3A_1198, %dma_start3A_1199] : memref<8x128x64xbf16, #tpu.memory_space<vmem>> -> memref<1x128x64xbf16, #tpu.memory_space<vmem>>
      %dma_start3A_1201 = tpu.memref_squeeze %dma_start3A_1200 : memref<1x128x64xbf16, #tpu.memory_space<vmem>> -> memref<128x64xbf16, #tpu.memory_space<vmem>>
      %dma_start3A_1202 = arith.constant 0 : i32
      %dma_start3A_1203 = tpu.memref_slice %arg11[%add3A_1177, %dma_start3A_1202] : memref<160x128xi32, #tpu.memory_space<vmem>> -> memref<1x128xi32, #tpu.memory_space<vmem>>
      %dma_start3A_1204 = tpu.memref_squeeze %dma_start3A_1203 : memref<1x128xi32, #tpu.memory_space<vmem>> -> memref<128xi32, #tpu.memory_space<vmem>>
      %dma_start3A_1205 = arith.constant 0 : i32
      %dma_start3A_1206 = arith.constant 0 : i32
      %dma_start3A_1207 = tpu.memref_slice %arg16[%dma_start3A_1205, %dma_start3A_1206] : memref<10240x64xbf16, #tpu.memory_space<vmem_shared>> -> memref<10240x64xbf16, #tpu.memory_space<vmem_shared>>
      %dma_start3A_1208 = tpu.memref_slice %arg19[%dma_start3A_1197] : memref<8x!tpu.dma_semaphore, #tpu.memory_space<semaphore_mem>> -> memref<1x!tpu.dma_semaphore, #tpu.memory_space<semaphore_mem>>
      %dma_start3A_1209 = tpu.memref_squeeze %dma_start3A_1208 : memref<1x!tpu.dma_semaphore, #tpu.memory_space<semaphore_mem>> -> memref<!tpu.dma_semaphore, #tpu.memory_space<semaphore_mem>>
      tpu.enqueue_indirect_dma source(%dma_start3A_1201 : memref<128x64xbf16, #tpu.memory_space<vmem>>) target(%dma_start3A_1207 : memref<10240x64xbf16, #tpu.memory_space<vmem_shared>>) offsets(%dma_start3A_1204 : memref<128xi32, #tpu.memory_space<vmem>>) semaphore(%dma_start3A_1209 : memref<!tpu.dma_semaphore, #tpu.memory_space<semaphore_mem>>) {add = true}
      %jit3A_1210 = arith.constant 2 : i32
      %eq3A_1211 = arith.constant 0 : i32
      %eq3A_1212 = arith.cmpi eq, %jit3A_1210, %eq3A_1211 : i32
      %jit3A_1213 = arith.constant 1 : i32
      %select_n3A_1214 = arith.select %eq3A_1212, %jit3A_1213, %jit3A_1210 : i32
      %rem3A_1215 = arith.remsi %add3A_1177, %select_n3A_1214 : i32
      %ne3A_1216 = arith.constant 0 : i32
      %ne3A_1217 = arith.cmpi ne, %rem3A_1215, %ne3A_1216 : i32
      %lt3A_1218 = arith.constant 0 : i32
      %lt3A_1219 = arith.cmpi slt, %rem3A_1215, %lt3A_1218 : i32
      %lt3A_1220 = arith.constant 0 : i32
      %lt3A_1221 = arith.cmpi slt, %select_n3A_1214, %lt3A_1220 : i32
      %ne3A_1222 = arith.xori %lt3A_1219, %lt3A_1221 : i1
      %and3A_1223 = arith.andi %ne3A_1222, %ne3A_1217 : i1
      %add3A_1224 = arith.addi %rem3A_1215, %select_n3A_1214 : i32
      %select_n3A_1225 = arith.select %and3A_1223, %add3A_1224, %rem3A_1215 : i32
      %eq3A_1226 = arith.cmpi eq, %select_n3A_1225, %arg0 : i32
      %convert_element_type3A_1227 = arith.extui %eq3A_1226 : i1 to i32
      %cond3A_1228 = arith.constant 0 : i32
      %cond3A_1229 = arith.cmpi ne, %convert_element_type3A_1227, %cond3A_1228 : i32
      scf.if %cond3A_1229 {
        %dma_start3A_1748 = arith.constant 6 : i32
        %dma_start3A_1749 = arith.constant 0 : i32
        %dma_start3A_1750 = tpu.memref_slice %arg11[%add3A_1177, %dma_start3A_1749] : memref<160x128xi32, #tpu.memory_space<vmem>> -> memref<1x128xi32, #tpu.memory_space<vmem>>
        %dma_start3A_1751 = tpu.memref_squeeze %dma_start3A_1750 : memref<1x128xi32, #tpu.memory_space<vmem>> -> memref<128xi32, #tpu.memory_space<vmem>>
        %dma_start3A_1752 = arith.constant 0 : i32
        %dma_start3A_1753 = arith.constant 0 : i32
        %dma_start3A_1754 = tpu.memref_slice %arg17[%dma_start3A_1752, %dma_start3A_1753] : memref<10240x16xbf16, #tpu.memory_space<vmem_shared>> -> memref<10240x16xbf16, #tpu.memory_space<vmem_shared>>
        %dma_start3A_1755 = tpu.memref_slice %arg20[%dma_start3A_1748] : memref<8x!tpu.dma_semaphore, #tpu.memory_space<semaphore_mem>> -> memref<1x!tpu.dma_semaphore, #tpu.memory_space<semaphore_mem>>
        %dma_start3A_1756 = tpu.memref_squeeze %dma_start3A_1755 : memref<1x!tpu.dma_semaphore, #tpu.memory_space<semaphore_mem>> -> memref<!tpu.dma_semaphore, #tpu.memory_space<semaphore_mem>>
        tpu.enqueue_indirect_dma source(%arg13 : memref<128x16xbf16, #tpu.memory_space<vmem>>) target(%dma_start3A_1754 : memref<10240x16xbf16, #tpu.memory_space<vmem_shared>>) offsets(%dma_start3A_1751 : memref<128xi32, #tpu.memory_space<vmem>>) semaphore(%dma_start3A_1756 : memref<!tpu.dma_semaphore, #tpu.memory_space<semaphore_mem>>) {add = true}
      } else {
      }
      %add3A_1230 = arith.constant 7 : i32
      %add3A_1231 = arith.addi %add3A_857, %add3A_1230 : i32
      %dma_wait3A_1232 = arith.constant 7 : i32
      %dma_wait3A_1233 = arith.constant 7 : i32
      %dma_wait3A_1234 = arith.constant 0 : i32
      %dma_wait3A_1235 = arith.constant 0 : i32
      %dma_wait3A_1236 = tpu.memref_slice %arg12[%dma_wait3A_1232, %dma_wait3A_1234, %dma_wait3A_1235] : memref<8x128x64xbf16, #tpu.memory_space<vmem>> -> memref<1x128x64xbf16, #tpu.memory_space<vmem>>
      %dma_wait3A_1237 = tpu.memref_squeeze %dma_wait3A_1236 : memref<1x128x64xbf16, #tpu.memory_space<vmem>> -> memref<128x64xbf16, #tpu.memory_space<vmem>>
      %dma_wait3A_1238 = arith.constant 0 : i32
      %dma_wait3A_1239 = arith.constant 0 : i32
      %dma_wait3A_1240 = tpu.memref_slice %arg2[%dma_wait3A_1238, %dma_wait3A_1239] : memref<20480x64xbf16, #tpu.memory_space<hbm>> -> memref<128x64xbf16, #tpu.memory_space<hbm>>
      %dma_wait3A_1241 = tpu.memref_slice %arg18[%dma_wait3A_1233] : memref<8x!tpu.dma_semaphore, #tpu.memory_space<semaphore_mem>> -> memref<1x!tpu.dma_semaphore, #tpu.memory_space<semaphore_mem>>
      %dma_wait3A_1242 = tpu.memref_squeeze %dma_wait3A_1241 : memref<1x!tpu.dma_semaphore, #tpu.memory_space<semaphore_mem>> -> memref<!tpu.dma_semaphore, #tpu.memory_space<semaphore_mem>>
      %dma_wait3A_1243 = arith.constant 0 : i32
      %dma_wait3A_1244 = arith.constant 0 : i32
      %dma_wait3A_1245 = tpu.memref_slice %arg12[%dma_wait3A_1232, %dma_wait3A_1243, %dma_wait3A_1244] : memref<8x128x64xbf16, #tpu.memory_space<vmem>> -> memref<1x128x64xbf16, #tpu.memory_space<vmem>>
      %dma_wait3A_1246 = tpu.memref_squeeze %dma_wait3A_1245 : memref<1x128x64xbf16, #tpu.memory_space<vmem>> -> memref<128x64xbf16, #tpu.memory_space<vmem>>
      %dma_wait3A_1247 = arith.constant 0 : i32
      %dma_wait3A_1248 = arith.constant 0 : i32
      %dma_wait3A_1249 = tpu.memref_slice %arg2[%dma_wait3A_1247, %dma_wait3A_1248] : memref<20480x64xbf16, #tpu.memory_space<hbm>> -> memref<128x64xbf16, #tpu.memory_space<hbm>>
      tpu.wait_dma2 semaphore(%dma_wait3A_1242 : memref<!tpu.dma_semaphore, #tpu.memory_space<semaphore_mem>>) src(%dma_wait3A_1249 : memref<128x64xbf16, #tpu.memory_space<hbm>>) dst(%dma_wait3A_1246 : memref<128x64xbf16, #tpu.memory_space<vmem>>)
      %dma_start3A_1250 = arith.constant 7 : i32
      %dma_start3A_1251 = arith.constant 7 : i32
      %dma_start3A_1252 = arith.constant 0 : i32
      %dma_start3A_1253 = arith.constant 0 : i32
      %dma_start3A_1254 = tpu.memref_slice %arg12[%dma_start3A_1250, %dma_start3A_1252, %dma_start3A_1253] : memref<8x128x64xbf16, #tpu.memory_space<vmem>> -> memref<1x128x64xbf16, #tpu.memory_space<vmem>>
      %dma_start3A_1255 = tpu.memref_squeeze %dma_start3A_1254 : memref<1x128x64xbf16, #tpu.memory_space<vmem>> -> memref<128x64xbf16, #tpu.memory_space<vmem>>
      %dma_start3A_1256 = arith.constant 0 : i32
      %dma_start3A_1257 = tpu.memref_slice %arg11[%add3A_1231, %dma_start3A_1256] : memref<160x128xi32, #tpu.memory_space<vmem>> -> memref<1x128xi32, #tpu.memory_space<vmem>>
      %dma_start3A_1258 = tpu.memref_squeeze %dma_start3A_1257 : memref<1x128xi32, #tpu.memory_space<vmem>> -> memref<128xi32, #tpu.memory_space<vmem>>
      %dma_start3A_1259 = arith.constant 0 : i32
      %dma_start3A_1260 = arith.constant 0 : i32
      %dma_start3A_1261 = tpu.memref_slice %arg16[%dma_start3A_1259, %dma_start3A_1260] : memref<10240x64xbf16, #tpu.memory_space<vmem_shared>> -> memref<10240x64xbf16, #tpu.memory_space<vmem_shared>>
      %dma_start3A_1262 = tpu.memref_slice %arg19[%dma_start3A_1251] : memref<8x!tpu.dma_semaphore, #tpu.memory_space<semaphore_mem>> -> memref<1x!tpu.dma_semaphore, #tpu.memory_space<semaphore_mem>>
      %dma_start3A_1263 = tpu.memref_squeeze %dma_start3A_1262 : memref<1x!tpu.dma_semaphore, #tpu.memory_space<semaphore_mem>> -> memref<!tpu.dma_semaphore, #tpu.memory_space<semaphore_mem>>
      tpu.enqueue_indirect_dma source(%dma_start3A_1255 : memref<128x64xbf16, #tpu.memory_space<vmem>>) target(%dma_start3A_1261 : memref<10240x64xbf16, #tpu.memory_space<vmem_shared>>) offsets(%dma_start3A_1258 : memref<128xi32, #tpu.memory_space<vmem>>) semaphore(%dma_start3A_1263 : memref<!tpu.dma_semaphore, #tpu.memory_space<semaphore_mem>>) {add = true}
      %jit3A_1264 = arith.constant 2 : i32
      %eq3A_1265 = arith.constant 0 : i32
      %eq3A_1266 = arith.cmpi eq, %jit3A_1264, %eq3A_1265 : i32
      %jit3A_1267 = arith.constant 1 : i32
      %select_n3A_1268 = arith.select %eq3A_1266, %jit3A_1267, %jit3A_1264 : i32
      %rem3A_1269 = arith.remsi %add3A_1231, %select_n3A_1268 : i32
      %ne3A_1270 = arith.constant 0 : i32
      %ne3A_1271 = arith.cmpi ne, %rem3A_1269, %ne3A_1270 : i32
      %lt3A_1272 = arith.constant 0 : i32
      %lt3A_1273 = arith.cmpi slt, %rem3A_1269, %lt3A_1272 : i32
      %lt3A_1274 = arith.constant 0 : i32
      %lt3A_1275 = arith.cmpi slt, %select_n3A_1268, %lt3A_1274 : i32
      %ne3A_1276 = arith.xori %lt3A_1273, %lt3A_1275 : i1
      %and3A_1277 = arith.andi %ne3A_1276, %ne3A_1271 : i1
      %add3A_1278 = arith.addi %rem3A_1269, %select_n3A_1268 : i32
      %select_n3A_1279 = arith.select %and3A_1277, %add3A_1278, %rem3A_1269 : i32
      %eq3A_1280 = arith.cmpi eq, %select_n3A_1279, %arg0 : i32
      %convert_element_type3A_1281 = arith.extui %eq3A_1280 : i1 to i32
      %cond3A_1282 = arith.constant 0 : i32
      %cond3A_1283 = arith.cmpi ne, %convert_element_type3A_1281, %cond3A_1282 : i32
      scf.if %cond3A_1283 {
        %dma_start3A_1748 = arith.constant 7 : i32
        %dma_start3A_1749 = arith.constant 0 : i32
        %dma_start3A_1750 = tpu.memref_slice %arg11[%add3A_1231, %dma_start3A_1749] : memref<160x128xi32, #tpu.memory_space<vmem>> -> memref<1x128xi32, #tpu.memory_space<vmem>>
        %dma_start3A_1751 = tpu.memref_squeeze %dma_start3A_1750 : memref<1x128xi32, #tpu.memory_space<vmem>> -> memref<128xi32, #tpu.memory_space<vmem>>
        %dma_start3A_1752 = arith.constant 0 : i32
        %dma_start3A_1753 = arith.constant 0 : i32
        %dma_start3A_1754 = tpu.memref_slice %arg17[%dma_start3A_1752, %dma_start3A_1753] : memref<10240x16xbf16, #tpu.memory_space<vmem_shared>> -> memref<10240x16xbf16, #tpu.memory_space<vmem_shared>>
        %dma_start3A_1755 = tpu.memref_slice %arg20[%dma_start3A_1748] : memref<8x!tpu.dma_semaphore, #tpu.memory_space<semaphore_mem>> -> memref<1x!tpu.dma_semaphore, #tpu.memory_space<semaphore_mem>>
        %dma_start3A_1756 = tpu.memref_squeeze %dma_start3A_1755 : memref<1x!tpu.dma_semaphore, #tpu.memory_space<semaphore_mem>> -> memref<!tpu.dma_semaphore, #tpu.memory_space<semaphore_mem>>
        tpu.enqueue_indirect_dma source(%arg13 : memref<128x16xbf16, #tpu.memory_space<vmem>>) target(%dma_start3A_1754 : memref<10240x16xbf16, #tpu.memory_space<vmem_shared>>) offsets(%dma_start3A_1751 : memref<128xi32, #tpu.memory_space<vmem>>) semaphore(%dma_start3A_1756 : memref<!tpu.dma_semaphore, #tpu.memory_space<semaphore_mem>>) {add = true}
      } else {
      }
      %add3A_1284 = arith.constant 0 : i32
      %add3A_1285 = arith.addi %add3A_857, %add3A_1284 : i32
      %dma_wait3A_1286 = arith.constant 0 : i32
      %dma_wait3A_1287 = arith.constant 0 : i32
      %dma_wait3A_1288 = arith.constant 0 : i32
      %dma_wait3A_1289 = arith.constant 0 : i32
      %dma_wait3A_1290 = tpu.memref_slice %arg12[%dma_wait3A_1286, %dma_wait3A_1288, %dma_wait3A_1289] : memref<8x128x64xbf16, #tpu.memory_space<vmem>> -> memref<1x128x64xbf16, #tpu.memory_space<vmem>>
      %dma_wait3A_1291 = tpu.memref_squeeze %dma_wait3A_1290 : memref<1x128x64xbf16, #tpu.memory_space<vmem>> -> memref<128x64xbf16, #tpu.memory_space<vmem>>
      %dma_wait3A_1292 = arith.constant 0 : i32
      %dma_wait3A_1293 = arith.constant 0 : i32
      %dma_wait3A_1294 = tpu.memref_slice %arg16[%dma_wait3A_1292, %dma_wait3A_1293] : memref<10240x64xbf16, #tpu.memory_space<vmem_shared>> -> memref<128x64xbf16, #tpu.memory_space<vmem_shared>>
      %dma_wait3A_1295 = tpu.memref_slice %arg19[%dma_wait3A_1287] : memref<8x!tpu.dma_semaphore, #tpu.memory_space<semaphore_mem>> -> memref<1x!tpu.dma_semaphore, #tpu.memory_space<semaphore_mem>>
      %dma_wait3A_1296 = tpu.memref_squeeze %dma_wait3A_1295 : memref<1x!tpu.dma_semaphore, #tpu.memory_space<semaphore_mem>> -> memref<!tpu.dma_semaphore, #tpu.memory_space<semaphore_mem>>
      %dma_wait3A_1297 = arith.constant 0 : i32
      %dma_wait3A_1298 = arith.constant 0 : i32
      %dma_wait3A_1299 = tpu.memref_slice %arg16[%dma_wait3A_1297, %dma_wait3A_1298] : memref<10240x64xbf16, #tpu.memory_space<vmem_shared>> -> memref<128x64xbf16, #tpu.memory_space<vmem_shared>>
      %dma_wait3A_1300 = arith.constant 0 : i32
      %dma_wait3A_1301 = arith.constant 0 : i32
      %dma_wait3A_1302 = tpu.memref_slice %arg12[%dma_wait3A_1286, %dma_wait3A_1300, %dma_wait3A_1301] : memref<8x128x64xbf16, #tpu.memory_space<vmem>> -> memref<1x128x64xbf16, #tpu.memory_space<vmem>>
      %dma_wait3A_1303 = tpu.memref_squeeze %dma_wait3A_1302 : memref<1x128x64xbf16, #tpu.memory_space<vmem>> -> memref<128x64xbf16, #tpu.memory_space<vmem>>
      tpu.wait_dma2 semaphore(%dma_wait3A_1296 : memref<!tpu.dma_semaphore, #tpu.memory_space<semaphore_mem>>) src(%dma_wait3A_1303 : memref<128x64xbf16, #tpu.memory_space<vmem>>) dst(%dma_wait3A_1299 : memref<128x64xbf16, #tpu.memory_space<vmem_shared>>)
      %jit3A_1304 = arith.constant 2 : i32
      %eq3A_1305 = arith.constant 0 : i32
      %eq3A_1306 = arith.cmpi eq, %jit3A_1304, %eq3A_1305 : i32
      %jit3A_1307 = arith.constant 1 : i32
      %select_n3A_1308 = arith.select %eq3A_1306, %jit3A_1307, %jit3A_1304 : i32
      %rem3A_1309 = arith.remsi %add3A_1285, %select_n3A_1308 : i32
      %ne3A_1310 = arith.constant 0 : i32
      %ne3A_1311 = arith.cmpi ne, %rem3A_1309, %ne3A_1310 : i32
      %lt3A_1312 = arith.constant 0 : i32
      %lt3A_1313 = arith.cmpi slt, %rem3A_1309, %lt3A_1312 : i32
      %lt3A_1314 = arith.constant 0 : i32
      %lt3A_1315 = arith.cmpi slt, %select_n3A_1308, %lt3A_1314 : i32
      %ne3A_1316 = arith.xori %lt3A_1313, %lt3A_1315 : i1
      %and3A_1317 = arith.andi %ne3A_1316, %ne3A_1311 : i1
      %add3A_1318 = arith.addi %rem3A_1309, %select_n3A_1308 : i32
      %select_n3A_1319 = arith.select %and3A_1317, %add3A_1318, %rem3A_1309 : i32
      %eq3A_1320 = arith.cmpi eq, %select_n3A_1319, %arg0 : i32
      %convert_element_type3A_1321 = arith.extui %eq3A_1320 : i1 to i32
      %cond3A_1322 = arith.constant 0 : i32
      %cond3A_1323 = arith.cmpi ne, %convert_element_type3A_1321, %cond3A_1322 : i32
      scf.if %cond3A_1323 {
        %dma_wait3A_1748 = arith.constant 0 : i32
        %dma_wait3A_1749 = arith.constant 0 : i32
        %dma_wait3A_1750 = arith.constant 0 : i32
        %dma_wait3A_1751 = tpu.memref_slice %arg17[%dma_wait3A_1749, %dma_wait3A_1750] : memref<10240x16xbf16, #tpu.memory_space<vmem_shared>> -> memref<128x16xbf16, #tpu.memory_space<vmem_shared>>
        %dma_wait3A_1752 = tpu.memref_slice %arg20[%dma_wait3A_1748] : memref<8x!tpu.dma_semaphore, #tpu.memory_space<semaphore_mem>> -> memref<1x!tpu.dma_semaphore, #tpu.memory_space<semaphore_mem>>
        %dma_wait3A_1753 = tpu.memref_squeeze %dma_wait3A_1752 : memref<1x!tpu.dma_semaphore, #tpu.memory_space<semaphore_mem>> -> memref<!tpu.dma_semaphore, #tpu.memory_space<semaphore_mem>>
        %dma_wait3A_1754 = arith.constant 0 : i32
        %dma_wait3A_1755 = arith.constant 0 : i32
        %dma_wait3A_1756 = tpu.memref_slice %arg17[%dma_wait3A_1754, %dma_wait3A_1755] : memref<10240x16xbf16, #tpu.memory_space<vmem_shared>> -> memref<128x16xbf16, #tpu.memory_space<vmem_shared>>
        tpu.wait_dma2 semaphore(%dma_wait3A_1753 : memref<!tpu.dma_semaphore, #tpu.memory_space<semaphore_mem>>) src(%arg13 : memref<128x16xbf16, #tpu.memory_space<vmem>>) dst(%dma_wait3A_1756 : memref<128x16xbf16, #tpu.memory_space<vmem_shared>>)
      } else {
      }
      %add3A_1324 = arith.constant 0 : i32
      %add3A_1325 = arith.addi %add3A_857, %add3A_1324 : i32
      %add3A_1326 = arith.constant 8 : i32
      %add3A_1327 = arith.addi %add3A_1325, %add3A_1326 : i32
      %dma_start3A_1328 = arith.constant 0 : i32
      %dma_start3A_1329 = arith.constant 0 : i32
      %dma_start3A_1330 = arith.constant 0 : i32
      %dma_start3A_1331 = arith.constant 0 : i32
      %dma_start3A_1332 = tpu.memref_slice %arg12[%dma_start3A_1328, %dma_start3A_1330, %dma_start3A_1331] : memref<8x128x64xbf16, #tpu.memory_space<vmem>> -> memref<1x128x64xbf16, #tpu.memory_space<vmem>>
      %dma_start3A_1333 = tpu.memref_squeeze %dma_start3A_1332 : memref<1x128x64xbf16, #tpu.memory_space<vmem>> -> memref<128x64xbf16, #tpu.memory_space<vmem>>
      %dma_start3A_1334 = arith.constant 0 : i32
      %dma_start3A_1335 = tpu.memref_slice %arg10[%add3A_1327, %dma_start3A_1334] : memref<160x128xi32, #tpu.memory_space<vmem>> -> memref<1x128xi32, #tpu.memory_space<vmem>>
      %dma_start3A_1336 = tpu.memref_squeeze %dma_start3A_1335 : memref<1x128xi32, #tpu.memory_space<vmem>> -> memref<128xi32, #tpu.memory_space<vmem>>
      %dma_start3A_1337 = arith.constant 0 : i32
      %dma_start3A_1338 = arith.constant 0 : i32
      %dma_start3A_1339 = tpu.memref_slice %arg2[%dma_start3A_1337, %dma_start3A_1338] : memref<20480x64xbf16, #tpu.memory_space<hbm>> -> memref<20480x64xbf16, #tpu.memory_space<hbm>>
      %dma_start3A_1340 = tpu.memref_slice %arg18[%dma_start3A_1329] : memref<8x!tpu.dma_semaphore, #tpu.memory_space<semaphore_mem>> -> memref<1x!tpu.dma_semaphore, #tpu.memory_space<semaphore_mem>>
      %dma_start3A_1341 = tpu.memref_squeeze %dma_start3A_1340 : memref<1x!tpu.dma_semaphore, #tpu.memory_space<semaphore_mem>> -> memref<!tpu.dma_semaphore, #tpu.memory_space<semaphore_mem>>
      tpu.enqueue_indirect_dma source(%dma_start3A_1339 : memref<20480x64xbf16, #tpu.memory_space<hbm>>) target(%dma_start3A_1333 : memref<128x64xbf16, #tpu.memory_space<vmem>>) offsets(%dma_start3A_1336 : memref<128xi32, #tpu.memory_space<vmem>>) semaphore(%dma_start3A_1341 : memref<!tpu.dma_semaphore, #tpu.memory_space<semaphore_mem>>)
      %add3A_1342 = arith.constant 1 : i32
      %add3A_1343 = arith.addi %add3A_857, %add3A_1342 : i32
      %dma_wait3A_1344 = arith.constant 1 : i32
      %dma_wait3A_1345 = arith.constant 1 : i32
      %dma_wait3A_1346 = arith.constant 0 : i32
      %dma_wait3A_1347 = arith.constant 0 : i32
      %dma_wait3A_1348 = tpu.memref_slice %arg12[%dma_wait3A_1344, %dma_wait3A_1346, %dma_wait3A_1347] : memref<8x128x64xbf16, #tpu.memory_space<vmem>> -> memref<1x128x64xbf16, #tpu.memory_space<vmem>>
      %dma_wait3A_1349 = tpu.memref_squeeze %dma_wait3A_1348 : memref<1x128x64xbf16, #tpu.memory_space<vmem>> -> memref<128x64xbf16, #tpu.memory_space<vmem>>
      %dma_wait3A_1350 = arith.constant 0 : i32
      %dma_wait3A_1351 = arith.constant 0 : i32
      %dma_wait3A_1352 = tpu.memref_slice %arg16[%dma_wait3A_1350, %dma_wait3A_1351] : memref<10240x64xbf16, #tpu.memory_space<vmem_shared>> -> memref<128x64xbf16, #tpu.memory_space<vmem_shared>>
      %dma_wait3A_1353 = tpu.memref_slice %arg19[%dma_wait3A_1345] : memref<8x!tpu.dma_semaphore, #tpu.memory_space<semaphore_mem>> -> memref<1x!tpu.dma_semaphore, #tpu.memory_space<semaphore_mem>>
      %dma_wait3A_1354 = tpu.memref_squeeze %dma_wait3A_1353 : memref<1x!tpu.dma_semaphore, #tpu.memory_space<semaphore_mem>> -> memref<!tpu.dma_semaphore, #tpu.memory_space<semaphore_mem>>
      %dma_wait3A_1355 = arith.constant 0 : i32
      %dma_wait3A_1356 = arith.constant 0 : i32
      %dma_wait3A_1357 = tpu.memref_slice %arg16[%dma_wait3A_1355, %dma_wait3A_1356] : memref<10240x64xbf16, #tpu.memory_space<vmem_shared>> -> memref<128x64xbf16, #tpu.memory_space<vmem_shared>>
      %dma_wait3A_1358 = arith.constant 0 : i32
      %dma_wait3A_1359 = arith.constant 0 : i32
      %dma_wait3A_1360 = tpu.memref_slice %arg12[%dma_wait3A_1344, %dma_wait3A_1358, %dma_wait3A_1359] : memref<8x128x64xbf16, #tpu.memory_space<vmem>> -> memref<1x128x64xbf16, #tpu.memory_space<vmem>>
      %dma_wait3A_1361 = tpu.memref_squeeze %dma_wait3A_1360 : memref<1x128x64xbf16, #tpu.memory_space<vmem>> -> memref<128x64xbf16, #tpu.memory_space<vmem>>
      tpu.wait_dma2 semaphore(%dma_wait3A_1354 : memref<!tpu.dma_semaphore, #tpu.memory_space<semaphore_mem>>) src(%dma_wait3A_1361 : memref<128x64xbf16, #tpu.memory_space<vmem>>) dst(%dma_wait3A_1357 : memref<128x64xbf16, #tpu.memory_space<vmem_shared>>)
      %jit3A_1362 = arith.constant 2 : i32
      %eq3A_1363 = arith.constant 0 : i32
      %eq3A_1364 = arith.cmpi eq, %jit3A_1362, %eq3A_1363 : i32
      %jit3A_1365 = arith.constant 1 : i32
      %select_n3A_1366 = arith.select %eq3A_1364, %jit3A_1365, %jit3A_1362 : i32
      %rem3A_1367 = arith.remsi %add3A_1343, %select_n3A_1366 : i32
      %ne3A_1368 = arith.constant 0 : i32
      %ne3A_1369 = arith.cmpi ne, %rem3A_1367, %ne3A_1368 : i32
      %lt3A_1370 = arith.constant 0 : i32
      %lt3A_1371 = arith.cmpi slt, %rem3A_1367, %lt3A_1370 : i32
      %lt3A_1372 = arith.constant 0 : i32
      %lt3A_1373 = arith.cmpi slt, %select_n3A_1366, %lt3A_1372 : i32
      %ne3A_1374 = arith.xori %lt3A_1371, %lt3A_1373 : i1
      %and3A_1375 = arith.andi %ne3A_1374, %ne3A_1369 : i1
      %add3A_1376 = arith.addi %rem3A_1367, %select_n3A_1366 : i32
      %select_n3A_1377 = arith.select %and3A_1375, %add3A_1376, %rem3A_1367 : i32
      %eq3A_1378 = arith.cmpi eq, %select_n3A_1377, %arg0 : i32
      %convert_element_type3A_1379 = arith.extui %eq3A_1378 : i1 to i32
      %cond3A_1380 = arith.constant 0 : i32
      %cond3A_1381 = arith.cmpi ne, %convert_element_type3A_1379, %cond3A_1380 : i32
      scf.if %cond3A_1381 {
        %dma_wait3A_1748 = arith.constant 1 : i32
        %dma_wait3A_1749 = arith.constant 0 : i32
        %dma_wait3A_1750 = arith.constant 0 : i32
        %dma_wait3A_1751 = tpu.memref_slice %arg17[%dma_wait3A_1749, %dma_wait3A_1750] : memref<10240x16xbf16, #tpu.memory_space<vmem_shared>> -> memref<128x16xbf16, #tpu.memory_space<vmem_shared>>
        %dma_wait3A_1752 = tpu.memref_slice %arg20[%dma_wait3A_1748] : memref<8x!tpu.dma_semaphore, #tpu.memory_space<semaphore_mem>> -> memref<1x!tpu.dma_semaphore, #tpu.memory_space<semaphore_mem>>
        %dma_wait3A_1753 = tpu.memref_squeeze %dma_wait3A_1752 : memref<1x!tpu.dma_semaphore, #tpu.memory_space<semaphore_mem>> -> memref<!tpu.dma_semaphore, #tpu.memory_space<semaphore_mem>>
        %dma_wait3A_1754 = arith.constant 0 : i32
        %dma_wait3A_1755 = arith.constant 0 : i32
        %dma_wait3A_1756 = tpu.memref_slice %arg17[%dma_wait3A_1754, %dma_wait3A_1755] : memref<10240x16xbf16, #tpu.memory_space<vmem_shared>> -> memref<128x16xbf16, #tpu.memory_space<vmem_shared>>
        tpu.wait_dma2 semaphore(%dma_wait3A_1753 : memref<!tpu.dma_semaphore, #tpu.memory_space<semaphore_mem>>) src(%arg13 : memref<128x16xbf16, #tpu.memory_space<vmem>>) dst(%dma_wait3A_1756 : memref<128x16xbf16, #tpu.memory_space<vmem_shared>>)
      } else {
      }
      %add3A_1382 = arith.constant 1 : i32
      %add3A_1383 = arith.addi %add3A_857, %add3A_1382 : i32
      %add3A_1384 = arith.constant 8 : i32
      %add3A_1385 = arith.addi %add3A_1383, %add3A_1384 : i32
      %dma_start3A_1386 = arith.constant 1 : i32
      %dma_start3A_1387 = arith.constant 1 : i32
      %dma_start3A_1388 = arith.constant 0 : i32
      %dma_start3A_1389 = arith.constant 0 : i32
      %dma_start3A_1390 = tpu.memref_slice %arg12[%dma_start3A_1386, %dma_start3A_1388, %dma_start3A_1389] : memref<8x128x64xbf16, #tpu.memory_space<vmem>> -> memref<1x128x64xbf16, #tpu.memory_space<vmem>>
      %dma_start3A_1391 = tpu.memref_squeeze %dma_start3A_1390 : memref<1x128x64xbf16, #tpu.memory_space<vmem>> -> memref<128x64xbf16, #tpu.memory_space<vmem>>
      %dma_start3A_1392 = arith.constant 0 : i32
      %dma_start3A_1393 = tpu.memref_slice %arg10[%add3A_1385, %dma_start3A_1392] : memref<160x128xi32, #tpu.memory_space<vmem>> -> memref<1x128xi32, #tpu.memory_space<vmem>>
      %dma_start3A_1394 = tpu.memref_squeeze %dma_start3A_1393 : memref<1x128xi32, #tpu.memory_space<vmem>> -> memref<128xi32, #tpu.memory_space<vmem>>
      %dma_start3A_1395 = arith.constant 0 : i32
      %dma_start3A_1396 = arith.constant 0 : i32
      %dma_start3A_1397 = tpu.memref_slice %arg2[%dma_start3A_1395, %dma_start3A_1396] : memref<20480x64xbf16, #tpu.memory_space<hbm>> -> memref<20480x64xbf16, #tpu.memory_space<hbm>>
      %dma_start3A_1398 = tpu.memref_slice %arg18[%dma_start3A_1387] : memref<8x!tpu.dma_semaphore, #tpu.memory_space<semaphore_mem>> -> memref<1x!tpu.dma_semaphore, #tpu.memory_space<semaphore_mem>>
      %dma_start3A_1399 = tpu.memref_squeeze %dma_start3A_1398 : memref<1x!tpu.dma_semaphore, #tpu.memory_space<semaphore_mem>> -> memref<!tpu.dma_semaphore, #tpu.memory_space<semaphore_mem>>
      tpu.enqueue_indirect_dma source(%dma_start3A_1397 : memref<20480x64xbf16, #tpu.memory_space<hbm>>) target(%dma_start3A_1391 : memref<128x64xbf16, #tpu.memory_space<vmem>>) offsets(%dma_start3A_1394 : memref<128xi32, #tpu.memory_space<vmem>>) semaphore(%dma_start3A_1399 : memref<!tpu.dma_semaphore, #tpu.memory_space<semaphore_mem>>)
      %add3A_1400 = arith.constant 2 : i32
      %add3A_1401 = arith.addi %add3A_857, %add3A_1400 : i32
      %dma_wait3A_1402 = arith.constant 2 : i32
      %dma_wait3A_1403 = arith.constant 2 : i32
      %dma_wait3A_1404 = arith.constant 0 : i32
      %dma_wait3A_1405 = arith.constant 0 : i32
      %dma_wait3A_1406 = tpu.memref_slice %arg12[%dma_wait3A_1402, %dma_wait3A_1404, %dma_wait3A_1405] : memref<8x128x64xbf16, #tpu.memory_space<vmem>> -> memref<1x128x64xbf16, #tpu.memory_space<vmem>>
      %dma_wait3A_1407 = tpu.memref_squeeze %dma_wait3A_1406 : memref<1x128x64xbf16, #tpu.memory_space<vmem>> -> memref<128x64xbf16, #tpu.memory_space<vmem>>
      %dma_wait3A_1408 = arith.constant 0 : i32
      %dma_wait3A_1409 = arith.constant 0 : i32
      %dma_wait3A_1410 = tpu.memref_slice %arg16[%dma_wait3A_1408, %dma_wait3A_1409] : memref<10240x64xbf16, #tpu.memory_space<vmem_shared>> -> memref<128x64xbf16, #tpu.memory_space<vmem_shared>>
      %dma_wait3A_1411 = tpu.memref_slice %arg19[%dma_wait3A_1403] : memref<8x!tpu.dma_semaphore, #tpu.memory_space<semaphore_mem>> -> memref<1x!tpu.dma_semaphore, #tpu.memory_space<semaphore_mem>>
      %dma_wait3A_1412 = tpu.memref_squeeze %dma_wait3A_1411 : memref<1x!tpu.dma_semaphore, #tpu.memory_space<semaphore_mem>> -> memref<!tpu.dma_semaphore, #tpu.memory_space<semaphore_mem>>
      %dma_wait3A_1413 = arith.constant 0 : i32
      %dma_wait3A_1414 = arith.constant 0 : i32
      %dma_wait3A_1415 = tpu.memref_slice %arg16[%dma_wait3A_1413, %dma_wait3A_1414] : memref<10240x64xbf16, #tpu.memory_space<vmem_shared>> -> memref<128x64xbf16, #tpu.memory_space<vmem_shared>>
      %dma_wait3A_1416 = arith.constant 0 : i32
      %dma_wait3A_1417 = arith.constant 0 : i32
      %dma_wait3A_1418 = tpu.memref_slice %arg12[%dma_wait3A_1402, %dma_wait3A_1416, %dma_wait3A_1417] : memref<8x128x64xbf16, #tpu.memory_space<vmem>> -> memref<1x128x64xbf16, #tpu.memory_space<vmem>>
      %dma_wait3A_1419 = tpu.memref_squeeze %dma_wait3A_1418 : memref<1x128x64xbf16, #tpu.memory_space<vmem>> -> memref<128x64xbf16, #tpu.memory_space<vmem>>
      tpu.wait_dma2 semaphore(%dma_wait3A_1412 : memref<!tpu.dma_semaphore, #tpu.memory_space<semaphore_mem>>) src(%dma_wait3A_1419 : memref<128x64xbf16, #tpu.memory_space<vmem>>) dst(%dma_wait3A_1415 : memref<128x64xbf16, #tpu.memory_space<vmem_shared>>)
      %jit3A_1420 = arith.constant 2 : i32
      %eq3A_1421 = arith.constant 0 : i32
      %eq3A_1422 = arith.cmpi eq, %jit3A_1420, %eq3A_1421 : i32
      %jit3A_1423 = arith.constant 1 : i32
      %select_n3A_1424 = arith.select %eq3A_1422, %jit3A_1423, %jit3A_1420 : i32
      %rem3A_1425 = arith.remsi %add3A_1401, %select_n3A_1424 : i32
      %ne3A_1426 = arith.constant 0 : i32
      %ne3A_1427 = arith.cmpi ne, %rem3A_1425, %ne3A_1426 : i32
      %lt3A_1428 = arith.constant 0 : i32
      %lt3A_1429 = arith.cmpi slt, %rem3A_1425, %lt3A_1428 : i32
      %lt3A_1430 = arith.constant 0 : i32
      %lt3A_1431 = arith.cmpi slt, %select_n3A_1424, %lt3A_1430 : i32
      %ne3A_1432 = arith.xori %lt3A_1429, %lt3A_1431 : i1
      %and3A_1433 = arith.andi %ne3A_1432, %ne3A_1427 : i1
      %add3A_1434 = arith.addi %rem3A_1425, %select_n3A_1424 : i32
      %select_n3A_1435 = arith.select %and3A_1433, %add3A_1434, %rem3A_1425 : i32
      %eq3A_1436 = arith.cmpi eq, %select_n3A_1435, %arg0 : i32
      %convert_element_type3A_1437 = arith.extui %eq3A_1436 : i1 to i32
      %cond3A_1438 = arith.constant 0 : i32
      %cond3A_1439 = arith.cmpi ne, %convert_element_type3A_1437, %cond3A_1438 : i32
      scf.if %cond3A_1439 {
        %dma_wait3A_1748 = arith.constant 2 : i32
        %dma_wait3A_1749 = arith.constant 0 : i32
        %dma_wait3A_1750 = arith.constant 0 : i32
        %dma_wait3A_1751 = tpu.memref_slice %arg17[%dma_wait3A_1749, %dma_wait3A_1750] : memref<10240x16xbf16, #tpu.memory_space<vmem_shared>> -> memref<128x16xbf16, #tpu.memory_space<vmem_shared>>
        %dma_wait3A_1752 = tpu.memref_slice %arg20[%dma_wait3A_1748] : memref<8x!tpu.dma_semaphore, #tpu.memory_space<semaphore_mem>> -> memref<1x!tpu.dma_semaphore, #tpu.memory_space<semaphore_mem>>
        %dma_wait3A_1753 = tpu.memref_squeeze %dma_wait3A_1752 : memref<1x!tpu.dma_semaphore, #tpu.memory_space<semaphore_mem>> -> memref<!tpu.dma_semaphore, #tpu.memory_space<semaphore_mem>>
        %dma_wait3A_1754 = arith.constant 0 : i32
        %dma_wait3A_1755 = arith.constant 0 : i32
        %dma_wait3A_1756 = tpu.memref_slice %arg17[%dma_wait3A_1754, %dma_wait3A_1755] : memref<10240x16xbf16, #tpu.memory_space<vmem_shared>> -> memref<128x16xbf16, #tpu.memory_space<vmem_shared>>
        tpu.wait_dma2 semaphore(%dma_wait3A_1753 : memref<!tpu.dma_semaphore, #tpu.memory_space<semaphore_mem>>) src(%arg13 : memref<128x16xbf16, #tpu.memory_space<vmem>>) dst(%dma_wait3A_1756 : memref<128x16xbf16, #tpu.memory_space<vmem_shared>>)
      } else {
      }
      %add3A_1440 = arith.constant 2 : i32
      %add3A_1441 = arith.addi %add3A_857, %add3A_1440 : i32
      %add3A_1442 = arith.constant 8 : i32
      %add3A_1443 = arith.addi %add3A_1441, %add3A_1442 : i32
      %dma_start3A_1444 = arith.constant 2 : i32
      %dma_start3A_1445 = arith.constant 2 : i32
      %dma_start3A_1446 = arith.constant 0 : i32
      %dma_start3A_1447 = arith.constant 0 : i32
      %dma_start3A_1448 = tpu.memref_slice %arg12[%dma_start3A_1444, %dma_start3A_1446, %dma_start3A_1447] : memref<8x128x64xbf16, #tpu.memory_space<vmem>> -> memref<1x128x64xbf16, #tpu.memory_space<vmem>>
      %dma_start3A_1449 = tpu.memref_squeeze %dma_start3A_1448 : memref<1x128x64xbf16, #tpu.memory_space<vmem>> -> memref<128x64xbf16, #tpu.memory_space<vmem>>
      %dma_start3A_1450 = arith.constant 0 : i32
      %dma_start3A_1451 = tpu.memref_slice %arg10[%add3A_1443, %dma_start3A_1450] : memref<160x128xi32, #tpu.memory_space<vmem>> -> memref<1x128xi32, #tpu.memory_space<vmem>>
      %dma_start3A_1452 = tpu.memref_squeeze %dma_start3A_1451 : memref<1x128xi32, #tpu.memory_space<vmem>> -> memref<128xi32, #tpu.memory_space<vmem>>
      %dma_start3A_1453 = arith.constant 0 : i32
      %dma_start3A_1454 = arith.constant 0 : i32
      %dma_start3A_1455 = tpu.memref_slice %arg2[%dma_start3A_1453, %dma_start3A_1454] : memref<20480x64xbf16, #tpu.memory_space<hbm>> -> memref<20480x64xbf16, #tpu.memory_space<hbm>>
      %dma_start3A_1456 = tpu.memref_slice %arg18[%dma_start3A_1445] : memref<8x!tpu.dma_semaphore, #tpu.memory_space<semaphore_mem>> -> memref<1x!tpu.dma_semaphore, #tpu.memory_space<semaphore_mem>>
      %dma_start3A_1457 = tpu.memref_squeeze %dma_start3A_1456 : memref<1x!tpu.dma_semaphore, #tpu.memory_space<semaphore_mem>> -> memref<!tpu.dma_semaphore, #tpu.memory_space<semaphore_mem>>
      tpu.enqueue_indirect_dma source(%dma_start3A_1455 : memref<20480x64xbf16, #tpu.memory_space<hbm>>) target(%dma_start3A_1449 : memref<128x64xbf16, #tpu.memory_space<vmem>>) offsets(%dma_start3A_1452 : memref<128xi32, #tpu.memory_space<vmem>>) semaphore(%dma_start3A_1457 : memref<!tpu.dma_semaphore, #tpu.memory_space<semaphore_mem>>)
      %add3A_1458 = arith.constant 3 : i32
      %add3A_1459 = arith.addi %add3A_857, %add3A_1458 : i32
      %dma_wait3A_1460 = arith.constant 3 : i32
      %dma_wait3A_1461 = arith.constant 3 : i32
      %dma_wait3A_1462 = arith.constant 0 : i32
      %dma_wait3A_1463 = arith.constant 0 : i32
      %dma_wait3A_1464 = tpu.memref_slice %arg12[%dma_wait3A_1460, %dma_wait3A_1462, %dma_wait3A_1463] : memref<8x128x64xbf16, #tpu.memory_space<vmem>> -> memref<1x128x64xbf16, #tpu.memory_space<vmem>>
      %dma_wait3A_1465 = tpu.memref_squeeze %dma_wait3A_1464 : memref<1x128x64xbf16, #tpu.memory_space<vmem>> -> memref<128x64xbf16, #tpu.memory_space<vmem>>
      %dma_wait3A_1466 = arith.constant 0 : i32
      %dma_wait3A_1467 = arith.constant 0 : i32
      %dma_wait3A_1468 = tpu.memref_slice %arg16[%dma_wait3A_1466, %dma_wait3A_1467] : memref<10240x64xbf16, #tpu.memory_space<vmem_shared>> -> memref<128x64xbf16, #tpu.memory_space<vmem_shared>>
      %dma_wait3A_1469 = tpu.memref_slice %arg19[%dma_wait3A_1461] : memref<8x!tpu.dma_semaphore, #tpu.memory_space<semaphore_mem>> -> memref<1x!tpu.dma_semaphore, #tpu.memory_space<semaphore_mem>>
      %dma_wait3A_1470 = tpu.memref_squeeze %dma_wait3A_1469 : memref<1x!tpu.dma_semaphore, #tpu.memory_space<semaphore_mem>> -> memref<!tpu.dma_semaphore, #tpu.memory_space<semaphore_mem>>
      %dma_wait3A_1471 = arith.constant 0 : i32
      %dma_wait3A_1472 = arith.constant 0 : i32
      %dma_wait3A_1473 = tpu.memref_slice %arg16[%dma_wait3A_1471, %dma_wait3A_1472] : memref<10240x64xbf16, #tpu.memory_space<vmem_shared>> -> memref<128x64xbf16, #tpu.memory_space<vmem_shared>>
      %dma_wait3A_1474 = arith.constant 0 : i32
      %dma_wait3A_1475 = arith.constant 0 : i32
      %dma_wait3A_1476 = tpu.memref_slice %arg12[%dma_wait3A_1460, %dma_wait3A_1474, %dma_wait3A_1475] : memref<8x128x64xbf16, #tpu.memory_space<vmem>> -> memref<1x128x64xbf16, #tpu.memory_space<vmem>>
      %dma_wait3A_1477 = tpu.memref_squeeze %dma_wait3A_1476 : memref<1x128x64xbf16, #tpu.memory_space<vmem>> -> memref<128x64xbf16, #tpu.memory_space<vmem>>
      tpu.wait_dma2 semaphore(%dma_wait3A_1470 : memref<!tpu.dma_semaphore, #tpu.memory_space<semaphore_mem>>) src(%dma_wait3A_1477 : memref<128x64xbf16, #tpu.memory_space<vmem>>) dst(%dma_wait3A_1473 : memref<128x64xbf16, #tpu.memory_space<vmem_shared>>)
      %jit3A_1478 = arith.constant 2 : i32
      %eq3A_1479 = arith.constant 0 : i32
      %eq3A_1480 = arith.cmpi eq, %jit3A_1478, %eq3A_1479 : i32
      %jit3A_1481 = arith.constant 1 : i32
      %select_n3A_1482 = arith.select %eq3A_1480, %jit3A_1481, %jit3A_1478 : i32
      %rem3A_1483 = arith.remsi %add3A_1459, %select_n3A_1482 : i32
      %ne3A_1484 = arith.constant 0 : i32
      %ne3A_1485 = arith.cmpi ne, %rem3A_1483, %ne3A_1484 : i32
      %lt3A_1486 = arith.constant 0 : i32
      %lt3A_1487 = arith.cmpi slt, %rem3A_1483, %lt3A_1486 : i32
      %lt3A_1488 = arith.constant 0 : i32
      %lt3A_1489 = arith.cmpi slt, %select_n3A_1482, %lt3A_1488 : i32
      %ne3A_1490 = arith.xori %lt3A_1487, %lt3A_1489 : i1
      %and3A_1491 = arith.andi %ne3A_1490, %ne3A_1485 : i1
      %add3A_1492 = arith.addi %rem3A_1483, %select_n3A_1482 : i32
      %select_n3A_1493 = arith.select %and3A_1491, %add3A_1492, %rem3A_1483 : i32
      %eq3A_1494 = arith.cmpi eq, %select_n3A_1493, %arg0 : i32
      %convert_element_type3A_1495 = arith.extui %eq3A_1494 : i1 to i32
      %cond3A_1496 = arith.constant 0 : i32
      %cond3A_1497 = arith.cmpi ne, %convert_element_type3A_1495, %cond3A_1496 : i32
      scf.if %cond3A_1497 {
        %dma_wait3A_1748 = arith.constant 3 : i32
        %dma_wait3A_1749 = arith.constant 0 : i32
        %dma_wait3A_1750 = arith.constant 0 : i32
        %dma_wait3A_1751 = tpu.memref_slice %arg17[%dma_wait3A_1749, %dma_wait3A_1750] : memref<10240x16xbf16, #tpu.memory_space<vmem_shared>> -> memref<128x16xbf16, #tpu.memory_space<vmem_shared>>
        %dma_wait3A_1752 = tpu.memref_slice %arg20[%dma_wait3A_1748] : memref<8x!tpu.dma_semaphore, #tpu.memory_space<semaphore_mem>> -> memref<1x!tpu.dma_semaphore, #tpu.memory_space<semaphore_mem>>
        %dma_wait3A_1753 = tpu.memref_squeeze %dma_wait3A_1752 : memref<1x!tpu.dma_semaphore, #tpu.memory_space<semaphore_mem>> -> memref<!tpu.dma_semaphore, #tpu.memory_space<semaphore_mem>>
        %dma_wait3A_1754 = arith.constant 0 : i32
        %dma_wait3A_1755 = arith.constant 0 : i32
        %dma_wait3A_1756 = tpu.memref_slice %arg17[%dma_wait3A_1754, %dma_wait3A_1755] : memref<10240x16xbf16, #tpu.memory_space<vmem_shared>> -> memref<128x16xbf16, #tpu.memory_space<vmem_shared>>
        tpu.wait_dma2 semaphore(%dma_wait3A_1753 : memref<!tpu.dma_semaphore, #tpu.memory_space<semaphore_mem>>) src(%arg13 : memref<128x16xbf16, #tpu.memory_space<vmem>>) dst(%dma_wait3A_1756 : memref<128x16xbf16, #tpu.memory_space<vmem_shared>>)
      } else {
      }
      %add3A_1498 = arith.constant 3 : i32
      %add3A_1499 = arith.addi %add3A_857, %add3A_1498 : i32
      %add3A_1500 = arith.constant 8 : i32
      %add3A_1501 = arith.addi %add3A_1499, %add3A_1500 : i32
      %dma_start3A_1502 = arith.constant 3 : i32
      %dma_start3A_1503 = arith.constant 3 : i32
      %dma_start3A_1504 = arith.constant 0 : i32
      %dma_start3A_1505 = arith.constant 0 : i32
      %dma_start3A_1506 = tpu.memref_slice %arg12[%dma_start3A_1502, %dma_start3A_1504, %dma_start3A_1505] : memref<8x128x64xbf16, #tpu.memory_space<vmem>> -> memref<1x128x64xbf16, #tpu.memory_space<vmem>>
      %dma_start3A_1507 = tpu.memref_squeeze %dma_start3A_1506 : memref<1x128x64xbf16, #tpu.memory_space<vmem>> -> memref<128x64xbf16, #tpu.memory_space<vmem>>
      %dma_start3A_1508 = arith.constant 0 : i32
      %dma_start3A_1509 = tpu.memref_slice %arg10[%add3A_1501, %dma_start3A_1508] : memref<160x128xi32, #tpu.memory_space<vmem>> -> memref<1x128xi32, #tpu.memory_space<vmem>>
      %dma_start3A_1510 = tpu.memref_squeeze %dma_start3A_1509 : memref<1x128xi32, #tpu.memory_space<vmem>> -> memref<128xi32, #tpu.memory_space<vmem>>
      %dma_start3A_1511 = arith.constant 0 : i32
      %dma_start3A_1512 = arith.constant 0 : i32
      %dma_start3A_1513 = tpu.memref_slice %arg2[%dma_start3A_1511, %dma_start3A_1512] : memref<20480x64xbf16, #tpu.memory_space<hbm>> -> memref<20480x64xbf16, #tpu.memory_space<hbm>>
      %dma_start3A_1514 = tpu.memref_slice %arg18[%dma_start3A_1503] : memref<8x!tpu.dma_semaphore, #tpu.memory_space<semaphore_mem>> -> memref<1x!tpu.dma_semaphore, #tpu.memory_space<semaphore_mem>>
      %dma_start3A_1515 = tpu.memref_squeeze %dma_start3A_1514 : memref<1x!tpu.dma_semaphore, #tpu.memory_space<semaphore_mem>> -> memref<!tpu.dma_semaphore, #tpu.memory_space<semaphore_mem>>
      tpu.enqueue_indirect_dma source(%dma_start3A_1513 : memref<20480x64xbf16, #tpu.memory_space<hbm>>) target(%dma_start3A_1507 : memref<128x64xbf16, #tpu.memory_space<vmem>>) offsets(%dma_start3A_1510 : memref<128xi32, #tpu.memory_space<vmem>>) semaphore(%dma_start3A_1515 : memref<!tpu.dma_semaphore, #tpu.memory_space<semaphore_mem>>)
      %add3A_1516 = arith.constant 4 : i32
      %add3A_1517 = arith.addi %add3A_857, %add3A_1516 : i32
      %dma_wait3A_1518 = arith.constant 4 : i32
      %dma_wait3A_1519 = arith.constant 4 : i32
      %dma_wait3A_1520 = arith.constant 0 : i32
      %dma_wait3A_1521 = arith.constant 0 : i32
      %dma_wait3A_1522 = tpu.memref_slice %arg12[%dma_wait3A_1518, %dma_wait3A_1520, %dma_wait3A_1521] : memref<8x128x64xbf16, #tpu.memory_space<vmem>> -> memref<1x128x64xbf16, #tpu.memory_space<vmem>>
      %dma_wait3A_1523 = tpu.memref_squeeze %dma_wait3A_1522 : memref<1x128x64xbf16, #tpu.memory_space<vmem>> -> memref<128x64xbf16, #tpu.memory_space<vmem>>
      %dma_wait3A_1524 = arith.constant 0 : i32
      %dma_wait3A_1525 = arith.constant 0 : i32
      %dma_wait3A_1526 = tpu.memref_slice %arg16[%dma_wait3A_1524, %dma_wait3A_1525] : memref<10240x64xbf16, #tpu.memory_space<vmem_shared>> -> memref<128x64xbf16, #tpu.memory_space<vmem_shared>>
      %dma_wait3A_1527 = tpu.memref_slice %arg19[%dma_wait3A_1519] : memref<8x!tpu.dma_semaphore, #tpu.memory_space<semaphore_mem>> -> memref<1x!tpu.dma_semaphore, #tpu.memory_space<semaphore_mem>>
      %dma_wait3A_1528 = tpu.memref_squeeze %dma_wait3A_1527 : memref<1x!tpu.dma_semaphore, #tpu.memory_space<semaphore_mem>> -> memref<!tpu.dma_semaphore, #tpu.memory_space<semaphore_mem>>
      %dma_wait3A_1529 = arith.constant 0 : i32
      %dma_wait3A_1530 = arith.constant 0 : i32
      %dma_wait3A_1531 = tpu.memref_slice %arg16[%dma_wait3A_1529, %dma_wait3A_1530] : memref<10240x64xbf16, #tpu.memory_space<vmem_shared>> -> memref<128x64xbf16, #tpu.memory_space<vmem_shared>>
      %dma_wait3A_1532 = arith.constant 0 : i32
      %dma_wait3A_1533 = arith.constant 0 : i32
      %dma_wait3A_1534 = tpu.memref_slice %arg12[%dma_wait3A_1518, %dma_wait3A_1532, %dma_wait3A_1533] : memref<8x128x64xbf16, #tpu.memory_space<vmem>> -> memref<1x128x64xbf16, #tpu.memory_space<vmem>>
      %dma_wait3A_1535 = tpu.memref_squeeze %dma_wait3A_1534 : memref<1x128x64xbf16, #tpu.memory_space<vmem>> -> memref<128x64xbf16, #tpu.memory_space<vmem>>
      tpu.wait_dma2 semaphore(%dma_wait3A_1528 : memref<!tpu.dma_semaphore, #tpu.memory_space<semaphore_mem>>) src(%dma_wait3A_1535 : memref<128x64xbf16, #tpu.memory_space<vmem>>) dst(%dma_wait3A_1531 : memref<128x64xbf16, #tpu.memory_space<vmem_shared>>)
      %jit3A_1536 = arith.constant 2 : i32
      %eq3A_1537 = arith.constant 0 : i32
      %eq3A_1538 = arith.cmpi eq, %jit3A_1536, %eq3A_1537 : i32
      %jit3A_1539 = arith.constant 1 : i32
      %select_n3A_1540 = arith.select %eq3A_1538, %jit3A_1539, %jit3A_1536 : i32
      %rem3A_1541 = arith.remsi %add3A_1517, %select_n3A_1540 : i32
      %ne3A_1542 = arith.constant 0 : i32
      %ne3A_1543 = arith.cmpi ne, %rem3A_1541, %ne3A_1542 : i32
      %lt3A_1544 = arith.constant 0 : i32
      %lt3A_1545 = arith.cmpi slt, %rem3A_1541, %lt3A_1544 : i32
      %lt3A_1546 = arith.constant 0 : i32
      %lt3A_1547 = arith.cmpi slt, %select_n3A_1540, %lt3A_1546 : i32
      %ne3A_1548 = arith.xori %lt3A_1545, %lt3A_1547 : i1
      %and3A_1549 = arith.andi %ne3A_1548, %ne3A_1543 : i1
      %add3A_1550 = arith.addi %rem3A_1541, %select_n3A_1540 : i32
      %select_n3A_1551 = arith.select %and3A_1549, %add3A_1550, %rem3A_1541 : i32
      %eq3A_1552 = arith.cmpi eq, %select_n3A_1551, %arg0 : i32
      %convert_element_type3A_1553 = arith.extui %eq3A_1552 : i1 to i32
      %cond3A_1554 = arith.constant 0 : i32
      %cond3A_1555 = arith.cmpi ne, %convert_element_type3A_1553, %cond3A_1554 : i32
      scf.if %cond3A_1555 {
        %dma_wait3A_1748 = arith.constant 4 : i32
        %dma_wait3A_1749 = arith.constant 0 : i32
        %dma_wait3A_1750 = arith.constant 0 : i32
        %dma_wait3A_1751 = tpu.memref_slice %arg17[%dma_wait3A_1749, %dma_wait3A_1750] : memref<10240x16xbf16, #tpu.memory_space<vmem_shared>> -> memref<128x16xbf16, #tpu.memory_space<vmem_shared>>
        %dma_wait3A_1752 = tpu.memref_slice %arg20[%dma_wait3A_1748] : memref<8x!tpu.dma_semaphore, #tpu.memory_space<semaphore_mem>> -> memref<1x!tpu.dma_semaphore, #tpu.memory_space<semaphore_mem>>
        %dma_wait3A_1753 = tpu.memref_squeeze %dma_wait3A_1752 : memref<1x!tpu.dma_semaphore, #tpu.memory_space<semaphore_mem>> -> memref<!tpu.dma_semaphore, #tpu.memory_space<semaphore_mem>>
        %dma_wait3A_1754 = arith.constant 0 : i32
        %dma_wait3A_1755 = arith.constant 0 : i32
        %dma_wait3A_1756 = tpu.memref_slice %arg17[%dma_wait3A_1754, %dma_wait3A_1755] : memref<10240x16xbf16, #tpu.memory_space<vmem_shared>> -> memref<128x16xbf16, #tpu.memory_space<vmem_shared>>
        tpu.wait_dma2 semaphore(%dma_wait3A_1753 : memref<!tpu.dma_semaphore, #tpu.memory_space<semaphore_mem>>) src(%arg13 : memref<128x16xbf16, #tpu.memory_space<vmem>>) dst(%dma_wait3A_1756 : memref<128x16xbf16, #tpu.memory_space<vmem_shared>>)
      } else {
      }
      %add3A_1556 = arith.constant 4 : i32
      %add3A_1557 = arith.addi %add3A_857, %add3A_1556 : i32
      %add3A_1558 = arith.constant 8 : i32
      %add3A_1559 = arith.addi %add3A_1557, %add3A_1558 : i32
      %dma_start3A_1560 = arith.constant 4 : i32
      %dma_start3A_1561 = arith.constant 4 : i32
      %dma_start3A_1562 = arith.constant 0 : i32
      %dma_start3A_1563 = arith.constant 0 : i32
      %dma_start3A_1564 = tpu.memref_slice %arg12[%dma_start3A_1560, %dma_start3A_1562, %dma_start3A_1563] : memref<8x128x64xbf16, #tpu.memory_space<vmem>> -> memref<1x128x64xbf16, #tpu.memory_space<vmem>>
      %dma_start3A_1565 = tpu.memref_squeeze %dma_start3A_1564 : memref<1x128x64xbf16, #tpu.memory_space<vmem>> -> memref<128x64xbf16, #tpu.memory_space<vmem>>
      %dma_start3A_1566 = arith.constant 0 : i32
      %dma_start3A_1567 = tpu.memref_slice %arg10[%add3A_1559, %dma_start3A_1566] : memref<160x128xi32, #tpu.memory_space<vmem>> -> memref<1x128xi32, #tpu.memory_space<vmem>>
      %dma_start3A_1568 = tpu.memref_squeeze %dma_start3A_1567 : memref<1x128xi32, #tpu.memory_space<vmem>> -> memref<128xi32, #tpu.memory_space<vmem>>
      %dma_start3A_1569 = arith.constant 0 : i32
      %dma_start3A_1570 = arith.constant 0 : i32
      %dma_start3A_1571 = tpu.memref_slice %arg2[%dma_start3A_1569, %dma_start3A_1570] : memref<20480x64xbf16, #tpu.memory_space<hbm>> -> memref<20480x64xbf16, #tpu.memory_space<hbm>>
      %dma_start3A_1572 = tpu.memref_slice %arg18[%dma_start3A_1561] : memref<8x!tpu.dma_semaphore, #tpu.memory_space<semaphore_mem>> -> memref<1x!tpu.dma_semaphore, #tpu.memory_space<semaphore_mem>>
      %dma_start3A_1573 = tpu.memref_squeeze %dma_start3A_1572 : memref<1x!tpu.dma_semaphore, #tpu.memory_space<semaphore_mem>> -> memref<!tpu.dma_semaphore, #tpu.memory_space<semaphore_mem>>
      tpu.enqueue_indirect_dma source(%dma_start3A_1571 : memref<20480x64xbf16, #tpu.memory_space<hbm>>) target(%dma_start3A_1565 : memref<128x64xbf16, #tpu.memory_space<vmem>>) offsets(%dma_start3A_1568 : memref<128xi32, #tpu.memory_space<vmem>>) semaphore(%dma_start3A_1573 : memref<!tpu.dma_semaphore, #tpu.memory_space<semaphore_mem>>)
      %add3A_1574 = arith.constant 5 : i32
      %add3A_1575 = arith.addi %add3A_857, %add3A_1574 : i32
      %dma_wait3A_1576 = arith.constant 5 : i32
      %dma_wait3A_1577 = arith.constant 5 : i32
      %dma_wait3A_1578 = arith.constant 0 : i32
      %dma_wait3A_1579 = arith.constant 0 : i32
      %dma_wait3A_1580 = tpu.memref_slice %arg12[%dma_wait3A_1576, %dma_wait3A_1578, %dma_wait3A_1579] : memref<8x128x64xbf16, #tpu.memory_space<vmem>> -> memref<1x128x64xbf16, #tpu.memory_space<vmem>>
      %dma_wait3A_1581 = tpu.memref_squeeze %dma_wait3A_1580 : memref<1x128x64xbf16, #tpu.memory_space<vmem>> -> memref<128x64xbf16, #tpu.memory_space<vmem>>
      %dma_wait3A_1582 = arith.constant 0 : i32
      %dma_wait3A_1583 = arith.constant 0 : i32
      %dma_wait3A_1584 = tpu.memref_slice %arg16[%dma_wait3A_1582, %dma_wait3A_1583] : memref<10240x64xbf16, #tpu.memory_space<vmem_shared>> -> memref<128x64xbf16, #tpu.memory_space<vmem_shared>>
      %dma_wait3A_1585 = tpu.memref_slice %arg19[%dma_wait3A_1577] : memref<8x!tpu.dma_semaphore, #tpu.memory_space<semaphore_mem>> -> memref<1x!tpu.dma_semaphore, #tpu.memory_space<semaphore_mem>>
      %dma_wait3A_1586 = tpu.memref_squeeze %dma_wait3A_1585 : memref<1x!tpu.dma_semaphore, #tpu.memory_space<semaphore_mem>> -> memref<!tpu.dma_semaphore, #tpu.memory_space<semaphore_mem>>
      %dma_wait3A_1587 = arith.constant 0 : i32
      %dma_wait3A_1588 = arith.constant 0 : i32
      %dma_wait3A_1589 = tpu.memref_slice %arg16[%dma_wait3A_1587, %dma_wait3A_1588] : memref<10240x64xbf16, #tpu.memory_space<vmem_shared>> -> memref<128x64xbf16, #tpu.memory_space<vmem_shared>>
      %dma_wait3A_1590 = arith.constant 0 : i32
      %dma_wait3A_1591 = arith.constant 0 : i32
      %dma_wait3A_1592 = tpu.memref_slice %arg12[%dma_wait3A_1576, %dma_wait3A_1590, %dma_wait3A_1591] : memref<8x128x64xbf16, #tpu.memory_space<vmem>> -> memref<1x128x64xbf16, #tpu.memory_space<vmem>>
      %dma_wait3A_1593 = tpu.memref_squeeze %dma_wait3A_1592 : memref<1x128x64xbf16, #tpu.memory_space<vmem>> -> memref<128x64xbf16, #tpu.memory_space<vmem>>
      tpu.wait_dma2 semaphore(%dma_wait3A_1586 : memref<!tpu.dma_semaphore, #tpu.memory_space<semaphore_mem>>) src(%dma_wait3A_1593 : memref<128x64xbf16, #tpu.memory_space<vmem>>) dst(%dma_wait3A_1589 : memref<128x64xbf16, #tpu.memory_space<vmem_shared>>)
      %jit3A_1594 = arith.constant 2 : i32
      %eq3A_1595 = arith.constant 0 : i32
      %eq3A_1596 = arith.cmpi eq, %jit3A_1594, %eq3A_1595 : i32
      %jit3A_1597 = arith.constant 1 : i32
      %select_n3A_1598 = arith.select %eq3A_1596, %jit3A_1597, %jit3A_1594 : i32
      %rem3A_1599 = arith.remsi %add3A_1575, %select_n3A_1598 : i32
      %ne3A_1600 = arith.constant 0 : i32
      %ne3A_1601 = arith.cmpi ne, %rem3A_1599, %ne3A_1600 : i32
      %lt3A_1602 = arith.constant 0 : i32
      %lt3A_1603 = arith.cmpi slt, %rem3A_1599, %lt3A_1602 : i32
      %lt3A_1604 = arith.constant 0 : i32
      %lt3A_1605 = arith.cmpi slt, %select_n3A_1598, %lt3A_1604 : i32
      %ne3A_1606 = arith.xori %lt3A_1603, %lt3A_1605 : i1
      %and3A_1607 = arith.andi %ne3A_1606, %ne3A_1601 : i1
      %add3A_1608 = arith.addi %rem3A_1599, %select_n3A_1598 : i32
      %select_n3A_1609 = arith.select %and3A_1607, %add3A_1608, %rem3A_1599 : i32
      %eq3A_1610 = arith.cmpi eq, %select_n3A_1609, %arg0 : i32
      %convert_element_type3A_1611 = arith.extui %eq3A_1610 : i1 to i32
      %cond3A_1612 = arith.constant 0 : i32
      %cond3A_1613 = arith.cmpi ne, %convert_element_type3A_1611, %cond3A_1612 : i32
      scf.if %cond3A_1613 {
        %dma_wait3A_1748 = arith.constant 5 : i32
        %dma_wait3A_1749 = arith.constant 0 : i32
        %dma_wait3A_1750 = arith.constant 0 : i32
        %dma_wait3A_1751 = tpu.memref_slice %arg17[%dma_wait3A_1749, %dma_wait3A_1750] : memref<10240x16xbf16, #tpu.memory_space<vmem_shared>> -> memref<128x16xbf16, #tpu.memory_space<vmem_shared>>
        %dma_wait3A_1752 = tpu.memref_slice %arg20[%dma_wait3A_1748] : memref<8x!tpu.dma_semaphore, #tpu.memory_space<semaphore_mem>> -> memref<1x!tpu.dma_semaphore, #tpu.memory_space<semaphore_mem>>
        %dma_wait3A_1753 = tpu.memref_squeeze %dma_wait3A_1752 : memref<1x!tpu.dma_semaphore, #tpu.memory_space<semaphore_mem>> -> memref<!tpu.dma_semaphore, #tpu.memory_space<semaphore_mem>>
        %dma_wait3A_1754 = arith.constant 0 : i32
        %dma_wait3A_1755 = arith.constant 0 : i32
        %dma_wait3A_1756 = tpu.memref_slice %arg17[%dma_wait3A_1754, %dma_wait3A_1755] : memref<10240x16xbf16, #tpu.memory_space<vmem_shared>> -> memref<128x16xbf16, #tpu.memory_space<vmem_shared>>
        tpu.wait_dma2 semaphore(%dma_wait3A_1753 : memref<!tpu.dma_semaphore, #tpu.memory_space<semaphore_mem>>) src(%arg13 : memref<128x16xbf16, #tpu.memory_space<vmem>>) dst(%dma_wait3A_1756 : memref<128x16xbf16, #tpu.memory_space<vmem_shared>>)
      } else {
      }
      %add3A_1614 = arith.constant 5 : i32
      %add3A_1615 = arith.addi %add3A_857, %add3A_1614 : i32
      %add3A_1616 = arith.constant 8 : i32
      %add3A_1617 = arith.addi %add3A_1615, %add3A_1616 : i32
      %dma_start3A_1618 = arith.constant 5 : i32
      %dma_start3A_1619 = arith.constant 5 : i32
      %dma_start3A_1620 = arith.constant 0 : i32
      %dma_start3A_1621 = arith.constant 0 : i32
      %dma_start3A_1622 = tpu.memref_slice %arg12[%dma_start3A_1618, %dma_start3A_1620, %dma_start3A_1621] : memref<8x128x64xbf16, #tpu.memory_space<vmem>> -> memref<1x128x64xbf16, #tpu.memory_space<vmem>>
      %dma_start3A_1623 = tpu.memref_squeeze %dma_start3A_1622 : memref<1x128x64xbf16, #tpu.memory_space<vmem>> -> memref<128x64xbf16, #tpu.memory_space<vmem>>
      %dma_start3A_1624 = arith.constant 0 : i32
      %dma_start3A_1625 = tpu.memref_slice %arg10[%add3A_1617, %dma_start3A_1624] : memref<160x128xi32, #tpu.memory_space<vmem>> -> memref<1x128xi32, #tpu.memory_space<vmem>>
      %dma_start3A_1626 = tpu.memref_squeeze %dma_start3A_1625 : memref<1x128xi32, #tpu.memory_space<vmem>> -> memref<128xi32, #tpu.memory_space<vmem>>
      %dma_start3A_1627 = arith.constant 0 : i32
      %dma_start3A_1628 = arith.constant 0 : i32
      %dma_start3A_1629 = tpu.memref_slice %arg2[%dma_start3A_1627, %dma_start3A_1628] : memref<20480x64xbf16, #tpu.memory_space<hbm>> -> memref<20480x64xbf16, #tpu.memory_space<hbm>>
      %dma_start3A_1630 = tpu.memref_slice %arg18[%dma_start3A_1619] : memref<8x!tpu.dma_semaphore, #tpu.memory_space<semaphore_mem>> -> memref<1x!tpu.dma_semaphore, #tpu.memory_space<semaphore_mem>>
      %dma_start3A_1631 = tpu.memref_squeeze %dma_start3A_1630 : memref<1x!tpu.dma_semaphore, #tpu.memory_space<semaphore_mem>> -> memref<!tpu.dma_semaphore, #tpu.memory_space<semaphore_mem>>
      tpu.enqueue_indirect_dma source(%dma_start3A_1629 : memref<20480x64xbf16, #tpu.memory_space<hbm>>) target(%dma_start3A_1623 : memref<128x64xbf16, #tpu.memory_space<vmem>>) offsets(%dma_start3A_1626 : memref<128xi32, #tpu.memory_space<vmem>>) semaphore(%dma_start3A_1631 : memref<!tpu.dma_semaphore, #tpu.memory_space<semaphore_mem>>)
      %add3A_1632 = arith.constant 6 : i32
      %add3A_1633 = arith.addi %add3A_857, %add3A_1632 : i32
      %dma_wait3A_1634 = arith.constant 6 : i32
      %dma_wait3A_1635 = arith.constant 6 : i32
      %dma_wait3A_1636 = arith.constant 0 : i32
      %dma_wait3A_1637 = arith.constant 0 : i32
      %dma_wait3A_1638 = tpu.memref_slice %arg12[%dma_wait3A_1634, %dma_wait3A_1636, %dma_wait3A_1637] : memref<8x128x64xbf16, #tpu.memory_space<vmem>> -> memref<1x128x64xbf16, #tpu.memory_space<vmem>>
      %dma_wait3A_1639 = tpu.memref_squeeze %dma_wait3A_1638 : memref<1x128x64xbf16, #tpu.memory_space<vmem>> -> memref<128x64xbf16, #tpu.memory_space<vmem>>
      %dma_wait3A_1640 = arith.constant 0 : i32
      %dma_wait3A_1641 = arith.constant 0 : i32
      %dma_wait3A_1642 = tpu.memref_slice %arg16[%dma_wait3A_1640, %dma_wait3A_1641] : memref<10240x64xbf16, #tpu.memory_space<vmem_shared>> -> memref<128x64xbf16, #tpu.memory_space<vmem_shared>>
      %dma_wait3A_1643 = tpu.memref_slice %arg19[%dma_wait3A_1635] : memref<8x!tpu.dma_semaphore, #tpu.memory_space<semaphore_mem>> -> memref<1x!tpu.dma_semaphore, #tpu.memory_space<semaphore_mem>>
      %dma_wait3A_1644 = tpu.memref_squeeze %dma_wait3A_1643 : memref<1x!tpu.dma_semaphore, #tpu.memory_space<semaphore_mem>> -> memref<!tpu.dma_semaphore, #tpu.memory_space<semaphore_mem>>
      %dma_wait3A_1645 = arith.constant 0 : i32
      %dma_wait3A_1646 = arith.constant 0 : i32
      %dma_wait3A_1647 = tpu.memref_slice %arg16[%dma_wait3A_1645, %dma_wait3A_1646] : memref<10240x64xbf16, #tpu.memory_space<vmem_shared>> -> memref<128x64xbf16, #tpu.memory_space<vmem_shared>>
      %dma_wait3A_1648 = arith.constant 0 : i32
      %dma_wait3A_1649 = arith.constant 0 : i32
      %dma_wait3A_1650 = tpu.memref_slice %arg12[%dma_wait3A_1634, %dma_wait3A_1648, %dma_wait3A_1649] : memref<8x128x64xbf16, #tpu.memory_space<vmem>> -> memref<1x128x64xbf16, #tpu.memory_space<vmem>>
      %dma_wait3A_1651 = tpu.memref_squeeze %dma_wait3A_1650 : memref<1x128x64xbf16, #tpu.memory_space<vmem>> -> memref<128x64xbf16, #tpu.memory_space<vmem>>
      tpu.wait_dma2 semaphore(%dma_wait3A_1644 : memref<!tpu.dma_semaphore, #tpu.memory_space<semaphore_mem>>) src(%dma_wait3A_1651 : memref<128x64xbf16, #tpu.memory_space<vmem>>) dst(%dma_wait3A_1647 : memref<128x64xbf16, #tpu.memory_space<vmem_shared>>)
      %jit3A_1652 = arith.constant 2 : i32
      %eq3A_1653 = arith.constant 0 : i32
      %eq3A_1654 = arith.cmpi eq, %jit3A_1652, %eq3A_1653 : i32
      %jit3A_1655 = arith.constant 1 : i32
      %select_n3A_1656 = arith.select %eq3A_1654, %jit3A_1655, %jit3A_1652 : i32
      %rem3A_1657 = arith.remsi %add3A_1633, %select_n3A_1656 : i32
      %ne3A_1658 = arith.constant 0 : i32
      %ne3A_1659 = arith.cmpi ne, %rem3A_1657, %ne3A_1658 : i32
      %lt3A_1660 = arith.constant 0 : i32
      %lt3A_1661 = arith.cmpi slt, %rem3A_1657, %lt3A_1660 : i32
      %lt3A_1662 = arith.constant 0 : i32
      %lt3A_1663 = arith.cmpi slt, %select_n3A_1656, %lt3A_1662 : i32
      %ne3A_1664 = arith.xori %lt3A_1661, %lt3A_1663 : i1
      %and3A_1665 = arith.andi %ne3A_1664, %ne3A_1659 : i1
      %add3A_1666 = arith.addi %rem3A_1657, %select_n3A_1656 : i32
      %select_n3A_1667 = arith.select %and3A_1665, %add3A_1666, %rem3A_1657 : i32
      %eq3A_1668 = arith.cmpi eq, %select_n3A_1667, %arg0 : i32
      %convert_element_type3A_1669 = arith.extui %eq3A_1668 : i1 to i32
      %cond3A_1670 = arith.constant 0 : i32
      %cond3A_1671 = arith.cmpi ne, %convert_element_type3A_1669, %cond3A_1670 : i32
      scf.if %cond3A_1671 {
        %dma_wait3A_1748 = arith.constant 6 : i32
        %dma_wait3A_1749 = arith.constant 0 : i32
        %dma_wait3A_1750 = arith.constant 0 : i32
        %dma_wait3A_1751 = tpu.memref_slice %arg17[%dma_wait3A_1749, %dma_wait3A_1750] : memref<10240x16xbf16, #tpu.memory_space<vmem_shared>> -> memref<128x16xbf16, #tpu.memory_space<vmem_shared>>
        %dma_wait3A_1752 = tpu.memref_slice %arg20[%dma_wait3A_1748] : memref<8x!tpu.dma_semaphore, #tpu.memory_space<semaphore_mem>> -> memref<1x!tpu.dma_semaphore, #tpu.memory_space<semaphore_mem>>
        %dma_wait3A_1753 = tpu.memref_squeeze %dma_wait3A_1752 : memref<1x!tpu.dma_semaphore, #tpu.memory_space<semaphore_mem>> -> memref<!tpu.dma_semaphore, #tpu.memory_space<semaphore_mem>>
        %dma_wait3A_1754 = arith.constant 0 : i32
        %dma_wait3A_1755 = arith.constant 0 : i32
        %dma_wait3A_1756 = tpu.memref_slice %arg17[%dma_wait3A_1754, %dma_wait3A_1755] : memref<10240x16xbf16, #tpu.memory_space<vmem_shared>> -> memref<128x16xbf16, #tpu.memory_space<vmem_shared>>
        tpu.wait_dma2 semaphore(%dma_wait3A_1753 : memref<!tpu.dma_semaphore, #tpu.memory_space<semaphore_mem>>) src(%arg13 : memref<128x16xbf16, #tpu.memory_space<vmem>>) dst(%dma_wait3A_1756 : memref<128x16xbf16, #tpu.memory_space<vmem_shared>>)
      } else {
      }
      %add3A_1672 = arith.constant 6 : i32
      %add3A_1673 = arith.addi %add3A_857, %add3A_1672 : i32
      %add3A_1674 = arith.constant 8 : i32
      %add3A_1675 = arith.addi %add3A_1673, %add3A_1674 : i32
      %dma_start3A_1676 = arith.constant 6 : i32
      %dma_start3A_1677 = arith.constant 6 : i32
      %dma_start3A_1678 = arith.constant 0 : i32
      %dma_start3A_1679 = arith.constant 0 : i32
      %dma_start3A_1680 = tpu.memref_slice %arg12[%dma_start3A_1676, %dma_start3A_1678, %dma_start3A_1679] : memref<8x128x64xbf16, #tpu.memory_space<vmem>> -> memref<1x128x64xbf16, #tpu.memory_space<vmem>>
      %dma_start3A_1681 = tpu.memref_squeeze %dma_start3A_1680 : memref<1x128x64xbf16, #tpu.memory_space<vmem>> -> memref<128x64xbf16, #tpu.memory_space<vmem>>
      %dma_start3A_1682 = arith.constant 0 : i32
      %dma_start3A_1683 = tpu.memref_slice %arg10[%add3A_1675, %dma_start3A_1682] : memref<160x128xi32, #tpu.memory_space<vmem>> -> memref<1x128xi32, #tpu.memory_space<vmem>>
      %dma_start3A_1684 = tpu.memref_squeeze %dma_start3A_1683 : memref<1x128xi32, #tpu.memory_space<vmem>> -> memref<128xi32, #tpu.memory_space<vmem>>
      %dma_start3A_1685 = arith.constant 0 : i32
      %dma_start3A_1686 = arith.constant 0 : i32
      %dma_start3A_1687 = tpu.memref_slice %arg2[%dma_start3A_1685, %dma_start3A_1686] : memref<20480x64xbf16, #tpu.memory_space<hbm>> -> memref<20480x64xbf16, #tpu.memory_space<hbm>>
      %dma_start3A_1688 = tpu.memref_slice %arg18[%dma_start3A_1677] : memref<8x!tpu.dma_semaphore, #tpu.memory_space<semaphore_mem>> -> memref<1x!tpu.dma_semaphore, #tpu.memory_space<semaphore_mem>>
      %dma_start3A_1689 = tpu.memref_squeeze %dma_start3A_1688 : memref<1x!tpu.dma_semaphore, #tpu.memory_space<semaphore_mem>> -> memref<!tpu.dma_semaphore, #tpu.memory_space<semaphore_mem>>
      tpu.enqueue_indirect_dma source(%dma_start3A_1687 : memref<20480x64xbf16, #tpu.memory_space<hbm>>) target(%dma_start3A_1681 : memref<128x64xbf16, #tpu.memory_space<vmem>>) offsets(%dma_start3A_1684 : memref<128xi32, #tpu.memory_space<vmem>>) semaphore(%dma_start3A_1689 : memref<!tpu.dma_semaphore, #tpu.memory_space<semaphore_mem>>)
      %add3A_1690 = arith.constant 7 : i32
      %add3A_1691 = arith.addi %add3A_857, %add3A_1690 : i32
      %dma_wait3A_1692 = arith.constant 7 : i32
      %dma_wait3A_1693 = arith.constant 7 : i32
      %dma_wait3A_1694 = arith.constant 0 : i32
      %dma_wait3A_1695 = arith.constant 0 : i32
      %dma_wait3A_1696 = tpu.memref_slice %arg12[%dma_wait3A_1692, %dma_wait3A_1694, %dma_wait3A_1695] : memref<8x128x64xbf16, #tpu.memory_space<vmem>> -> memref<1x128x64xbf16, #tpu.memory_space<vmem>>
      %dma_wait3A_1697 = tpu.memref_squeeze %dma_wait3A_1696 : memref<1x128x64xbf16, #tpu.memory_space<vmem>> -> memref<128x64xbf16, #tpu.memory_space<vmem>>
      %dma_wait3A_1698 = arith.constant 0 : i32
      %dma_wait3A_1699 = arith.constant 0 : i32
      %dma_wait3A_1700 = tpu.memref_slice %arg16[%dma_wait3A_1698, %dma_wait3A_1699] : memref<10240x64xbf16, #tpu.memory_space<vmem_shared>> -> memref<128x64xbf16, #tpu.memory_space<vmem_shared>>
      %dma_wait3A_1701 = tpu.memref_slice %arg19[%dma_wait3A_1693] : memref<8x!tpu.dma_semaphore, #tpu.memory_space<semaphore_mem>> -> memref<1x!tpu.dma_semaphore, #tpu.memory_space<semaphore_mem>>
      %dma_wait3A_1702 = tpu.memref_squeeze %dma_wait3A_1701 : memref<1x!tpu.dma_semaphore, #tpu.memory_space<semaphore_mem>> -> memref<!tpu.dma_semaphore, #tpu.memory_space<semaphore_mem>>
      %dma_wait3A_1703 = arith.constant 0 : i32
      %dma_wait3A_1704 = arith.constant 0 : i32
      %dma_wait3A_1705 = tpu.memref_slice %arg16[%dma_wait3A_1703, %dma_wait3A_1704] : memref<10240x64xbf16, #tpu.memory_space<vmem_shared>> -> memref<128x64xbf16, #tpu.memory_space<vmem_shared>>
      %dma_wait3A_1706 = arith.constant 0 : i32
      %dma_wait3A_1707 = arith.constant 0 : i32
      %dma_wait3A_1708 = tpu.memref_slice %arg12[%dma_wait3A_1692, %dma_wait3A_1706, %dma_wait3A_1707] : memref<8x128x64xbf16, #tpu.memory_space<vmem>> -> memref<1x128x64xbf16, #tpu.memory_space<vmem>>
      %dma_wait3A_1709 = tpu.memref_squeeze %dma_wait3A_1708 : memref<1x128x64xbf16, #tpu.memory_space<vmem>> -> memref<128x64xbf16, #tpu.memory_space<vmem>>
      tpu.wait_dma2 semaphore(%dma_wait3A_1702 : memref<!tpu.dma_semaphore, #tpu.memory_space<semaphore_mem>>) src(%dma_wait3A_1709 : memref<128x64xbf16, #tpu.memory_space<vmem>>) dst(%dma_wait3A_1705 : memref<128x64xbf16, #tpu.memory_space<vmem_shared>>)
      %jit3A_1710 = arith.constant 2 : i32
      %eq3A_1711 = arith.constant 0 : i32
      %eq3A_1712 = arith.cmpi eq, %jit3A_1710, %eq3A_1711 : i32
      %jit3A_1713 = arith.constant 1 : i32
      %select_n3A_1714 = arith.select %eq3A_1712, %jit3A_1713, %jit3A_1710 : i32
      %rem3A_1715 = arith.remsi %add3A_1691, %select_n3A_1714 : i32
      %ne3A_1716 = arith.constant 0 : i32
      %ne3A_1717 = arith.cmpi ne, %rem3A_1715, %ne3A_1716 : i32
      %lt3A_1718 = arith.constant 0 : i32
      %lt3A_1719 = arith.cmpi slt, %rem3A_1715, %lt3A_1718 : i32
      %lt3A_1720 = arith.constant 0 : i32
      %lt3A_1721 = arith.cmpi slt, %select_n3A_1714, %lt3A_1720 : i32
      %ne3A_1722 = arith.xori %lt3A_1719, %lt3A_1721 : i1
      %and3A_1723 = arith.andi %ne3A_1722, %ne3A_1717 : i1
      %add3A_1724 = arith.addi %rem3A_1715, %select_n3A_1714 : i32
      %select_n3A_1725 = arith.select %and3A_1723, %add3A_1724, %rem3A_1715 : i32
      %eq3A_1726 = arith.cmpi eq, %select_n3A_1725, %arg0 : i32
      %convert_element_type3A_1727 = arith.extui %eq3A_1726 : i1 to i32
      %cond3A_1728 = arith.constant 0 : i32
      %cond3A_1729 = arith.cmpi ne, %convert_element_type3A_1727, %cond3A_1728 : i32
      scf.if %cond3A_1729 {
        %dma_wait3A_1748 = arith.constant 7 : i32
        %dma_wait3A_1749 = arith.constant 0 : i32
        %dma_wait3A_1750 = arith.constant 0 : i32
        %dma_wait3A_1751 = tpu.memref_slice %arg17[%dma_wait3A_1749, %dma_wait3A_1750] : memref<10240x16xbf16, #tpu.memory_space<vmem_shared>> -> memref<128x16xbf16, #tpu.memory_space<vmem_shared>>
        %dma_wait3A_1752 = tpu.memref_slice %arg20[%dma_wait3A_1748] : memref<8x!tpu.dma_semaphore, #tpu.memory_space<semaphore_mem>> -> memref<1x!tpu.dma_semaphore, #tpu.memory_space<semaphore_mem>>
        %dma_wait3A_1753 = tpu.memref_squeeze %dma_wait3A_1752 : memref<1x!tpu.dma_semaphore, #tpu.memory_space<semaphore_mem>> -> memref<!tpu.dma_semaphore, #tpu.memory_space<semaphore_mem>>
        %dma_wait3A_1754 = arith.constant 0 : i32
        %dma_wait3A_1755 = arith.constant 0 : i32
        %dma_wait3A_1756 = tpu.memref_slice %arg17[%dma_wait3A_1754, %dma_wait3A_1755] : memref<10240x16xbf16, #tpu.memory_space<vmem_shared>> -> memref<128x16xbf16, #tpu.memory_space<vmem_shared>>
        tpu.wait_dma2 semaphore(%dma_wait3A_1753 : memref<!tpu.dma_semaphore, #tpu.memory_space<semaphore_mem>>) src(%arg13 : memref<128x16xbf16, #tpu.memory_space<vmem>>) dst(%dma_wait3A_1756 : memref<128x16xbf16, #tpu.memory_space<vmem_shared>>)
      } else {
      }
      %add3A_1730 = arith.constant 7 : i32
      %add3A_1731 = arith.addi %add3A_857, %add3A_1730 : i32
      %add3A_1732 = arith.constant 8 : i32
      %add3A_1733 = arith.addi %add3A_1731, %add3A_1732 : i32
      %dma_start3A_1734 = arith.constant 7 : i32
      %dma_start3A_1735 = arith.constant 7 : i32
      %dma_start3A_1736 = arith.constant 0 : i32
      %dma_start3A_1737 = arith.constant 0 : i32
      %dma_start3A_1738 = tpu.memref_slice %arg12[%dma_start3A_1734, %dma_start3A_1736, %dma_start3A_1737] : memref<8x128x64xbf16, #tpu.memory_space<vmem>> -> memref<1x128x64xbf16, #tpu.memory_space<vmem>>
      %dma_start3A_1739 = tpu.memref_squeeze %dma_start3A_1738 : memref<1x128x64xbf16, #tpu.memory_space<vmem>> -> memref<128x64xbf16, #tpu.memory_space<vmem>>
      %dma_start3A_1740 = arith.constant 0 : i32
      %dma_start3A_1741 = tpu.memref_slice %arg10[%add3A_1733, %dma_start3A_1740] : memref<160x128xi32, #tpu.memory_space<vmem>> -> memref<1x128xi32, #tpu.memory_space<vmem>>
      %dma_start3A_1742 = tpu.memref_squeeze %dma_start3A_1741 : memref<1x128xi32, #tpu.memory_space<vmem>> -> memref<128xi32, #tpu.memory_space<vmem>>
      %dma_start3A_1743 = arith.constant 0 : i32
      %dma_start3A_1744 = arith.constant 0 : i32
      %dma_start3A_1745 = tpu.memref_slice %arg2[%dma_start3A_1743, %dma_start3A_1744] : memref<20480x64xbf16, #tpu.memory_space<hbm>> -> memref<20480x64xbf16, #tpu.memory_space<hbm>>
      %dma_start3A_1746 = tpu.memref_slice %arg18[%dma_start3A_1735] : memref<8x!tpu.dma_semaphore, #tpu.memory_space<semaphore_mem>> -> memref<1x!tpu.dma_semaphore, #tpu.memory_space<semaphore_mem>>
      %dma_start3A_1747 = tpu.memref_squeeze %dma_start3A_1746 : memref<1x!tpu.dma_semaphore, #tpu.memory_space<semaphore_mem>> -> memref<!tpu.dma_semaphore, #tpu.memory_space<semaphore_mem>>
      tpu.enqueue_indirect_dma source(%dma_start3A_1745 : memref<20480x64xbf16, #tpu.memory_space<hbm>>) target(%dma_start3A_1739 : memref<128x64xbf16, #tpu.memory_space<vmem>>) offsets(%dma_start3A_1742 : memref<128xi32, #tpu.memory_space<vmem>>) semaphore(%dma_start3A_1747 : memref<!tpu.dma_semaphore, #tpu.memory_space<semaphore_mem>>)
    }
    %scan3A_364 = arith.constant 19 : i32
    %dma_wait3A_365 = arith.constant 0 : i32
    %dma_wait3A_366 = arith.constant 0 : i32
    %dma_wait3A_367 = arith.constant 0 : i32
    %dma_wait3A_368 = arith.constant 0 : i32
    %dma_wait3A_369 = tpu.memref_slice %arg12[%dma_wait3A_365, %dma_wait3A_367, %dma_wait3A_368] : memref<8x128x64xbf16, #tpu.memory_space<vmem>> -> memref<1x128x64xbf16, #tpu.memory_space<vmem>>
    %dma_wait3A_370 = tpu.memref_squeeze %dma_wait3A_369 : memref<1x128x64xbf16, #tpu.memory_space<vmem>> -> memref<128x64xbf16, #tpu.memory_space<vmem>>
    %dma_wait3A_371 = arith.constant 0 : i32
    %dma_wait3A_372 = arith.constant 0 : i32
    %dma_wait3A_373 = tpu.memref_slice %arg2[%dma_wait3A_371, %dma_wait3A_372] : memref<20480x64xbf16, #tpu.memory_space<hbm>> -> memref<128x64xbf16, #tpu.memory_space<hbm>>
    %dma_wait3A_374 = tpu.memref_slice %arg18[%dma_wait3A_366] : memref<8x!tpu.dma_semaphore, #tpu.memory_space<semaphore_mem>> -> memref<1x!tpu.dma_semaphore, #tpu.memory_space<semaphore_mem>>
    %dma_wait3A_375 = tpu.memref_squeeze %dma_wait3A_374 : memref<1x!tpu.dma_semaphore, #tpu.memory_space<semaphore_mem>> -> memref<!tpu.dma_semaphore, #tpu.memory_space<semaphore_mem>>
    %dma_wait3A_376 = arith.constant 0 : i32
    %dma_wait3A_377 = arith.constant 0 : i32
    %dma_wait3A_378 = tpu.memref_slice %arg12[%dma_wait3A_365, %dma_wait3A_376, %dma_wait3A_377] : memref<8x128x64xbf16, #tpu.memory_space<vmem>> -> memref<1x128x64xbf16, #tpu.memory_space<vmem>>
    %dma_wait3A_379 = tpu.memref_squeeze %dma_wait3A_378 : memref<1x128x64xbf16, #tpu.memory_space<vmem>> -> memref<128x64xbf16, #tpu.memory_space<vmem>>
    %dma_wait3A_380 = arith.constant 0 : i32
    %dma_wait3A_381 = arith.constant 0 : i32
    %dma_wait3A_382 = tpu.memref_slice %arg2[%dma_wait3A_380, %dma_wait3A_381] : memref<20480x64xbf16, #tpu.memory_space<hbm>> -> memref<128x64xbf16, #tpu.memory_space<hbm>>
    tpu.wait_dma2 semaphore(%dma_wait3A_375 : memref<!tpu.dma_semaphore, #tpu.memory_space<semaphore_mem>>) src(%dma_wait3A_382 : memref<128x64xbf16, #tpu.memory_space<hbm>>) dst(%dma_wait3A_379 : memref<128x64xbf16, #tpu.memory_space<vmem>>)
    %dma_start3A_383 = arith.constant 0 : i32
    %dma_start3A_384 = arith.constant 152 : i32
    %dma_start3A_385 = arith.constant 0 : i32
    %dma_start3A_386 = arith.constant 0 : i32
    %dma_start3A_387 = arith.constant 0 : i32
    %dma_start3A_388 = tpu.memref_slice %arg12[%dma_start3A_383, %dma_start3A_386, %dma_start3A_387] : memref<8x128x64xbf16, #tpu.memory_space<vmem>> -> memref<1x128x64xbf16, #tpu.memory_space<vmem>>
    %dma_start3A_389 = tpu.memref_squeeze %dma_start3A_388 : memref<1x128x64xbf16, #tpu.memory_space<vmem>> -> memref<128x64xbf16, #tpu.memory_space<vmem>>
    %dma_start3A_390 = arith.constant 0 : i32
    %dma_start3A_391 = tpu.memref_slice %arg11[%dma_start3A_384, %dma_start3A_390] : memref<160x128xi32, #tpu.memory_space<vmem>> -> memref<1x128xi32, #tpu.memory_space<vmem>>
    %dma_start3A_392 = tpu.memref_squeeze %dma_start3A_391 : memref<1x128xi32, #tpu.memory_space<vmem>> -> memref<128xi32, #tpu.memory_space<vmem>>
    %dma_start3A_393 = arith.constant 0 : i32
    %dma_start3A_394 = arith.constant 0 : i32
    %dma_start3A_395 = tpu.memref_slice %arg16[%dma_start3A_393, %dma_start3A_394] : memref<10240x64xbf16, #tpu.memory_space<vmem_shared>> -> memref<10240x64xbf16, #tpu.memory_space<vmem_shared>>
    %dma_start3A_396 = tpu.memref_slice %arg19[%dma_start3A_385] : memref<8x!tpu.dma_semaphore, #tpu.memory_space<semaphore_mem>> -> memref<1x!tpu.dma_semaphore, #tpu.memory_space<semaphore_mem>>
    %dma_start3A_397 = tpu.memref_squeeze %dma_start3A_396 : memref<1x!tpu.dma_semaphore, #tpu.memory_space<semaphore_mem>> -> memref<!tpu.dma_semaphore, #tpu.memory_space<semaphore_mem>>
    tpu.enqueue_indirect_dma source(%dma_start3A_389 : memref<128x64xbf16, #tpu.memory_space<vmem>>) target(%dma_start3A_395 : memref<10240x64xbf16, #tpu.memory_space<vmem_shared>>) offsets(%dma_start3A_392 : memref<128xi32, #tpu.memory_space<vmem>>) semaphore(%dma_start3A_397 : memref<!tpu.dma_semaphore, #tpu.memory_space<semaphore_mem>>) {add = true}
    %eq3A = arith.constant 0 : i32
    %eq3A_398 = arith.cmpi eq, %arg0, %eq3A : i32
    %convert_element_type3A = arith.extui %eq3A_398 : i1 to i32
    %cond3A = arith.constant 0 : i32
    %cond3A_399 = arith.cmpi ne, %convert_element_type3A, %cond3A : i32
    scf.if %cond3A_399 {
      %dma_start3A_853 = arith.constant 152 : i32
      %dma_start3A_854 = arith.constant 0 : i32
      %dma_start3A_855 = arith.constant 0 : i32
      %dma_start3A_856 = tpu.memref_slice %arg11[%dma_start3A_853, %dma_start3A_855] : memref<160x128xi32, #tpu.memory_space<vmem>> -> memref<1x128xi32, #tpu.memory_space<vmem>>
      %dma_start3A_857 = tpu.memref_squeeze %dma_start3A_856 : memref<1x128xi32, #tpu.memory_space<vmem>> -> memref<128xi32, #tpu.memory_space<vmem>>
      %dma_start3A_858 = arith.constant 0 : i32
      %dma_start3A_859 = arith.constant 0 : i32
      %dma_start3A_860 = tpu.memref_slice %arg17[%dma_start3A_858, %dma_start3A_859] : memref<10240x16xbf16, #tpu.memory_space<vmem_shared>> -> memref<10240x16xbf16, #tpu.memory_space<vmem_shared>>
      %dma_start3A_861 = tpu.memref_slice %arg20[%dma_start3A_854] : memref<8x!tpu.dma_semaphore, #tpu.memory_space<semaphore_mem>> -> memref<1x!tpu.dma_semaphore, #tpu.memory_space<semaphore_mem>>
      %dma_start3A_862 = tpu.memref_squeeze %dma_start3A_861 : memref<1x!tpu.dma_semaphore, #tpu.memory_space<semaphore_mem>> -> memref<!tpu.dma_semaphore, #tpu.memory_space<semaphore_mem>>
      tpu.enqueue_indirect_dma source(%arg13 : memref<128x16xbf16, #tpu.memory_space<vmem>>) target(%dma_start3A_860 : memref<10240x16xbf16, #tpu.memory_space<vmem_shared>>) offsets(%dma_start3A_857 : memref<128xi32, #tpu.memory_space<vmem>>) semaphore(%dma_start3A_862 : memref<!tpu.dma_semaphore, #tpu.memory_space<semaphore_mem>>) {add = true}
    } else {
    }
    %dma_wait3A_400 = arith.constant 1 : i32
    %dma_wait3A_401 = arith.constant 1 : i32
    %dma_wait3A_402 = arith.constant 0 : i32
    %dma_wait3A_403 = arith.constant 0 : i32
    %dma_wait3A_404 = tpu.memref_slice %arg12[%dma_wait3A_400, %dma_wait3A_402, %dma_wait3A_403] : memref<8x128x64xbf16, #tpu.memory_space<vmem>> -> memref<1x128x64xbf16, #tpu.memory_space<vmem>>
    %dma_wait3A_405 = tpu.memref_squeeze %dma_wait3A_404 : memref<1x128x64xbf16, #tpu.memory_space<vmem>> -> memref<128x64xbf16, #tpu.memory_space<vmem>>
    %dma_wait3A_406 = arith.constant 0 : i32
    %dma_wait3A_407 = arith.constant 0 : i32
    %dma_wait3A_408 = tpu.memref_slice %arg2[%dma_wait3A_406, %dma_wait3A_407] : memref<20480x64xbf16, #tpu.memory_space<hbm>> -> memref<128x64xbf16, #tpu.memory_space<hbm>>
    %dma_wait3A_409 = tpu.memref_slice %arg18[%dma_wait3A_401] : memref<8x!tpu.dma_semaphore, #tpu.memory_space<semaphore_mem>> -> memref<1x!tpu.dma_semaphore, #tpu.memory_space<semaphore_mem>>
    %dma_wait3A_410 = tpu.memref_squeeze %dma_wait3A_409 : memref<1x!tpu.dma_semaphore, #tpu.memory_space<semaphore_mem>> -> memref<!tpu.dma_semaphore, #tpu.memory_space<semaphore_mem>>
    %dma_wait3A_411 = arith.constant 0 : i32
    %dma_wait3A_412 = arith.constant 0 : i32
    %dma_wait3A_413 = tpu.memref_slice %arg12[%dma_wait3A_400, %dma_wait3A_411, %dma_wait3A_412] : memref<8x128x64xbf16, #tpu.memory_space<vmem>> -> memref<1x128x64xbf16, #tpu.memory_space<vmem>>
    %dma_wait3A_414 = tpu.memref_squeeze %dma_wait3A_413 : memref<1x128x64xbf16, #tpu.memory_space<vmem>> -> memref<128x64xbf16, #tpu.memory_space<vmem>>
    %dma_wait3A_415 = arith.constant 0 : i32
    %dma_wait3A_416 = arith.constant 0 : i32
    %dma_wait3A_417 = tpu.memref_slice %arg2[%dma_wait3A_415, %dma_wait3A_416] : memref<20480x64xbf16, #tpu.memory_space<hbm>> -> memref<128x64xbf16, #tpu.memory_space<hbm>>
    tpu.wait_dma2 semaphore(%dma_wait3A_410 : memref<!tpu.dma_semaphore, #tpu.memory_space<semaphore_mem>>) src(%dma_wait3A_417 : memref<128x64xbf16, #tpu.memory_space<hbm>>) dst(%dma_wait3A_414 : memref<128x64xbf16, #tpu.memory_space<vmem>>)
    %dma_start3A_418 = arith.constant 1 : i32
    %dma_start3A_419 = arith.constant 153 : i32
    %dma_start3A_420 = arith.constant 1 : i32
    %dma_start3A_421 = arith.constant 0 : i32
    %dma_start3A_422 = arith.constant 0 : i32
    %dma_start3A_423 = tpu.memref_slice %arg12[%dma_start3A_418, %dma_start3A_421, %dma_start3A_422] : memref<8x128x64xbf16, #tpu.memory_space<vmem>> -> memref<1x128x64xbf16, #tpu.memory_space<vmem>>
    %dma_start3A_424 = tpu.memref_squeeze %dma_start3A_423 : memref<1x128x64xbf16, #tpu.memory_space<vmem>> -> memref<128x64xbf16, #tpu.memory_space<vmem>>
    %dma_start3A_425 = arith.constant 0 : i32
    %dma_start3A_426 = tpu.memref_slice %arg11[%dma_start3A_419, %dma_start3A_425] : memref<160x128xi32, #tpu.memory_space<vmem>> -> memref<1x128xi32, #tpu.memory_space<vmem>>
    %dma_start3A_427 = tpu.memref_squeeze %dma_start3A_426 : memref<1x128xi32, #tpu.memory_space<vmem>> -> memref<128xi32, #tpu.memory_space<vmem>>
    %dma_start3A_428 = arith.constant 0 : i32
    %dma_start3A_429 = arith.constant 0 : i32
    %dma_start3A_430 = tpu.memref_slice %arg16[%dma_start3A_428, %dma_start3A_429] : memref<10240x64xbf16, #tpu.memory_space<vmem_shared>> -> memref<10240x64xbf16, #tpu.memory_space<vmem_shared>>
    %dma_start3A_431 = tpu.memref_slice %arg19[%dma_start3A_420] : memref<8x!tpu.dma_semaphore, #tpu.memory_space<semaphore_mem>> -> memref<1x!tpu.dma_semaphore, #tpu.memory_space<semaphore_mem>>
    %dma_start3A_432 = tpu.memref_squeeze %dma_start3A_431 : memref<1x!tpu.dma_semaphore, #tpu.memory_space<semaphore_mem>> -> memref<!tpu.dma_semaphore, #tpu.memory_space<semaphore_mem>>
    tpu.enqueue_indirect_dma source(%dma_start3A_424 : memref<128x64xbf16, #tpu.memory_space<vmem>>) target(%dma_start3A_430 : memref<10240x64xbf16, #tpu.memory_space<vmem_shared>>) offsets(%dma_start3A_427 : memref<128xi32, #tpu.memory_space<vmem>>) semaphore(%dma_start3A_432 : memref<!tpu.dma_semaphore, #tpu.memory_space<semaphore_mem>>) {add = true}
    %eq3A_433 = arith.constant 1 : i32
    %eq3A_434 = arith.cmpi eq, %arg0, %eq3A_433 : i32
    %convert_element_type3A_435 = arith.extui %eq3A_434 : i1 to i32
    %cond3A_436 = arith.constant 0 : i32
    %cond3A_437 = arith.cmpi ne, %convert_element_type3A_435, %cond3A_436 : i32
    scf.if %cond3A_437 {
      %dma_start3A_853 = arith.constant 153 : i32
      %dma_start3A_854 = arith.constant 1 : i32
      %dma_start3A_855 = arith.constant 0 : i32
      %dma_start3A_856 = tpu.memref_slice %arg11[%dma_start3A_853, %dma_start3A_855] : memref<160x128xi32, #tpu.memory_space<vmem>> -> memref<1x128xi32, #tpu.memory_space<vmem>>
      %dma_start3A_857 = tpu.memref_squeeze %dma_start3A_856 : memref<1x128xi32, #tpu.memory_space<vmem>> -> memref<128xi32, #tpu.memory_space<vmem>>
      %dma_start3A_858 = arith.constant 0 : i32
      %dma_start3A_859 = arith.constant 0 : i32
      %dma_start3A_860 = tpu.memref_slice %arg17[%dma_start3A_858, %dma_start3A_859] : memref<10240x16xbf16, #tpu.memory_space<vmem_shared>> -> memref<10240x16xbf16, #tpu.memory_space<vmem_shared>>
      %dma_start3A_861 = tpu.memref_slice %arg20[%dma_start3A_854] : memref<8x!tpu.dma_semaphore, #tpu.memory_space<semaphore_mem>> -> memref<1x!tpu.dma_semaphore, #tpu.memory_space<semaphore_mem>>
      %dma_start3A_862 = tpu.memref_squeeze %dma_start3A_861 : memref<1x!tpu.dma_semaphore, #tpu.memory_space<semaphore_mem>> -> memref<!tpu.dma_semaphore, #tpu.memory_space<semaphore_mem>>
      tpu.enqueue_indirect_dma source(%arg13 : memref<128x16xbf16, #tpu.memory_space<vmem>>) target(%dma_start3A_860 : memref<10240x16xbf16, #tpu.memory_space<vmem_shared>>) offsets(%dma_start3A_857 : memref<128xi32, #tpu.memory_space<vmem>>) semaphore(%dma_start3A_862 : memref<!tpu.dma_semaphore, #tpu.memory_space<semaphore_mem>>) {add = true}
    } else {
    }
    %dma_wait3A_438 = arith.constant 2 : i32
    %dma_wait3A_439 = arith.constant 2 : i32
    %dma_wait3A_440 = arith.constant 0 : i32
    %dma_wait3A_441 = arith.constant 0 : i32
    %dma_wait3A_442 = tpu.memref_slice %arg12[%dma_wait3A_438, %dma_wait3A_440, %dma_wait3A_441] : memref<8x128x64xbf16, #tpu.memory_space<vmem>> -> memref<1x128x64xbf16, #tpu.memory_space<vmem>>
    %dma_wait3A_443 = tpu.memref_squeeze %dma_wait3A_442 : memref<1x128x64xbf16, #tpu.memory_space<vmem>> -> memref<128x64xbf16, #tpu.memory_space<vmem>>
    %dma_wait3A_444 = arith.constant 0 : i32
    %dma_wait3A_445 = arith.constant 0 : i32
    %dma_wait3A_446 = tpu.memref_slice %arg2[%dma_wait3A_444, %dma_wait3A_445] : memref<20480x64xbf16, #tpu.memory_space<hbm>> -> memref<128x64xbf16, #tpu.memory_space<hbm>>
    %dma_wait3A_447 = tpu.memref_slice %arg18[%dma_wait3A_439] : memref<8x!tpu.dma_semaphore, #tpu.memory_space<semaphore_mem>> -> memref<1x!tpu.dma_semaphore, #tpu.memory_space<semaphore_mem>>
    %dma_wait3A_448 = tpu.memref_squeeze %dma_wait3A_447 : memref<1x!tpu.dma_semaphore, #tpu.memory_space<semaphore_mem>> -> memref<!tpu.dma_semaphore, #tpu.memory_space<semaphore_mem>>
    %dma_wait3A_449 = arith.constant 0 : i32
    %dma_wait3A_450 = arith.constant 0 : i32
    %dma_wait3A_451 = tpu.memref_slice %arg12[%dma_wait3A_438, %dma_wait3A_449, %dma_wait3A_450] : memref<8x128x64xbf16, #tpu.memory_space<vmem>> -> memref<1x128x64xbf16, #tpu.memory_space<vmem>>
    %dma_wait3A_452 = tpu.memref_squeeze %dma_wait3A_451 : memref<1x128x64xbf16, #tpu.memory_space<vmem>> -> memref<128x64xbf16, #tpu.memory_space<vmem>>
    %dma_wait3A_453 = arith.constant 0 : i32
    %dma_wait3A_454 = arith.constant 0 : i32
    %dma_wait3A_455 = tpu.memref_slice %arg2[%dma_wait3A_453, %dma_wait3A_454] : memref<20480x64xbf16, #tpu.memory_space<hbm>> -> memref<128x64xbf16, #tpu.memory_space<hbm>>
    tpu.wait_dma2 semaphore(%dma_wait3A_448 : memref<!tpu.dma_semaphore, #tpu.memory_space<semaphore_mem>>) src(%dma_wait3A_455 : memref<128x64xbf16, #tpu.memory_space<hbm>>) dst(%dma_wait3A_452 : memref<128x64xbf16, #tpu.memory_space<vmem>>)
    %dma_start3A_456 = arith.constant 2 : i32
    %dma_start3A_457 = arith.constant 154 : i32
    %dma_start3A_458 = arith.constant 2 : i32
    %dma_start3A_459 = arith.constant 0 : i32
    %dma_start3A_460 = arith.constant 0 : i32
    %dma_start3A_461 = tpu.memref_slice %arg12[%dma_start3A_456, %dma_start3A_459, %dma_start3A_460] : memref<8x128x64xbf16, #tpu.memory_space<vmem>> -> memref<1x128x64xbf16, #tpu.memory_space<vmem>>
    %dma_start3A_462 = tpu.memref_squeeze %dma_start3A_461 : memref<1x128x64xbf16, #tpu.memory_space<vmem>> -> memref<128x64xbf16, #tpu.memory_space<vmem>>
    %dma_start3A_463 = arith.constant 0 : i32
    %dma_start3A_464 = tpu.memref_slice %arg11[%dma_start3A_457, %dma_start3A_463] : memref<160x128xi32, #tpu.memory_space<vmem>> -> memref<1x128xi32, #tpu.memory_space<vmem>>
    %dma_start3A_465 = tpu.memref_squeeze %dma_start3A_464 : memref<1x128xi32, #tpu.memory_space<vmem>> -> memref<128xi32, #tpu.memory_space<vmem>>
    %dma_start3A_466 = arith.constant 0 : i32
    %dma_start3A_467 = arith.constant 0 : i32
    %dma_start3A_468 = tpu.memref_slice %arg16[%dma_start3A_466, %dma_start3A_467] : memref<10240x64xbf16, #tpu.memory_space<vmem_shared>> -> memref<10240x64xbf16, #tpu.memory_space<vmem_shared>>
    %dma_start3A_469 = tpu.memref_slice %arg19[%dma_start3A_458] : memref<8x!tpu.dma_semaphore, #tpu.memory_space<semaphore_mem>> -> memref<1x!tpu.dma_semaphore, #tpu.memory_space<semaphore_mem>>
    %dma_start3A_470 = tpu.memref_squeeze %dma_start3A_469 : memref<1x!tpu.dma_semaphore, #tpu.memory_space<semaphore_mem>> -> memref<!tpu.dma_semaphore, #tpu.memory_space<semaphore_mem>>
    tpu.enqueue_indirect_dma source(%dma_start3A_462 : memref<128x64xbf16, #tpu.memory_space<vmem>>) target(%dma_start3A_468 : memref<10240x64xbf16, #tpu.memory_space<vmem_shared>>) offsets(%dma_start3A_465 : memref<128xi32, #tpu.memory_space<vmem>>) semaphore(%dma_start3A_470 : memref<!tpu.dma_semaphore, #tpu.memory_space<semaphore_mem>>) {add = true}
    %eq3A_471 = arith.constant 0 : i32
    %eq3A_472 = arith.cmpi eq, %arg0, %eq3A_471 : i32
    %convert_element_type3A_473 = arith.extui %eq3A_472 : i1 to i32
    %cond3A_474 = arith.constant 0 : i32
    %cond3A_475 = arith.cmpi ne, %convert_element_type3A_473, %cond3A_474 : i32
    scf.if %cond3A_475 {
      %dma_start3A_853 = arith.constant 154 : i32
      %dma_start3A_854 = arith.constant 2 : i32
      %dma_start3A_855 = arith.constant 0 : i32
      %dma_start3A_856 = tpu.memref_slice %arg11[%dma_start3A_853, %dma_start3A_855] : memref<160x128xi32, #tpu.memory_space<vmem>> -> memref<1x128xi32, #tpu.memory_space<vmem>>
      %dma_start3A_857 = tpu.memref_squeeze %dma_start3A_856 : memref<1x128xi32, #tpu.memory_space<vmem>> -> memref<128xi32, #tpu.memory_space<vmem>>
      %dma_start3A_858 = arith.constant 0 : i32
      %dma_start3A_859 = arith.constant 0 : i32
      %dma_start3A_860 = tpu.memref_slice %arg17[%dma_start3A_858, %dma_start3A_859] : memref<10240x16xbf16, #tpu.memory_space<vmem_shared>> -> memref<10240x16xbf16, #tpu.memory_space<vmem_shared>>
      %dma_start3A_861 = tpu.memref_slice %arg20[%dma_start3A_854] : memref<8x!tpu.dma_semaphore, #tpu.memory_space<semaphore_mem>> -> memref<1x!tpu.dma_semaphore, #tpu.memory_space<semaphore_mem>>
      %dma_start3A_862 = tpu.memref_squeeze %dma_start3A_861 : memref<1x!tpu.dma_semaphore, #tpu.memory_space<semaphore_mem>> -> memref<!tpu.dma_semaphore, #tpu.memory_space<semaphore_mem>>
      tpu.enqueue_indirect_dma source(%arg13 : memref<128x16xbf16, #tpu.memory_space<vmem>>) target(%dma_start3A_860 : memref<10240x16xbf16, #tpu.memory_space<vmem_shared>>) offsets(%dma_start3A_857 : memref<128xi32, #tpu.memory_space<vmem>>) semaphore(%dma_start3A_862 : memref<!tpu.dma_semaphore, #tpu.memory_space<semaphore_mem>>) {add = true}
    } else {
    }
    %dma_wait3A_476 = arith.constant 3 : i32
    %dma_wait3A_477 = arith.constant 3 : i32
    %dma_wait3A_478 = arith.constant 0 : i32
    %dma_wait3A_479 = arith.constant 0 : i32
    %dma_wait3A_480 = tpu.memref_slice %arg12[%dma_wait3A_476, %dma_wait3A_478, %dma_wait3A_479] : memref<8x128x64xbf16, #tpu.memory_space<vmem>> -> memref<1x128x64xbf16, #tpu.memory_space<vmem>>
    %dma_wait3A_481 = tpu.memref_squeeze %dma_wait3A_480 : memref<1x128x64xbf16, #tpu.memory_space<vmem>> -> memref<128x64xbf16, #tpu.memory_space<vmem>>
    %dma_wait3A_482 = arith.constant 0 : i32
    %dma_wait3A_483 = arith.constant 0 : i32
    %dma_wait3A_484 = tpu.memref_slice %arg2[%dma_wait3A_482, %dma_wait3A_483] : memref<20480x64xbf16, #tpu.memory_space<hbm>> -> memref<128x64xbf16, #tpu.memory_space<hbm>>
    %dma_wait3A_485 = tpu.memref_slice %arg18[%dma_wait3A_477] : memref<8x!tpu.dma_semaphore, #tpu.memory_space<semaphore_mem>> -> memref<1x!tpu.dma_semaphore, #tpu.memory_space<semaphore_mem>>
    %dma_wait3A_486 = tpu.memref_squeeze %dma_wait3A_485 : memref<1x!tpu.dma_semaphore, #tpu.memory_space<semaphore_mem>> -> memref<!tpu.dma_semaphore, #tpu.memory_space<semaphore_mem>>
    %dma_wait3A_487 = arith.constant 0 : i32
    %dma_wait3A_488 = arith.constant 0 : i32
    %dma_wait3A_489 = tpu.memref_slice %arg12[%dma_wait3A_476, %dma_wait3A_487, %dma_wait3A_488] : memref<8x128x64xbf16, #tpu.memory_space<vmem>> -> memref<1x128x64xbf16, #tpu.memory_space<vmem>>
    %dma_wait3A_490 = tpu.memref_squeeze %dma_wait3A_489 : memref<1x128x64xbf16, #tpu.memory_space<vmem>> -> memref<128x64xbf16, #tpu.memory_space<vmem>>
    %dma_wait3A_491 = arith.constant 0 : i32
    %dma_wait3A_492 = arith.constant 0 : i32
    %dma_wait3A_493 = tpu.memref_slice %arg2[%dma_wait3A_491, %dma_wait3A_492] : memref<20480x64xbf16, #tpu.memory_space<hbm>> -> memref<128x64xbf16, #tpu.memory_space<hbm>>
    tpu.wait_dma2 semaphore(%dma_wait3A_486 : memref<!tpu.dma_semaphore, #tpu.memory_space<semaphore_mem>>) src(%dma_wait3A_493 : memref<128x64xbf16, #tpu.memory_space<hbm>>) dst(%dma_wait3A_490 : memref<128x64xbf16, #tpu.memory_space<vmem>>)
    %dma_start3A_494 = arith.constant 3 : i32
    %dma_start3A_495 = arith.constant 155 : i32
    %dma_start3A_496 = arith.constant 3 : i32
    %dma_start3A_497 = arith.constant 0 : i32
    %dma_start3A_498 = arith.constant 0 : i32
    %dma_start3A_499 = tpu.memref_slice %arg12[%dma_start3A_494, %dma_start3A_497, %dma_start3A_498] : memref<8x128x64xbf16, #tpu.memory_space<vmem>> -> memref<1x128x64xbf16, #tpu.memory_space<vmem>>
    %dma_start3A_500 = tpu.memref_squeeze %dma_start3A_499 : memref<1x128x64xbf16, #tpu.memory_space<vmem>> -> memref<128x64xbf16, #tpu.memory_space<vmem>>
    %dma_start3A_501 = arith.constant 0 : i32
    %dma_start3A_502 = tpu.memref_slice %arg11[%dma_start3A_495, %dma_start3A_501] : memref<160x128xi32, #tpu.memory_space<vmem>> -> memref<1x128xi32, #tpu.memory_space<vmem>>
    %dma_start3A_503 = tpu.memref_squeeze %dma_start3A_502 : memref<1x128xi32, #tpu.memory_space<vmem>> -> memref<128xi32, #tpu.memory_space<vmem>>
    %dma_start3A_504 = arith.constant 0 : i32
    %dma_start3A_505 = arith.constant 0 : i32
    %dma_start3A_506 = tpu.memref_slice %arg16[%dma_start3A_504, %dma_start3A_505] : memref<10240x64xbf16, #tpu.memory_space<vmem_shared>> -> memref<10240x64xbf16, #tpu.memory_space<vmem_shared>>
    %dma_start3A_507 = tpu.memref_slice %arg19[%dma_start3A_496] : memref<8x!tpu.dma_semaphore, #tpu.memory_space<semaphore_mem>> -> memref<1x!tpu.dma_semaphore, #tpu.memory_space<semaphore_mem>>
    %dma_start3A_508 = tpu.memref_squeeze %dma_start3A_507 : memref<1x!tpu.dma_semaphore, #tpu.memory_space<semaphore_mem>> -> memref<!tpu.dma_semaphore, #tpu.memory_space<semaphore_mem>>
    tpu.enqueue_indirect_dma source(%dma_start3A_500 : memref<128x64xbf16, #tpu.memory_space<vmem>>) target(%dma_start3A_506 : memref<10240x64xbf16, #tpu.memory_space<vmem_shared>>) offsets(%dma_start3A_503 : memref<128xi32, #tpu.memory_space<vmem>>) semaphore(%dma_start3A_508 : memref<!tpu.dma_semaphore, #tpu.memory_space<semaphore_mem>>) {add = true}
    %eq3A_509 = arith.constant 1 : i32
    %eq3A_510 = arith.cmpi eq, %arg0, %eq3A_509 : i32
    %convert_element_type3A_511 = arith.extui %eq3A_510 : i1 to i32
    %cond3A_512 = arith.constant 0 : i32
    %cond3A_513 = arith.cmpi ne, %convert_element_type3A_511, %cond3A_512 : i32
    scf.if %cond3A_513 {
      %dma_start3A_853 = arith.constant 155 : i32
      %dma_start3A_854 = arith.constant 3 : i32
      %dma_start3A_855 = arith.constant 0 : i32
      %dma_start3A_856 = tpu.memref_slice %arg11[%dma_start3A_853, %dma_start3A_855] : memref<160x128xi32, #tpu.memory_space<vmem>> -> memref<1x128xi32, #tpu.memory_space<vmem>>
      %dma_start3A_857 = tpu.memref_squeeze %dma_start3A_856 : memref<1x128xi32, #tpu.memory_space<vmem>> -> memref<128xi32, #tpu.memory_space<vmem>>
      %dma_start3A_858 = arith.constant 0 : i32
      %dma_start3A_859 = arith.constant 0 : i32
      %dma_start3A_860 = tpu.memref_slice %arg17[%dma_start3A_858, %dma_start3A_859] : memref<10240x16xbf16, #tpu.memory_space<vmem_shared>> -> memref<10240x16xbf16, #tpu.memory_space<vmem_shared>>
      %dma_start3A_861 = tpu.memref_slice %arg20[%dma_start3A_854] : memref<8x!tpu.dma_semaphore, #tpu.memory_space<semaphore_mem>> -> memref<1x!tpu.dma_semaphore, #tpu.memory_space<semaphore_mem>>
      %dma_start3A_862 = tpu.memref_squeeze %dma_start3A_861 : memref<1x!tpu.dma_semaphore, #tpu.memory_space<semaphore_mem>> -> memref<!tpu.dma_semaphore, #tpu.memory_space<semaphore_mem>>
      tpu.enqueue_indirect_dma source(%arg13 : memref<128x16xbf16, #tpu.memory_space<vmem>>) target(%dma_start3A_860 : memref<10240x16xbf16, #tpu.memory_space<vmem_shared>>) offsets(%dma_start3A_857 : memref<128xi32, #tpu.memory_space<vmem>>) semaphore(%dma_start3A_862 : memref<!tpu.dma_semaphore, #tpu.memory_space<semaphore_mem>>) {add = true}
    } else {
    }
    %dma_wait3A_514 = arith.constant 4 : i32
    %dma_wait3A_515 = arith.constant 4 : i32
    %dma_wait3A_516 = arith.constant 0 : i32
    %dma_wait3A_517 = arith.constant 0 : i32
    %dma_wait3A_518 = tpu.memref_slice %arg12[%dma_wait3A_514, %dma_wait3A_516, %dma_wait3A_517] : memref<8x128x64xbf16, #tpu.memory_space<vmem>> -> memref<1x128x64xbf16, #tpu.memory_space<vmem>>
    %dma_wait3A_519 = tpu.memref_squeeze %dma_wait3A_518 : memref<1x128x64xbf16, #tpu.memory_space<vmem>> -> memref<128x64xbf16, #tpu.memory_space<vmem>>
    %dma_wait3A_520 = arith.constant 0 : i32
    %dma_wait3A_521 = arith.constant 0 : i32
    %dma_wait3A_522 = tpu.memref_slice %arg2[%dma_wait3A_520, %dma_wait3A_521] : memref<20480x64xbf16, #tpu.memory_space<hbm>> -> memref<128x64xbf16, #tpu.memory_space<hbm>>
    %dma_wait3A_523 = tpu.memref_slice %arg18[%dma_wait3A_515] : memref<8x!tpu.dma_semaphore, #tpu.memory_space<semaphore_mem>> -> memref<1x!tpu.dma_semaphore, #tpu.memory_space<semaphore_mem>>
    %dma_wait3A_524 = tpu.memref_squeeze %dma_wait3A_523 : memref<1x!tpu.dma_semaphore, #tpu.memory_space<semaphore_mem>> -> memref<!tpu.dma_semaphore, #tpu.memory_space<semaphore_mem>>
    %dma_wait3A_525 = arith.constant 0 : i32
    %dma_wait3A_526 = arith.constant 0 : i32
    %dma_wait3A_527 = tpu.memref_slice %arg12[%dma_wait3A_514, %dma_wait3A_525, %dma_wait3A_526] : memref<8x128x64xbf16, #tpu.memory_space<vmem>> -> memref<1x128x64xbf16, #tpu.memory_space<vmem>>
    %dma_wait3A_528 = tpu.memref_squeeze %dma_wait3A_527 : memref<1x128x64xbf16, #tpu.memory_space<vmem>> -> memref<128x64xbf16, #tpu.memory_space<vmem>>
    %dma_wait3A_529 = arith.constant 0 : i32
    %dma_wait3A_530 = arith.constant 0 : i32
    %dma_wait3A_531 = tpu.memref_slice %arg2[%dma_wait3A_529, %dma_wait3A_530] : memref<20480x64xbf16, #tpu.memory_space<hbm>> -> memref<128x64xbf16, #tpu.memory_space<hbm>>
    tpu.wait_dma2 semaphore(%dma_wait3A_524 : memref<!tpu.dma_semaphore, #tpu.memory_space<semaphore_mem>>) src(%dma_wait3A_531 : memref<128x64xbf16, #tpu.memory_space<hbm>>) dst(%dma_wait3A_528 : memref<128x64xbf16, #tpu.memory_space<vmem>>)
    %dma_start3A_532 = arith.constant 4 : i32
    %dma_start3A_533 = arith.constant 156 : i32
    %dma_start3A_534 = arith.constant 4 : i32
    %dma_start3A_535 = arith.constant 0 : i32
    %dma_start3A_536 = arith.constant 0 : i32
    %dma_start3A_537 = tpu.memref_slice %arg12[%dma_start3A_532, %dma_start3A_535, %dma_start3A_536] : memref<8x128x64xbf16, #tpu.memory_space<vmem>> -> memref<1x128x64xbf16, #tpu.memory_space<vmem>>
    %dma_start3A_538 = tpu.memref_squeeze %dma_start3A_537 : memref<1x128x64xbf16, #tpu.memory_space<vmem>> -> memref<128x64xbf16, #tpu.memory_space<vmem>>
    %dma_start3A_539 = arith.constant 0 : i32
    %dma_start3A_540 = tpu.memref_slice %arg11[%dma_start3A_533, %dma_start3A_539] : memref<160x128xi32, #tpu.memory_space<vmem>> -> memref<1x128xi32, #tpu.memory_space<vmem>>
    %dma_start3A_541 = tpu.memref_squeeze %dma_start3A_540 : memref<1x128xi32, #tpu.memory_space<vmem>> -> memref<128xi32, #tpu.memory_space<vmem>>
    %dma_start3A_542 = arith.constant 0 : i32
    %dma_start3A_543 = arith.constant 0 : i32
    %dma_start3A_544 = tpu.memref_slice %arg16[%dma_start3A_542, %dma_start3A_543] : memref<10240x64xbf16, #tpu.memory_space<vmem_shared>> -> memref<10240x64xbf16, #tpu.memory_space<vmem_shared>>
    %dma_start3A_545 = tpu.memref_slice %arg19[%dma_start3A_534] : memref<8x!tpu.dma_semaphore, #tpu.memory_space<semaphore_mem>> -> memref<1x!tpu.dma_semaphore, #tpu.memory_space<semaphore_mem>>
    %dma_start3A_546 = tpu.memref_squeeze %dma_start3A_545 : memref<1x!tpu.dma_semaphore, #tpu.memory_space<semaphore_mem>> -> memref<!tpu.dma_semaphore, #tpu.memory_space<semaphore_mem>>
    tpu.enqueue_indirect_dma source(%dma_start3A_538 : memref<128x64xbf16, #tpu.memory_space<vmem>>) target(%dma_start3A_544 : memref<10240x64xbf16, #tpu.memory_space<vmem_shared>>) offsets(%dma_start3A_541 : memref<128xi32, #tpu.memory_space<vmem>>) semaphore(%dma_start3A_546 : memref<!tpu.dma_semaphore, #tpu.memory_space<semaphore_mem>>) {add = true}
    %eq3A_547 = arith.constant 0 : i32
    %eq3A_548 = arith.cmpi eq, %arg0, %eq3A_547 : i32
    %convert_element_type3A_549 = arith.extui %eq3A_548 : i1 to i32
    %cond3A_550 = arith.constant 0 : i32
    %cond3A_551 = arith.cmpi ne, %convert_element_type3A_549, %cond3A_550 : i32
    scf.if %cond3A_551 {
      %dma_start3A_853 = arith.constant 156 : i32
      %dma_start3A_854 = arith.constant 4 : i32
      %dma_start3A_855 = arith.constant 0 : i32
      %dma_start3A_856 = tpu.memref_slice %arg11[%dma_start3A_853, %dma_start3A_855] : memref<160x128xi32, #tpu.memory_space<vmem>> -> memref<1x128xi32, #tpu.memory_space<vmem>>
      %dma_start3A_857 = tpu.memref_squeeze %dma_start3A_856 : memref<1x128xi32, #tpu.memory_space<vmem>> -> memref<128xi32, #tpu.memory_space<vmem>>
      %dma_start3A_858 = arith.constant 0 : i32
      %dma_start3A_859 = arith.constant 0 : i32
      %dma_start3A_860 = tpu.memref_slice %arg17[%dma_start3A_858, %dma_start3A_859] : memref<10240x16xbf16, #tpu.memory_space<vmem_shared>> -> memref<10240x16xbf16, #tpu.memory_space<vmem_shared>>
      %dma_start3A_861 = tpu.memref_slice %arg20[%dma_start3A_854] : memref<8x!tpu.dma_semaphore, #tpu.memory_space<semaphore_mem>> -> memref<1x!tpu.dma_semaphore, #tpu.memory_space<semaphore_mem>>
      %dma_start3A_862 = tpu.memref_squeeze %dma_start3A_861 : memref<1x!tpu.dma_semaphore, #tpu.memory_space<semaphore_mem>> -> memref<!tpu.dma_semaphore, #tpu.memory_space<semaphore_mem>>
      tpu.enqueue_indirect_dma source(%arg13 : memref<128x16xbf16, #tpu.memory_space<vmem>>) target(%dma_start3A_860 : memref<10240x16xbf16, #tpu.memory_space<vmem_shared>>) offsets(%dma_start3A_857 : memref<128xi32, #tpu.memory_space<vmem>>) semaphore(%dma_start3A_862 : memref<!tpu.dma_semaphore, #tpu.memory_space<semaphore_mem>>) {add = true}
    } else {
    }
    %dma_wait3A_552 = arith.constant 5 : i32
    %dma_wait3A_553 = arith.constant 5 : i32
    %dma_wait3A_554 = arith.constant 0 : i32
    %dma_wait3A_555 = arith.constant 0 : i32
    %dma_wait3A_556 = tpu.memref_slice %arg12[%dma_wait3A_552, %dma_wait3A_554, %dma_wait3A_555] : memref<8x128x64xbf16, #tpu.memory_space<vmem>> -> memref<1x128x64xbf16, #tpu.memory_space<vmem>>
    %dma_wait3A_557 = tpu.memref_squeeze %dma_wait3A_556 : memref<1x128x64xbf16, #tpu.memory_space<vmem>> -> memref<128x64xbf16, #tpu.memory_space<vmem>>
    %dma_wait3A_558 = arith.constant 0 : i32
    %dma_wait3A_559 = arith.constant 0 : i32
    %dma_wait3A_560 = tpu.memref_slice %arg2[%dma_wait3A_558, %dma_wait3A_559] : memref<20480x64xbf16, #tpu.memory_space<hbm>> -> memref<128x64xbf16, #tpu.memory_space<hbm>>
    %dma_wait3A_561 = tpu.memref_slice %arg18[%dma_wait3A_553] : memref<8x!tpu.dma_semaphore, #tpu.memory_space<semaphore_mem>> -> memref<1x!tpu.dma_semaphore, #tpu.memory_space<semaphore_mem>>
    %dma_wait3A_562 = tpu.memref_squeeze %dma_wait3A_561 : memref<1x!tpu.dma_semaphore, #tpu.memory_space<semaphore_mem>> -> memref<!tpu.dma_semaphore, #tpu.memory_space<semaphore_mem>>
    %dma_wait3A_563 = arith.constant 0 : i32
    %dma_wait3A_564 = arith.constant 0 : i32
    %dma_wait3A_565 = tpu.memref_slice %arg12[%dma_wait3A_552, %dma_wait3A_563, %dma_wait3A_564] : memref<8x128x64xbf16, #tpu.memory_space<vmem>> -> memref<1x128x64xbf16, #tpu.memory_space<vmem>>
    %dma_wait3A_566 = tpu.memref_squeeze %dma_wait3A_565 : memref<1x128x64xbf16, #tpu.memory_space<vmem>> -> memref<128x64xbf16, #tpu.memory_space<vmem>>
    %dma_wait3A_567 = arith.constant 0 : i32
    %dma_wait3A_568 = arith.constant 0 : i32
    %dma_wait3A_569 = tpu.memref_slice %arg2[%dma_wait3A_567, %dma_wait3A_568] : memref<20480x64xbf16, #tpu.memory_space<hbm>> -> memref<128x64xbf16, #tpu.memory_space<hbm>>
    tpu.wait_dma2 semaphore(%dma_wait3A_562 : memref<!tpu.dma_semaphore, #tpu.memory_space<semaphore_mem>>) src(%dma_wait3A_569 : memref<128x64xbf16, #tpu.memory_space<hbm>>) dst(%dma_wait3A_566 : memref<128x64xbf16, #tpu.memory_space<vmem>>)
    %dma_start3A_570 = arith.constant 5 : i32
    %dma_start3A_571 = arith.constant 157 : i32
    %dma_start3A_572 = arith.constant 5 : i32
    %dma_start3A_573 = arith.constant 0 : i32
    %dma_start3A_574 = arith.constant 0 : i32
    %dma_start3A_575 = tpu.memref_slice %arg12[%dma_start3A_570, %dma_start3A_573, %dma_start3A_574] : memref<8x128x64xbf16, #tpu.memory_space<vmem>> -> memref<1x128x64xbf16, #tpu.memory_space<vmem>>
    %dma_start3A_576 = tpu.memref_squeeze %dma_start3A_575 : memref<1x128x64xbf16, #tpu.memory_space<vmem>> -> memref<128x64xbf16, #tpu.memory_space<vmem>>
    %dma_start3A_577 = arith.constant 0 : i32
    %dma_start3A_578 = tpu.memref_slice %arg11[%dma_start3A_571, %dma_start3A_577] : memref<160x128xi32, #tpu.memory_space<vmem>> -> memref<1x128xi32, #tpu.memory_space<vmem>>
    %dma_start3A_579 = tpu.memref_squeeze %dma_start3A_578 : memref<1x128xi32, #tpu.memory_space<vmem>> -> memref<128xi32, #tpu.memory_space<vmem>>
    %dma_start3A_580 = arith.constant 0 : i32
    %dma_start3A_581 = arith.constant 0 : i32
    %dma_start3A_582 = tpu.memref_slice %arg16[%dma_start3A_580, %dma_start3A_581] : memref<10240x64xbf16, #tpu.memory_space<vmem_shared>> -> memref<10240x64xbf16, #tpu.memory_space<vmem_shared>>
    %dma_start3A_583 = tpu.memref_slice %arg19[%dma_start3A_572] : memref<8x!tpu.dma_semaphore, #tpu.memory_space<semaphore_mem>> -> memref<1x!tpu.dma_semaphore, #tpu.memory_space<semaphore_mem>>
    %dma_start3A_584 = tpu.memref_squeeze %dma_start3A_583 : memref<1x!tpu.dma_semaphore, #tpu.memory_space<semaphore_mem>> -> memref<!tpu.dma_semaphore, #tpu.memory_space<semaphore_mem>>
    tpu.enqueue_indirect_dma source(%dma_start3A_576 : memref<128x64xbf16, #tpu.memory_space<vmem>>) target(%dma_start3A_582 : memref<10240x64xbf16, #tpu.memory_space<vmem_shared>>) offsets(%dma_start3A_579 : memref<128xi32, #tpu.memory_space<vmem>>) semaphore(%dma_start3A_584 : memref<!tpu.dma_semaphore, #tpu.memory_space<semaphore_mem>>) {add = true}
    %eq3A_585 = arith.constant 1 : i32
    %eq3A_586 = arith.cmpi eq, %arg0, %eq3A_585 : i32
    %convert_element_type3A_587 = arith.extui %eq3A_586 : i1 to i32
    %cond3A_588 = arith.constant 0 : i32
    %cond3A_589 = arith.cmpi ne, %convert_element_type3A_587, %cond3A_588 : i32
    scf.if %cond3A_589 {
      %dma_start3A_853 = arith.constant 157 : i32
      %dma_start3A_854 = arith.constant 5 : i32
      %dma_start3A_855 = arith.constant 0 : i32
      %dma_start3A_856 = tpu.memref_slice %arg11[%dma_start3A_853, %dma_start3A_855] : memref<160x128xi32, #tpu.memory_space<vmem>> -> memref<1x128xi32, #tpu.memory_space<vmem>>
      %dma_start3A_857 = tpu.memref_squeeze %dma_start3A_856 : memref<1x128xi32, #tpu.memory_space<vmem>> -> memref<128xi32, #tpu.memory_space<vmem>>
      %dma_start3A_858 = arith.constant 0 : i32
      %dma_start3A_859 = arith.constant 0 : i32
      %dma_start3A_860 = tpu.memref_slice %arg17[%dma_start3A_858, %dma_start3A_859] : memref<10240x16xbf16, #tpu.memory_space<vmem_shared>> -> memref<10240x16xbf16, #tpu.memory_space<vmem_shared>>
      %dma_start3A_861 = tpu.memref_slice %arg20[%dma_start3A_854] : memref<8x!tpu.dma_semaphore, #tpu.memory_space<semaphore_mem>> -> memref<1x!tpu.dma_semaphore, #tpu.memory_space<semaphore_mem>>
      %dma_start3A_862 = tpu.memref_squeeze %dma_start3A_861 : memref<1x!tpu.dma_semaphore, #tpu.memory_space<semaphore_mem>> -> memref<!tpu.dma_semaphore, #tpu.memory_space<semaphore_mem>>
      tpu.enqueue_indirect_dma source(%arg13 : memref<128x16xbf16, #tpu.memory_space<vmem>>) target(%dma_start3A_860 : memref<10240x16xbf16, #tpu.memory_space<vmem_shared>>) offsets(%dma_start3A_857 : memref<128xi32, #tpu.memory_space<vmem>>) semaphore(%dma_start3A_862 : memref<!tpu.dma_semaphore, #tpu.memory_space<semaphore_mem>>) {add = true}
    } else {
    }
    %dma_wait3A_590 = arith.constant 6 : i32
    %dma_wait3A_591 = arith.constant 6 : i32
    %dma_wait3A_592 = arith.constant 0 : i32
    %dma_wait3A_593 = arith.constant 0 : i32
    %dma_wait3A_594 = tpu.memref_slice %arg12[%dma_wait3A_590, %dma_wait3A_592, %dma_wait3A_593] : memref<8x128x64xbf16, #tpu.memory_space<vmem>> -> memref<1x128x64xbf16, #tpu.memory_space<vmem>>
    %dma_wait3A_595 = tpu.memref_squeeze %dma_wait3A_594 : memref<1x128x64xbf16, #tpu.memory_space<vmem>> -> memref<128x64xbf16, #tpu.memory_space<vmem>>
    %dma_wait3A_596 = arith.constant 0 : i32
    %dma_wait3A_597 = arith.constant 0 : i32
    %dma_wait3A_598 = tpu.memref_slice %arg2[%dma_wait3A_596, %dma_wait3A_597] : memref<20480x64xbf16, #tpu.memory_space<hbm>> -> memref<128x64xbf16, #tpu.memory_space<hbm>>
    %dma_wait3A_599 = tpu.memref_slice %arg18[%dma_wait3A_591] : memref<8x!tpu.dma_semaphore, #tpu.memory_space<semaphore_mem>> -> memref<1x!tpu.dma_semaphore, #tpu.memory_space<semaphore_mem>>
    %dma_wait3A_600 = tpu.memref_squeeze %dma_wait3A_599 : memref<1x!tpu.dma_semaphore, #tpu.memory_space<semaphore_mem>> -> memref<!tpu.dma_semaphore, #tpu.memory_space<semaphore_mem>>
    %dma_wait3A_601 = arith.constant 0 : i32
    %dma_wait3A_602 = arith.constant 0 : i32
    %dma_wait3A_603 = tpu.memref_slice %arg12[%dma_wait3A_590, %dma_wait3A_601, %dma_wait3A_602] : memref<8x128x64xbf16, #tpu.memory_space<vmem>> -> memref<1x128x64xbf16, #tpu.memory_space<vmem>>
    %dma_wait3A_604 = tpu.memref_squeeze %dma_wait3A_603 : memref<1x128x64xbf16, #tpu.memory_space<vmem>> -> memref<128x64xbf16, #tpu.memory_space<vmem>>
    %dma_wait3A_605 = arith.constant 0 : i32
    %dma_wait3A_606 = arith.constant 0 : i32
    %dma_wait3A_607 = tpu.memref_slice %arg2[%dma_wait3A_605, %dma_wait3A_606] : memref<20480x64xbf16, #tpu.memory_space<hbm>> -> memref<128x64xbf16, #tpu.memory_space<hbm>>
    tpu.wait_dma2 semaphore(%dma_wait3A_600 : memref<!tpu.dma_semaphore, #tpu.memory_space<semaphore_mem>>) src(%dma_wait3A_607 : memref<128x64xbf16, #tpu.memory_space<hbm>>) dst(%dma_wait3A_604 : memref<128x64xbf16, #tpu.memory_space<vmem>>)
    %dma_start3A_608 = arith.constant 6 : i32
    %dma_start3A_609 = arith.constant 158 : i32
    %dma_start3A_610 = arith.constant 6 : i32
    %dma_start3A_611 = arith.constant 0 : i32
    %dma_start3A_612 = arith.constant 0 : i32
    %dma_start3A_613 = tpu.memref_slice %arg12[%dma_start3A_608, %dma_start3A_611, %dma_start3A_612] : memref<8x128x64xbf16, #tpu.memory_space<vmem>> -> memref<1x128x64xbf16, #tpu.memory_space<vmem>>
    %dma_start3A_614 = tpu.memref_squeeze %dma_start3A_613 : memref<1x128x64xbf16, #tpu.memory_space<vmem>> -> memref<128x64xbf16, #tpu.memory_space<vmem>>
    %dma_start3A_615 = arith.constant 0 : i32
    %dma_start3A_616 = tpu.memref_slice %arg11[%dma_start3A_609, %dma_start3A_615] : memref<160x128xi32, #tpu.memory_space<vmem>> -> memref<1x128xi32, #tpu.memory_space<vmem>>
    %dma_start3A_617 = tpu.memref_squeeze %dma_start3A_616 : memref<1x128xi32, #tpu.memory_space<vmem>> -> memref<128xi32, #tpu.memory_space<vmem>>
    %dma_start3A_618 = arith.constant 0 : i32
    %dma_start3A_619 = arith.constant 0 : i32
    %dma_start3A_620 = tpu.memref_slice %arg16[%dma_start3A_618, %dma_start3A_619] : memref<10240x64xbf16, #tpu.memory_space<vmem_shared>> -> memref<10240x64xbf16, #tpu.memory_space<vmem_shared>>
    %dma_start3A_621 = tpu.memref_slice %arg19[%dma_start3A_610] : memref<8x!tpu.dma_semaphore, #tpu.memory_space<semaphore_mem>> -> memref<1x!tpu.dma_semaphore, #tpu.memory_space<semaphore_mem>>
    %dma_start3A_622 = tpu.memref_squeeze %dma_start3A_621 : memref<1x!tpu.dma_semaphore, #tpu.memory_space<semaphore_mem>> -> memref<!tpu.dma_semaphore, #tpu.memory_space<semaphore_mem>>
    tpu.enqueue_indirect_dma source(%dma_start3A_614 : memref<128x64xbf16, #tpu.memory_space<vmem>>) target(%dma_start3A_620 : memref<10240x64xbf16, #tpu.memory_space<vmem_shared>>) offsets(%dma_start3A_617 : memref<128xi32, #tpu.memory_space<vmem>>) semaphore(%dma_start3A_622 : memref<!tpu.dma_semaphore, #tpu.memory_space<semaphore_mem>>) {add = true}
    %eq3A_623 = arith.constant 0 : i32
    %eq3A_624 = arith.cmpi eq, %arg0, %eq3A_623 : i32
    %convert_element_type3A_625 = arith.extui %eq3A_624 : i1 to i32
    %cond3A_626 = arith.constant 0 : i32
    %cond3A_627 = arith.cmpi ne, %convert_element_type3A_625, %cond3A_626 : i32
    scf.if %cond3A_627 {
      %dma_start3A_853 = arith.constant 158 : i32
      %dma_start3A_854 = arith.constant 6 : i32
      %dma_start3A_855 = arith.constant 0 : i32
      %dma_start3A_856 = tpu.memref_slice %arg11[%dma_start3A_853, %dma_start3A_855] : memref<160x128xi32, #tpu.memory_space<vmem>> -> memref<1x128xi32, #tpu.memory_space<vmem>>
      %dma_start3A_857 = tpu.memref_squeeze %dma_start3A_856 : memref<1x128xi32, #tpu.memory_space<vmem>> -> memref<128xi32, #tpu.memory_space<vmem>>
      %dma_start3A_858 = arith.constant 0 : i32
      %dma_start3A_859 = arith.constant 0 : i32
      %dma_start3A_860 = tpu.memref_slice %arg17[%dma_start3A_858, %dma_start3A_859] : memref<10240x16xbf16, #tpu.memory_space<vmem_shared>> -> memref<10240x16xbf16, #tpu.memory_space<vmem_shared>>
      %dma_start3A_861 = tpu.memref_slice %arg20[%dma_start3A_854] : memref<8x!tpu.dma_semaphore, #tpu.memory_space<semaphore_mem>> -> memref<1x!tpu.dma_semaphore, #tpu.memory_space<semaphore_mem>>
      %dma_start3A_862 = tpu.memref_squeeze %dma_start3A_861 : memref<1x!tpu.dma_semaphore, #tpu.memory_space<semaphore_mem>> -> memref<!tpu.dma_semaphore, #tpu.memory_space<semaphore_mem>>
      tpu.enqueue_indirect_dma source(%arg13 : memref<128x16xbf16, #tpu.memory_space<vmem>>) target(%dma_start3A_860 : memref<10240x16xbf16, #tpu.memory_space<vmem_shared>>) offsets(%dma_start3A_857 : memref<128xi32, #tpu.memory_space<vmem>>) semaphore(%dma_start3A_862 : memref<!tpu.dma_semaphore, #tpu.memory_space<semaphore_mem>>) {add = true}
    } else {
    }
    %dma_wait3A_628 = arith.constant 7 : i32
    %dma_wait3A_629 = arith.constant 7 : i32
    %dma_wait3A_630 = arith.constant 0 : i32
    %dma_wait3A_631 = arith.constant 0 : i32
    %dma_wait3A_632 = tpu.memref_slice %arg12[%dma_wait3A_628, %dma_wait3A_630, %dma_wait3A_631] : memref<8x128x64xbf16, #tpu.memory_space<vmem>> -> memref<1x128x64xbf16, #tpu.memory_space<vmem>>
    %dma_wait3A_633 = tpu.memref_squeeze %dma_wait3A_632 : memref<1x128x64xbf16, #tpu.memory_space<vmem>> -> memref<128x64xbf16, #tpu.memory_space<vmem>>
    %dma_wait3A_634 = arith.constant 0 : i32
    %dma_wait3A_635 = arith.constant 0 : i32
    %dma_wait3A_636 = tpu.memref_slice %arg2[%dma_wait3A_634, %dma_wait3A_635] : memref<20480x64xbf16, #tpu.memory_space<hbm>> -> memref<128x64xbf16, #tpu.memory_space<hbm>>
    %dma_wait3A_637 = tpu.memref_slice %arg18[%dma_wait3A_629] : memref<8x!tpu.dma_semaphore, #tpu.memory_space<semaphore_mem>> -> memref<1x!tpu.dma_semaphore, #tpu.memory_space<semaphore_mem>>
    %dma_wait3A_638 = tpu.memref_squeeze %dma_wait3A_637 : memref<1x!tpu.dma_semaphore, #tpu.memory_space<semaphore_mem>> -> memref<!tpu.dma_semaphore, #tpu.memory_space<semaphore_mem>>
    %dma_wait3A_639 = arith.constant 0 : i32
    %dma_wait3A_640 = arith.constant 0 : i32
    %dma_wait3A_641 = tpu.memref_slice %arg12[%dma_wait3A_628, %dma_wait3A_639, %dma_wait3A_640] : memref<8x128x64xbf16, #tpu.memory_space<vmem>> -> memref<1x128x64xbf16, #tpu.memory_space<vmem>>
    %dma_wait3A_642 = tpu.memref_squeeze %dma_wait3A_641 : memref<1x128x64xbf16, #tpu.memory_space<vmem>> -> memref<128x64xbf16, #tpu.memory_space<vmem>>
    %dma_wait3A_643 = arith.constant 0 : i32
    %dma_wait3A_644 = arith.constant 0 : i32
    %dma_wait3A_645 = tpu.memref_slice %arg2[%dma_wait3A_643, %dma_wait3A_644] : memref<20480x64xbf16, #tpu.memory_space<hbm>> -> memref<128x64xbf16, #tpu.memory_space<hbm>>
    tpu.wait_dma2 semaphore(%dma_wait3A_638 : memref<!tpu.dma_semaphore, #tpu.memory_space<semaphore_mem>>) src(%dma_wait3A_645 : memref<128x64xbf16, #tpu.memory_space<hbm>>) dst(%dma_wait3A_642 : memref<128x64xbf16, #tpu.memory_space<vmem>>)
    %dma_start3A_646 = arith.constant 7 : i32
    %dma_start3A_647 = arith.constant 159 : i32
    %dma_start3A_648 = arith.constant 7 : i32
    %dma_start3A_649 = arith.constant 0 : i32
    %dma_start3A_650 = arith.constant 0 : i32
    %dma_start3A_651 = tpu.memref_slice %arg12[%dma_start3A_646, %dma_start3A_649, %dma_start3A_650] : memref<8x128x64xbf16, #tpu.memory_space<vmem>> -> memref<1x128x64xbf16, #tpu.memory_space<vmem>>
    %dma_start3A_652 = tpu.memref_squeeze %dma_start3A_651 : memref<1x128x64xbf16, #tpu.memory_space<vmem>> -> memref<128x64xbf16, #tpu.memory_space<vmem>>
    %dma_start3A_653 = arith.constant 0 : i32
    %dma_start3A_654 = tpu.memref_slice %arg11[%dma_start3A_647, %dma_start3A_653] : memref<160x128xi32, #tpu.memory_space<vmem>> -> memref<1x128xi32, #tpu.memory_space<vmem>>
    %dma_start3A_655 = tpu.memref_squeeze %dma_start3A_654 : memref<1x128xi32, #tpu.memory_space<vmem>> -> memref<128xi32, #tpu.memory_space<vmem>>
    %dma_start3A_656 = arith.constant 0 : i32
    %dma_start3A_657 = arith.constant 0 : i32
    %dma_start3A_658 = tpu.memref_slice %arg16[%dma_start3A_656, %dma_start3A_657] : memref<10240x64xbf16, #tpu.memory_space<vmem_shared>> -> memref<10240x64xbf16, #tpu.memory_space<vmem_shared>>
    %dma_start3A_659 = tpu.memref_slice %arg19[%dma_start3A_648] : memref<8x!tpu.dma_semaphore, #tpu.memory_space<semaphore_mem>> -> memref<1x!tpu.dma_semaphore, #tpu.memory_space<semaphore_mem>>
    %dma_start3A_660 = tpu.memref_squeeze %dma_start3A_659 : memref<1x!tpu.dma_semaphore, #tpu.memory_space<semaphore_mem>> -> memref<!tpu.dma_semaphore, #tpu.memory_space<semaphore_mem>>
    tpu.enqueue_indirect_dma source(%dma_start3A_652 : memref<128x64xbf16, #tpu.memory_space<vmem>>) target(%dma_start3A_658 : memref<10240x64xbf16, #tpu.memory_space<vmem_shared>>) offsets(%dma_start3A_655 : memref<128xi32, #tpu.memory_space<vmem>>) semaphore(%dma_start3A_660 : memref<!tpu.dma_semaphore, #tpu.memory_space<semaphore_mem>>) {add = true}
    %eq3A_661 = arith.constant 1 : i32
    %eq3A_662 = arith.cmpi eq, %arg0, %eq3A_661 : i32
    %convert_element_type3A_663 = arith.extui %eq3A_662 : i1 to i32
    %cond3A_664 = arith.constant 0 : i32
    %cond3A_665 = arith.cmpi ne, %convert_element_type3A_663, %cond3A_664 : i32
    scf.if %cond3A_665 {
      %dma_start3A_853 = arith.constant 159 : i32
      %dma_start3A_854 = arith.constant 7 : i32
      %dma_start3A_855 = arith.constant 0 : i32
      %dma_start3A_856 = tpu.memref_slice %arg11[%dma_start3A_853, %dma_start3A_855] : memref<160x128xi32, #tpu.memory_space<vmem>> -> memref<1x128xi32, #tpu.memory_space<vmem>>
      %dma_start3A_857 = tpu.memref_squeeze %dma_start3A_856 : memref<1x128xi32, #tpu.memory_space<vmem>> -> memref<128xi32, #tpu.memory_space<vmem>>
      %dma_start3A_858 = arith.constant 0 : i32
      %dma_start3A_859 = arith.constant 0 : i32
      %dma_start3A_860 = tpu.memref_slice %arg17[%dma_start3A_858, %dma_start3A_859] : memref<10240x16xbf16, #tpu.memory_space<vmem_shared>> -> memref<10240x16xbf16, #tpu.memory_space<vmem_shared>>
      %dma_start3A_861 = tpu.memref_slice %arg20[%dma_start3A_854] : memref<8x!tpu.dma_semaphore, #tpu.memory_space<semaphore_mem>> -> memref<1x!tpu.dma_semaphore, #tpu.memory_space<semaphore_mem>>
      %dma_start3A_862 = tpu.memref_squeeze %dma_start3A_861 : memref<1x!tpu.dma_semaphore, #tpu.memory_space<semaphore_mem>> -> memref<!tpu.dma_semaphore, #tpu.memory_space<semaphore_mem>>
      tpu.enqueue_indirect_dma source(%arg13 : memref<128x16xbf16, #tpu.memory_space<vmem>>) target(%dma_start3A_860 : memref<10240x16xbf16, #tpu.memory_space<vmem_shared>>) offsets(%dma_start3A_857 : memref<128xi32, #tpu.memory_space<vmem>>) semaphore(%dma_start3A_862 : memref<!tpu.dma_semaphore, #tpu.memory_space<semaphore_mem>>) {add = true}
    } else {
    }
    %dma_wait3A_666 = arith.constant 0 : i32
    %dma_wait3A_667 = arith.constant 0 : i32
    %dma_wait3A_668 = arith.constant 0 : i32
    %dma_wait3A_669 = arith.constant 0 : i32
    %dma_wait3A_670 = tpu.memref_slice %arg12[%dma_wait3A_666, %dma_wait3A_668, %dma_wait3A_669] : memref<8x128x64xbf16, #tpu.memory_space<vmem>> -> memref<1x128x64xbf16, #tpu.memory_space<vmem>>
    %dma_wait3A_671 = tpu.memref_squeeze %dma_wait3A_670 : memref<1x128x64xbf16, #tpu.memory_space<vmem>> -> memref<128x64xbf16, #tpu.memory_space<vmem>>
    %dma_wait3A_672 = arith.constant 0 : i32
    %dma_wait3A_673 = arith.constant 0 : i32
    %dma_wait3A_674 = tpu.memref_slice %arg16[%dma_wait3A_672, %dma_wait3A_673] : memref<10240x64xbf16, #tpu.memory_space<vmem_shared>> -> memref<128x64xbf16, #tpu.memory_space<vmem_shared>>
    %dma_wait3A_675 = tpu.memref_slice %arg19[%dma_wait3A_667] : memref<8x!tpu.dma_semaphore, #tpu.memory_space<semaphore_mem>> -> memref<1x!tpu.dma_semaphore, #tpu.memory_space<semaphore_mem>>
    %dma_wait3A_676 = tpu.memref_squeeze %dma_wait3A_675 : memref<1x!tpu.dma_semaphore, #tpu.memory_space<semaphore_mem>> -> memref<!tpu.dma_semaphore, #tpu.memory_space<semaphore_mem>>
    %dma_wait3A_677 = arith.constant 0 : i32
    %dma_wait3A_678 = arith.constant 0 : i32
    %dma_wait3A_679 = tpu.memref_slice %arg16[%dma_wait3A_677, %dma_wait3A_678] : memref<10240x64xbf16, #tpu.memory_space<vmem_shared>> -> memref<128x64xbf16, #tpu.memory_space<vmem_shared>>
    %dma_wait3A_680 = arith.constant 0 : i32
    %dma_wait3A_681 = arith.constant 0 : i32
    %dma_wait3A_682 = tpu.memref_slice %arg12[%dma_wait3A_666, %dma_wait3A_680, %dma_wait3A_681] : memref<8x128x64xbf16, #tpu.memory_space<vmem>> -> memref<1x128x64xbf16, #tpu.memory_space<vmem>>
    %dma_wait3A_683 = tpu.memref_squeeze %dma_wait3A_682 : memref<1x128x64xbf16, #tpu.memory_space<vmem>> -> memref<128x64xbf16, #tpu.memory_space<vmem>>
    tpu.wait_dma2 semaphore(%dma_wait3A_676 : memref<!tpu.dma_semaphore, #tpu.memory_space<semaphore_mem>>) src(%dma_wait3A_683 : memref<128x64xbf16, #tpu.memory_space<vmem>>) dst(%dma_wait3A_679 : memref<128x64xbf16, #tpu.memory_space<vmem_shared>>)
    %eq3A_684 = arith.constant 0 : i32
    %eq3A_685 = arith.cmpi eq, %arg0, %eq3A_684 : i32
    %convert_element_type3A_686 = arith.extui %eq3A_685 : i1 to i32
    %cond3A_687 = arith.constant 0 : i32
    %cond3A_688 = arith.cmpi ne, %convert_element_type3A_686, %cond3A_687 : i32
    scf.if %cond3A_688 {
      %dma_wait3A_853 = arith.constant 0 : i32
      %dma_wait3A_854 = arith.constant 0 : i32
      %dma_wait3A_855 = arith.constant 0 : i32
      %dma_wait3A_856 = tpu.memref_slice %arg17[%dma_wait3A_854, %dma_wait3A_855] : memref<10240x16xbf16, #tpu.memory_space<vmem_shared>> -> memref<128x16xbf16, #tpu.memory_space<vmem_shared>>
      %dma_wait3A_857 = tpu.memref_slice %arg20[%dma_wait3A_853] : memref<8x!tpu.dma_semaphore, #tpu.memory_space<semaphore_mem>> -> memref<1x!tpu.dma_semaphore, #tpu.memory_space<semaphore_mem>>
      %dma_wait3A_858 = tpu.memref_squeeze %dma_wait3A_857 : memref<1x!tpu.dma_semaphore, #tpu.memory_space<semaphore_mem>> -> memref<!tpu.dma_semaphore, #tpu.memory_space<semaphore_mem>>
      %dma_wait3A_859 = arith.constant 0 : i32
      %dma_wait3A_860 = arith.constant 0 : i32
      %dma_wait3A_861 = tpu.memref_slice %arg17[%dma_wait3A_859, %dma_wait3A_860] : memref<10240x16xbf16, #tpu.memory_space<vmem_shared>> -> memref<128x16xbf16, #tpu.memory_space<vmem_shared>>
      tpu.wait_dma2 semaphore(%dma_wait3A_858 : memref<!tpu.dma_semaphore, #tpu.memory_space<semaphore_mem>>) src(%arg13 : memref<128x16xbf16, #tpu.memory_space<vmem>>) dst(%dma_wait3A_861 : memref<128x16xbf16, #tpu.memory_space<vmem_shared>>)
    } else {
    }
    %dma_wait3A_689 = arith.constant 1 : i32
    %dma_wait3A_690 = arith.constant 1 : i32
    %dma_wait3A_691 = arith.constant 0 : i32
    %dma_wait3A_692 = arith.constant 0 : i32
    %dma_wait3A_693 = tpu.memref_slice %arg12[%dma_wait3A_689, %dma_wait3A_691, %dma_wait3A_692] : memref<8x128x64xbf16, #tpu.memory_space<vmem>> -> memref<1x128x64xbf16, #tpu.memory_space<vmem>>
    %dma_wait3A_694 = tpu.memref_squeeze %dma_wait3A_693 : memref<1x128x64xbf16, #tpu.memory_space<vmem>> -> memref<128x64xbf16, #tpu.memory_space<vmem>>
    %dma_wait3A_695 = arith.constant 0 : i32
    %dma_wait3A_696 = arith.constant 0 : i32
    %dma_wait3A_697 = tpu.memref_slice %arg16[%dma_wait3A_695, %dma_wait3A_696] : memref<10240x64xbf16, #tpu.memory_space<vmem_shared>> -> memref<128x64xbf16, #tpu.memory_space<vmem_shared>>
    %dma_wait3A_698 = tpu.memref_slice %arg19[%dma_wait3A_690] : memref<8x!tpu.dma_semaphore, #tpu.memory_space<semaphore_mem>> -> memref<1x!tpu.dma_semaphore, #tpu.memory_space<semaphore_mem>>
    %dma_wait3A_699 = tpu.memref_squeeze %dma_wait3A_698 : memref<1x!tpu.dma_semaphore, #tpu.memory_space<semaphore_mem>> -> memref<!tpu.dma_semaphore, #tpu.memory_space<semaphore_mem>>
    %dma_wait3A_700 = arith.constant 0 : i32
    %dma_wait3A_701 = arith.constant 0 : i32
    %dma_wait3A_702 = tpu.memref_slice %arg16[%dma_wait3A_700, %dma_wait3A_701] : memref<10240x64xbf16, #tpu.memory_space<vmem_shared>> -> memref<128x64xbf16, #tpu.memory_space<vmem_shared>>
    %dma_wait3A_703 = arith.constant 0 : i32
    %dma_wait3A_704 = arith.constant 0 : i32
    %dma_wait3A_705 = tpu.memref_slice %arg12[%dma_wait3A_689, %dma_wait3A_703, %dma_wait3A_704] : memref<8x128x64xbf16, #tpu.memory_space<vmem>> -> memref<1x128x64xbf16, #tpu.memory_space<vmem>>
    %dma_wait3A_706 = tpu.memref_squeeze %dma_wait3A_705 : memref<1x128x64xbf16, #tpu.memory_space<vmem>> -> memref<128x64xbf16, #tpu.memory_space<vmem>>
    tpu.wait_dma2 semaphore(%dma_wait3A_699 : memref<!tpu.dma_semaphore, #tpu.memory_space<semaphore_mem>>) src(%dma_wait3A_706 : memref<128x64xbf16, #tpu.memory_space<vmem>>) dst(%dma_wait3A_702 : memref<128x64xbf16, #tpu.memory_space<vmem_shared>>)
    %eq3A_707 = arith.constant 1 : i32
    %eq3A_708 = arith.cmpi eq, %arg0, %eq3A_707 : i32
    %convert_element_type3A_709 = arith.extui %eq3A_708 : i1 to i32
    %cond3A_710 = arith.constant 0 : i32
    %cond3A_711 = arith.cmpi ne, %convert_element_type3A_709, %cond3A_710 : i32
    scf.if %cond3A_711 {
      %dma_wait3A_853 = arith.constant 1 : i32
      %dma_wait3A_854 = arith.constant 0 : i32
      %dma_wait3A_855 = arith.constant 0 : i32
      %dma_wait3A_856 = tpu.memref_slice %arg17[%dma_wait3A_854, %dma_wait3A_855] : memref<10240x16xbf16, #tpu.memory_space<vmem_shared>> -> memref<128x16xbf16, #tpu.memory_space<vmem_shared>>
      %dma_wait3A_857 = tpu.memref_slice %arg20[%dma_wait3A_853] : memref<8x!tpu.dma_semaphore, #tpu.memory_space<semaphore_mem>> -> memref<1x!tpu.dma_semaphore, #tpu.memory_space<semaphore_mem>>
      %dma_wait3A_858 = tpu.memref_squeeze %dma_wait3A_857 : memref<1x!tpu.dma_semaphore, #tpu.memory_space<semaphore_mem>> -> memref<!tpu.dma_semaphore, #tpu.memory_space<semaphore_mem>>
      %dma_wait3A_859 = arith.constant 0 : i32
      %dma_wait3A_860 = arith.constant 0 : i32
      %dma_wait3A_861 = tpu.memref_slice %arg17[%dma_wait3A_859, %dma_wait3A_860] : memref<10240x16xbf16, #tpu.memory_space<vmem_shared>> -> memref<128x16xbf16, #tpu.memory_space<vmem_shared>>
      tpu.wait_dma2 semaphore(%dma_wait3A_858 : memref<!tpu.dma_semaphore, #tpu.memory_space<semaphore_mem>>) src(%arg13 : memref<128x16xbf16, #tpu.memory_space<vmem>>) dst(%dma_wait3A_861 : memref<128x16xbf16, #tpu.memory_space<vmem_shared>>)
    } else {
    }
    %dma_wait3A_712 = arith.constant 2 : i32
    %dma_wait3A_713 = arith.constant 2 : i32
    %dma_wait3A_714 = arith.constant 0 : i32
    %dma_wait3A_715 = arith.constant 0 : i32
    %dma_wait3A_716 = tpu.memref_slice %arg12[%dma_wait3A_712, %dma_wait3A_714, %dma_wait3A_715] : memref<8x128x64xbf16, #tpu.memory_space<vmem>> -> memref<1x128x64xbf16, #tpu.memory_space<vmem>>
    %dma_wait3A_717 = tpu.memref_squeeze %dma_wait3A_716 : memref<1x128x64xbf16, #tpu.memory_space<vmem>> -> memref<128x64xbf16, #tpu.memory_space<vmem>>
    %dma_wait3A_718 = arith.constant 0 : i32
    %dma_wait3A_719 = arith.constant 0 : i32
    %dma_wait3A_720 = tpu.memref_slice %arg16[%dma_wait3A_718, %dma_wait3A_719] : memref<10240x64xbf16, #tpu.memory_space<vmem_shared>> -> memref<128x64xbf16, #tpu.memory_space<vmem_shared>>
    %dma_wait3A_721 = tpu.memref_slice %arg19[%dma_wait3A_713] : memref<8x!tpu.dma_semaphore, #tpu.memory_space<semaphore_mem>> -> memref<1x!tpu.dma_semaphore, #tpu.memory_space<semaphore_mem>>
    %dma_wait3A_722 = tpu.memref_squeeze %dma_wait3A_721 : memref<1x!tpu.dma_semaphore, #tpu.memory_space<semaphore_mem>> -> memref<!tpu.dma_semaphore, #tpu.memory_space<semaphore_mem>>
    %dma_wait3A_723 = arith.constant 0 : i32
    %dma_wait3A_724 = arith.constant 0 : i32
    %dma_wait3A_725 = tpu.memref_slice %arg16[%dma_wait3A_723, %dma_wait3A_724] : memref<10240x64xbf16, #tpu.memory_space<vmem_shared>> -> memref<128x64xbf16, #tpu.memory_space<vmem_shared>>
    %dma_wait3A_726 = arith.constant 0 : i32
    %dma_wait3A_727 = arith.constant 0 : i32
    %dma_wait3A_728 = tpu.memref_slice %arg12[%dma_wait3A_712, %dma_wait3A_726, %dma_wait3A_727] : memref<8x128x64xbf16, #tpu.memory_space<vmem>> -> memref<1x128x64xbf16, #tpu.memory_space<vmem>>
    %dma_wait3A_729 = tpu.memref_squeeze %dma_wait3A_728 : memref<1x128x64xbf16, #tpu.memory_space<vmem>> -> memref<128x64xbf16, #tpu.memory_space<vmem>>
    tpu.wait_dma2 semaphore(%dma_wait3A_722 : memref<!tpu.dma_semaphore, #tpu.memory_space<semaphore_mem>>) src(%dma_wait3A_729 : memref<128x64xbf16, #tpu.memory_space<vmem>>) dst(%dma_wait3A_725 : memref<128x64xbf16, #tpu.memory_space<vmem_shared>>)
    %eq3A_730 = arith.constant 0 : i32
    %eq3A_731 = arith.cmpi eq, %arg0, %eq3A_730 : i32
    %convert_element_type3A_732 = arith.extui %eq3A_731 : i1 to i32
    %cond3A_733 = arith.constant 0 : i32
    %cond3A_734 = arith.cmpi ne, %convert_element_type3A_732, %cond3A_733 : i32
    scf.if %cond3A_734 {
      %dma_wait3A_853 = arith.constant 2 : i32
      %dma_wait3A_854 = arith.constant 0 : i32
      %dma_wait3A_855 = arith.constant 0 : i32
      %dma_wait3A_856 = tpu.memref_slice %arg17[%dma_wait3A_854, %dma_wait3A_855] : memref<10240x16xbf16, #tpu.memory_space<vmem_shared>> -> memref<128x16xbf16, #tpu.memory_space<vmem_shared>>
      %dma_wait3A_857 = tpu.memref_slice %arg20[%dma_wait3A_853] : memref<8x!tpu.dma_semaphore, #tpu.memory_space<semaphore_mem>> -> memref<1x!tpu.dma_semaphore, #tpu.memory_space<semaphore_mem>>
      %dma_wait3A_858 = tpu.memref_squeeze %dma_wait3A_857 : memref<1x!tpu.dma_semaphore, #tpu.memory_space<semaphore_mem>> -> memref<!tpu.dma_semaphore, #tpu.memory_space<semaphore_mem>>
      %dma_wait3A_859 = arith.constant 0 : i32
      %dma_wait3A_860 = arith.constant 0 : i32
      %dma_wait3A_861 = tpu.memref_slice %arg17[%dma_wait3A_859, %dma_wait3A_860] : memref<10240x16xbf16, #tpu.memory_space<vmem_shared>> -> memref<128x16xbf16, #tpu.memory_space<vmem_shared>>
      tpu.wait_dma2 semaphore(%dma_wait3A_858 : memref<!tpu.dma_semaphore, #tpu.memory_space<semaphore_mem>>) src(%arg13 : memref<128x16xbf16, #tpu.memory_space<vmem>>) dst(%dma_wait3A_861 : memref<128x16xbf16, #tpu.memory_space<vmem_shared>>)
    } else {
    }
    %dma_wait3A_735 = arith.constant 3 : i32
    %dma_wait3A_736 = arith.constant 3 : i32
    %dma_wait3A_737 = arith.constant 0 : i32
    %dma_wait3A_738 = arith.constant 0 : i32
    %dma_wait3A_739 = tpu.memref_slice %arg12[%dma_wait3A_735, %dma_wait3A_737, %dma_wait3A_738] : memref<8x128x64xbf16, #tpu.memory_space<vmem>> -> memref<1x128x64xbf16, #tpu.memory_space<vmem>>
    %dma_wait3A_740 = tpu.memref_squeeze %dma_wait3A_739 : memref<1x128x64xbf16, #tpu.memory_space<vmem>> -> memref<128x64xbf16, #tpu.memory_space<vmem>>
    %dma_wait3A_741 = arith.constant 0 : i32
    %dma_wait3A_742 = arith.constant 0 : i32
    %dma_wait3A_743 = tpu.memref_slice %arg16[%dma_wait3A_741, %dma_wait3A_742] : memref<10240x64xbf16, #tpu.memory_space<vmem_shared>> -> memref<128x64xbf16, #tpu.memory_space<vmem_shared>>
    %dma_wait3A_744 = tpu.memref_slice %arg19[%dma_wait3A_736] : memref<8x!tpu.dma_semaphore, #tpu.memory_space<semaphore_mem>> -> memref<1x!tpu.dma_semaphore, #tpu.memory_space<semaphore_mem>>
    %dma_wait3A_745 = tpu.memref_squeeze %dma_wait3A_744 : memref<1x!tpu.dma_semaphore, #tpu.memory_space<semaphore_mem>> -> memref<!tpu.dma_semaphore, #tpu.memory_space<semaphore_mem>>
    %dma_wait3A_746 = arith.constant 0 : i32
    %dma_wait3A_747 = arith.constant 0 : i32
    %dma_wait3A_748 = tpu.memref_slice %arg16[%dma_wait3A_746, %dma_wait3A_747] : memref<10240x64xbf16, #tpu.memory_space<vmem_shared>> -> memref<128x64xbf16, #tpu.memory_space<vmem_shared>>
    %dma_wait3A_749 = arith.constant 0 : i32
    %dma_wait3A_750 = arith.constant 0 : i32
    %dma_wait3A_751 = tpu.memref_slice %arg12[%dma_wait3A_735, %dma_wait3A_749, %dma_wait3A_750] : memref<8x128x64xbf16, #tpu.memory_space<vmem>> -> memref<1x128x64xbf16, #tpu.memory_space<vmem>>
    %dma_wait3A_752 = tpu.memref_squeeze %dma_wait3A_751 : memref<1x128x64xbf16, #tpu.memory_space<vmem>> -> memref<128x64xbf16, #tpu.memory_space<vmem>>
    tpu.wait_dma2 semaphore(%dma_wait3A_745 : memref<!tpu.dma_semaphore, #tpu.memory_space<semaphore_mem>>) src(%dma_wait3A_752 : memref<128x64xbf16, #tpu.memory_space<vmem>>) dst(%dma_wait3A_748 : memref<128x64xbf16, #tpu.memory_space<vmem_shared>>)
    %eq3A_753 = arith.constant 1 : i32
    %eq3A_754 = arith.cmpi eq, %arg0, %eq3A_753 : i32
    %convert_element_type3A_755 = arith.extui %eq3A_754 : i1 to i32
    %cond3A_756 = arith.constant 0 : i32
    %cond3A_757 = arith.cmpi ne, %convert_element_type3A_755, %cond3A_756 : i32
    scf.if %cond3A_757 {
      %dma_wait3A_853 = arith.constant 3 : i32
      %dma_wait3A_854 = arith.constant 0 : i32
      %dma_wait3A_855 = arith.constant 0 : i32
      %dma_wait3A_856 = tpu.memref_slice %arg17[%dma_wait3A_854, %dma_wait3A_855] : memref<10240x16xbf16, #tpu.memory_space<vmem_shared>> -> memref<128x16xbf16, #tpu.memory_space<vmem_shared>>
      %dma_wait3A_857 = tpu.memref_slice %arg20[%dma_wait3A_853] : memref<8x!tpu.dma_semaphore, #tpu.memory_space<semaphore_mem>> -> memref<1x!tpu.dma_semaphore, #tpu.memory_space<semaphore_mem>>
      %dma_wait3A_858 = tpu.memref_squeeze %dma_wait3A_857 : memref<1x!tpu.dma_semaphore, #tpu.memory_space<semaphore_mem>> -> memref<!tpu.dma_semaphore, #tpu.memory_space<semaphore_mem>>
      %dma_wait3A_859 = arith.constant 0 : i32
      %dma_wait3A_860 = arith.constant 0 : i32
      %dma_wait3A_861 = tpu.memref_slice %arg17[%dma_wait3A_859, %dma_wait3A_860] : memref<10240x16xbf16, #tpu.memory_space<vmem_shared>> -> memref<128x16xbf16, #tpu.memory_space<vmem_shared>>
      tpu.wait_dma2 semaphore(%dma_wait3A_858 : memref<!tpu.dma_semaphore, #tpu.memory_space<semaphore_mem>>) src(%arg13 : memref<128x16xbf16, #tpu.memory_space<vmem>>) dst(%dma_wait3A_861 : memref<128x16xbf16, #tpu.memory_space<vmem_shared>>)
    } else {
    }
    %dma_wait3A_758 = arith.constant 4 : i32
    %dma_wait3A_759 = arith.constant 4 : i32
    %dma_wait3A_760 = arith.constant 0 : i32
    %dma_wait3A_761 = arith.constant 0 : i32
    %dma_wait3A_762 = tpu.memref_slice %arg12[%dma_wait3A_758, %dma_wait3A_760, %dma_wait3A_761] : memref<8x128x64xbf16, #tpu.memory_space<vmem>> -> memref<1x128x64xbf16, #tpu.memory_space<vmem>>
    %dma_wait3A_763 = tpu.memref_squeeze %dma_wait3A_762 : memref<1x128x64xbf16, #tpu.memory_space<vmem>> -> memref<128x64xbf16, #tpu.memory_space<vmem>>
    %dma_wait3A_764 = arith.constant 0 : i32
    %dma_wait3A_765 = arith.constant 0 : i32
    %dma_wait3A_766 = tpu.memref_slice %arg16[%dma_wait3A_764, %dma_wait3A_765] : memref<10240x64xbf16, #tpu.memory_space<vmem_shared>> -> memref<128x64xbf16, #tpu.memory_space<vmem_shared>>
    %dma_wait3A_767 = tpu.memref_slice %arg19[%dma_wait3A_759] : memref<8x!tpu.dma_semaphore, #tpu.memory_space<semaphore_mem>> -> memref<1x!tpu.dma_semaphore, #tpu.memory_space<semaphore_mem>>
    %dma_wait3A_768 = tpu.memref_squeeze %dma_wait3A_767 : memref<1x!tpu.dma_semaphore, #tpu.memory_space<semaphore_mem>> -> memref<!tpu.dma_semaphore, #tpu.memory_space<semaphore_mem>>
    %dma_wait3A_769 = arith.constant 0 : i32
    %dma_wait3A_770 = arith.constant 0 : i32
    %dma_wait3A_771 = tpu.memref_slice %arg16[%dma_wait3A_769, %dma_wait3A_770] : memref<10240x64xbf16, #tpu.memory_space<vmem_shared>> -> memref<128x64xbf16, #tpu.memory_space<vmem_shared>>
    %dma_wait3A_772 = arith.constant 0 : i32
    %dma_wait3A_773 = arith.constant 0 : i32
    %dma_wait3A_774 = tpu.memref_slice %arg12[%dma_wait3A_758, %dma_wait3A_772, %dma_wait3A_773] : memref<8x128x64xbf16, #tpu.memory_space<vmem>> -> memref<1x128x64xbf16, #tpu.memory_space<vmem>>
    %dma_wait3A_775 = tpu.memref_squeeze %dma_wait3A_774 : memref<1x128x64xbf16, #tpu.memory_space<vmem>> -> memref<128x64xbf16, #tpu.memory_space<vmem>>
    tpu.wait_dma2 semaphore(%dma_wait3A_768 : memref<!tpu.dma_semaphore, #tpu.memory_space<semaphore_mem>>) src(%dma_wait3A_775 : memref<128x64xbf16, #tpu.memory_space<vmem>>) dst(%dma_wait3A_771 : memref<128x64xbf16, #tpu.memory_space<vmem_shared>>)
    %eq3A_776 = arith.constant 0 : i32
    %eq3A_777 = arith.cmpi eq, %arg0, %eq3A_776 : i32
    %convert_element_type3A_778 = arith.extui %eq3A_777 : i1 to i32
    %cond3A_779 = arith.constant 0 : i32
    %cond3A_780 = arith.cmpi ne, %convert_element_type3A_778, %cond3A_779 : i32
    scf.if %cond3A_780 {
      %dma_wait3A_853 = arith.constant 4 : i32
      %dma_wait3A_854 = arith.constant 0 : i32
      %dma_wait3A_855 = arith.constant 0 : i32
      %dma_wait3A_856 = tpu.memref_slice %arg17[%dma_wait3A_854, %dma_wait3A_855] : memref<10240x16xbf16, #tpu.memory_space<vmem_shared>> -> memref<128x16xbf16, #tpu.memory_space<vmem_shared>>
      %dma_wait3A_857 = tpu.memref_slice %arg20[%dma_wait3A_853] : memref<8x!tpu.dma_semaphore, #tpu.memory_space<semaphore_mem>> -> memref<1x!tpu.dma_semaphore, #tpu.memory_space<semaphore_mem>>
      %dma_wait3A_858 = tpu.memref_squeeze %dma_wait3A_857 : memref<1x!tpu.dma_semaphore, #tpu.memory_space<semaphore_mem>> -> memref<!tpu.dma_semaphore, #tpu.memory_space<semaphore_mem>>
      %dma_wait3A_859 = arith.constant 0 : i32
      %dma_wait3A_860 = arith.constant 0 : i32
      %dma_wait3A_861 = tpu.memref_slice %arg17[%dma_wait3A_859, %dma_wait3A_860] : memref<10240x16xbf16, #tpu.memory_space<vmem_shared>> -> memref<128x16xbf16, #tpu.memory_space<vmem_shared>>
      tpu.wait_dma2 semaphore(%dma_wait3A_858 : memref<!tpu.dma_semaphore, #tpu.memory_space<semaphore_mem>>) src(%arg13 : memref<128x16xbf16, #tpu.memory_space<vmem>>) dst(%dma_wait3A_861 : memref<128x16xbf16, #tpu.memory_space<vmem_shared>>)
    } else {
    }
    %dma_wait3A_781 = arith.constant 5 : i32
    %dma_wait3A_782 = arith.constant 5 : i32
    %dma_wait3A_783 = arith.constant 0 : i32
    %dma_wait3A_784 = arith.constant 0 : i32
    %dma_wait3A_785 = tpu.memref_slice %arg12[%dma_wait3A_781, %dma_wait3A_783, %dma_wait3A_784] : memref<8x128x64xbf16, #tpu.memory_space<vmem>> -> memref<1x128x64xbf16, #tpu.memory_space<vmem>>
    %dma_wait3A_786 = tpu.memref_squeeze %dma_wait3A_785 : memref<1x128x64xbf16, #tpu.memory_space<vmem>> -> memref<128x64xbf16, #tpu.memory_space<vmem>>
    %dma_wait3A_787 = arith.constant 0 : i32
    %dma_wait3A_788 = arith.constant 0 : i32
    %dma_wait3A_789 = tpu.memref_slice %arg16[%dma_wait3A_787, %dma_wait3A_788] : memref<10240x64xbf16, #tpu.memory_space<vmem_shared>> -> memref<128x64xbf16, #tpu.memory_space<vmem_shared>>
    %dma_wait3A_790 = tpu.memref_slice %arg19[%dma_wait3A_782] : memref<8x!tpu.dma_semaphore, #tpu.memory_space<semaphore_mem>> -> memref<1x!tpu.dma_semaphore, #tpu.memory_space<semaphore_mem>>
    %dma_wait3A_791 = tpu.memref_squeeze %dma_wait3A_790 : memref<1x!tpu.dma_semaphore, #tpu.memory_space<semaphore_mem>> -> memref<!tpu.dma_semaphore, #tpu.memory_space<semaphore_mem>>
    %dma_wait3A_792 = arith.constant 0 : i32
    %dma_wait3A_793 = arith.constant 0 : i32
    %dma_wait3A_794 = tpu.memref_slice %arg16[%dma_wait3A_792, %dma_wait3A_793] : memref<10240x64xbf16, #tpu.memory_space<vmem_shared>> -> memref<128x64xbf16, #tpu.memory_space<vmem_shared>>
    %dma_wait3A_795 = arith.constant 0 : i32
    %dma_wait3A_796 = arith.constant 0 : i32
    %dma_wait3A_797 = tpu.memref_slice %arg12[%dma_wait3A_781, %dma_wait3A_795, %dma_wait3A_796] : memref<8x128x64xbf16, #tpu.memory_space<vmem>> -> memref<1x128x64xbf16, #tpu.memory_space<vmem>>
    %dma_wait3A_798 = tpu.memref_squeeze %dma_wait3A_797 : memref<1x128x64xbf16, #tpu.memory_space<vmem>> -> memref<128x64xbf16, #tpu.memory_space<vmem>>
    tpu.wait_dma2 semaphore(%dma_wait3A_791 : memref<!tpu.dma_semaphore, #tpu.memory_space<semaphore_mem>>) src(%dma_wait3A_798 : memref<128x64xbf16, #tpu.memory_space<vmem>>) dst(%dma_wait3A_794 : memref<128x64xbf16, #tpu.memory_space<vmem_shared>>)
    %eq3A_799 = arith.constant 1 : i32
    %eq3A_800 = arith.cmpi eq, %arg0, %eq3A_799 : i32
    %convert_element_type3A_801 = arith.extui %eq3A_800 : i1 to i32
    %cond3A_802 = arith.constant 0 : i32
    %cond3A_803 = arith.cmpi ne, %convert_element_type3A_801, %cond3A_802 : i32
    scf.if %cond3A_803 {
      %dma_wait3A_853 = arith.constant 5 : i32
      %dma_wait3A_854 = arith.constant 0 : i32
      %dma_wait3A_855 = arith.constant 0 : i32
      %dma_wait3A_856 = tpu.memref_slice %arg17[%dma_wait3A_854, %dma_wait3A_855] : memref<10240x16xbf16, #tpu.memory_space<vmem_shared>> -> memref<128x16xbf16, #tpu.memory_space<vmem_shared>>
      %dma_wait3A_857 = tpu.memref_slice %arg20[%dma_wait3A_853] : memref<8x!tpu.dma_semaphore, #tpu.memory_space<semaphore_mem>> -> memref<1x!tpu.dma_semaphore, #tpu.memory_space<semaphore_mem>>
      %dma_wait3A_858 = tpu.memref_squeeze %dma_wait3A_857 : memref<1x!tpu.dma_semaphore, #tpu.memory_space<semaphore_mem>> -> memref<!tpu.dma_semaphore, #tpu.memory_space<semaphore_mem>>
      %dma_wait3A_859 = arith.constant 0 : i32
      %dma_wait3A_860 = arith.constant 0 : i32
      %dma_wait3A_861 = tpu.memref_slice %arg17[%dma_wait3A_859, %dma_wait3A_860] : memref<10240x16xbf16, #tpu.memory_space<vmem_shared>> -> memref<128x16xbf16, #tpu.memory_space<vmem_shared>>
      tpu.wait_dma2 semaphore(%dma_wait3A_858 : memref<!tpu.dma_semaphore, #tpu.memory_space<semaphore_mem>>) src(%arg13 : memref<128x16xbf16, #tpu.memory_space<vmem>>) dst(%dma_wait3A_861 : memref<128x16xbf16, #tpu.memory_space<vmem_shared>>)
    } else {
    }
    %dma_wait3A_804 = arith.constant 6 : i32
    %dma_wait3A_805 = arith.constant 6 : i32
    %dma_wait3A_806 = arith.constant 0 : i32
    %dma_wait3A_807 = arith.constant 0 : i32
    %dma_wait3A_808 = tpu.memref_slice %arg12[%dma_wait3A_804, %dma_wait3A_806, %dma_wait3A_807] : memref<8x128x64xbf16, #tpu.memory_space<vmem>> -> memref<1x128x64xbf16, #tpu.memory_space<vmem>>
    %dma_wait3A_809 = tpu.memref_squeeze %dma_wait3A_808 : memref<1x128x64xbf16, #tpu.memory_space<vmem>> -> memref<128x64xbf16, #tpu.memory_space<vmem>>
    %dma_wait3A_810 = arith.constant 0 : i32
    %dma_wait3A_811 = arith.constant 0 : i32
    %dma_wait3A_812 = tpu.memref_slice %arg16[%dma_wait3A_810, %dma_wait3A_811] : memref<10240x64xbf16, #tpu.memory_space<vmem_shared>> -> memref<128x64xbf16, #tpu.memory_space<vmem_shared>>
    %dma_wait3A_813 = tpu.memref_slice %arg19[%dma_wait3A_805] : memref<8x!tpu.dma_semaphore, #tpu.memory_space<semaphore_mem>> -> memref<1x!tpu.dma_semaphore, #tpu.memory_space<semaphore_mem>>
    %dma_wait3A_814 = tpu.memref_squeeze %dma_wait3A_813 : memref<1x!tpu.dma_semaphore, #tpu.memory_space<semaphore_mem>> -> memref<!tpu.dma_semaphore, #tpu.memory_space<semaphore_mem>>
    %dma_wait3A_815 = arith.constant 0 : i32
    %dma_wait3A_816 = arith.constant 0 : i32
    %dma_wait3A_817 = tpu.memref_slice %arg16[%dma_wait3A_815, %dma_wait3A_816] : memref<10240x64xbf16, #tpu.memory_space<vmem_shared>> -> memref<128x64xbf16, #tpu.memory_space<vmem_shared>>
    %dma_wait3A_818 = arith.constant 0 : i32
    %dma_wait3A_819 = arith.constant 0 : i32
    %dma_wait3A_820 = tpu.memref_slice %arg12[%dma_wait3A_804, %dma_wait3A_818, %dma_wait3A_819] : memref<8x128x64xbf16, #tpu.memory_space<vmem>> -> memref<1x128x64xbf16, #tpu.memory_space<vmem>>
    %dma_wait3A_821 = tpu.memref_squeeze %dma_wait3A_820 : memref<1x128x64xbf16, #tpu.memory_space<vmem>> -> memref<128x64xbf16, #tpu.memory_space<vmem>>
    tpu.wait_dma2 semaphore(%dma_wait3A_814 : memref<!tpu.dma_semaphore, #tpu.memory_space<semaphore_mem>>) src(%dma_wait3A_821 : memref<128x64xbf16, #tpu.memory_space<vmem>>) dst(%dma_wait3A_817 : memref<128x64xbf16, #tpu.memory_space<vmem_shared>>)
    %eq3A_822 = arith.constant 0 : i32
    %eq3A_823 = arith.cmpi eq, %arg0, %eq3A_822 : i32
    %convert_element_type3A_824 = arith.extui %eq3A_823 : i1 to i32
    %cond3A_825 = arith.constant 0 : i32
    %cond3A_826 = arith.cmpi ne, %convert_element_type3A_824, %cond3A_825 : i32
    scf.if %cond3A_826 {
      %dma_wait3A_853 = arith.constant 6 : i32
      %dma_wait3A_854 = arith.constant 0 : i32
      %dma_wait3A_855 = arith.constant 0 : i32
      %dma_wait3A_856 = tpu.memref_slice %arg17[%dma_wait3A_854, %dma_wait3A_855] : memref<10240x16xbf16, #tpu.memory_space<vmem_shared>> -> memref<128x16xbf16, #tpu.memory_space<vmem_shared>>
      %dma_wait3A_857 = tpu.memref_slice %arg20[%dma_wait3A_853] : memref<8x!tpu.dma_semaphore, #tpu.memory_space<semaphore_mem>> -> memref<1x!tpu.dma_semaphore, #tpu.memory_space<semaphore_mem>>
      %dma_wait3A_858 = tpu.memref_squeeze %dma_wait3A_857 : memref<1x!tpu.dma_semaphore, #tpu.memory_space<semaphore_mem>> -> memref<!tpu.dma_semaphore, #tpu.memory_space<semaphore_mem>>
      %dma_wait3A_859 = arith.constant 0 : i32
      %dma_wait3A_860 = arith.constant 0 : i32
      %dma_wait3A_861 = tpu.memref_slice %arg17[%dma_wait3A_859, %dma_wait3A_860] : memref<10240x16xbf16, #tpu.memory_space<vmem_shared>> -> memref<128x16xbf16, #tpu.memory_space<vmem_shared>>
      tpu.wait_dma2 semaphore(%dma_wait3A_858 : memref<!tpu.dma_semaphore, #tpu.memory_space<semaphore_mem>>) src(%arg13 : memref<128x16xbf16, #tpu.memory_space<vmem>>) dst(%dma_wait3A_861 : memref<128x16xbf16, #tpu.memory_space<vmem_shared>>)
    } else {
    }
    %dma_wait3A_827 = arith.constant 7 : i32
    %dma_wait3A_828 = arith.constant 7 : i32
    %dma_wait3A_829 = arith.constant 0 : i32
    %dma_wait3A_830 = arith.constant 0 : i32
    %dma_wait3A_831 = tpu.memref_slice %arg12[%dma_wait3A_827, %dma_wait3A_829, %dma_wait3A_830] : memref<8x128x64xbf16, #tpu.memory_space<vmem>> -> memref<1x128x64xbf16, #tpu.memory_space<vmem>>
    %dma_wait3A_832 = tpu.memref_squeeze %dma_wait3A_831 : memref<1x128x64xbf16, #tpu.memory_space<vmem>> -> memref<128x64xbf16, #tpu.memory_space<vmem>>
    %dma_wait3A_833 = arith.constant 0 : i32
    %dma_wait3A_834 = arith.constant 0 : i32
    %dma_wait3A_835 = tpu.memref_slice %arg16[%dma_wait3A_833, %dma_wait3A_834] : memref<10240x64xbf16, #tpu.memory_space<vmem_shared>> -> memref<128x64xbf16, #tpu.memory_space<vmem_shared>>
    %dma_wait3A_836 = tpu.memref_slice %arg19[%dma_wait3A_828] : memref<8x!tpu.dma_semaphore, #tpu.memory_space<semaphore_mem>> -> memref<1x!tpu.dma_semaphore, #tpu.memory_space<semaphore_mem>>
    %dma_wait3A_837 = tpu.memref_squeeze %dma_wait3A_836 : memref<1x!tpu.dma_semaphore, #tpu.memory_space<semaphore_mem>> -> memref<!tpu.dma_semaphore, #tpu.memory_space<semaphore_mem>>
    %dma_wait3A_838 = arith.constant 0 : i32
    %dma_wait3A_839 = arith.constant 0 : i32
    %dma_wait3A_840 = tpu.memref_slice %arg16[%dma_wait3A_838, %dma_wait3A_839] : memref<10240x64xbf16, #tpu.memory_space<vmem_shared>> -> memref<128x64xbf16, #tpu.memory_space<vmem_shared>>
    %dma_wait3A_841 = arith.constant 0 : i32
    %dma_wait3A_842 = arith.constant 0 : i32
    %dma_wait3A_843 = tpu.memref_slice %arg12[%dma_wait3A_827, %dma_wait3A_841, %dma_wait3A_842] : memref<8x128x64xbf16, #tpu.memory_space<vmem>> -> memref<1x128x64xbf16, #tpu.memory_space<vmem>>
    %dma_wait3A_844 = tpu.memref_squeeze %dma_wait3A_843 : memref<1x128x64xbf16, #tpu.memory_space<vmem>> -> memref<128x64xbf16, #tpu.memory_space<vmem>>
    tpu.wait_dma2 semaphore(%dma_wait3A_837 : memref<!tpu.dma_semaphore, #tpu.memory_space<semaphore_mem>>) src(%dma_wait3A_844 : memref<128x64xbf16, #tpu.memory_space<vmem>>) dst(%dma_wait3A_840 : memref<128x64xbf16, #tpu.memory_space<vmem_shared>>)
    %eq3A_845 = arith.constant 1 : i32
    %eq3A_846 = arith.cmpi eq, %arg0, %eq3A_845 : i32
    %convert_element_type3A_847 = arith.extui %eq3A_846 : i1 to i32
    %cond3A_848 = arith.constant 0 : i32
    %cond3A_849 = arith.cmpi ne, %convert_element_type3A_847, %cond3A_848 : i32
    scf.if %cond3A_849 {
      %dma_wait3A_853 = arith.constant 7 : i32
      %dma_wait3A_854 = arith.constant 0 : i32
      %dma_wait3A_855 = arith.constant 0 : i32
      %dma_wait3A_856 = tpu.memref_slice %arg17[%dma_wait3A_854, %dma_wait3A_855] : memref<10240x16xbf16, #tpu.memory_space<vmem_shared>> -> memref<128x16xbf16, #tpu.memory_space<vmem_shared>>
      %dma_wait3A_857 = tpu.memref_slice %arg20[%dma_wait3A_853] : memref<8x!tpu.dma_semaphore, #tpu.memory_space<semaphore_mem>> -> memref<1x!tpu.dma_semaphore, #tpu.memory_space<semaphore_mem>>
      %dma_wait3A_858 = tpu.memref_squeeze %dma_wait3A_857 : memref<1x!tpu.dma_semaphore, #tpu.memory_space<semaphore_mem>> -> memref<!tpu.dma_semaphore, #tpu.memory_space<semaphore_mem>>
      %dma_wait3A_859 = arith.constant 0 : i32
      %dma_wait3A_860 = arith.constant 0 : i32
      %dma_wait3A_861 = tpu.memref_slice %arg17[%dma_wait3A_859, %dma_wait3A_860] : memref<10240x16xbf16, #tpu.memory_space<vmem_shared>> -> memref<128x16xbf16, #tpu.memory_space<vmem_shared>>
      tpu.wait_dma2 semaphore(%dma_wait3A_858 : memref<!tpu.dma_semaphore, #tpu.memory_space<semaphore_mem>>) src(%arg13 : memref<128x16xbf16, #tpu.memory_space<vmem>>) dst(%dma_wait3A_861 : memref<128x16xbf16, #tpu.memory_space<vmem_shared>>)
    } else {
    }
    %barrier3A_850 = arith.constant 0 : index
    tpu.barrier barrier_id(%barrier3A_850)
    %mul3A_851 = arith.constant 640 : i32
    %mul3A_852 = arith.muli %arg1, %mul3A_851 : i32
    "tpu.region"() ({
      %run_scoped3A = tpu.sem_alloc : memref<!tpu.dma_semaphore, #tpu.memory_space<semaphore_mem>>
      %dma_start3A_853 = arith.constant 0 : i32
      %dma_start3A_854 = arith.constant 0 : i32
      %dma_start3A_855 = tpu.memref_slice %arg8[%arg0, %dma_start3A_853, %dma_start3A_854] : memref<2x10240x64xbf16, #tpu.memory_space<hbm>> -> memref<1x10240x64xbf16, #tpu.memory_space<hbm>>
      %dma_start3A_856 = tpu.memref_squeeze %dma_start3A_855 : memref<1x10240x64xbf16, #tpu.memory_space<hbm>> -> memref<10240x64xbf16, #tpu.memory_space<hbm>>
      %dma_start3A_857 = arith.constant 0 : i32
      %dma_start3A_858 = tpu.memref_slice %dma_start3A_856[%mul3A_852, %dma_start3A_857] : memref<10240x64xbf16, #tpu.memory_space<hbm>> -> memref<640x64xbf16, #tpu.memory_space<hbm>>
      %dma_start3A_859 = arith.constant 0 : i32
      %dma_start3A_860 = tpu.memref_slice %arg16[%mul3A_852, %dma_start3A_859] : memref<10240x64xbf16, #tpu.memory_space<vmem_shared>> -> memref<640x64xbf16, #tpu.memory_space<vmem_shared>>
      tpu.enqueue_dma source(%dma_start3A_860 : memref<640x64xbf16, #tpu.memory_space<vmem_shared>>) target(%dma_start3A_858 : memref<640x64xbf16, #tpu.memory_space<hbm>>) target_semaphore(%run_scoped3A : memref<!tpu.dma_semaphore, #tpu.memory_space<semaphore_mem>>)
      %dma_wait3A_861 = arith.constant 0 : i32
      %dma_wait3A_862 = arith.constant 0 : i32
      %dma_wait3A_863 = tpu.memref_slice %arg8[%arg0, %dma_wait3A_861, %dma_wait3A_862] : memref<2x10240x64xbf16, #tpu.memory_space<hbm>> -> memref<1x10240x64xbf16, #tpu.memory_space<hbm>>
      %dma_wait3A_864 = tpu.memref_squeeze %dma_wait3A_863 : memref<1x10240x64xbf16, #tpu.memory_space<hbm>> -> memref<10240x64xbf16, #tpu.memory_space<hbm>>
      %dma_wait3A_865 = arith.constant 0 : i32
      %dma_wait3A_866 = tpu.memref_slice %dma_wait3A_864[%mul3A_852, %dma_wait3A_865] : memref<10240x64xbf16, #tpu.memory_space<hbm>> -> memref<640x64xbf16, #tpu.memory_space<hbm>>
      %dma_wait3A_867 = arith.constant 0 : i32
      %dma_wait3A_868 = tpu.memref_slice %arg16[%mul3A_852, %dma_wait3A_867] : memref<10240x64xbf16, #tpu.memory_space<vmem_shared>> -> memref<640x64xbf16, #tpu.memory_space<vmem_shared>>
      tpu.wait_dma2 semaphore(%run_scoped3A : memref<!tpu.dma_semaphore, #tpu.memory_space<semaphore_mem>>) src(%dma_wait3A_868 : memref<640x64xbf16, #tpu.memory_space<vmem_shared>>) dst(%dma_wait3A_866 : memref<640x64xbf16, #tpu.memory_space<hbm>>)
      tpu.yield
    }) : () -> ()
    "tpu.region"() ({
      %run_scoped3A = tpu.sem_alloc : memref<!tpu.dma_semaphore, #tpu.memory_space<semaphore_mem>>
      %dma_start3A_853 = arith.constant 0 : i32
      %dma_start3A_854 = arith.constant 0 : i32
      %dma_start3A_855 = tpu.memref_slice %arg9[%arg0, %dma_start3A_853, %dma_start3A_854] : memref<2x10240x16xbf16, #tpu.memory_space<hbm>> -> memref<1x10240x16xbf16, #tpu.memory_space<hbm>>
      %dma_start3A_856 = tpu.memref_squeeze %dma_start3A_855 : memref<1x10240x16xbf16, #tpu.memory_space<hbm>> -> memref<10240x16xbf16, #tpu.memory_space<hbm>>
      %dma_start3A_857 = arith.constant 0 : i32
      %dma_start3A_858 = tpu.memref_slice %dma_start3A_856[%mul3A_852, %dma_start3A_857] : memref<10240x16xbf16, #tpu.memory_space<hbm>> -> memref<640x16xbf16, #tpu.memory_space<hbm>>
      %dma_start3A_859 = arith.constant 0 : i32
      %dma_start3A_860 = tpu.memref_slice %arg17[%mul3A_852, %dma_start3A_859] : memref<10240x16xbf16, #tpu.memory_space<vmem_shared>> -> memref<640x16xbf16, #tpu.memory_space<vmem_shared>>
      tpu.enqueue_dma source(%dma_start3A_860 : memref<640x16xbf16, #tpu.memory_space<vmem_shared>>) target(%dma_start3A_858 : memref<640x16xbf16, #tpu.memory_space<hbm>>) target_semaphore(%run_scoped3A : memref<!tpu.dma_semaphore, #tpu.memory_space<semaphore_mem>>)
      %dma_wait3A_861 = arith.constant 0 : i32
      %dma_wait3A_862 = arith.constant 0 : i32
      %dma_wait3A_863 = tpu.memref_slice %arg9[%arg0, %dma_wait3A_861, %dma_wait3A_862] : memref<2x10240x16xbf16, #tpu.memory_space<hbm>> -> memref<1x10240x16xbf16, #tpu.memory_space<hbm>>
      %dma_wait3A_864 = tpu.memref_squeeze %dma_wait3A_863 : memref<1x10240x16xbf16, #tpu.memory_space<hbm>> -> memref<10240x16xbf16, #tpu.memory_space<hbm>>
      %dma_wait3A_865 = arith.constant 0 : i32
      %dma_wait3A_866 = tpu.memref_slice %dma_wait3A_864[%mul3A_852, %dma_wait3A_865] : memref<10240x16xbf16, #tpu.memory_space<hbm>> -> memref<640x16xbf16, #tpu.memory_space<hbm>>
      %dma_wait3A_867 = arith.constant 0 : i32
      %dma_wait3A_868 = tpu.memref_slice %arg17[%mul3A_852, %dma_wait3A_867] : memref<10240x16xbf16, #tpu.memory_space<vmem_shared>> -> memref<640x16xbf16, #tpu.memory_space<vmem_shared>>
      tpu.wait_dma2 semaphore(%run_scoped3A : memref<!tpu.dma_semaphore, #tpu.memory_space<semaphore_mem>>) src(%dma_wait3A_868 : memref<640x16xbf16, #tpu.memory_space<vmem_shared>>) dst(%dma_wait3A_866 : memref<640x16xbf16, #tpu.memory_space<hbm>>)
      tpu.yield
    }) : () -> ()
    return
  }
}

module attributes {stable_mosaic.version = 14 : i64} {
  func.func @_fn_rows_body(%arg0: i32, %arg1: memref<128x1024xf32, #tpu.memory_space<vmem>>, %arg2: memref<128x128xf32, #tpu.memory_space<vmem>>, %arg3: memref<2x1024x64xbf16, #tpu.memory_space<vmem>>) attributes {dimension_semantics = [#tpu.dimension_semantics<arbitrary>], iteration_bounds = array<i64: 10>, scalar_prefetch = 0 : i64, scratch_operands = 0 : i64, tpu.core_type = #tpu.core_type<tc>, window_params = [{transform_indices = @transform_0, window_bounds = array<i64: 128, 1024>}, {pipeline_mode = #tpu.pipeline_mode<synchronous>, transform_indices = @transform_1, window_bounds = array<i64: 128, 128>}, {transform_indices = @transform_2, window_bounds = array<i64: 2, 1024, 64>}]} {
    %get3A = arith.constant 0 : index
    %get3A_0 = arith.constant 0 : index
    %get3A_1 = vector.load %arg1[%get3A, %get3A_0] : memref<128x1024xf32, #tpu.memory_space<vmem>>, vector<128x1024xf32>
    %get3A_2 = arith.constant 0 : index
    %get3A_3 = arith.constant 0 : index
    %get3A_4 = vector.load %arg2[%get3A_2, %get3A_3] : memref<128x128xf32, #tpu.memory_space<vmem>>, vector<128x128xf32>
    %dot_general3A = arith.constant dense<0.000000e+00> : vector<1024x128xf32>
    %dot_general3A_5 = tpu.matmul %get3A_1, %get3A_4, %dot_general3A {dimension_numbers = #tpu.dot_dimension_numbers<[0], [1], [1], [0], [0, 1, 1, 0], [], []>, transpose_lhs_hint = false} : vector<128x1024xf32>, vector<128x128xf32>, vector<1024x128xf32> -> vector<1024x128xf32>
    %slice3A = vector.extract_strided_slice %dot_general3A_5 {offsets = [0, 0], sizes = [1024, 64], strides = [1, 1]} : vector<1024x128xf32> to vector<1024x64xf32>
    %convert_element_type3A = arith.truncf %slice3A : vector<1024x64xf32> to vector<1024x64xbf16>
    %swap3A = arith.constant 0 : index
    %swap3A_6 = arith.constant 0 : index
    %swap3A_7 = arith.constant 0 : index
    %swap3A_8 = vector.load %arg3[%swap3A, %swap3A_6, %swap3A_7] : memref<2x1024x64xbf16, #tpu.memory_space<vmem>>, vector<1x1024x64xbf16>
    %swap3A_9 = vector.shape_cast %swap3A_8 : vector<1x1024x64xbf16> to vector<1024x64xbf16>
    %swap3A_10 = vector.shape_cast %convert_element_type3A : vector<1024x64xbf16> to vector<1x1024x64xbf16>
    tpu.vector_store %arg3[%swap3A, %swap3A_6, %swap3A_7], %swap3A_10 {strides = array<i32>} : memref<2x1024x64xbf16, #tpu.memory_space<vmem>>, vector<1x1024x64xbf16>,
    %slice3A_11 = vector.extract_strided_slice %dot_general3A_5 {offsets = [0, 64], sizes = [1024, 64], strides = [1, 1]} : vector<1024x128xf32> to vector<1024x64xf32>
    %convert_element_type3A_12 = arith.truncf %slice3A_11 : vector<1024x64xf32> to vector<1024x64xbf16>
    %swap3A_13 = arith.constant 1 : index
    %swap3A_14 = arith.constant 0 : index
    %swap3A_15 = arith.constant 0 : index
    %swap3A_16 = vector.load %arg3[%swap3A_13, %swap3A_14, %swap3A_15] : memref<2x1024x64xbf16, #tpu.memory_space<vmem>>, vector<1x1024x64xbf16>
    %swap3A_17 = vector.shape_cast %swap3A_16 : vector<1x1024x64xbf16> to vector<1024x64xbf16>
    %swap3A_18 = vector.shape_cast %convert_element_type3A_12 : vector<1024x64xbf16> to vector<1x1024x64xbf16>
    tpu.vector_store %arg3[%swap3A_13, %swap3A_14, %swap3A_15], %swap3A_18 {strides = array<i32>} : memref<2x1024x64xbf16, #tpu.memory_space<vmem>>, vector<1x1024x64xbf16>,
    return
  }
  func.func @transform_0(%arg0: i32) -> (i32, i32) {
    %c0_i32 = arith.constant 0 : i32
    %c0_i32_0 = arith.constant 0 : i32
    return %c0_i32, %arg0 : i32, i32
  }
  func.func @transform_1(%arg0: i32) -> (i32, i32) {
    %c0_i32 = arith.constant 0 : i32
    %c0_i32_0 = arith.constant 0 : i32
    %c0_i32_1 = arith.constant 0 : i32
    return %c0_i32, %c0_i32_0 : i32, i32
  }
  func.func @transform_2(%arg0: i32) -> (i32, i32, i32) {
    %c0_i32 = arith.constant 0 : i32
    %c0_i32_0 = arith.constant 0 : i32
    %c0_i32_1 = arith.constant 0 : i32
    return %c0_i32, %arg0, %c0_i32_0 : i32, i32, i32
  }
}

module attributes {stable_mosaic.version = 14 : i64} {
  func.func @_combine_body(%arg0: i32, %arg1: memref<2x1024x64xbf16, #tpu.memory_space<vmem>>, %arg2: memref<2x1024x16xbf16, #tpu.memory_space<vmem>>, %arg3: memref<128x1024xf32, #tpu.memory_space<vmem>>, %arg4: memref<128x128xf32, #tpu.memory_space<vmem>>, %arg5: memref<1x128x1024xf32, #tpu.memory_space<vmem>>) attributes {dimension_semantics = [#tpu.dimension_semantics<arbitrary>], iteration_bounds = array<i64: 10>, scalar_prefetch = 0 : i64, scratch_operands = 0 : i64, tpu.core_type = #tpu.core_type<tc>, window_params = [{transform_indices = @transform_0, window_bounds = array<i64: 2, 1024, 64>}, {transform_indices = @transform_1, window_bounds = array<i64: 2, 1024, 16>}, {transform_indices = @transform_2, window_bounds = array<i64: 128, 1024>}, {pipeline_mode = #tpu.pipeline_mode<synchronous>, transform_indices = @transform_3, window_bounds = array<i64: 128, 128>}, {transform_indices = @transform_4, window_bounds = array<i64: 1, 128, 1024>}]} {
    %get3A = arith.constant 0 : index
    %get3A_0 = arith.constant 0 : index
    %get3A_1 = arith.constant 0 : index
    %get3A_2 = vector.load %arg1[%get3A, %get3A_0, %get3A_1] : memref<2x1024x64xbf16, #tpu.memory_space<vmem>>, vector<1x1024x64xbf16>
    %get3A_3 = vector.shape_cast %get3A_2 : vector<1x1024x64xbf16> to vector<1024x64xbf16>
    %get3A_4 = arith.constant 1 : index
    %get3A_5 = arith.constant 0 : index
    %get3A_6 = arith.constant 0 : index
    %get3A_7 = vector.load %arg1[%get3A_4, %get3A_5, %get3A_6] : memref<2x1024x64xbf16, #tpu.memory_space<vmem>>, vector<1x1024x64xbf16>
    %get3A_8 = vector.shape_cast %get3A_7 : vector<1x1024x64xbf16> to vector<1024x64xbf16>
    %concatenate3A = tpu.concatenate %get3A_3, %get3A_8 in 1 : vector<1024x64xbf16>, vector<1024x64xbf16> -> vector<1024x128xbf16>
    %convert_element_type3A = arith.extf %concatenate3A : vector<1024x128xbf16> to vector<1024x128xf32>
    %get3A_9 = arith.constant 0 : index
    %get3A_10 = arith.constant 0 : index
    %get3A_11 = arith.constant 0 : index
    %get3A_12 = vector.load %arg2[%get3A_9, %get3A_10, %get3A_11] : memref<2x1024x16xbf16, #tpu.memory_space<vmem>>, vector<1x1024x16xbf16>
    %get3A_13 = vector.shape_cast %get3A_12 : vector<1x1024x16xbf16> to vector<1024x16xbf16>
    %slice3A = vector.extract_strided_slice %get3A_13 {offsets = [0, 0], sizes = [1024, 1], strides = [1, 1]} : vector<1024x16xbf16> to vector<1024x1xbf16>
    %convert_element_type3A_14 = arith.extf %slice3A : vector<1024x1xbf16> to vector<1024x1xf32>
    %get3A_15 = arith.constant 1 : index
    %get3A_16 = arith.constant 0 : index
    %get3A_17 = arith.constant 0 : index
    %get3A_18 = vector.load %arg2[%get3A_15, %get3A_16, %get3A_17] : memref<2x1024x16xbf16, #tpu.memory_space<vmem>>, vector<1x1024x16xbf16>
    %get3A_19 = vector.shape_cast %get3A_18 : vector<1x1024x16xbf16> to vector<1024x16xbf16>
    %slice3A_20 = vector.extract_strided_slice %get3A_19 {offsets = [0, 0], sizes = [1024, 1], strides = [1, 1]} : vector<1024x16xbf16> to vector<1024x1xbf16>
    %convert_element_type3A_21 = arith.extf %slice3A_20 : vector<1024x1xbf16> to vector<1024x1xf32>
    %add3A = arith.addf %convert_element_type3A_14, %convert_element_type3A_21 : vector<1024x1xf32>
    %gt3A = arith.constant 0.000000e+00 : f32
    %gt3A_22 = vector.broadcast %gt3A : f32 to vector<1024x1xf32>
    %gt3A_23 = arith.cmpf ogt, %add3A, %gt3A_22 : vector<1024x1xf32>
    %max3A = arith.constant 1.000000e+00 : f32
    %max3A_24 = vector.broadcast %max3A : f32 to vector<1024x1xf32>
    %max3A_25 = arith.maximumf %add3A, %max3A_24 : vector<1024x1xf32>
    %div3A = vector.broadcast %max3A_25 : vector<1024x1xf32> to vector<1024x128xf32>
    %div3A_26 = arith.divf %convert_element_type3A, %div3A : vector<1024x128xf32>
    %jit3A = arith.constant 0.000000e+00 : f32
    %broadcast_in_dim3A = vector.shape_cast %gt3A_23 : vector<1024x1xi1> to vector<1024x1xi1>
    %broadcast_in_dim3A_27 = vector.broadcast %broadcast_in_dim3A : vector<1024x1xi1> to vector<1024x128xi1>
    %broadcast_in_dim3A_28 = vector.broadcast %jit3A : f32 to vector<1024x128xf32>
    %select_n3A = arith.select %broadcast_in_dim3A_27, %div3A_26, %broadcast_in_dim3A_28 : vector<1024x128xi1>, vector<1024x128xf32>
    %get3A_29 = arith.constant 0 : index
    %get3A_30 = arith.constant 0 : index
    %get3A_31 = vector.load %arg4[%get3A_29, %get3A_30] : memref<128x128xf32, #tpu.memory_space<vmem>>, vector<128x128xf32>
    %get3A_32 = arith.constant 0 : index
    %get3A_33 = arith.constant 0 : index
    %get3A_34 = vector.load %arg3[%get3A_32, %get3A_33] : memref<128x1024xf32, #tpu.memory_space<vmem>>, vector<128x1024xf32>
    %dot_general3A = arith.constant dense<0.000000e+00> : vector<128x1024xf32>
    %dot_general3A_35 = tpu.matmul %get3A_31, %get3A_34, %dot_general3A {dimension_numbers = #tpu.dot_dimension_numbers<[1], [0], [0], [1], [0, 0, 1, 1], [], []>, transpose_lhs_hint = false} : vector<128x128xf32>, vector<128x1024xf32>, vector<128x1024xf32> -> vector<128x1024xf32>
    %transpose3A = tpu.transpose %select_n3A, [1, 0] : vector<1024x128xf32> -> vector<128x1024xf32>
    %add3A_36 = arith.addf %dot_general3A_35, %transpose3A : vector<128x1024xf32>
    %ge3A = arith.constant 0.000000e+00 : f32
    %ge3A_37 = vector.broadcast %ge3A : f32 to vector<128x1024xf32>
    %ge3A_38 = arith.cmpf oge, %add3A_36, %ge3A_37 : vector<128x1024xf32>
    %mul3A = arith.constant 3.000000e-01 : f32
    %mul3A_39 = vector.broadcast %mul3A : f32 to vector<128x1024xf32>
    %mul3A_40 = arith.mulf %mul3A_39, %add3A_36 : vector<128x1024xf32>
    %select_n3A_41 = arith.select %ge3A_38, %add3A_36, %mul3A_40 : vector<128x1024xi1>, vector<128x1024xf32>
    %swap3A = arith.constant 0 : index
    %swap3A_42 = arith.constant 0 : index
    %swap3A_43 = arith.constant 0 : index
    %swap3A_44 = vector.load %arg5[%swap3A, %swap3A_42, %swap3A_43] : memref<1x128x1024xf32, #tpu.memory_space<vmem>>, vector<1x128x1024xf32>
    %swap3A_45 = vector.shape_cast %swap3A_44 : vector<1x128x1024xf32> to vector<128x1024xf32>
    %swap3A_46 = vector.shape_cast %select_n3A_41 : vector<128x1024xf32> to vector<1x128x1024xf32>
    tpu.vector_store %arg5[%swap3A, %swap3A_42, %swap3A_43], %swap3A_46 {strides = array<i32>} : memref<1x128x1024xf32, #tpu.memory_space<vmem>>, vector<1x128x1024xf32>,
    return
  }
  func.func @transform_0(%arg0: i32) -> (i32, i32, i32) {
    %c0_i32 = arith.constant 0 : i32
    %c0_i32_0 = arith.constant 0 : i32
    %c0_i32_1 = arith.constant 0 : i32
    return %c0_i32, %arg0, %c0_i32_0 : i32, i32, i32
  }
  func.func @transform_1(%arg0: i32) -> (i32, i32, i32) {
    %c0_i32 = arith.constant 0 : i32
    %c0_i32_0 = arith.constant 0 : i32
    %c0_i32_1 = arith.constant 0 : i32
    return %c0_i32, %arg0, %c0_i32_0 : i32, i32, i32
  }
  func.func @transform_2(%arg0: i32) -> (i32, i32) {
    %c0_i32 = arith.constant 0 : i32
    %c0_i32_0 = arith.constant 0 : i32
    return %c0_i32, %arg0 : i32, i32
  }
  func.func @transform_3(%arg0: i32) -> (i32, i32) {
    %c0_i32 = arith.constant 0 : i32
    %c0_i32_0 = arith.constant 0 : i32
    %c0_i32_1 = arith.constant 0 : i32
    return %c0_i32, %c0_i32_0 : i32, i32
  }
  func.func @transform_4(%arg0: i32) -> (i32, i32, i32) {
    %c0_i32 = arith.constant 0 : i32
    %c0_i32_0 = arith.constant 0 : i32
    %c0_i32_1 = arith.constant 0 : i32
    return %c0_i32, %c0_i32_0, %arg0 : i32, i32, i32
  }
}

</mosaic_0001>

<sc_bundles>
// kernel: kernel.5.cloned.1.call-start
scs
__scs_entry_jumppad:
0x0: {  	(pc) =	sbr.rel $0x88, $3  }
0x1: {  	(tag) =	ssettag $0x0;
	lr =	simm.s32 $0x1  }
0x2: {  	[smem:$0x3F9C] =	sst lr;
	_ =	strace $0xD0000000  }
0x3: {  	_ = 	snop  }
0x4: {  	_ = 	snop  }
0x5: {  	_ = 	snop  }
0x6: {  	_ = 	snop  }
0x7: {  	_ = 	snop  }
__scs_overlays_trampoline_lowered:
0x8: {  	[smem:$0x3FAB] =	sst s0  }
0x9: {  	[smem:$0x3FAC] =	sst s1  }
0xa: {  	[smem:$0x3FAD] =	sst s2  }
0xb: {  	[smem:$0x3FAE] =	sst s3  }
0xc: {  	[smem:$0x3FAF] =	sst s4  }
0xd: {  	[smem:$0x3FB0] =	sst s5  }
0xe: {  	[smem:$0x3FB1] =	sst s6  }
0xf: {  	[smem:$0x3FB2] =	sst s7  }
0x10: {  	[smem:$0x3FB3] =	sst s8  }
0x11: {  	[smem:$0x3FB4] =	sst s9;
	s0 =	simm.s32 @!p0 $0x0  }
0x12: {  	s1 =	sld [smem:$0x3F9A];
	s0 =	simm.s32 @p0 $0x1  }
0x13: {  	[smem:$0x3FB5] =	sst s0;
	s0 =	simm.s32 @!p1 $0x0  }
0x14: {  	s2 =	sld [smem:$0x3F99];
	s0 =	simm.s32 @p1 $0x1  }
0x15: {  	[smem:$0x3FB6] =	sst s0;
	s0 =	simm.s32 @!p2 $0x0  }
0x16: {  	s3 =	sld [smem:$0x3FDB];
	s0 =	simm.s32 @p2 $0x1  }
0x17: {  	s4 =	simm.s32 $0x1BF5;
	[smem:$0x3FB8] =	sst s0  }
0x18: {  	s0 =	sld [smem:$0x3F9B];
	_ =	swait.ge [sflag:s4], $0x0  }
0x19: {  	s7 =	sld [smem:$0x3F9C]  }
0x1a: {  	s8 =	sadd.s32 $0xFFFFE003, lr  }
0x1b: {  	s9 =	sadd.s32 $0xFFFFFEF7, lr;
	s5 =	simm.s32 $0xFFFFFFFF;
	p2 =	slt.u32 s8, $0xFFFFF086  }
0x1c: {  	p1 =	slt.u32 s9, $0xF7A;
	s5 =	simm.s32 @!p2 $0x0  }
0x1d: {  	s5 =	simm.s32 @p1 $0x1;
	p0 =	seq.s32 s7, s2  }
0x1e: {  	s7 =	smul.u32 @!p0 $0xF7A, s2;
	p2 =	seq.s32 @!p0 s5, $0x0  }
0x1f: {  	s9 =	smul.u32 $0xF7A, s1;
	s8 =	simm.s32 @!p0 $0x1BF5;
	p2 =	por !p2, p0  }
0x20: {  	[sflag:s8] =	ssyncset.s32 @!p0 $0xFFFFF086;
	s6 =	sadd.s32 @!p0 s3, s7;
	s7 =	simm.s32 @!p0 $0x108  }
0x21: {  	s3 =	sadd.s32 s3, s9;
	s6 =	sadd.s32 @!p0 $0x88, s6;
	s7 =	simm.s32 @p2 $0x1082  }
0x22: {  	[simem:s7], [sflag:s8] =	dma.local @!p0 [hbm:s6], $0xF7A  }
0x23: {  	s9 =	sor.u32 $0xD0000000, s2;
	s6 =	simm.s32 $0x108;
	_ =	swait.ge @!p0 [sflag:s8], $0x0  }
0x24: {  	s3 =	sadd.s32 $0x88, s3;
	s6 =	simm.s32 @!p1 $0x1082;
	[sflag:s4] =	ssyncset.s32 $0xFFFFF086  }
0x25: {  	[simem:s6], [sflag:s4] =	dma.local [hbm:s3], $0xF7A  }
0x26: {  	[smem:$0x3F9C] =	sst s1;
	(tag) =	ssettag s2;
	_ =	strace s9  }
0x27: {  	s1 =	sld [smem:$0x3FAC]  }
0x28: {  	s2 =	sld [smem:$0x3FAD]  }
0x29: {  	s4 =	sld [smem:$0x3FAF]  }
0x2a: {  	p0 =	seq.s32 s5, $0x0;
	s5 =	sld [smem:$0x3FB0]  }
0x2b: {  	s6 =	sld [smem:$0x3FB1]  }
0x2c: {  	s7 =	sld [smem:$0x3FB2]  }
0x2d: {  	s3 =	simm.s32 $0x108;
	s8 =	sld [smem:$0x3FB3]  }
0x2e: {  	s3 =	simm.s32 @!p0 $0x1082;
	s9 =	sld [smem:$0x3FB4]  }
0x2f: {  	lr =	sadd.s32 s0, s3;
	s0 =	sld [smem:$0x3FAB]  }
0x30: {  	s3 =	sld [smem:$0x3FAE]  }
0x31: {  	[smem:$0x3FB7] =	sst s10  }
0x32: {  	s10 =	sld [smem:$0x3FB5];
	_ =	sdelay $0x3  }
0x33: {  	p0 =	seq.s32 s10, $0x1;
	s10 =	sld [smem:$0x3FB7];
	_ =	sdelay $0x3  }
0x34: {  	[smem:$0x3FB7] =	sst s10  }
0x35: {  	s10 =	sld [smem:$0x3FB6];
	_ =	sdelay $0x3  }
0x36: {  	p1 =	seq.s32 s10, $0x1;
	s10 =	sld [smem:$0x3FB7];
	_ =	sdelay $0x3  }
0x37: {  	[smem:$0x3FB7] =	sst s10  }
0x38: {  	s10 =	sld [smem:$0x3FB8]  }
0x39: {  	_ = 	snop;
	(pc) =	sbr.ind lr, $3  }
0x3a: {  	_ = 	snop  }
0x3b: {  	_ = 	snop  }
0x3c: {  	p2 =	seq.s32 s10, $0x1;
	s10 =	sld [smem:$0x3FB7]  }
0x3d: {  	_ =	shalt  }
0x3e: {  	_ =	shalt  }
0x3f: {  	_ =	shalt  }
0x40: {  	_ =	shalt  }
0x41: {  	_ =	shalt  }
0x42: {  	_ =	shalt  }
0x43: {  	_ =	shalt  }
0x44: {  	_ =	shalt  }
0x45: {  	_ =	shalt  }
0x46: {  	_ =	shalt  }
0x47: {  	_ =	shalt  }
0x48: {  	_ =	shalt  }
0x49: {  	_ =	shalt  }
0x4a: {  	_ =	shalt  }
0x4b: {  	_ =	shalt  }
0x4c: {  	_ =	shalt  }
0x4d: {  	_ =	shalt  }
0x4e: {  	_ =	shalt  }
0x4f: {  	_ =	shalt  }
0x50: {  	_ =	shalt  }
0x51: {  	_ =	shalt  }
0x52: {  	_ =	shalt  }
0x53: {  	_ =	shalt  }
0x54: {  	_ =	shalt  }
0x55: {  	_ =	shalt  }
0x56: {  	_ =	shalt  }
0x57: {  	_ =	shalt  }
0x58: {  	_ =	shalt  }
0x59: {  	_ =	shalt  }
0x5a: {  	_ =	shalt  }
0x5b: {  	_ =	shalt  }
0x5c: {  	_ =	shalt  }
0x5d: {  	_ =	shalt  }
0x5e: {  	_ =	shalt  }
0x5f: {  	_ =	shalt  }
0x60: {  	_ =	shalt  }
0x61: {  	_ =	shalt  }
0x62: {  	_ =	shalt  }
0x63: {  	_ =	shalt  }
0x64: {  	_ =	shalt  }
0x65: {  	_ =	shalt  }
0x66: {  	_ =	shalt  }
0x67: {  	_ =	shalt  }
0x68: {  	_ =	shalt  }
0x69: {  	_ =	shalt  }
0x6a: {  	_ =	shalt  }
0x6b: {  	_ =	shalt  }
0x6c: {  	_ =	shalt  }
0x6d: {  	_ =	shalt  }
0x6e: {  	_ =	shalt  }
0x6f: {  	_ =	shalt  }
0x70: {  	_ =	shalt  }
0x71: {  	_ =	shalt  }
0x72: {  	_ =	shalt  }
0x73: {  	_ =	shalt  }
0x74: {  	_ =	shalt  }
0x75: {  	_ =	shalt  }
0x76: {  	_ =	shalt  }
0x77: {  	_ =	shalt  }
0x78: {  	_ =	shalt  }
0x79: {  	_ =	shalt  }
0x7a: {  	_ =	shalt  }
0x7b: {  	_ =	shalt  }
0x7c: {  	_ =	shalt  }
0x7d: {  	_ =	shalt  }
0x7e: {  	_ =	shalt  }
0x7f: {  	_ =	shalt  }
0x80: {  	_ =	shalt  }
0x81: {  	_ =	shalt  }
0x82: {  	_ =	shalt  }
0x83: {  	_ =	shalt  }
0x84: {  	_ =	shalt  }
0x85: {  	_ =	shalt  }
0x86: {  	_ =	shalt  }
0x87: {  	_ =	shalt  }
.Lfunc_end0:
.L_simem_size_0:
called_computation_lowered:
.L_overlay_start_0:
0x88: {  	s2 =	sld [smem:$0x3FD9]  }
0x89: {  	s3 =	sld [smem:$0x3FFE];
	_ =	sdelay $0x1  }
0x8a: {  	s1 =	srdreg.scid  }
0x8b: {  	s0 =	sand.u32 $0x1, s1  }
0x8c: {  	s17 =	sshll.u32 s0, $0xA;
	s2 =	sadd.s32 s3, s2  }
0x8d: {  	s2 =	sadd.s32 s2, s17  }
0x8e: {  	[smem:$0x3FC3] =	sst s2  }
0x8f: {  	_ = 	snop  }
0x90: {  	s2 =	sld [smem:$0x3FD0];
	(tm) =	ssettm $0x1  }
0x91: {  	s18 =	sld [smem:$0x3FFB];
	_ =	sdelay $0x3  }
0x92: {  	_ =	strace s18  }
0x93: {  	s3 =	sld [smem:$0x3FFC];
	_ =	sdelay $0x3  }
0x94: {  	_ =	strace s3  }
0x95: {  	s3 =	sld [smem:$0x3FFD];
	_ =	sdelay $0x3  }
0x96: {  	_ =	strace s3  }
0x97: {  	_ =	strace $0x8FFFFFFF  }
0x98: {  	s19 =	sld [smem:$0x3FDB];
	_ =	sdelay $0x1  }
0x99: {  	s4 =	simm.s32 $_scs_section_size  }
0x9a: {  	s5 =	simm.s32 $_size__tile_overlayer_lowered;
	s6 =	simm.s32 $_tile_overlayer_lowered  }
0x9b: {  	s22 =	simm.s32 $0x1BFF;
	s21 =	sshll.u32 s6, $0x1;
	s3 =	sadd.s32 s4, s19  }
0x9c: {  	s7 =	simm.s32 $0x0;
	s20 =	sshll.u32 s5, $0x1;
	s5 =	sadd.s32 s21, s3  }
0x9d: {  	[timem:s7], [sflag:s22] =	dma.local [hbm:s5], s20  }
0x9e: {  	_ =	swait.ge [sflag:s22], s20  }
0x9f: {  	s4 =	ssub.s32 $0x0, s20;
	[sflag:s22] =	ssyncset.done $0x0  }
0xa0: {  	[sflag:s22] =	ssyncadd.s32 s4;
	_ =	sdelay $0x1  }
0xa1: {  	s23 =	simm.s32 $0x1B8B  }
0xa2: {  	_ =	swait.ge [sflag:s23], $0x1  }
0xa3: {  	[sflag:s23] =	ssyncset.done $0x0  }
0xa4: {  	s25 =	simm.s32 $0x1B8E;
	s24 =	sld [smem:$0x3FFE];
	[sflag:s23] =	ssyncadd.s32 $0xFFFFFFFF  }
0xa5: {  	s26 =	simm.s32 $execute0_lowered;
	[smem:$0x3FD2] =	sst s25  }
0xa6: {  	s5 =	sshll.u32 s26, $0x1;
	_ =	strace $0x80000046;
	[dreg:$0x1] =	wrdreg $0xFFFFFFFF  }
0xa7: {  	s28 =	simm.s32 $_size_execute0_lowered;
	s3 =	sadd.s32 s3, s5;
	[dreg:$0x0] =	wrdreg $0x0  }
0xa8: {  	s5 =	sshll.u32 s28, $0x1;
	[dreg:$0x2] =	wrdreg s3  }
0xa9: {  	[dreg:$0x3] =	wrdreg s5  }
0xaa: {  	[dreg:$0x4] =	wrdreg $0xC0  }
0xab: {  	_ =	task [dreg:s7], $0x5FFFF  }
0xac: {  	[dreg:$0x1] =	wrdreg $0xFFFFFFFF  }
0xad: {  	[dreg:$0x0] =	wrdreg $0x60  }
0xae: {  	[dreg:$0x2] =	wrdreg s2  }
0xaf: {  	[dreg:$0x3] =	wrdreg s24  }
0xb0: {  	[dreg:$0x4] =	wrdreg $0x138000  }
0xb1: {  	[dreg:$0x5] =	wrdreg $0x188000  }
0xb2: {  	[dreg:$0x6] =	wrdreg $0x9  }
0xb3: {  	_ =	task.clear_ibuf [dreg:s7], $0x7FFFF;
	_ =	strace $0x90000046  }
0xb4: {  	s29 =	simm.s32 $0x9;
	_ =	strace $0x80000048  }
0xb5: {  	_ =	swait.ge [sflag:s29], $0x1  }
0xb6: {  	[sflag:s29] =	ssyncadd.s32 $0xFFFFFFFF  }
0xb7: {  	_ =	strace $0x90000048  }
0xb8: {  	_ =	sfence  }
0xb9: {  	s30 =	sld [smem:$0x0];
	_ =	sdelay $0x2  }
0xba: {  	s31 =	sshll.u32 s1, $0xD;
	s1 =	sshrl.u32 s1, $0x2  }
0xbb: {  	s3 =	sand.u32 $0x4000, s31;
	s1 =	sadd.s32 s1, s30  }
0xbc: {  	s0 =	sor.u32 s3, s0;
	s1 =	sshll.u32 s1, $0x11  }
0xbd: {  	s0 =	sor.u32 s1, s0  }
0xbe: {  	s0 =	sadd.s32 $0x8F2B, s0  }
0xbf: {  	[sflag:s0] =	ssyncadd.remote.s32 $0x1  }
0xc0: {  	_ =	sfence.sel $0xFFFF  }
0xc1: {  	[dreg:$0x0] =	wrdreg $0xFFFFFFFF;
	(pc) =	sbr.abs _section_cstart, $3  }
0xc2: {  	[dreg:$0x1] =	wrdreg $0xFFFFFFFF  }
0xc3: {  	_ =	task.clear_ibuf [dreg:s7], $0x2FFFF;
	_ =	strace $0x9FFFFFFF  }
0xc4: {  	(tm) =	ssettm $0x7FFFFFFF  }
0xc5: {  	_ =	shalt  }
tec
execute0_lowered:
.L_overlay_start_1:
0x0: {  	(tag) =	ssettag $0x1  }
0x1: {  	s0 =	rddreg [dreg:$0x0]  }
0x2: {  	s1 =	rddreg [dreg:$0x1]  }
0x3: {  	s2 =	srdreg.scid;
	s3 =	rddreg [dreg:$0x2]  }
0x4: {  	s4 =	rddreg [dreg:$0x3];
	s11 =	stileid.u32;
	s6 =	simm.s32 $0x0  }
0x5: {  	s31 =	simm.s32 $0x2;
	s29 =	simm.s32 $0x6;
	s30 =	simm.s32 $0x7  }
0x6: {  	s2 =	sand.u32 $0x1, s2;
	[smem:$0x7FF] =	sst s6;
	s9 =	smul.u32 $0x280, s11  }
0x7: {  	s21 =	sadd.s32 $0x1800, s1;
	s7 =	sadd.s32 $0x1C00, s1;
	s10 =	smul.u32 $0xA000, s11  }
0x8: {  	s28 =	smul.u32 $0x2800, s11;
	_ =	strace $0x80000047;
	[dreg:$0x5] =	wrdreg s21  }
0x9: {  	s23 =	sadd.s32 $0x1A00, s1;
	s22 =	smul.u32 $0xA000, s2;
	[dreg:$0x6] =	wrdreg s7  }
0xa: {  	s5 =	sshll.u32 s2, $0x4;
	[dreg:$0x7] =	wrdreg s23;
	s24 =	smul.u32 $0x2800, s2  }
0xb: {  	s8 =	ssub.s32 $0x2, s2;
	p0 =	sne.s32 s2, $0x0;
	p1 =	seq.s32 s2, $0x0  }
0xc: {  	s5 =	sor.u32 s11, s5;
	s25 =	sshrl.u32 s8, $0x1;
	s12 =	sshrl.u32 s10, $0x1  }
0xd: {  	s13 =	sadd.s32 $0x80, s9;
	s15 =	sshrl.u32 s28, $0x1;
	s18 =	sadd.s32 $0x100, s9  }
0xe: {  	s19 =	sadd.s32 $0x180, s9;
	s9 =	sadd.s32 $0x200, s9;
	s28 =	sshrl.u32 s28, $0x4  }
0xf: {  	s11 =	simm.s32 $0x9;
	s5 =	smul.u32 $0xA00, s5;
	s6 =	sadd.s32 s22, s1  }
0x10: {  	s7 =	ssub.s32 s8, s25;
	s14 =	sadd.s32 s12, s3;
	s12 =	sshll.u32 s13, $0x5  }
0x11: {  	s15 =	sadd.s32 s15, s4;
	s17 =	sshll.u32 s13, $0x3;
	s20 =	sshll.u32 s18, $0x5  }
0x12: {  	s13 =	sshll.u32 s19, $0x5;
	s22 =	sshll.u32 s19, $0x3;
	s23 =	sshll.u32 s9, $0x5  }
0x13: {  	s9 =	sshll.u32 s9, $0x3;
	s19 =	simm.s32 $0xE000;
	s8 =	simm.s32 $0x0  }
0x14: {  	s16 =	sadd.s32 s12, s3;
	s12 =	sadd.s32 s20, s3;
	[dreg:$0xa] =	wrdreg s14  }
0x15: {  	s21 =	sadd.s32 s13, s3;
	s2 =	sadd.s32 s23, s3;
	[dreg:$0xb] =	wrdreg s15  }
0x16: {  	s25 =	sadd.s32 $0x29E00, s6;
	s7 =	smax.u32 s7, $0x1;
	[dreg:$0xc] =	wrdreg s16  }
0x17: {  	s13 =	simm.s32 $0xA;
	s20 =	simm.s32 $0xF000;
	[dreg:$0xe] =	wrdreg s12  }
0x18: {  	s23 =	simm.s32 $0x3;
	s5 =	sadd.s32 s5, s1;
	[dreg:$0x10] =	wrdreg s21  }
0x19: {  	s1 =	sadd.s32 s24, s1;
	[dreg:$0x12] =	wrdreg s2;
	s24 =	sadd.s32 s9, s4  }
0x1a: {  	[dreg:$0x14] =	wrdreg s7;
	s9 =	simm.s32 $0x12000;
	s16 =	simm.s32 $0xB000  }
0x1b: {  	s21 =	simm.s32 $0x10000;
	s26 =	sadd.s32 $0x15E00, s5;
	[dreg:$0x13] =	wrdreg s24  }
0x1c: {  	s5 =	sadd.s32 $0x1E00, s5;
	s1 =	sadd.s32 $0x3DE00, s1;
	[dreg:$0x8] =	wrdreg s26  }
0x1d: {  	s24 =	simm.s32 $0x4;
	[dreg:$0x9] =	wrdreg s5;
	s5 =	sadd.s32 s17, s4  }
0x1e: {  	s26 =	sshrl.u32 s10, $0x4;
	s1 =	sadd.s32 s28, s1;
	s10 =	simm.s32 $0x1  }
.Ltmp0:
0x1f: {  	s17 =	simm.s32 $0xC000;
	[dreg:$0xd] =	wrdreg s5;
	(pc) =	sbr.rel .LBB2_1-.Ltmp0, $4  }
0x20: {  	s5 =	sshll.u32 s18, $0x3;
	s2 =	sadd.s32 s26, s25;
	[dreg:$0x16] =	wrdreg s1  }
0x21: {  	s18 =	simm.s32 $0xD000;
	s5 =	sadd.s32 s5, s4;
	[dreg:$0x15] =	wrdreg s2  }
0x22: {  	s25 =	simm.s32 $0x5;
	[dreg:$0xf] =	wrdreg s5;
	s5 =	sadd.s32 s22, s4  }
0x23: {  	s2 =	simm.s32 $0x80;
	s22 =	simm.s32 $0x11000;
	[dreg:$0x11] =	wrdreg s5  }
.LBB2_5:
0x24: {  	_ =	swait.ge [sflag:s31], $0x1000  }
0x25: {  	[sflag:s31] =	ssyncset.done $0x0  }
0x26: {  	s16 =	simm.s32 $0xB000;
	s1 =	simm.s32 $0x9C80;
	[sflag:s31] =	ssyncadd.s32 $0xFFFFF000  }
0x27: {  	[spmem:s3] =	stream.indirect.scatter.add.bf16 [tilespmem:s16], [sflag:$0xA], $0x20, s1, s2, $0xb8;
	[tilespmem:$0x19C00] =	vst v63  }
0x28: {  	s9 =	simm.s32 $0x12000;
	s23 =	simm.s32 $0x3  }
0x29: {  	[spmem:s4] =	stream.indirect.scatter.add.bf16 [tilespmem:s9], [sflag:$0x12], $0x8, s1, s2, $0xb8;
	[tilespmem:$0x19C00] =	vst v63  }
0x2a: {  	_ =	swait.ge [sflag:s23], $0x1000  }
0x2b: {  	s17 =	simm.s32 $0xC000;
	[sflag:s23] =	ssyncset.done $0x0  }
0x2c: {  	s8 =	simm.s32 $0x9D00;
	s24 =	simm.s32 $0x4;
	[sflag:s23] =	ssyncadd.s32 $0xFFFFF000  }
0x2d: {  	[spmem:s3] =	stream.indirect.scatter.add.bf16 [tilespmem:s17], [sflag:$0xB], $0x20, s8, s2, $0xb8;
	[tilespmem:$0x19C00] =	vst v63  }
0x2e: {  	_ =	swait.ge [sflag:s24], $0x1000  }
0x2f: {  	[sflag:s24] =	ssyncset.done $0x0  }
0x30: {  	s18 =	simm.s32 $0xD000;
	s11 =	simm.s32 $0x9D80;
	[sflag:s24] =	ssyncadd.s32 $0xFFFFF000  }
0x31: {  	[spmem:s3] =	stream.indirect.scatter.add.bf16 [tilespmem:s18], [sflag:$0xC], $0x20, s11, s2, $0xb8;
	[tilespmem:$0x19C00] =	vst v63  }
0x32: {  	s25 =	simm.s32 $0x5  }
0x33: {  	[spmem:s4] =	stream.indirect.scatter.add.bf16 [tilespmem:s9], [sflag:$0x14], $0x8, s11, s2, $0xb8;
	[tilespmem:$0x19C00] =	vst v63  }
0x34: {  	_ =	swait.ge [sflag:s25], $0x1000  }
0x35: {  	s19 =	simm.s32 $0xE000;
	[sflag:s25] =	ssyncset.done $0x0  }
0x36: {  	s12 =	simm.s32 $0x9E00;
	s29 =	simm.s32 $0x6;
	[sflag:s25] =	ssyncadd.s32 $0xFFFFF000  }
0x37: {  	[spmem:s3] =	stream.indirect.scatter.add.bf16 [tilespmem:s19], [sflag:$0xD], $0x20, s12, s2, $0xb8;
	[tilespmem:$0x19C00] =	vst v63  }
0x38: {  	_ =	swait.ge [sflag:s29], $0x1000  }
0x39: {  	[sflag:s29] =	ssyncset.done $0x0  }
0x3a: {  	s20 =	simm.s32 $0xF000;
	s13 =	simm.s32 $0x9E80;
	[sflag:s29] =	ssyncadd.s32 $0xFFFFF000  }
0x3b: {  	[spmem:s3] =	stream.indirect.scatter.add.bf16 [tilespmem:s20], [sflag:$0xE], $0x20, s13, s2, $0xb8;
	[tilespmem:$0x19C00] =	vst v63  }
0x3c: {  	s30 =	simm.s32 $0x7  }
0x3d: {  	[spmem:s4] =	stream.indirect.scatter.add.bf16 [tilespmem:s9], [sflag:$0x16], $0x8, s13, s2, $0xb8;
	[tilespmem:$0x19C00] =	vst v63  }
0x3e: {  	_ =	swait.ge [sflag:s30], $0x1000  }
0x3f: {  	s21 =	simm.s32 $0x10000;
	[sflag:s30] =	ssyncset.done $0x0  }
0x40: {  	s14 =	simm.s32 $0x9F00;
	s15 =	simm.s32 $0x8;
	[sflag:s30] =	ssyncadd.s32 $0xFFFFF000  }
0x41: {  	[spmem:s3] =	stream.indirect.scatter.add.bf16 [tilespmem:s21], [sflag:$0xF], $0x20, s14, s2, $0xb8;
	[tilespmem:$0x19C00] =	vst v63  }
0x42: {  	_ =	swait.ge [sflag:s15], $0x1000  }
0x43: {  	[sflag:s15] =	ssyncset.done $0x0  }
0x44: {  	s26 =	simm.s32 $0x9F80;
	[sflag:s15] =	ssyncadd.s32 $0xFFFFF000  }
0x45: {  	[spmem:s3] =	stream.indirect.scatter.add.bf16 [tilespmem:s22], [sflag:$0x10], $0x20, s26, s2, $0xb8;
	[tilespmem:$0x19C00] =	vst v63  }
0x46: {  	s11 =	simm.s32 $0x9  }
0x47: {  	[spmem:s4] =	stream.indirect.scatter.add.bf16 [tilespmem:s9], [sflag:$0x18], $0x8, s26, s2, $0xb8;
	[tilespmem:$0x19C00] =	vst v63  }
0x48: {  	_ =	swait.ge [sflag:s11], $0x1000  }
0x49: {  	[sflag:s11] =	ssyncset.done $0x0  }
0x4a: {  	s13 =	simm.s32 $0xA;
	[sflag:s11] =	ssyncadd.s32 $0xFFFFF000  }
0x4b: {  	_ =	swait.ge [sflag:s13], $0x1000  }
0x4c: {  	[sflag:s13] =	ssyncset.done $0x0  }
0x4d: {  	s28 =	simm.s32 $0x12;
	[sflag:s13] =	ssyncadd.s32 $0xFFFFF000  }
0x4e: {  	_ =	swait.ge [sflag:s28], $0x400  }
0x4f: {  	[sflag:s28] =	ssyncset.done $0x0  }
0x50: {  	s5 =	simm.s32 $0xB;
	[sflag:s28] =	ssyncadd.s32 $0xFFFFFC00  }
0x51: {  	_ =	swait.ge [sflag:s5], $0x1000  }
0x52: {  	[sflag:s5] =	ssyncset.done $0x0  }
0x53: {  	s6 =	simm.s32 $0xC;
	[sflag:s5] =	ssyncadd.s32 $0xFFFFF000  }
0x54: {  	_ =	swait.ge [sflag:s6], $0x1000  }
0x55: {  	[sflag:s6] =	ssyncset.done $0x0  }
0x56: {  	s7 =	simm.s32 $0x14;
	[sflag:s6] =	ssyncadd.s32 $0xFFFFF000  }
0x57: {  	_ =	swait.ge [sflag:s7], $0x400  }
0x58: {  	[sflag:s7] =	ssyncset.done $0x0  }
0x59: {  	s8 =	simm.s32 $0xD;
	[sflag:s7] =	ssyncadd.s32 $0xFFFFFC00  }
0x5a: {  	_ =	swait.ge [sflag:s8], $0x1000  }
0x5b: {  	[sflag:s8] =	ssyncset.done $0x0  }
0x5c: {  	s12 =	simm.s32 $0xE;
	[sflag:s8] =	ssyncadd.s32 $0xFFFFF000  }
0x5d: {  	_ =	swait.ge [sflag:s12], $0x1000  }
0x5e: {  	[sflag:s12] =	ssyncset.done $0x0  }
0x5f: {  	s14 =	simm.s32 $0x16;
	[sflag:s12] =	ssyncadd.s32 $0xFFFFF000  }
0x60: {  	_ =	swait.ge [sflag:s14], $0x400  }
0x61: {  	[sflag:s14] =	ssyncset.done $0x0  }
0x62: {  	s15 =	simm.s32 $0xF;
	[sflag:s14] =	ssyncadd.s32 $0xFFFFFC00  }
0x63: {  	_ =	swait.ge [sflag:s15], $0x1000  }
0x64: {  	[sflag:s15] =	ssyncset.done $0x0  }
0x65: {  	s26 =	simm.s32 $0x10;
	[sflag:s15] =	ssyncadd.s32 $0xFFFFF000  }
0x66: {  	_ =	swait.ge [sflag:s26], $0x1000  }
0x67: {  	[sflag:s26] =	ssyncset.done $0x0  }
0x68: {  	s28 =	simm.s32 $0x18;
	[sflag:s26] =	ssyncadd.s32 $0xFFFFF000  }
0x69: {  	_ =	swait.ge [sflag:s28], $0x400  }
0x6a: {  	s14 =	rddreg [dreg:$0xa]  }
0x6b: {  	[sflag:s28] =	ssyncset.done $0x0;
	s15 =	rddreg [dreg:$0xb]  }
0x6c: {  	s8 =	rddreg [dreg:$0x17];
	[sflag:s28] =	ssyncadd.s32 $0xFFFFFC00  }
.LBB2_6:
0x6d: {  	s1 =	stileid.u32  }
0x6e: {  	[bflag:$0x0] =	sbarrier.arrive $0xFFFF;
	s5 =	sshrl.u32 s14, $0x3;
	s1 =	sshll.u32 s1, $0x6  }
0x6f: {  	s7 =	simm.s32 $0x19;
	s6 =	rddreg [dreg:$0x15];
	s1 =	sor.u32 $0x1C19, s1  }
0x70: {  	[hbm:s6], [sflag:s1] =	dma.local [spmem:s5], $0xA00  }
0x71: {  	_ =	swait.ge [sflag:s7], $0xA00  }
0x72: {  	[sflag:s7] =	ssyncset.done $0x0  }
0x73: {  	s12 =	sshrl.u32 s15, $0x3;
	s26 =	rddreg [dreg:$0x16];
	[sflag:s7] =	ssyncadd.s32 $0xFFFFF600  }
0x74: {  	[hbm:s26], [sflag:s1] =	dma.local [spmem:s12], $0x280  }
0x75: {  	_ =	swait.ge [sflag:s7], $0x280  }
0x76: {  	s8 =	sadd.s32 $0x1, s8;
	s28 =	rddreg [dreg:$0x14]  }
0x77: {  	p2 =	sne.s32 s8, s28  }
.Ltmp1:
0x78: {  	_ = 	snop;
	(pc) =	sbr.rel @!p2 .LBB2_7-.Ltmp1, $3  }
0x79: {  	_ =	sdelay $0x1  }
0x7a: {  	[sflag:s7] =	ssyncset.done $0x0  }
0x7b: {  	[sflag:s7] =	ssyncadd.s32 $0xFFFFFD80  }
.LBB2_1:
0x7c: {  	[dreg:$0x17] =	wrdreg s8  }
0x7d: {  	s1 =	simm.s32 $0x0;
	s5 =	rddreg [dreg:$0x6];
	s6 =	simm.s32 $0x12400  }
0x7e: {  	[tilespmem:s6], [sflag:$0x1] =	stream.linear.gather [hbm4b:s5+s1], $0x1000, $0x38;
	[tilespmem:$0x19C00] =	vst v63  }
0x7f: {  	s26 =	rddreg [dreg:$0x7];
	s7 =	simm.s32 $0x13400  }
0x80: {  	[tilespmem:s7], [sflag:$0x2] =	stream.linear.gather [hbm4b:s26+s1], $0x400, $0x38;
	[tilespmem:$0x19C00] =	vst v63  }
0x81: {  	s8 =	rddreg [dreg:$0x8]  }
0x82: {  	[tilespmem:s1], [sflag:$0x9] =	stream.linear.gather [hbm4b:s8+s1], $0x5000, $0x38;
	[tilespmem:$0x19C00] =	vst v63  }
0x83: {  	s12 =	rddreg [dreg:$0x9];
	s26 =	simm.s32 $0x5000  }
0x84: {  	[tilespmem:s26], [sflag:$0xA] =	stream.linear.gather [hbm4b:s12+s1], $0x5000, $0x38;
	[tilespmem:$0x19C00] =	vst v63  }
0x85: {  	s12 =	rddreg [dreg:$0x5]  }
0x86: {  	[tilespmem:s9], [sflag:$0x11] =	stream.linear.gather [hbm4b:s12+s1], $0x400, $0x38;
	[tilespmem:$0x19C00] =	vst v63  }
0x87: {  	_ =	swait.ge [sflag:s10], $0x1000  }
0x88: {  	[sflag:s10] =	ssyncset.done $0x0  }
0x89: {  	[sflag:s10] =	ssyncadd.s32 $0xFFFFF000  }
0x8a: {  	_ =	swait.ge [sflag:s31], $0x400  }
0x8b: {  	[sflag:s31] =	ssyncset.done $0x0  }
0x8c: {  	[sflag:s31] =	ssyncadd.s32 $0xFFFFFC00  }
0x8d: {  	[spmem:s14] =	stream.linear.scatter [tilespmem:s6], [sflag:$0x1], $0x1000, $0x38;
	[tilespmem:$0x19C00] =	vst v63  }
0x8e: {  	_ = 	snop  }
0x8f: {  	[spmem:s15] =	stream.linear.scatter [tilespmem:s7], [sflag:$0x2], $0x400, $0x38;
	[tilespmem:$0x19C00] =	vst v63  }
0x90: {  	s14 =	rddreg [dreg:$0xc]  }
0x91: {  	[spmem:s14] =	stream.linear.scatter [tilespmem:s6], [sflag:$0x1], $0x1000, $0x38;
	[tilespmem:$0x19C00] =	vst v63  }
0x92: {  	s15 =	rddreg [dreg:$0xd]  }
0x93: {  	[spmem:s15] =	stream.linear.scatter [tilespmem:s7], [sflag:$0x2], $0x400, $0x38;
	[tilespmem:$0x19C00] =	vst v63  }
0x94: {  	s26 =	rddreg [dreg:$0xe]  }
0x95: {  	[spmem:s26] =	stream.linear.scatter [tilespmem:s6], [sflag:$0x1], $0x1000, $0x38;
	[tilespmem:$0x19C00] =	vst v63  }
0x96: {  	s9 =	rddreg [dreg:$0xf]  }
0x97: {  	[spmem:s9] =	stream.linear.scatter [tilespmem:s7], [sflag:$0x2], $0x400, $0x38;
	[tilespmem:$0x19C00] =	vst v63  }
0x98: {  	s12 =	rddreg [dreg:$0x10]  }
0x99: {  	[spmem:s12] =	stream.linear.scatter [tilespmem:s6], [sflag:$0x1], $0x1000, $0x38;
	[tilespmem:$0x19C00] =	vst v63  }
0x9a: {  	s14 =	rddreg [dreg:$0x11]  }
0x9b: {  	[spmem:s14] =	stream.linear.scatter [tilespmem:s7], [sflag:$0x2], $0x400, $0x38;
	[tilespmem:$0x19C00] =	vst v63  }
0x9c: {  	s15 =	rddreg [dreg:$0x12]  }
0x9d: {  	[spmem:s15] =	stream.linear.scatter [tilespmem:s6], [sflag:$0x1], $0x1000, $0x38;
	[tilespmem:$0x19C00] =	vst v63  }
0x9e: {  	s26 =	rddreg [dreg:$0x13]  }
0x9f: {  	[spmem:s26] =	stream.linear.scatter [tilespmem:s7], [sflag:$0x2], $0x400, $0x38;
	[tilespmem:$0x19C00] =	vst v63  }
0xa0: {  	_ =	swait.ge [sflag:s10], $0x1000  }
0xa1: {  	[sflag:s10] =	ssyncset.done $0x0  }
0xa2: {  	[sflag:s10] =	ssyncadd.s32 $0xFFFFF000  }
0xa3: {  	_ =	swait.ge [sflag:s31], $0x400  }
0xa4: {  	[sflag:s31] =	ssyncset.done $0x0  }
0xa5: {  	[sflag:s31] =	ssyncadd.s32 $0xFFFFFC00  }
0xa6: {  	_ =	swait.ge [sflag:s10], $0x1000  }
0xa7: {  	[sflag:s10] =	ssyncset.done $0x0  }
0xa8: {  	[sflag:s10] =	ssyncadd.s32 $0xFFFFF000  }
0xa9: {  	_ =	swait.ge [sflag:s31], $0x400  }
0xaa: {  	[sflag:s31] =	ssyncset.done $0x0  }
0xab: {  	[sflag:s31] =	ssyncadd.s32 $0xFFFFFC00  }
0xac: {  	_ =	swait.ge [sflag:s10], $0x1000  }
0xad: {  	[sflag:s10] =	ssyncset.done $0x0  }
0xae: {  	[sflag:s10] =	ssyncadd.s32 $0xFFFFF000  }
0xaf: {  	_ =	swait.ge [sflag:s31], $0x400  }
0xb0: {  	[sflag:s31] =	ssyncset.done $0x0  }
0xb1: {  	[sflag:s31] =	ssyncadd.s32 $0xFFFFFC00  }
0xb2: {  	_ =	swait.ge [sflag:s10], $0x1000  }
0xb3: {  	[sflag:s10] =	ssyncset.done $0x0  }
0xb4: {  	[sflag:s10] =	ssyncadd.s32 $0xFFFFF000  }
0xb5: {  	_ =	swait.ge [sflag:s31], $0x400  }
0xb6: {  	[sflag:s31] =	ssyncset.done $0x0  }
0xb7: {  	[sflag:s31] =	ssyncadd.s32 $0xFFFFFC00  }
0xb8: {  	_ =	swait.ge [sflag:s10], $0x1000  }
0xb9: {  	[sflag:s10] =	ssyncset.done $0x0  }
0xba: {  	[sflag:s10] =	ssyncadd.s32 $0xFFFFF000  }
0xbb: {  	_ =	swait.ge [sflag:s31], $0x400  }
0xbc: {  	[sflag:s31] =	ssyncset.done $0x0  }
0xbd: {  	[sflag:s31] =	ssyncadd.s32 $0xFFFFFC00  }
0xbe: {  	_ =	swait.ge [sflag:s11], $0x5000  }
0xbf: {  	[sflag:s11] =	ssyncset.done $0x0  }
0xc0: {  	[sflag:s11] =	ssyncadd.s32 $0xFFFFB000  }
0xc1: {  	_ =	swait.ge [sflag:s13], $0x5000  }
0xc2: {  	[sflag:s13] =	ssyncset.done $0x0  }
0xc3: {  	s6 =	simm.s32 $0x11;
	[sflag:s13] =	ssyncadd.s32 $0xFFFFB000  }
0xc4: {  	_ =	swait.ge [sflag:s6], $0x400  }
0xc5: {  	[sflag:s6] =	ssyncset.done $0x0  }
0xc6: {  	[sflag:s6] =	ssyncadd.s32 $0xFFFFFC00  }
0xc7: {  	s8 =	simm.s32 $0xA000;
	[bflag:$0x0] =	sbarrier.arrive $0xFFFF  }
0xc8: {  	[tilespmem:s8], [sflag:$0x1] =	stream.indirect.gather [hbm4b:s0+s2], $0x20, s1, s2, $0xb8;
	[tilespmem:$0x19C00] =	vst v63  }
0xc9: {  	_ = 	snop  }
0xca: {  	[tilespmem:s16], [sflag:$0x2] =	stream.indirect.gather [hbm4b:s0+s2], $0x20, s2, s2, $0xb8;
	[tilespmem:$0x19C00] =	vst v63  }
0xcb: {  	s7 =	simm.s32 $0x100  }
0xcc: {  	[tilespmem:s17], [sflag:$0x3] =	stream.indirect.gather [hbm4b:s0+s2], $0x20, s7, s2, $0xb8;
	[tilespmem:$0x19C00] =	vst v63  }
0xcd: {  	s9 =	simm.s32 $0x180  }
0xce: {  	[tilespmem:s18], [sflag:$0x4] =	stream.indirect.gather [hbm4b:s0+s2], $0x20, s9, s2, $0xb8;
	[tilespmem:$0x19C00] =	vst v63  }
0xcf: {  	s11 =	simm.s32 $0x200  }
0xd0: {  	[tilespmem:s19], [sflag:$0x5] =	stream.indirect.gather [hbm4b:s0+s2], $0x20, s11, s2, $0xb8;
	[tilespmem:$0x19C00] =	vst v63  }
0xd1: {  	s12 =	simm.s32 $0x280  }
0xd2: {  	[tilespmem:s20], [sflag:$0x6] =	stream.indirect.gather [hbm4b:s0+s2], $0x20, s12, s2, $0xb8;
	[tilespmem:$0x19C00] =	vst v63  }
0xd3: {  	s14 =	simm.s32 $0x300  }
0xd4: {  	[tilespmem:s21], [sflag:$0x7] =	stream.indirect.gather [hbm4b:s0+s2], $0x20, s14, s2, $0xb8;
	[tilespmem:$0x19C00] =	vst v63  }
0xd5: {  	s15 =	simm.s32 $0x380  }
0xd6: {  	[tilespmem:s22], [sflag:$0x8] =	stream.indirect.gather [hbm4b:s0+s2], $0x20, s15, s2, $0xb8;
	[tilespmem:$0x19C00] =	vst v63  }
0xd7: {  	_ =	swait.ge [sflag:s10], $0x1000  }
0xd8: {  	[sflag:s10] =	ssyncset.done $0x0  }
0xd9: {  	s1 =	simm.s32 $0x5000;
	[sflag:s10] =	ssyncadd.s32 $0xFFFFF000  }
0xda: {  	[spmem:s3] =	stream.indirect.scatter.add.bf16 [tilespmem:s8], [sflag:$0x9], $0x20, s1, s2, $0xb8;
	[tilespmem:$0x19C00] =	vst v63  }
0xdb: {  	s11 =	simm.s32 @!p0 $0x80;
	s12 =	simm.s32 @!p0 $0x12000  }
0xdc: {  	[spmem:s4] =	stream.indirect.scatter.add.bf16 @!p0 [tilespmem:s12], [sflag:$0x11], $0x8, s1, s11, $0xb8;
	[tilespmem:$0x19C00] =	vst v63  }
0xdd: {  	_ =	swait.ge [sflag:s31], $0x1000  }
0xde: {  	[sflag:s31] =	ssyncset.done $0x0  }
0xdf: {  	s1 =	simm.s32 $0x5080;
	[sflag:s31] =	ssyncadd.s32 $0xFFFFF000  }
0xe0: {  	[spmem:s3] =	stream.indirect.scatter.add.bf16 [tilespmem:s16], [sflag:$0xA], $0x20, s1, s2, $0xb8;
	[tilespmem:$0x19C00] =	vst v63  }
0xe1: {  	s28 =	simm.s32 @!p1 $0x12000;
	s26 =	simm.s32 @!p1 $0x80  }
0xe2: {  	[spmem:s4] =	stream.indirect.scatter.add.bf16 @!p1 [tilespmem:s28], [sflag:$0x12], $0x8, s1, s26, $0xb8;
	[tilespmem:$0x19C00] =	vst v63  }
0xe3: {  	_ =	swait.ge [sflag:s23], $0x1000  }
0xe4: {  	[sflag:s23] =	ssyncset.done $0x0  }
0xe5: {  	s1 =	simm.s32 $0x5100;
	[sflag:s23] =	ssyncadd.s32 $0xFFFFF000  }
0xe6: {  	[spmem:s3] =	stream.indirect.scatter.add.bf16 [tilespmem:s17], [sflag:$0xB], $0x20, s1, s2, $0xb8;
	[tilespmem:$0x19C00] =	vst v63  }
0xe7: {  	_ = 	snop  }
0xe8: {  	[spmem:s4] =	stream.indirect.scatter.add.bf16 @!p0 [tilespmem:s12], [sflag:$0x13], $0x8, s1, s11, $0xb8;
	[tilespmem:$0x19C00] =	vst v63  }
0xe9: {  	_ =	swait.ge [sflag:s24], $0x1000  }
0xea: {  	[sflag:s24] =	ssyncset.done $0x0  }
0xeb: {  	s1 =	simm.s32 $0x5180;
	[sflag:s24] =	ssyncadd.s32 $0xFFFFF000  }
0xec: {  	[spmem:s3] =	stream.indirect.scatter.add.bf16 [tilespmem:s18], [sflag:$0xC], $0x20, s1, s2, $0xb8;
	[tilespmem:$0x19C00] =	vst v63  }
0xed: {  	_ = 	snop  }
0xee: {  	[spmem:s4] =	stream.indirect.scatter.add.bf16 @!p1 [tilespmem:s28], [sflag:$0x14], $0x8, s1, s26, $0xb8;
	[tilespmem:$0x19C00] =	vst v63  }
0xef: {  	_ =	swait.ge [sflag:s25], $0x1000  }
0xf0: {  	[sflag:s25] =	ssyncset.done $0x0  }
0xf1: {  	s1 =	simm.s32 $0x5200;
	[sflag:s25] =	ssyncadd.s32 $0xFFFFF000  }
0xf2: {  	[spmem:s3] =	stream.indirect.scatter.add.bf16 [tilespmem:s19], [sflag:$0xD], $0x20, s1, s2, $0xb8;
	[tilespmem:$0x19C00] =	vst v63  }
0xf3: {  	_ = 	snop  }
0xf4: {  	[spmem:s4] =	stream.indirect.scatter.add.bf16 @!p0 [tilespmem:s12], [sflag:$0x15], $0x8, s1, s11, $0xb8;
	[tilespmem:$0x19C00] =	vst v63  }
0xf5: {  	_ =	swait.ge [sflag:s29], $0x1000  }
0xf6: {  	[sflag:s29] =	ssyncset.done $0x0  }
0xf7: {  	s1 =	simm.s32 $0x5280;
	[sflag:s29] =	ssyncadd.s32 $0xFFFFF000  }
0xf8: {  	[spmem:s3] =	stream.indirect.scatter.add.bf16 [tilespmem:s20], [sflag:$0xE], $0x20, s1, s2, $0xb8;
	[tilespmem:$0x19C00] =	vst v63  }
0xf9: {  	_ = 	snop  }
0xfa: {  	[spmem:s4] =	stream.indirect.scatter.add.bf16 @!p1 [tilespmem:s28], [sflag:$0x16], $0x8, s1, s26, $0xb8;
	[tilespmem:$0x19C00] =	vst v63  }
0xfb: {  	_ =	swait.ge [sflag:s30], $0x1000  }
0xfc: {  	[sflag:s30] =	ssyncset.done $0x0  }
0xfd: {  	s1 =	simm.s32 $0x5300;
	[sflag:s30] =	ssyncadd.s32 $0xFFFFF000  }
0xfe: {  	[spmem:s3] =	stream.indirect.scatter.add.bf16 [tilespmem:s21], [sflag:$0xF], $0x20, s1, s2, $0xb8;
	[tilespmem:$0x19C00] =	vst v63  }
0xff: {  	s24 =	simm.s32 $0x8  }
0x100: {  	[spmem:s4] =	stream.indirect.scatter.add.bf16 @!p0 [tilespmem:s12], [sflag:$0x17], $0x8, s1, s11, $0xb8;
	[tilespmem:$0x19C00] =	vst v63  }
0x101: {  	_ =	swait.ge [sflag:s24], $0x1000  }
0x102: {  	[sflag:s24] =	ssyncset.done $0x0  }
0x103: {  	s5 =	simm.s32 @p1 $0x9;
	s1 =	simm.s32 $0x5380;
	[sflag:s24] =	ssyncadd.s32 $0xFFFFF000  }
0x104: {  	[spmem:s3] =	stream.indirect.scatter.add.bf16 [tilespmem:s22], [sflag:$0x10], $0x20, s1, s2, $0xb8;
	[tilespmem:$0x19C00] =	vst v63  }
0x105: {  	_ =	swait.ge @p1 [sflag:s5], $0x1000  }
0x106: {  	[sflag:s5] =	ssyncset.done @p1 $0x0  }
0x107: {  	[sflag:s5] =	ssyncadd.s32 @p1 $0xFFFFF000;
	s5 =	simm.s32 @p1 $0x11  }
0x108: {  	_ =	swait.ge @p1 [sflag:s5], $0x400  }
0x109: {  	[sflag:s5] =	ssyncset.done @p1 $0x0  }
0x10a: {  	[sflag:s5] =	ssyncadd.s32 @p1 $0xFFFFFC00;
	s5 =	simm.s32 @!p1 $0x9  }
0x10b: {  	[spmem:s4] =	stream.indirect.scatter.add.bf16 @!p1 [tilespmem:s28], [sflag:$0x18], $0x8, s1, s26, $0xb8;
	[tilespmem:$0x19C00] =	vst v63  }
0x10c: {  	_ =	swait.ge @!p1 [sflag:s5], $0x1000  }
0x10d: {  	[sflag:s5] =	ssyncset.done @!p1 $0x0  }
0x10e: {  	s25 =	simm.s32 $0x400;
	[sflag:s5] =	ssyncadd.s32 @!p1 $0xFFFFF000  }
0x10f: {  	[tilespmem:s8], [sflag:$0x1] =	stream.indirect.gather [hbm4b:s0+s2], $0x20, s25, s2, $0xb8;
	[tilespmem:$0x19C00] =	vst v63  }
0x110: {  	_ =	swait.ge [sflag:s13], $0x1000  }
0x111: {  	s6 =	simm.s32 @p1 $0xB000;
	s24 =	simm.s32 @p1 $0x80;
	[sflag:s13] =	ssyncset.done $0x0  }
0x112: {  	s1 =	simm.s32 @p1 $0x480;
	s5 =	simm.s32 @p1 $0xB;
	[sflag:s13] =	ssyncadd.s32 $0xFFFFF000  }
0x113: {  	[tilespmem:s6], [sflag:$0x2] =	stream.indirect.gather @p1 [hbm4b:s0+s24], $0x20, s1, s24, $0xb8;
	[tilespmem:$0x19C00] =	vst v63  }
0x114: {  	_ =	swait.ge @p1 [sflag:s5], $0x1000  }
0x115: {  	[sflag:s5] =	ssyncset.done @p1 $0x0  }
0x116: {  	s1 =	simm.s32 @p1 $0x13;
	[sflag:s5] =	ssyncadd.s32 @p1 $0xFFFFF000  }
0x117: {  	_ =	swait.ge @p1 [sflag:s1], $0x400  }
0x118: {  	s6 =	simm.s32 @p1 $0xC;
	[sflag:s1] =	ssyncset.done @p1 $0x0  }
0x119: {  	s5 =	simm.s32 $0x500;
	[sflag:s1] =	ssyncadd.s32 @p1 $0xFFFFFC00;
	s1 =	simm.s32 @p1 $0xC000  }
0x11a: {  	[tilespmem:s1], [sflag:$0x3] =	stream.indirect.gather @p1 [hbm4b:s0+s24], $0x20, s5, s24, $0xb8;
	[tilespmem:$0x19C00] =	vst v63  }
0x11b: {  	_ =	swait.ge @p1 [sflag:s6], $0x1000  }
0x11c: {  	s7 =	simm.s32 @p1 $0xD;
	[sflag:s6] =	ssyncset.done @p1 $0x0  }
0x11d: {  	s1 =	simm.s32 @p1 $0x580;
	[sflag:s6] =	ssyncadd.s32 @p1 $0xFFFFF000;
	s6 =	simm.s32 @p1 $0xD000  }
0x11e: {  	[tilespmem:s6], [sflag:$0x4] =	stream.indirect.gather @p1 [hbm4b:s0+s24], $0x20, s1, s24, $0xb8;
	[tilespmem:$0x19C00] =	vst v63  }
0x11f: {  	_ =	swait.ge @p1 [sflag:s7], $0x1000  }
0x120: {  	[sflag:s7] =	ssyncset.done @p1 $0x0  }
0x121: {  	s1 =	simm.s32 @p1 $0x15;
	[sflag:s7] =	ssyncadd.s32 @p1 $0xFFFFF000  }
0x122: {  	_ =	swait.ge @p1 [sflag:s1], $0x400  }
0x123: {  	s6 =	simm.s32 @p1 $0xE;
	[sflag:s1] =	ssyncset.done @p1 $0x0  }
0x124: {  	s7 =	simm.s32 $0x600;
	[sflag:s1] =	ssyncadd.s32 @p1 $0xFFFFFC00;
	s1 =	simm.s32 @p1 $0xE000  }
0x125: {  	[tilespmem:s1], [sflag:$0x5] =	stream.indirect.gather @p1 [hbm4b:s0+s24], $0x20, s7, s24, $0xb8;
	[tilespmem:$0x19C00] =	vst v63  }
0x126: {  	_ =	swait.ge @p1 [sflag:s6], $0x1000  }
0x127: {  	s9 =	simm.s32 @p1 $0xF;
	[sflag:s6] =	ssyncset.done @p1 $0x0  }
0x128: {  	s1 =	simm.s32 @p1 $0x680;
	[sflag:s6] =	ssyncadd.s32 @p1 $0xFFFFF000;
	s6 =	simm.s32 @p1 $0xF000  }
0x129: {  	[tilespmem:s6], [sflag:$0x6] =	stream.indirect.gather @p1 [hbm4b:s0+s24], $0x20, s1, s24, $0xb8;
	[tilespmem:$0x19C00] =	vst v63  }
0x12a: {  	_ =	swait.ge @p1 [sflag:s9], $0x1000  }
0x12b: {  	[sflag:s9] =	ssyncset.done @p1 $0x0  }
0x12c: {  	s1 =	simm.s32 @p1 $0x17;
	[sflag:s9] =	ssyncadd.s32 @p1 $0xFFFFF000  }
0x12d: {  	_ =	swait.ge @p1 [sflag:s1], $0x400  }
0x12e: {  	s6 =	simm.s32 @p1 $0x10;
	[sflag:s1] =	ssyncset.done @p1 $0x0  }
0x12f: {  	s9 =	simm.s32 @p1 $0x10000;
	[sflag:s1] =	ssyncadd.s32 @p1 $0xFFFFFC00;
	s1 =	simm.s32 @p1 $0x700  }
0x130: {  	[tilespmem:s9], [sflag:$0x7] =	stream.indirect.gather @p1 [hbm4b:s0+s24], $0x20, s1, s24, $0xb8;
	[tilespmem:$0x19C00] =	vst v63  }
0x131: {  	_ =	swait.ge @p1 [sflag:s6], $0x1000  }
0x132: {  	[sflag:s6] =	ssyncset.done @p1 $0x0  }
0x133: {  	s1 =	simm.s32 @!p1 $0x12;
	[sflag:s6] =	ssyncadd.s32 @p1 $0xFFFFF000  }
0x134: {  	_ =	swait.ge @!p1 [sflag:s1], $0x400  }
0x135: {  	[sflag:s1] =	ssyncset.done @!p1 $0x0  }
0x136: {  	s6 =	simm.s32 @!p1 $0xB000;
	[sflag:s1] =	ssyncadd.s32 @!p1 $0xFFFFFC00;
	s1 =	simm.s32 @!p1 $0x480  }
0x137: {  	[tilespmem:s6], [sflag:$0x2] =	stream.indirect.gather @!p1 [hbm4b:s0+s26], $0x20, s1, s26, $0xb8;
	[tilespmem:$0x19C00] =	vst v63  }
0x138: {  	s1 =	simm.s32 @!p1 $0xB  }
0x139: {  	_ =	swait.ge @!p1 [sflag:s1], $0x1000  }
0x13a: {  	[sflag:s1] =	ssyncset.done @!p1 $0x0  }
0x13b: {  	s29 =	simm.s32 @!p1 $0xC;
	s6 =	simm.s32 @!p1 $0xC000;
	[sflag:s1] =	ssyncadd.s32 @!p1 $0xFFFFF000  }
0x13c: {  	[tilespmem:s6], [sflag:$0x3] =	stream.indirect.gather @!p1 [hbm4b:s0+s26], $0x20, s5, s26, $0xb8;
	[tilespmem:$0x19C00] =	vst v63  }
0x13d: {  	_ =	swait.ge @!p1 [sflag:s29], $0x1000  }
0x13e: {  	[sflag:s29] =	ssyncset.done @!p1 $0x0  }
0x13f: {  	s30 =	simm.s32 @!p1 $0x14;
	[sflag:s29] =	ssyncadd.s32 @!p1 $0xFFFFF000  }
0x140: {  	_ =	swait.ge @!p1 [sflag:s30], $0x400  }
0x141: {  	s16 =	simm.s32 @!p1 $0xD;
	[sflag:s30] =	ssyncset.done @!p1 $0x0  }
0x142: {  	s9 =	simm.s32 @!p1 $0xD000;
	s5 =	simm.s32 @!p1 $0x580;
	[sflag:s30] =	ssyncadd.s32 @!p1 $0xFFFFFC00  }
0x143: {  	[tilespmem:s9], [sflag:$0x4] =	stream.indirect.gather @!p1 [hbm4b:s0+s26], $0x20, s5, s26, $0xb8;
	[tilespmem:$0x19C00] =	vst v63  }
0x144: {  	_ =	swait.ge @!p1 [sflag:s16], $0x1000  }
0x145: {  	[sflag:s16] =	ssyncset.done @!p1 $0x0  }
0x146: {  	s17 =	simm.s32 @!p1 $0xE;
	s5 =	simm.s32 @!p1 $0xE000;
	[sflag:s16] =	ssyncadd.s32 @!p1 $0xFFFFF000  }
0x147: {  	[tilespmem:s5], [sflag:$0x5] =	stream.indirect.gather @!p1 [hbm4b:s0+s26], $0x20, s7, s26, $0xb8;
	[tilespmem:$0x19C00] =	vst v63  }
0x148: {  	_ =	swait.ge @!p1 [sflag:s17], $0x1000  }
0x149: {  	[sflag:s17] =	ssyncset.done @!p1 $0x0  }
0x14a: {  	s18 =	simm.s32 @!p1 $0x16;
	[sflag:s17] =	ssyncadd.s32 @!p1 $0xFFFFF000  }
0x14b: {  	_ =	swait.ge @!p1 [sflag:s18], $0x400  }
0x14c: {  	s19 =	simm.s32 @!p1 $0xF;
	[sflag:s18] =	ssyncset.done @!p1 $0x0  }
0x14d: {  	s5 =	simm.s32 @!p1 $0x680;
	s7 =	simm.s32 @!p1 $0xF000;
	[sflag:s18] =	ssyncadd.s32 @!p1 $0xFFFFFC00  }
0x14e: {  	[tilespmem:s7], [sflag:$0x6] =	stream.indirect.gather @!p1 [hbm4b:s0+s26], $0x20, s5, s26, $0xb8;
	[tilespmem:$0x19C00] =	vst v63  }
0x14f: {  	_ =	swait.ge @!p1 [sflag:s19], $0x1000  }
0x150: {  	s20 =	simm.s32 @!p1 $0x10;
	[sflag:s19] =	ssyncset.done @!p1 $0x0  }
0x151: {  	s5 =	simm.s32 @!p1 $0x700;
	s7 =	simm.s32 @!p1 $0x10000;
	[sflag:s19] =	ssyncadd.s32 @!p1 $0xFFFFF000  }
0x152: {  	[tilespmem:s7], [sflag:$0x7] =	stream.indirect.gather @!p1 [hbm4b:s0+s26], $0x20, s5, s26, $0xb8;
	[tilespmem:$0x19C00] =	vst v63  }
0x153: {  	_ =	swait.ge @!p1 [sflag:s20], $0x1000  }
0x154: {  	[sflag:s20] =	ssyncset.done @!p1 $0x0  }
0x155: {  	s21 =	simm.s32 @!p1 $0x18;
	[sflag:s20] =	ssyncadd.s32 @!p1 $0xFFFFF000  }
0x156: {  	s14 =	simm.s32 $0x5;
	s22 =	simm.s32 $0x3;
	_ =	swait.ge @!p1 [sflag:s21], $0x400  }
0x157: {  	s13 =	simm.s32 $0x6;
	s6 =	simm.s32 $0x7;
	[sflag:s21] =	ssyncset.done @!p1 $0x0  }
0x158: {  	s5 =	simm.s32 $0x1000;
	s7 =	simm.s32 $0x780;
	[sflag:s21] =	ssyncadd.s32 @!p1 $0xFFFFFC00  }
.LBB2_2:
0x159: {  	s15 =	simm.s32 $0x11000  }
0x15a: {  	[tilespmem:s15], [sflag:$0x8] =	stream.indirect.gather [hbm4b:s0+s2], $0x20, s7, s2, $0xb8;
	[tilespmem:$0x19C00] =	vst v63  }
0x15b: {  	s25 =	smov.u32 s5;
	s5 =	sadd.s32 $0x1000, s5;
	_ =	swait.ge [sflag:s10], $0x1000  }
0x15c: {  	s23 =	sshra.s32 s25, $0x2;
	p2 =	sne.s32 s5, $0x13000;
	[sflag:s10] =	ssyncset.done $0x0  }
0x15d: {  	s7 =	sadd.s32 $0x5000, s23;
	[sflag:s10] =	ssyncadd.s32 $0xFFFFF000  }
0x15e: {  	[spmem:s3] =	stream.indirect.scatter.add.bf16 [tilespmem:s8], [sflag:$0x9], $0x20, s7, s2, $0xb8;
	[tilespmem:$0x19C00] =	vst v63  }
0x15f: {  	_ = 	snop  }
0x160: {  	[spmem:s4] =	stream.indirect.scatter.add.bf16 @!p0 [tilespmem:s12], [sflag:$0x11], $0x8, s7, s11, $0xb8;
	[tilespmem:$0x19C00] =	vst v63  }
0x161: {  	_ =	swait.ge [sflag:s31], $0x1000  }
0x162: {  	[sflag:s31] =	ssyncset.done $0x0  }
0x163: {  	s9 =	simm.s32 $0xB000;
	s7 =	sadd.s32 $0x5080, s23;
	[sflag:s31] =	ssyncadd.s32 $0xFFFFF000  }
0x164: {  	[spmem:s3] =	stream.indirect.scatter.add.bf16 [tilespmem:s9], [sflag:$0xA], $0x20, s7, s2, $0xb8;
	[tilespmem:$0x19C00] =	vst v63  }
0x165: {  	_ = 	snop  }
0x166: {  	[spmem:s4] =	stream.indirect.scatter.add.bf16 @!p1 [tilespmem:s28], [sflag:$0x12], $0x8, s7, s26, $0xb8;
	[tilespmem:$0x19C00] =	vst v63  }
0x167: {  	_ =	swait.ge [sflag:s22], $0x1000  }
0x168: {  	[sflag:s22] =	ssyncset.done $0x0  }
0x169: {  	s9 =	simm.s32 $0xC000;
	s7 =	sadd.s32 $0x5100, s23;
	[sflag:s22] =	ssyncadd.s32 $0xFFFFF000  }
0x16a: {  	[spmem:s3] =	stream.indirect.scatter.add.bf16 [tilespmem:s9], [sflag:$0xB], $0x20, s7, s2, $0xb8;
	[tilespmem:$0x19C00] =	vst v63  }
0x16b: {  	_ = 	snop  }
0x16c: {  	[spmem:s4] =	stream.indirect.scatter.add.bf16 @!p0 [tilespmem:s12], [sflag:$0x13], $0x8, s7, s11, $0xb8;
	[tilespmem:$0x19C00] =	vst v63  }
0x16d: {  	s7 =	simm.s32 $0x4  }
0x16e: {  	_ =	swait.ge [sflag:s7], $0x1000  }
0x16f: {  	[sflag:s7] =	ssyncset.done $0x0  }
0x170: {  	s9 =	simm.s32 $0xD000;
	[sflag:s7] =	ssyncadd.s32 $0xFFFFF000;
	s7 =	sadd.s32 $0x5180, s23  }
0x171: {  	[spmem:s3] =	stream.indirect.scatter.add.bf16 [tilespmem:s9], [sflag:$0xC], $0x20, s7, s2, $0xb8;
	[tilespmem:$0x19C00] =	vst v63  }
0x172: {  	_ = 	snop  }
0x173: {  	[spmem:s4] =	stream.indirect.scatter.add.bf16 @!p1 [tilespmem:s28], [sflag:$0x14], $0x8, s7, s26, $0xb8;
	[tilespmem:$0x19C00] =	vst v63  }
0x174: {  	_ =	swait.ge [sflag:s14], $0x1000  }
0x175: {  	[sflag:s14] =	ssyncset.done $0x0  }
0x176: {  	s9 =	simm.s32 $0xE000;
	s7 =	sadd.s32 $0x5200, s23;
	[sflag:s14] =	ssyncadd.s32 $0xFFFFF000  }
0x177: {  	[spmem:s3] =	stream.indirect.scatter.add.bf16 [tilespmem:s9], [sflag:$0xD], $0x20, s7, s2, $0xb8;
	[tilespmem:$0x19C00] =	vst v63  }
0x178: {  	_ = 	snop  }
0x179: {  	[spmem:s4] =	stream.indirect.scatter.add.bf16 @!p0 [tilespmem:s12], [sflag:$0x15], $0x8, s7, s11, $0xb8;
	[tilespmem:$0x19C00] =	vst v63  }
0x17a: {  	_ =	swait.ge [sflag:s13], $0x1000  }
0x17b: {  	[sflag:s13] =	ssyncset.done $0x0  }
0x17c: {  	s9 =	simm.s32 $0xF000;
	s7 =	sadd.s32 $0x5280, s23;
	[sflag:s13] =	ssyncadd.s32 $0xFFFFF000  }
0x17d: {  	[spmem:s3] =	stream.indirect.scatter.add.bf16 [tilespmem:s9], [sflag:$0xE], $0x20, s7, s2, $0xb8;
	[tilespmem:$0x19C00] =	vst v63  }
0x17e: {  	_ = 	snop  }
0x17f: {  	[spmem:s4] =	stream.indirect.scatter.add.bf16 @!p1 [tilespmem:s28], [sflag:$0x16], $0x8, s7, s26, $0xb8;
	[tilespmem:$0x19C00] =	vst v63  }
0x180: {  	_ =	swait.ge [sflag:s6], $0x1000  }
0x181: {  	[sflag:s6] =	ssyncset.done $0x0  }
0x182: {  	s9 =	simm.s32 $0x10000;
	s7 =	sadd.s32 $0x5300, s23;
	[sflag:s6] =	ssyncadd.s32 $0xFFFFF000  }
0x183: {  	[spmem:s3] =	stream.indirect.scatter.add.bf16 [tilespmem:s9], [sflag:$0xF], $0x20, s7, s2, $0xb8;
	[tilespmem:$0x19C00] =	vst v63  }
0x184: {  	_ = 	snop  }
0x185: {  	[spmem:s4] =	stream.indirect.scatter.add.bf16 @!p0 [tilespmem:s12], [sflag:$0x17], $0x8, s7, s11, $0xb8;
	[tilespmem:$0x19C00] =	vst v63  }
0x186: {  	s7 =	simm.s32 $0x8  }
0x187: {  	_ =	swait.ge [sflag:s7], $0x1000  }
0x188: {  	s10 =	simm.s32 @p1 $0x9;
	[sflag:s7] =	ssyncset.done $0x0  }
0x189: {  	s9 =	simm.s32 $0x11000;
	[sflag:s7] =	ssyncadd.s32 $0xFFFFF000;
	s7 =	sadd.s32 $0x5380, s23  }
0x18a: {  	[spmem:s3] =	stream.indirect.scatter.add.bf16 [tilespmem:s15], [sflag:$0x10], $0x20, s7, s2, $0xb8;
	[tilespmem:$0x19C00] =	vst v63  }
0x18b: {  	_ =	swait.ge @p1 [sflag:s10], $0x1000  }
0x18c: {  	[sflag:s10] =	ssyncset.done @p1 $0x0  }
0x18d: {  	[sflag:s10] =	ssyncadd.s32 @p1 $0xFFFFF000;
	s10 =	simm.s32 @p1 $0x11  }
0x18e: {  	_ =	swait.ge @p1 [sflag:s10], $0x400  }
0x18f: {  	[sflag:s10] =	ssyncset.done @p1 $0x0  }
0x190: {  	[sflag:s10] =	ssyncadd.s32 @p1 $0xFFFFFC00  }
0x191: {  	[spmem:s4] =	stream.indirect.scatter.add.bf16 @!p1 [tilespmem:s28], [sflag:$0x18], $0x8, s7, s26, $0xb8;
	[tilespmem:$0x19C00] =	vst v63  }
0x192: {  	s7 =	simm.s32 @!p1 $0x9  }
0x193: {  	_ =	swait.ge @!p1 [sflag:s7], $0x1000  }
0x194: {  	[sflag:s7] =	ssyncset.done @!p1 $0x0  }
0x195: {  	[sflag:s7] =	ssyncadd.s32 @!p1 $0xFFFFF000;
	s7 =	sadd.s32 $0x400, s23  }
0x196: {  	[tilespmem:s8], [sflag:$0x1] =	stream.indirect.gather [hbm4b:s0+s2], $0x20, s7, s2, $0xb8;
	[tilespmem:$0x19C00] =	vst v63  }
0x197: {  	s7 =	simm.s32 $0xA  }
0x198: {  	_ =	swait.ge [sflag:s7], $0x1000  }
0x199: {  	s8 =	sshra.s32 @p1 s25, $0x2;
	[sflag:s7] =	ssyncset.done $0x0  }
0x19a: {  	s10 =	simm.s32 @p1 $0xB000;
	[sflag:s7] =	ssyncadd.s32 $0xFFFFF000;
	s7 =	sadd.s32 @p1 $0x480, s8  }
0x19b: {  	[tilespmem:s10], [sflag:$0x2] =	stream.indirect.gather @p1 [hbm4b:s0+s24], $0x20, s7, s24, $0xb8;
	[tilespmem:$0x19C00] =	vst v63  }
0x19c: {  	s7 =	simm.s32 @p1 $0xB  }
0x19d: {  	_ =	swait.ge @p1 [sflag:s7], $0x1000  }
0x19e: {  	[sflag:s7] =	ssyncset.done @p1 $0x0  }
0x19f: {  	[sflag:s7] =	ssyncadd.s32 @p1 $0xFFFFF000;
	s7 =	simm.s32 @p1 $0x13  }
0x1a0: {  	_ =	swait.ge @p1 [sflag:s7], $0x400  }
0x1a1: {  	[sflag:s7] =	ssyncset.done @p1 $0x0  }
0x1a2: {  	s31 =	sadd.s32 $0x500, s23;
	[sflag:s7] =	ssyncadd.s32 @p1 $0xFFFFFC00;
	s7 =	simm.s32 @p1 $0xC000  }
0x1a3: {  	[tilespmem:s7], [sflag:$0x3] =	stream.indirect.gather @p1 [hbm4b:s0+s24], $0x20, s31, s24, $0xb8;
	[tilespmem:$0x19C00] =	vst v63  }
0x1a4: {  	s7 =	simm.s32 @p1 $0xC  }
0x1a5: {  	_ =	swait.ge @p1 [sflag:s7], $0x1000  }
0x1a6: {  	[sflag:s7] =	ssyncset.done @p1 $0x0  }
0x1a7: {  	s10 =	simm.s32 @p1 $0xD000;
	[sflag:s7] =	ssyncadd.s32 @p1 $0xFFFFF000;
	s7 =	sadd.s32 @p1 $0x580, s8  }
0x1a8: {  	[tilespmem:s10], [sflag:$0x4] =	stream.indirect.gather @p1 [hbm4b:s0+s24], $0x20, s7, s24, $0xb8;
	[tilespmem:$0x19C00] =	vst v63  }
0x1a9: {  	s7 =	simm.s32 @p1 $0xD  }
0x1aa: {  	_ =	swait.ge @p1 [sflag:s7], $0x1000  }
0x1ab: {  	[sflag:s7] =	ssyncset.done @p1 $0x0  }
0x1ac: {  	s10 =	simm.s32 @p1 $0x15;
	[sflag:s7] =	ssyncadd.s32 @p1 $0xFFFFF000  }
0x1ad: {  	_ =	swait.ge @p1 [sflag:s10], $0x400  }
0x1ae: {  	[sflag:s10] =	ssyncset.done @p1 $0x0  }
0x1af: {  	s7 =	sadd.s32 $0x600, s23;
	[sflag:s10] =	ssyncadd.s32 @p1 $0xFFFFFC00;
	s10 =	simm.s32 @p1 $0xE000  }
0x1b0: {  	[tilespmem:s10], [sflag:$0x5] =	stream.indirect.gather @p1 [hbm4b:s0+s24], $0x20, s7, s24, $0xb8;
	[tilespmem:$0x19C00] =	vst v63  }
0x1b1: {  	s10 =	simm.s32 @p1 $0xE  }
0x1b2: {  	_ =	swait.ge @p1 [sflag:s10], $0x1000  }
0x1b3: {  	[sflag:s10] =	ssyncset.done @p1 $0x0  }
0x1b4: {  	s15 =	simm.s32 @p1 $0xF000;
	[sflag:s10] =	ssyncadd.s32 @p1 $0xFFFFF000;
	s10 =	sadd.s32 @p1 $0x680, s8  }
0x1b5: {  	[tilespmem:s15], [sflag:$0x6] =	stream.indirect.gather @p1 [hbm4b:s0+s24], $0x20, s10, s24, $0xb8;
	[tilespmem:$0x19C00] =	vst v63  }
0x1b6: {  	s10 =	simm.s32 @p1 $0xF  }
0x1b7: {  	_ =	swait.ge @p1 [sflag:s10], $0x1000  }
0x1b8: {  	[sflag:s10] =	ssyncset.done @p1 $0x0  }
0x1b9: {  	[sflag:s10] =	ssyncadd.s32 @p1 $0xFFFFF000;
	s10 =	simm.s32 @p1 $0x17  }
0x1ba: {  	_ =	swait.ge @p1 [sflag:s10], $0x400  }
0x1bb: {  	[sflag:s10] =	ssyncset.done @p1 $0x0  }
0x1bc: {  	s8 =	sadd.s32 @p1 $0x700, s8;
	[sflag:s10] =	ssyncadd.s32 @p1 $0xFFFFFC00;
	s10 =	simm.s32 @p1 $0x10000  }
0x1bd: {  	[tilespmem:s10], [sflag:$0x7] =	stream.indirect.gather @p1 [hbm4b:s0+s24], $0x20, s8, s24, $0xb8;
	[tilespmem:$0x19C00] =	vst v63  }
0x1be: {  	s8 =	simm.s32 @p1 $0x10  }
0x1bf: {  	_ =	swait.ge @p1 [sflag:s8], $0x1000  }
0x1c0: {  	[sflag:s8] =	ssyncset.done @p1 $0x0  }
0x1c1: {  	s10 =	simm.s32 @!p1 $0x12;
	[sflag:s8] =	ssyncadd.s32 @p1 $0xFFFFF000  }
0x1c2: {  	_ =	swait.ge @!p1 [sflag:s10], $0x400  }
0x1c3: {  	s8 =	sshra.s32 @!p1 s25, $0x2;
	[sflag:s10] =	ssyncset.done @!p1 $0x0  }
0x1c4: {  	s15 =	simm.s32 @!p1 $0xB000;
	[sflag:s10] =	ssyncadd.s32 @!p1 $0xFFFFFC00;
	s10 =	sadd.s32 @!p1 $0x480, s8  }
0x1c5: {  	[tilespmem:s15], [sflag:$0x2] =	stream.indirect.gather @!p1 [hbm4b:s0+s26], $0x20, s10, s26, $0xb8;
	[tilespmem:$0x19C00] =	vst v63  }
0x1c6: {  	_ =	swait.ge @!p1 [sflag:s1], $0x1000  }
0x1c7: {  	[sflag:s1] =	ssyncset.done @!p1 $0x0  }
0x1c8: {  	s10 =	simm.s32 @!p1 $0xC000;
	[sflag:s1] =	ssyncadd.s32 @!p1 $0xFFFFF000  }
0x1c9: {  	[tilespmem:s10], [sflag:$0x3] =	stream.indirect.gather @!p1 [hbm4b:s0+s26], $0x20, s31, s26, $0xb8;
	[tilespmem:$0x19C00] =	vst v63  }
0x1ca: {  	s31 =	simm.s32 $0x2  }
0x1cb: {  	_ =	swait.ge @!p1 [sflag:s29], $0x1000  }
0x1cc: {  	[sflag:s29] =	ssyncset.done @!p1 $0x0  }
0x1cd: {  	[sflag:s29] =	ssyncadd.s32 @!p1 $0xFFFFF000  }
0x1ce: {  	_ =	swait.ge @!p1 [sflag:s30], $0x400  }
0x1cf: {  	[sflag:s30] =	ssyncset.done @!p1 $0x0  }
0x1d0: {  	s15 =	simm.s32 @!p1 $0xD000;
	s10 =	sadd.s32 @!p1 $0x580, s8;
	[sflag:s30] =	ssyncadd.s32 @!p1 $0xFFFFFC00  }
0x1d1: {  	[tilespmem:s15], [sflag:$0x4] =	stream.indirect.gather @!p1 [hbm4b:s0+s26], $0x20, s10, s26, $0xb8;
	[tilespmem:$0x19C00] =	vst v63  }
0x1d2: {  	s10 =	simm.s32 $0x1  }
0x1d3: {  	_ =	swait.ge @!p1 [sflag:s16], $0x1000  }
0x1d4: {  	[sflag:s16] =	ssyncset.done @!p1 $0x0  }
0x1d5: {  	s15 =	simm.s32 @!p1 $0xE000;
	[sflag:s16] =	ssyncadd.s32 @!p1 $0xFFFFF000  }
0x1d6: {  	[tilespmem:s15], [sflag:$0x5] =	stream.indirect.gather @!p1 [hbm4b:s0+s26], $0x20, s7, s26, $0xb8;
	[tilespmem:$0x19C00] =	vst v63  }
0x1d7: {  	_ =	swait.ge @!p1 [sflag:s17], $0x1000  }
0x1d8: {  	[sflag:s17] =	ssyncset.done @!p1 $0x0  }
0x1d9: {  	[sflag:s17] =	ssyncadd.s32 @!p1 $0xFFFFF000  }
0x1da: {  	_ =	swait.ge @!p1 [sflag:s18], $0x400  }
0x1db: {  	[sflag:s18] =	ssyncset.done @!p1 $0x0  }
0x1dc: {  	s7 =	sadd.s32 @!p1 $0x680, s8;
	s15 =	simm.s32 @!p1 $0xF000;
	[sflag:s18] =	ssyncadd.s32 @!p1 $0xFFFFFC00  }
0x1dd: {  	[tilespmem:s15], [sflag:$0x6] =	stream.indirect.gather @!p1 [hbm4b:s0+s26], $0x20, s7, s26, $0xb8;
	[tilespmem:$0x19C00] =	vst v63  }
0x1de: {  	_ =	swait.ge @!p1 [sflag:s19], $0x1000  }
0x1df: {  	s7 =	sadd.s32 @!p1 $0x700, s8;
	[sflag:s19] =	ssyncset.done @!p1 $0x0  }
0x1e0: {  	s8 =	simm.s32 $0xA000;
	s15 =	simm.s32 @!p1 $0x10000;
	[sflag:s19] =	ssyncadd.s32 @!p1 $0xFFFFF000  }
0x1e1: {  	[tilespmem:s15], [sflag:$0x7] =	stream.indirect.gather @!p1 [hbm4b:s0+s26], $0x20, s7, s26, $0xb8;
	[tilespmem:$0x19C00] =	vst v63  }
0x1e2: {  	_ =	swait.ge @!p1 [sflag:s20], $0x1000  }
.Ltmp2:
0x1e3: {  	[sflag:s20] =	ssyncset.done @!p1 $0x0;
	(pc) =	sbr.rel @p2 .LBB2_2-.Ltmp2, $4  }
0x1e4: {  	[sflag:s20] =	ssyncadd.s32 @!p1 $0xFFFFF000  }
0x1e5: {  	_ =	swait.ge @!p1 [sflag:s21], $0x400  }
0x1e6: {  	[sflag:s21] =	ssyncset.done @!p1 $0x0  }
0x1e7: {  	s7 =	sadd.s32 $0x780, s23;
	[sflag:s21] =	ssyncadd.s32 @!p1 $0xFFFFFC00  }
0x1e8: {  	[tilespmem:s9], [sflag:$0x8] =	stream.indirect.gather [hbm4b:s0+s2], $0x20, s7, s2, $0xb8;
	[tilespmem:$0x19C00] =	vst v63  }
.Ltmp3:
0x1e9: {  	_ = 	snop;
	(pc) =	sbr.rel @p0 .LBB2_5-.Ltmp3, $4  }
0x1ea: {  	_ =	swait.ge [sflag:s10], $0x1000  }
0x1eb: {  	[sflag:s10] =	ssyncset.done $0x0  }
0x1ec: {  	s1 =	simm.s32 $0x9C00;
	s22 =	simm.s32 $0x11000;
	[sflag:s10] =	ssyncadd.s32 $0xFFFFF000  }
0x1ed: {  	[spmem:s3] =	stream.indirect.scatter.add.bf16 [tilespmem:s8], [sflag:$0x9], $0x20, s1, s2, $0xb8;
	[tilespmem:$0x19C00] =	vst v63  }
0x1ee: {  	s9 =	simm.s32 $0x12000  }
0x1ef: {  	[spmem:s4] =	stream.indirect.scatter.add.bf16 [tilespmem:s9], [sflag:$0x11], $0x8, s1, s2, $0xb8;
	[tilespmem:$0x19C00] =	vst v63  }
0x1f0: {  	_ =	swait.ge [sflag:s31], $0x1000  }
0x1f1: {  	s16 =	simm.s32 $0xB000;
	[sflag:s31] =	ssyncset.done $0x0  }
0x1f2: {  	s7 =	simm.s32 $0x9C80;
	s23 =	simm.s32 $0x3;
	[sflag:s31] =	ssyncadd.s32 $0xFFFFF000  }
0x1f3: {  	[spmem:s3] =	stream.indirect.scatter.add.bf16 [tilespmem:s16], [sflag:$0xA], $0x20, s7, s2, $0xb8;
	[tilespmem:$0x19C00] =	vst v63  }
0x1f4: {  	_ =	swait.ge [sflag:s23], $0x1000  }
0x1f5: {  	[sflag:s23] =	ssyncset.done $0x0  }
0x1f6: {  	s17 =	simm.s32 $0xC000;
	s8 =	simm.s32 $0x9D00;
	[sflag:s23] =	ssyncadd.s32 $0xFFFFF000  }
0x1f7: {  	[spmem:s3] =	stream.indirect.scatter.add.bf16 [tilespmem:s17], [sflag:$0xB], $0x20, s8, s2, $0xb8;
	[tilespmem:$0x19C00] =	vst v63  }
0x1f8: {  	s24 =	simm.s32 $0x4  }
0x1f9: {  	[spmem:s4] =	stream.indirect.scatter.add.bf16 [tilespmem:s9], [sflag:$0x13], $0x8, s8, s2, $0xb8;
	[tilespmem:$0x19C00] =	vst v63  }
0x1fa: {  	_ =	swait.ge [sflag:s24], $0x1000  }
0x1fb: {  	s18 =	simm.s32 $0xD000;
	[sflag:s24] =	ssyncset.done $0x0  }
0x1fc: {  	s11 =	simm.s32 $0x9D80;
	s25 =	simm.s32 $0x5;
	[sflag:s24] =	ssyncadd.s32 $0xFFFFF000  }
0x1fd: {  	[spmem:s3] =	stream.indirect.scatter.add.bf16 [tilespmem:s18], [sflag:$0xC], $0x20, s11, s2, $0xb8;
	[tilespmem:$0x19C00] =	vst v63  }
0x1fe: {  	_ =	swait.ge [sflag:s25], $0x1000  }
0x1ff: {  	[sflag:s25] =	ssyncset.done $0x0  }
0x200: {  	s19 =	simm.s32 $0xE000;
	s12 =	simm.s32 $0x9E00;
	[sflag:s25] =	ssyncadd.s32 $0xFFFFF000  }
0x201: {  	[spmem:s3] =	stream.indirect.scatter.add.bf16 [tilespmem:s19], [sflag:$0xD], $0x20, s12, s2, $0xb8;
	[tilespmem:$0x19C00] =	vst v63  }
0x202: {  	s29 =	simm.s32 $0x6  }
0x203: {  	[spmem:s4] =	stream.indirect.scatter.add.bf16 [tilespmem:s9], [sflag:$0x15], $0x8, s12, s2, $0xb8;
	[tilespmem:$0x19C00] =	vst v63  }
0x204: {  	_ =	swait.ge [sflag:s29], $0x1000  }
0x205: {  	s20 =	simm.s32 $0xF000;
	[sflag:s29] =	ssyncset.done $0x0  }
0x206: {  	s13 =	simm.s32 $0x9E80;
	s30 =	simm.s32 $0x7;
	[sflag:s29] =	ssyncadd.s32 $0xFFFFF000  }
0x207: {  	[spmem:s3] =	stream.indirect.scatter.add.bf16 [tilespmem:s20], [sflag:$0xE], $0x20, s13, s2, $0xb8;
	[tilespmem:$0x19C00] =	vst v63  }
0x208: {  	_ =	swait.ge [sflag:s30], $0x1000  }
0x209: {  	[sflag:s30] =	ssyncset.done $0x0  }
0x20a: {  	s21 =	simm.s32 $0x10000;
	s14 =	simm.s32 $0x9F00;
	[sflag:s30] =	ssyncadd.s32 $0xFFFFF000  }
0x20b: {  	[spmem:s3] =	stream.indirect.scatter.add.bf16 [tilespmem:s21], [sflag:$0xF], $0x20, s14, s2, $0xb8;
	[tilespmem:$0x19C00] =	vst v63  }
0x20c: {  	s15 =	simm.s32 $0x8  }
0x20d: {  	[spmem:s4] =	stream.indirect.scatter.add.bf16 [tilespmem:s9], [sflag:$0x17], $0x8, s14, s2, $0xb8;
	[tilespmem:$0x19C00] =	vst v63  }
0x20e: {  	_ =	swait.ge [sflag:s15], $0x1000  }
0x20f: {  	[sflag:s15] =	ssyncset.done $0x0  }
0x210: {  	s26 =	simm.s32 $0x9F80;
	s11 =	simm.s32 $0x9;
	[sflag:s15] =	ssyncadd.s32 $0xFFFFF000  }
0x211: {  	[spmem:s3] =	stream.indirect.scatter.add.bf16 [tilespmem:s22], [sflag:$0x10], $0x20, s26, s2, $0xb8;
	[tilespmem:$0x19C00] =	vst v63  }
0x212: {  	_ =	swait.ge [sflag:s11], $0x1000  }
0x213: {  	[sflag:s11] =	ssyncset.done $0x0  }
0x214: {  	s28 =	simm.s32 $0x11;
	[sflag:s11] =	ssyncadd.s32 $0xFFFFF000  }
0x215: {  	_ =	swait.ge [sflag:s28], $0x400  }
0x216: {  	[sflag:s28] =	ssyncset.done $0x0  }
0x217: {  	s13 =	simm.s32 $0xA;
	[sflag:s28] =	ssyncadd.s32 $0xFFFFFC00  }
0x218: {  	_ =	swait.ge [sflag:s13], $0x1000  }
0x219: {  	[sflag:s13] =	ssyncset.done $0x0  }
0x21a: {  	s5 =	simm.s32 $0xB;
	[sflag:s13] =	ssyncadd.s32 $0xFFFFF000  }
0x21b: {  	_ =	swait.ge [sflag:s5], $0x1000  }
0x21c: {  	[sflag:s5] =	ssyncset.done $0x0  }
0x21d: {  	s6 =	simm.s32 $0x13;
	[sflag:s5] =	ssyncadd.s32 $0xFFFFF000  }
0x21e: {  	_ =	swait.ge [sflag:s6], $0x400  }
0x21f: {  	[sflag:s6] =	ssyncset.done $0x0  }
0x220: {  	s7 =	simm.s32 $0xC;
	[sflag:s6] =	ssyncadd.s32 $0xFFFFFC00  }
0x221: {  	_ =	swait.ge [sflag:s7], $0x1000  }
0x222: {  	[sflag:s7] =	ssyncset.done $0x0  }
0x223: {  	s8 =	simm.s32 $0xD;
	[sflag:s7] =	ssyncadd.s32 $0xFFFFF000  }
0x224: {  	_ =	swait.ge [sflag:s8], $0x1000  }
0x225: {  	[sflag:s8] =	ssyncset.done $0x0  }
0x226: {  	s12 =	simm.s32 $0x15;
	[sflag:s8] =	ssyncadd.s32 $0xFFFFF000  }
0x227: {  	_ =	swait.ge [sflag:s12], $0x400  }
0x228: {  	[sflag:s12] =	ssyncset.done $0x0  }
0x229: {  	s14 =	simm.s32 $0xE;
	[sflag:s12] =	ssyncadd.s32 $0xFFFFFC00  }
0x22a: {  	_ =	swait.ge [sflag:s14], $0x1000  }
0x22b: {  	[sflag:s14] =	ssyncset.done $0x0  }
0x22c: {  	s15 =	simm.s32 $0xF;
	[sflag:s14] =	ssyncadd.s32 $0xFFFFF000  }
0x22d: {  	_ =	swait.ge [sflag:s15], $0x1000  }
0x22e: {  	[sflag:s15] =	ssyncset.done $0x0  }
0x22f: {  	s26 =	simm.s32 $0x17;
	[sflag:s15] =	ssyncadd.s32 $0xFFFFF000  }
0x230: {  	_ =	swait.ge [sflag:s26], $0x400  }
0x231: {  	[sflag:s26] =	ssyncset.done $0x0  }
.Ltmp4:
0x232: {  	s28 =	simm.s32 $0x10;
	[sflag:s26] =	ssyncadd.s32 $0xFFFFFC00;
	(pc) =	sbr.rel .LBB2_6-.Ltmp4, $4  }
0x233: {  	_ =	swait.ge [sflag:s28], $0x1000  }
0x234: {  	s14 =	rddreg [dreg:$0xa]  }
0x235: {  	[sflag:s28] =	ssyncset.done $0x0;
	s15 =	rddreg [dreg:$0xb]  }
0x236: {  	s8 =	rddreg [dreg:$0x17];
	[sflag:s28] =	ssyncadd.s32 $0xFFFFF000  }
.LBB2_7:
0x237: {  	_ =	sfence.sel $0x180000  }
0x238: {  	[bflag:$0x0] =	sbarrier.arrive $0xFFFF  }
0x239: {  	_ =	strace $0x90000047  }
0x23a: {  	s0 =	stileid.u32;
	[bflag:$0x2] =	sbarrier.arrive $0xFFFF  }
0x23b: {  	p0 =	sne.s32 s0, $0x0;
	s0 =	rddreg [dreg:$0x4]  }
0x23c: {  	s0 =	sadd.s32 @!p0 $0x100000, s0  }
0x23d: {  	[sflag:s0] =	ssyncadd.tile.s32 @!p0 $0x1;
	_ =	shalt  }
.Lfunc_end2:
_tile_overlayer_lowered:
.L_overlay_start_2:
0x23e: {  	(tag) =	ssettag $0x2  }
0x23f: {  	s0 =	rddreg [dreg:$0x0];
	s2 =	stileid.u32  }
0x240: {  	s1 =	rddreg [dreg:$0x1];
	p0 =	sne.s32 s2, $0x0  }
0x241: {  	s3 =	rddreg [dreg:$0x2];
	[bflag:$0x3] =	sbarrier.arrive $0xFFFF;
	s2 =	simm.s32 @!p0 $0x1C19  }
0x242: {  	[timem:s3], [sflag:s2] =	dma.local @!p0 [hbm:s0], s1  }
0x243: {  	s0 =	simm.s32 @!p0 $0x19  }
0x244: {  	_ =	swait.ge @!p0 [sflag:s0], s1  }
0x245: {  	s1 =	ssub.s32 @!p0 $0x0, s1;
	[sflag:s0] =	ssyncset.done @!p0 $0x0  }
0x246: {  	[sflag:s0] =	ssyncadd.s32 @!p0 s1  }
0x247: {  	[bflag:$0x3] =	sbarrier.arrive $0xFFFF  }
0x248: {  	_ =	shalt  }

</sc_bundles>
